<compile_context>
chip_gen: v7x
topology: tpu7x:2x2x1
jax: 0.10.2.dev20260603
libtpu: 0.0.44.dev20260713+nightly
codegen_flags: <defaults>
</compile_context>

<pallas_src>
import functools

import jax
import jax.numpy as jnp
from jax import lax
from jax.experimental import pallas as pl
from jax.experimental.pallas import tpu as pltpu
from jax.experimental.pallas import tpu_sc as plsc

_N = 10000
_E = 160000
_EB = 20000
_KIN = 6
_W = 32
_DEPTH = 4

_TILE = 512
_NTM = (_E + _TILE - 1) // _TILE
_NTB = (_EB + _TILE - 1) // _TILE
_NT = _NTM + _NTB
_EPM = _NTM * _TILE
_EP = _NT * _TILE

_NC = 2
_NS = 16
_NWK = _NC * _NS
_PER_W = _EP // _NWK
_CHUNK = _PER_W // 2
_NCHUNK = _PER_W // _CHUNK

_NCNT = 2 * _N + 16
_NAGG = _N + 16

_f32 = jnp.float32



def _sc_gather_body(h_hbm, src_hbm, out_hbm, idx_v, rows_v, sem):
    c = lax.axis_index("c")
    s = lax.axis_index("s")
    wid = s * _NC + c
    for k in range(_NCHUNK):
        base = wid * _PER_W + k * _CHUNK
        pltpu.sync_copy(src_hbm.at[pl.ds(base, _CHUNK)], idx_v)
        pltpu.async_copy(h_hbm.at[idx_v], rows_v, sem).wait()
        pltpu.sync_copy(rows_v, out_hbm.at[pl.ds(base, _CHUNK)])


def _sc_scatter_body(val_hbm, dst_hbm, z_hbm, out_hbm, val_v, dst_v, acc,
                     *, zrows):
    c = lax.axis_index("c")
    s = lax.axis_index("s")
    wid = s * _NC + c
    zb = s * zrows
    pltpu.sync_copy(z_hbm.at[pl.ds(zb, zrows)], acc.at[pl.ds(zb, zrows)])
    plsc.subcore_barrier()
    for k in range(_NCHUNK):
        base = wid * _PER_W + k * _CHUNK
        pltpu.sync_copy(dst_hbm.at[pl.ds(base, _CHUNK)], dst_v)
        pltpu.sync_copy(val_hbm.at[pl.ds(base, _CHUNK)], val_v)
        pltpu.sync_copy(val_v, acc.at[dst_v], add=True)
    plsc.subcore_barrier()
    pltpu.sync_copy(acc.at[pl.ds(zb, zrows)], out_hbm.at[c, pl.ds(zb, zrows)])


def _sc_mesh():
    return plsc.VectorSubcoreMesh(
        core_axis_name="c", subcore_axis_name="s",
        num_cores=_NC, num_subcores=_NS)


def _gather_rows(table, src_all):
    width = table.shape[1]
    call = pl.kernel(
        _sc_gather_body,
        out_type=jax.ShapeDtypeStruct((_EP, width), _f32),
        mesh=_sc_mesh(),
        compiler_params=pltpu.CompilerParams(use_tc_tiling_on_sc=False),
        scratch_types=[
            pltpu.VMEM((_CHUNK,), jnp.int32),
            pltpu.VMEM((_CHUNK, width), _f32),
            pltpu.SemaphoreType.DMA,
        ],
    )
    return call(table, src_all)


def _scatter_rows(vals, dst, zeros_acc, nacc):
    width = vals.shape[1]
    zrows = nacc // _NS
    body = functools.partial(_sc_scatter_body, zrows=zrows)
    call = pl.kernel(
        body,
        out_type=jax.ShapeDtypeStruct((_NC, nacc, width), _f32),
        mesh=_sc_mesh(),
        compiler_params=pltpu.CompilerParams(use_tc_tiling_on_sc=False),
        scratch_types=[
            pltpu.VMEM((_CHUNK, width), _f32),
            pltpu.VMEM((_CHUNK,), jnp.int32),
            pltpu.VMEM_SHARED((nacc, width), _f32),
        ],
    )
    return call(vals, dst, zeros_acc)



def _wbig_body(ea_ref, w1_ref, b1_ref, w2_ref, b2_ref, w3_ref, o_ref):
    t = jnp.dot(ea_ref[...], w1_ref[0], preferred_element_type=_f32) + b1_ref[0]
    t = jnp.maximum(t, 0.0)
    t = jnp.dot(t, w2_ref[0], preferred_element_type=_f32) + b2_ref[0]
    t = jnp.maximum(t, 0.0)
    o_ref[...] = jnp.dot(t, w3_ref[0], preferred_element_type=_f32)


def _sel(i):
    return jnp.where(i < _NTM, 0, 1)


def _edge_weights(ea_all, w1s, b1s, w2s, b2s, w3s):
    return pl.pallas_call(
        _wbig_body,
        grid=(_NT,),
        in_specs=[
            pl.BlockSpec((_TILE, _KIN), lambda i: (i, 0)),
            pl.BlockSpec((1, _KIN, 64), lambda i: (_sel(i), 0, 0)),
            pl.BlockSpec((1, 1, 64), lambda i: (_sel(i), 0, 0)),
            pl.BlockSpec((1, 64, 64), lambda i: (_sel(i), 0, 0)),
            pl.BlockSpec((1, 1, 64), lambda i: (_sel(i), 0, 0)),
            pl.BlockSpec((1, 64, _W * _W), lambda i: (_sel(i), 0, 0)),
        ],
        out_specs=pl.BlockSpec((_TILE, _W * _W), lambda i: (i, 0)),
        out_shape=jax.ShapeDtypeStruct((_EP, _W * _W), _f32),
    )(ea_all, w1s, b1s, w2s, b2s, w3s)


def _msg_body(xg_ref, w_ref, b3_ref, einv_ref, rep_ref, o_ref):
    xg = xg_ref[...]
    xrep = jnp.dot(xg, rep_ref[...], preferred_element_type=_f32)
    w = w_ref[...]
    acc = xrep[:, 0:128] * w[:, 0:128]
    for q in range(1, 8):
        acc = acc + xrep[:, q * 128:(q + 1) * 128] * w[:, q * 128:(q + 1) * 128]
    msg = (acc[:, 0:32] + acc[:, 32:64] + acc[:, 64:96] + acc[:, 96:128]
           + jnp.dot(xg, b3_ref[0], preferred_element_type=_f32))
    o_ref[...] = msg / einv_ref[:, 0:1]


def _messages(xg, wbig, b3s, einv, rep):
    return pl.pallas_call(
        _msg_body,
        grid=(_NT,),
        in_specs=[
            pl.BlockSpec((_TILE, _W), lambda i: (i, 0)),
            pl.BlockSpec((_TILE, _W * _W), lambda i: (i, 0)),
            pl.BlockSpec((1, _W, _W), lambda i: (_sel(i), 0, 0)),
            pl.BlockSpec((_TILE, 16), lambda i: (i, 0)),
            pl.BlockSpec((_W, _W * _W), lambda i: (0, 0)),
        ],
        out_specs=pl.BlockSpec((_TILE, _W), lambda i: (i, 0)),
        out_shape=jax.ShapeDtypeStruct((_EP, _W), _f32),
    )(xg, wbig, b3s, einv, rep)


def _skip_body(x4_ref, g_ref, b_ref, o_ref):
    o_ref[...] = (jnp.dot(x4_ref[...], g_ref[...], preferred_element_type=_f32)
                  + b_ref[...])


def _skip4(x4, g, b128):
    return pl.pallas_call(
        _skip_body,
        out_shape=jax.ShapeDtypeStruct((_N // 4, 128), _f32),
    )(x4, g, b128)


def _combine_body(p0, p1, h4, sk4, r1_ref, r2_ref, bs_ref, o_ref):
    h = h4[...]
    y = (p0[...] + p1[...]
         + jnp.dot(h, r1_ref[...], preferred_element_type=_f32)
         + jnp.dot(h, r2_ref[...], preferred_element_type=_f32)
         + bs_ref[...])
    o_ref[...] = jnp.maximum(y, 0.0) + sk4[...]


def _combine(p0, p1, h4, sk4, r1blk, r2blk, bs128):
    return pl.pallas_call(
        _combine_body,
        out_shape=jax.ShapeDtypeStruct((_N // 4, 128), _f32),
    )(p0, p1, h4, sk4, r1blk, r2blk, bs128)


def _inv_body(c0, c1, o_ref):
    o_ref[...] = jnp.maximum(c0[...] + c1[...], 1.0)


def _inv_table(cnt):
    rows = _NCNT * 16 // 128
    c0 = cnt[0].reshape(rows, 128)
    c1 = cnt[1].reshape(rows, 128)
    inv = pl.pallas_call(
        _inv_body,
        out_shape=jax.ShapeDtypeStruct((rows, 128), _f32),
    )(c0, c1)
    return inv.reshape(_NCNT, 16)


def _final_body(h4, f_ref, fb_ref, o_ref):
    o_ref[...] = (jnp.dot(h4[...], f_ref[...], preferred_element_type=_f32)
                  + fb_ref[...])


def _final_proj(h4, fblk, fb):
    return pl.pallas_call(
        _final_body,
        out_shape=jax.ShapeDtypeStruct((_N // 4, 4), _f32),
    )(h4, fblk, fb)



def _blockdiag4(m):
    a, b = m.shape
    z = jnp.zeros((4, a, 4, b), m.dtype)
    for j in range(4):
        z = z.at[j, :, j, :].set(m)
    return z.reshape(4 * a, 4 * b)


def kernel(x, edge_index, edge_attr, edge_index_boundary, edge_attr_boundary,
           params):
    src_all = jnp.zeros((_EP,), jnp.int32)
    src_all = src_all.at[:_E].set(edge_index[0])
    src_all = src_all.at[_EPM:_EPM + _EB].set(edge_index_boundary[0])

    dst_cnt = jnp.full((_EP,), 2 * _N, jnp.int32)
    dst_cnt = dst_cnt.at[:_E].set(edge_index[1])
    dst_cnt = dst_cnt.at[_EPM:_EPM + _EB].set(edge_index_boundary[1] + _N)
    dst_agg = jnp.full((_EP,), _N, jnp.int32)
    dst_agg = dst_agg.at[:_E].set(edge_index[1])
    dst_agg = dst_agg.at[_EPM:_EPM + _EB].set(edge_index_boundary[1])

    ea_all = jnp.zeros((_EP, _KIN), _f32)
    ea_all = ea_all.at[:_E].set(edge_attr)
    ea_all = ea_all.at[_EPM:_EPM + _EB].set(edge_attr_boundary)

    k1, k2 = params["k1"], params["k2"]
    w1s = jnp.stack([k1[0][0], k2[0][0]])
    b1s = jnp.stack([k1[0][1], k2[0][1]])[:, None, :]
    w2s = jnp.stack([k1[1][0], k2[1][0]])
    b2s = jnp.stack([k1[1][1], k2[1][1]])[:, None, :]
    w3s = jnp.stack([k1[2][0], k2[2][0]])
    b3s = jnp.stack([k1[2][1].reshape(_W, _W),
                     k2[2][1].reshape(_W, _W)])

    g = _blockdiag4(params["fc1_w"])
    b1t = jnp.tile(params["fc1_b"], 4)[None, :]
    r1blk = _blockdiag4(params["root1"])
    r2blk = _blockdiag4(params["root2"])
    bs128 = jnp.tile(params["bias1"] + params["bias2"], 4)[None, :]
    fblk = _blockdiag4(params["fc2_w"])
    fb = jnp.broadcast_to(params["fc2_b"].reshape(1, 1), (1, 4))

    rep = jnp.zeros((_W, _W * _W), _f32)
    for i in range(_W):
        rep = rep.at[i, i * _W:(i + 1) * _W].set(1.0)

    zeros_cnt = jnp.zeros((_NCNT, 16), _f32)
    zeros_agg = jnp.zeros((_NAGG, _W), _f32)
    ones_all = jnp.ones((_EP, 16), _f32)

    wbig = _edge_weights(ea_all, w1s, b1s, w2s, b2s, w3s)
    cnt = _scatter_rows(ones_all, dst_cnt, zeros_cnt, _NCNT)
    invtab = _inv_table(cnt)
    einv = _gather_rows(invtab, dst_cnt)
    x4 = x.reshape(_N // 4, 4)
    sk4 = _skip4(x4, g, b1t)

    def step_body(_, h4):
        h_rows = h4.reshape(_N, _W)
        xg = _gather_rows(h_rows, src_all)
        msg = _messages(xg, wbig, b3s, einv, rep)
        p = _scatter_rows(msg, dst_agg, zeros_agg, _NAGG)
        p0 = p[0, :_N].reshape(_N // 4, 128)
        p1 = p[1, :_N].reshape(_N // 4, 128)
        return _combine(p0, p1, h4, sk4, r1blk, r2blk, bs128)

    h4 = sk4
    for step in range(_DEPTH):
        h4 = step_body(step, h4)
    out = _final_proj(h4, fblk, fb)
    return out.reshape(_N, 1)

# --- scband reference (transcript-rebuilt; emitter-appended) ---
"""Pipeline reference for scband-kernel-nnboundary-42786464202792 (READ-ONLY COPY).

The authoritative reference and input builder live on the scoring server;
editing this copy changes nothing except your own understanding.
"""

import jax, jax.numpy as jnp
import numpy as np

N = 10000
E = 160000
EB = 20000
KER_IN = 6
WIDTH = 32
DEPTH = 4


def _mlp_init(key, dims):
    params = []
    for i in range(len(dims) - 1):
        key, sub = jax.random.split(key)
        w = jax.random.normal(sub, (dims[i], dims[i + 1]), jnp.float32) * (1.0 / np.sqrt(dims[i]))
        b = jnp.zeros((dims[i + 1],), jnp.float32)
        params.append((w, b))
    return params


def setup_inputs(seed: int = 0):
    key = jax.random.key(seed)
    ks = jax.random.split(key, 12)
    x = jax.random.normal(ks[0], (N, 1), jnp.float32)
    edge_index = jax.random.randint(ks[1], (2, E), 0, N, jnp.int32)
    edge_attr = jax.random.uniform(ks[2], (E, KER_IN), dtype=jnp.float32)
    edge_index_boundary = jax.random.randint(ks[3], (2, EB), 0, N, jnp.int32)
    edge_attr_boundary = jax.random.uniform(ks[4], (EB, KER_IN), dtype=jnp.float32)
    params = {
        'fc1_w': jax.random.normal(ks[5], (1, WIDTH), jnp.float32),
        'fc1_b': jnp.zeros((WIDTH,), jnp.float32),
        'fc2_w': jax.random.normal(ks[6], (WIDTH, 1), jnp.float32) * (1.0 / np.sqrt(WIDTH)),
        'fc2_b': jnp.zeros((1,), jnp.float32),
        'k1': _mlp_init(ks[7], [KER_IN, 64, 64, WIDTH * WIDTH]),
        'k2': _mlp_init(ks[8], [KER_IN, 64, 64, WIDTH * WIDTH]),
        'root1': jax.random.normal(ks[9], (WIDTH, WIDTH), jnp.float32) * (1.0 / np.sqrt(WIDTH)),
        'bias1': jnp.zeros((WIDTH,), jnp.float32),
        'root2': jax.random.normal(ks[10], (WIDTH, WIDTH), jnp.float32) * (1.0 / np.sqrt(WIDTH)),
        'bias2': jnp.zeros((WIDTH,), jnp.float32),
    }
    return {'x': x, 'edge_index': edge_index, 'edge_attr': edge_attr,
            'edge_index_boundary': edge_index_boundary,
            'edge_attr_boundary': edge_attr_boundary, 'params': params}


def _mlp(params, h):
    n = len(params)
    for i, (w, b) in enumerate(params):
        h = h @ w + b
        if i < n - 1:
            h = jax.nn.relu(h)
    return h


def _nnconv_mean(x, edge_index, edge_attr, kparams, root, bias):
    # NNConv_old: per-edge weight matrix from kernel MLP, message = x_j @ W_e, aggr='mean', root weight + bias
    src = edge_index[0]
    dst = edge_index[1]
    w = _mlp(kparams, edge_attr).reshape(-1, WIDTH, WIDTH)
    msg = jnp.einsum('ei,eio->eo', x[src], w)
    agg = jax.ops.segment_sum(msg, dst, num_segments=N)
    cnt = jax.ops.segment_sum(jnp.ones((edge_attr.shape[0],), x.dtype), dst, num_segments=N)
    agg = agg / jnp.maximum(cnt, 1.0)[:, None]
    return agg + x @ root + bias


def _forward(x, edge_attr, edge_attr_boundary, params, edge_index, edge_index_boundary):
    skip = x @ params['fc1_w'] + params['fc1_b']  # fc1(data.x), reused every depth step
    h = skip
    for _ in range(DEPTH):
        h = (_nnconv_mean(h, edge_index, edge_attr, params['k1'], params['root1'], params['bias1'])
             + _nnconv_mean(h, edge_index_boundary, edge_attr_boundary, params['k2'], params['root2'], params['bias2']))
        h = jax.nn.relu(h) + skip
    return h @ params['fc2_w'] + params['fc2_b']


def reference(x, edge_index, edge_attr, edge_index_boundary, edge_attr_boundary, params):
    return _forward(x, edge_attr, edge_attr_boundary, params, edge_index, edge_index_boundary)

if __name__ == "__main__":
    import jax
    _d = setup_inputs()
    print(jax.jit(kernel)(*tuple(_d.values())))

</pallas_src>

<mosaic_0001>
#map = affine_map<(d0, d1) -> (0, 0)>
#map1 = affine_map<(d0, d1) -> (0)>
module attributes {stable_mosaic.version = 14 : i64} {
  func.func @_sc_gather_body(%arg0: i32, %arg1: i32, %arg2: memref<10000x32xf32, #tpu.memory_space<hbm>>, %arg3: memref<180736xi32, #tpu.memory_space<hbm>>, %arg4: memref<180736x32xf32, #tpu.memory_space<hbm>>, %arg5: memref<2824xi32, #tpu.memory_space<vmem>>, %arg6: memref<2824x32xf32, #tpu.memory_space<vmem>>, %arg7: memref<!tpu.dma_semaphore, #tpu.memory_space<semaphore_mem>>) attributes {dimension_semantics = [#tpu.dimension_semantics<core_parallel>, #tpu.dimension_semantics<subcore_parallel>], iteration_bounds = array<i64: 2, 16>, scalar_prefetch = 0 : i64, scratch_operands = 3 : i64, tpu.core_type = #tpu.core_type<sc_vector_subcore>, window_params = [{transform_indices = #map}, {transform_indices = #map1}, {transform_indices = #map}]} {
    %mul3A = arith.constant 2 : i32
    %mul3A_0 = arith.muli %arg1, %mul3A : i32
    %add3A = arith.addi %mul3A_0, %arg0 : i32
    %mul3A_1 = arith.constant 5648 : i32
    %mul3A_2 = arith.muli %add3A, %mul3A_1 : i32
    %add3A_3 = arith.constant 0 : i32
    %add3A_4 = arith.addi %mul3A_2, %add3A_3 : i32
    "tpu.region"() ({
      %run_scoped3A = tpu.sem_alloc : memref<!tpu.dma_semaphore, #tpu.memory_space<semaphore_mem>>
      %dma_start3A_19 = tpu.memref_slice %arg3[%add3A_4] : memref<180736xi32, #tpu.memory_space<hbm>> -> memref<2824xi32, #tpu.memory_space<hbm>>
      %dma_start3A_20 = tpu.memref_slice %arg3[%add3A_4] : memref<180736xi32, #tpu.memory_space<hbm>> -> memref<2824xi32, #tpu.memory_space<hbm>>
      tpu.enqueue_dma source(%dma_start3A_20 : memref<2824xi32, #tpu.memory_space<hbm>>) target(%arg5 : memref<2824xi32, #tpu.memory_space<vmem>>) target_semaphore(%run_scoped3A : memref<!tpu.dma_semaphore, #tpu.memory_space<semaphore_mem>>)
      %dma_wait3A_21 = tpu.memref_slice %arg3[%add3A_4] : memref<180736xi32, #tpu.memory_space<hbm>> -> memref<2824xi32, #tpu.memory_space<hbm>>
      %dma_wait3A_22 = tpu.memref_slice %arg3[%add3A_4] : memref<180736xi32, #tpu.memory_space<hbm>> -> memref<2824xi32, #tpu.memory_space<hbm>>
      tpu.wait_dma2 semaphore(%run_scoped3A : memref<!tpu.dma_semaphore, #tpu.memory_space<semaphore_mem>>) src(%dma_wait3A_22 : memref<2824xi32, #tpu.memory_space<hbm>>) dst(%arg5 : memref<2824xi32, #tpu.memory_space<vmem>>)
      tpu.yield
    }) : () -> ()
    %dma_start3A = arith.constant 0 : i32
    %dma_start3A_5 = arith.constant 0 : i32
    %dma_start3A_6 = tpu.memref_slice %arg2[%dma_start3A, %dma_start3A_5] : memref<10000x32xf32, #tpu.memory_space<hbm>> -> memref<10000x32xf32, #tpu.memory_space<hbm>>
    tpu.enqueue_indirect_dma source(%dma_start3A_6 : memref<10000x32xf32, #tpu.memory_space<hbm>>) target(%arg6 : memref<2824x32xf32, #tpu.memory_space<vmem>>) offsets(%arg5 : memref<2824xi32, #tpu.memory_space<vmem>>) semaphore(%arg7 : memref<!tpu.dma_semaphore, #tpu.memory_space<semaphore_mem>>)
    %dma_wait3A = arith.constant 0 : i32
    %dma_wait3A_7 = arith.constant 0 : i32
    %dma_wait3A_8 = tpu.memref_slice %arg2[%dma_wait3A, %dma_wait3A_7] : memref<10000x32xf32, #tpu.memory_space<hbm>> -> memref<10000x32xf32, #tpu.memory_space<hbm>>
    tpu.wait_indirect_dma semaphore(%arg7 : memref<!tpu.dma_semaphore, #tpu.memory_space<semaphore_mem>>) src(%dma_wait3A_8 : memref<10000x32xf32, #tpu.memory_space<hbm>>) dst(%arg6 : memref<2824x32xf32, #tpu.memory_space<vmem>>)
    "tpu.region"() ({
      %run_scoped3A = tpu.sem_alloc : memref<!tpu.dma_semaphore, #tpu.memory_space<semaphore_mem>>
      %dma_start3A_19 = arith.constant 0 : i32
      %dma_start3A_20 = tpu.memref_slice %arg4[%add3A_4, %dma_start3A_19] : memref<180736x32xf32, #tpu.memory_space<hbm>> -> memref<2824x32xf32, #tpu.memory_space<hbm>>
      %dma_start3A_21 = arith.constant 0 : i32
      %dma_start3A_22 = tpu.memref_slice %arg4[%add3A_4, %dma_start3A_21] : memref<180736x32xf32, #tpu.memory_space<hbm>> -> memref<2824x32xf32, #tpu.memory_space<hbm>>
      tpu.enqueue_dma source(%arg6 : memref<2824x32xf32, #tpu.memory_space<vmem>>) target(%dma_start3A_22 : memref<2824x32xf32, #tpu.memory_space<hbm>>) target_semaphore(%run_scoped3A : memref<!tpu.dma_semaphore, #tpu.memory_space<semaphore_mem>>)
      %dma_wait3A_23 = arith.constant 0 : i32
      %dma_wait3A_24 = tpu.memref_slice %arg4[%add3A_4, %dma_wait3A_23] : memref<180736x32xf32, #tpu.memory_space<hbm>> -> memref<2824x32xf32, #tpu.memory_space<hbm>>
      %dma_wait3A_25 = arith.constant 0 : i32
      %dma_wait3A_26 = tpu.memref_slice %arg4[%add3A_4, %dma_wait3A_25] : memref<180736x32xf32, #tpu.memory_space<hbm>> -> memref<2824x32xf32, #tpu.memory_space<hbm>>
      tpu.wait_dma2 semaphore(%run_scoped3A : memref<!tpu.dma_semaphore, #tpu.memory_space<semaphore_mem>>) src(%arg6 : memref<2824x32xf32, #tpu.memory_space<vmem>>) dst(%dma_wait3A_26 : memref<2824x32xf32, #tpu.memory_space<hbm>>)
      tpu.yield
    }) : () -> ()
    %mul3A_9 = arith.constant 5648 : i32
    %mul3A_10 = arith.muli %add3A, %mul3A_9 : i32
    %add3A_11 = arith.constant 2824 : i32
    %add3A_12 = arith.addi %mul3A_10, %add3A_11 : i32
    "tpu.region"() ({
      %run_scoped3A = tpu.sem_alloc : memref<!tpu.dma_semaphore, #tpu.memory_space<semaphore_mem>>
      %dma_start3A_19 = tpu.memref_slice %arg3[%add3A_12] : memref<180736xi32, #tpu.memory_space<hbm>> -> memref<2824xi32, #tpu.memory_space<hbm>>
      %dma_start3A_20 = tpu.memref_slice %arg3[%add3A_12] : memref<180736xi32, #tpu.memory_space<hbm>> -> memref<2824xi32, #tpu.memory_space<hbm>>
      tpu.enqueue_dma source(%dma_start3A_20 : memref<2824xi32, #tpu.memory_space<hbm>>) target(%arg5 : memref<2824xi32, #tpu.memory_space<vmem>>) target_semaphore(%run_scoped3A : memref<!tpu.dma_semaphore, #tpu.memory_space<semaphore_mem>>)
      %dma_wait3A_21 = tpu.memref_slice %arg3[%add3A_12] : memref<180736xi32, #tpu.memory_space<hbm>> -> memref<2824xi32, #tpu.memory_space<hbm>>
      %dma_wait3A_22 = tpu.memref_slice %arg3[%add3A_12] : memref<180736xi32, #tpu.memory_space<hbm>> -> memref<2824xi32, #tpu.memory_space<hbm>>
      tpu.wait_dma2 semaphore(%run_scoped3A : memref<!tpu.dma_semaphore, #tpu.memory_space<semaphore_mem>>) src(%dma_wait3A_22 : memref<2824xi32, #tpu.memory_space<hbm>>) dst(%arg5 : memref<2824xi32, #tpu.memory_space<vmem>>)
      tpu.yield
    }) : () -> ()
    %dma_start3A_13 = arith.constant 0 : i32
    %dma_start3A_14 = arith.constant 0 : i32
    %dma_start3A_15 = tpu.memref_slice %arg2[%dma_start3A_13, %dma_start3A_14] : memref<10000x32xf32, #tpu.memory_space<hbm>> -> memref<10000x32xf32, #tpu.memory_space<hbm>>
    tpu.enqueue_indirect_dma source(%dma_start3A_15 : memref<10000x32xf32, #tpu.memory_space<hbm>>) target(%arg6 : memref<2824x32xf32, #tpu.memory_space<vmem>>) offsets(%arg5 : memref<2824xi32, #tpu.memory_space<vmem>>) semaphore(%arg7 : memref<!tpu.dma_semaphore, #tpu.memory_space<semaphore_mem>>)
    %dma_wait3A_16 = arith.constant 0 : i32
    %dma_wait3A_17 = arith.constant 0 : i32
    %dma_wait3A_18 = tpu.memref_slice %arg2[%dma_wait3A_16, %dma_wait3A_17] : memref<10000x32xf32, #tpu.memory_space<hbm>> -> memref<10000x32xf32, #tpu.memory_space<hbm>>
    tpu.wait_indirect_dma semaphore(%arg7 : memref<!tpu.dma_semaphore, #tpu.memory_space<semaphore_mem>>) src(%dma_wait3A_18 : memref<10000x32xf32, #tpu.memory_space<hbm>>) dst(%arg6 : memref<2824x32xf32, #tpu.memory_space<vmem>>)
    "tpu.region"() ({
      %run_scoped3A = tpu.sem_alloc : memref<!tpu.dma_semaphore, #tpu.memory_space<semaphore_mem>>
      %dma_start3A_19 = arith.constant 0 : i32
      %dma_start3A_20 = tpu.memref_slice %arg4[%add3A_12, %dma_start3A_19] : memref<180736x32xf32, #tpu.memory_space<hbm>> -> memref<2824x32xf32, #tpu.memory_space<hbm>>
      %dma_start3A_21 = arith.constant 0 : i32
      %dma_start3A_22 = tpu.memref_slice %arg4[%add3A_12, %dma_start3A_21] : memref<180736x32xf32, #tpu.memory_space<hbm>> -> memref<2824x32xf32, #tpu.memory_space<hbm>>
      tpu.enqueue_dma source(%arg6 : memref<2824x32xf32, #tpu.memory_space<vmem>>) target(%dma_start3A_22 : memref<2824x32xf32, #tpu.memory_space<hbm>>) target_semaphore(%run_scoped3A : memref<!tpu.dma_semaphore, #tpu.memory_space<semaphore_mem>>)
      %dma_wait3A_23 = arith.constant 0 : i32
      %dma_wait3A_24 = tpu.memref_slice %arg4[%add3A_12, %dma_wait3A_23] : memref<180736x32xf32, #tpu.memory_space<hbm>> -> memref<2824x32xf32, #tpu.memory_space<hbm>>
      %dma_wait3A_25 = arith.constant 0 : i32
      %dma_wait3A_26 = tpu.memref_slice %arg4[%add3A_12, %dma_wait3A_25] : memref<180736x32xf32, #tpu.memory_space<hbm>> -> memref<2824x32xf32, #tpu.memory_space<hbm>>
      tpu.wait_dma2 semaphore(%run_scoped3A : memref<!tpu.dma_semaphore, #tpu.memory_space<semaphore_mem>>) src(%arg6 : memref<2824x32xf32, #tpu.memory_space<vmem>>) dst(%dma_wait3A_26 : memref<2824x32xf32, #tpu.memory_space<hbm>>)
      tpu.yield
    }) : () -> ()
    return
  }
}

#map = affine_map<(d0, d1) -> (0, 0)>
#map1 = affine_map<(d0, d1) -> (0)>
#map2 = affine_map<(d0, d1) -> (0, 0, 0)>
module attributes {stable_mosaic.version = 14 : i64} {
  func.func @_sc_scatter_body(%arg0: i32, %arg1: i32, %arg2: memref<180736x16xf32, #tpu.memory_space<hbm>>, %arg3: memref<180736xi32, #tpu.memory_space<hbm>>, %arg4: memref<20016x16xf32, #tpu.memory_space<hbm>>, %arg5: memref<2x20016x16xf32, #tpu.memory_space<hbm>>, %arg6: memref<2824x16xf32, #tpu.memory_space<vmem>>, %arg7: memref<2824xi32, #tpu.memory_space<vmem>>, %arg8: memref<20016x16xf32, #tpu.memory_space<vmem_shared>>) attributes {dimension_semantics = [#tpu.dimension_semantics<core_parallel>, #tpu.dimension_semantics<subcore_parallel>], iteration_bounds = array<i64: 2, 16>, scalar_prefetch = 0 : i64, scratch_operands = 3 : i64, tpu.core_type = #tpu.core_type<sc_vector_subcore>, window_params = [{transform_indices = #map}, {transform_indices = #map1}, {transform_indices = #map}, {transform_indices = #map2}]} {
    %mul3A = arith.constant 2 : i32
    %mul3A_0 = arith.muli %arg1, %mul3A : i32
    %add3A = arith.addi %mul3A_0, %arg0 : i32
    %mul3A_1 = arith.constant 1251 : i32
    %mul3A_2 = arith.muli %arg1, %mul3A_1 : i32
    "tpu.region"() ({
      %run_scoped3A = tpu.sem_alloc : memref<!tpu.dma_semaphore, #tpu.memory_space<semaphore_mem>>
      %dma_start3A = arith.constant 0 : i32
      %dma_start3A_12 = tpu.memref_slice %arg8[%mul3A_2, %dma_start3A] : memref<20016x16xf32, #tpu.memory_space<vmem_shared>> -> memref<1251x16xf32, #tpu.memory_space<vmem_shared>>
      %dma_start3A_13 = arith.constant 0 : i32
      %dma_start3A_14 = tpu.memref_slice %arg4[%mul3A_2, %dma_start3A_13] : memref<20016x16xf32, #tpu.memory_space<hbm>> -> memref<1251x16xf32, #tpu.memory_space<hbm>>
      tpu.enqueue_dma source(%dma_start3A_14 : memref<1251x16xf32, #tpu.memory_space<hbm>>) target(%dma_start3A_12 : memref<1251x16xf32, #tpu.memory_space<vmem_shared>>) target_semaphore(%run_scoped3A : memref<!tpu.dma_semaphore, #tpu.memory_space<semaphore_mem>>)
      %dma_wait3A = arith.constant 0 : i32
      %dma_wait3A_15 = tpu.memref_slice %arg8[%mul3A_2, %dma_wait3A] : memref<20016x16xf32, #tpu.memory_space<vmem_shared>> -> memref<1251x16xf32, #tpu.memory_space<vmem_shared>>
      %dma_wait3A_16 = arith.constant 0 : i32
      %dma_wait3A_17 = tpu.memref_slice %arg4[%mul3A_2, %dma_wait3A_16] : memref<20016x16xf32, #tpu.memory_space<hbm>> -> memref<1251x16xf32, #tpu.memory_space<hbm>>
      tpu.wait_dma2 semaphore(%run_scoped3A : memref<!tpu.dma_semaphore, #tpu.memory_space<semaphore_mem>>) src(%dma_wait3A_17 : memref<1251x16xf32, #tpu.memory_space<hbm>>) dst(%dma_wait3A_15 : memref<1251x16xf32, #tpu.memory_space<vmem_shared>>)
      tpu.yield
    }) : () -> ()
    %barrier3A = arith.constant 0 : index
    tpu.barrier barrier_id(%barrier3A)
    %mul3A_3 = arith.constant 5648 : i32
    %mul3A_4 = arith.muli %add3A, %mul3A_3 : i32
    %add3A_5 = arith.constant 0 : i32
    %add3A_6 = arith.addi %mul3A_4, %add3A_5 : i32
    "tpu.region"() ({
      %run_scoped3A = tpu.sem_alloc : memref<!tpu.dma_semaphore, #tpu.memory_space<semaphore_mem>>
      %dma_start3A = tpu.memref_slice %arg3[%add3A_6] : memref<180736xi32, #tpu.memory_space<hbm>> -> memref<2824xi32, #tpu.memory_space<hbm>>
      %dma_start3A_12 = tpu.memref_slice %arg3[%add3A_6] : memref<180736xi32, #tpu.memory_space<hbm>> -> memref<2824xi32, #tpu.memory_space<hbm>>
      tpu.enqueue_dma source(%dma_start3A_12 : memref<2824xi32, #tpu.memory_space<hbm>>) target(%arg7 : memref<2824xi32, #tpu.memory_space<vmem>>) target_semaphore(%run_scoped3A : memref<!tpu.dma_semaphore, #tpu.memory_space<semaphore_mem>>)
      %dma_wait3A = tpu.memref_slice %arg3[%add3A_6] : memref<180736xi32, #tpu.memory_space<hbm>> -> memref<2824xi32, #tpu.memory_space<hbm>>
      %dma_wait3A_13 = tpu.memref_slice %arg3[%add3A_6] : memref<180736xi32, #tpu.memory_space<hbm>> -> memref<2824xi32, #tpu.memory_space<hbm>>
      tpu.wait_dma2 semaphore(%run_scoped3A : memref<!tpu.dma_semaphore, #tpu.memory_space<semaphore_mem>>) src(%dma_wait3A_13 : memref<2824xi32, #tpu.memory_space<hbm>>) dst(%arg7 : memref<2824xi32, #tpu.memory_space<vmem>>)
      tpu.yield
    }) : () -> ()
    "tpu.region"() ({
      %run_scoped3A = tpu.sem_alloc : memref<!tpu.dma_semaphore, #tpu.memory_space<semaphore_mem>>
      %dma_start3A = arith.constant 0 : i32
      %dma_start3A_12 = tpu.memref_slice %arg2[%add3A_6, %dma_start3A] : memref<180736x16xf32, #tpu.memory_space<hbm>> -> memref<2824x16xf32, #tpu.memory_space<hbm>>
      %dma_start3A_13 = arith.constant 0 : i32
      %dma_start3A_14 = tpu.memref_slice %arg2[%add3A_6, %dma_start3A_13] : memref<180736x16xf32, #tpu.memory_space<hbm>> -> memref<2824x16xf32, #tpu.memory_space<hbm>>
      tpu.enqueue_dma source(%dma_start3A_14 : memref<2824x16xf32, #tpu.memory_space<hbm>>) target(%arg6 : memref<2824x16xf32, #tpu.memory_space<vmem>>) target_semaphore(%run_scoped3A : memref<!tpu.dma_semaphore, #tpu.memory_space<semaphore_mem>>)
      %dma_wait3A = arith.constant 0 : i32
      %dma_wait3A_15 = tpu.memref_slice %arg2[%add3A_6, %dma_wait3A] : memref<180736x16xf32, #tpu.memory_space<hbm>> -> memref<2824x16xf32, #tpu.memory_space<hbm>>
      %dma_wait3A_16 = arith.constant 0 : i32
      %dma_wait3A_17 = tpu.memref_slice %arg2[%add3A_6, %dma_wait3A_16] : memref<180736x16xf32, #tpu.memory_space<hbm>> -> memref<2824x16xf32, #tpu.memory_space<hbm>>
      tpu.wait_dma2 semaphore(%run_scoped3A : memref<!tpu.dma_semaphore, #tpu.memory_space<semaphore_mem>>) src(%dma_wait3A_17 : memref<2824x16xf32, #tpu.memory_space<hbm>>) dst(%arg6 : memref<2824x16xf32, #tpu.memory_space<vmem>>)
      tpu.yield
    }) : () -> ()
    "tpu.region"() ({
      %run_scoped3A = tpu.sem_alloc : memref<!tpu.dma_semaphore, #tpu.memory_space<semaphore_mem>>
      %dma_start3A = arith.constant 0 : i32
      %dma_start3A_12 = arith.constant 0 : i32
      %dma_start3A_13 = tpu.memref_slice %arg8[%dma_start3A, %dma_start3A_12] : memref<20016x16xf32, #tpu.memory_space<vmem_shared>> -> memref<20016x16xf32, #tpu.memory_space<vmem_shared>>
      tpu.enqueue_indirect_dma source(%arg6 : memref<2824x16xf32, #tpu.memory_space<vmem>>) target(%dma_start3A_13 : memref<20016x16xf32, #tpu.memory_space<vmem_shared>>) offsets(%arg7 : memref<2824xi32, #tpu.memory_space<vmem>>) semaphore(%run_scoped3A : memref<!tpu.dma_semaphore, #tpu.memory_space<semaphore_mem>>) {add = true}
      %dma_wait3A = arith.constant 0 : i32
      %dma_wait3A_14 = arith.constant 0 : i32
      %dma_wait3A_15 = tpu.memref_slice %arg8[%dma_wait3A, %dma_wait3A_14] : memref<20016x16xf32, #tpu.memory_space<vmem_shared>> -> memref<20016x16xf32, #tpu.memory_space<vmem_shared>>
      tpu.wait_indirect_dma semaphore(%run_scoped3A : memref<!tpu.dma_semaphore, #tpu.memory_space<semaphore_mem>>) src(%arg6 : memref<2824x16xf32, #tpu.memory_space<vmem>>) dst(%dma_wait3A_15 : memref<20016x16xf32, #tpu.memory_space<vmem_shared>>)
      tpu.yield
    }) : () -> ()
    %mul3A_7 = arith.constant 5648 : i32
    %mul3A_8 = arith.muli %add3A, %mul3A_7 : i32
    %add3A_9 = arith.constant 2824 : i32
    %add3A_10 = arith.addi %mul3A_8, %add3A_9 : i32
    "tpu.region"() ({
      %run_scoped3A = tpu.sem_alloc : memref<!tpu.dma_semaphore, #tpu.memory_space<semaphore_mem>>
      %dma_start3A = tpu.memref_slice %arg3[%add3A_10] : memref<180736xi32, #tpu.memory_space<hbm>> -> memref<2824xi32, #tpu.memory_space<hbm>>
      %dma_start3A_12 = tpu.memref_slice %arg3[%add3A_10] : memref<180736xi32, #tpu.memory_space<hbm>> -> memref<2824xi32, #tpu.memory_space<hbm>>
      tpu.enqueue_dma source(%dma_start3A_12 : memref<2824xi32, #tpu.memory_space<hbm>>) target(%arg7 : memref<2824xi32, #tpu.memory_space<vmem>>) target_semaphore(%run_scoped3A : memref<!tpu.dma_semaphore, #tpu.memory_space<semaphore_mem>>)
      %dma_wait3A = tpu.memref_slice %arg3[%add3A_10] : memref<180736xi32, #tpu.memory_space<hbm>> -> memref<2824xi32, #tpu.memory_space<hbm>>
      %dma_wait3A_13 = tpu.memref_slice %arg3[%add3A_10] : memref<180736xi32, #tpu.memory_space<hbm>> -> memref<2824xi32, #tpu.memory_space<hbm>>
      tpu.wait_dma2 semaphore(%run_scoped3A : memref<!tpu.dma_semaphore, #tpu.memory_space<semaphore_mem>>) src(%dma_wait3A_13 : memref<2824xi32, #tpu.memory_space<hbm>>) dst(%arg7 : memref<2824xi32, #tpu.memory_space<vmem>>)
      tpu.yield
    }) : () -> ()
    "tpu.region"() ({
      %run_scoped3A = tpu.sem_alloc : memref<!tpu.dma_semaphore, #tpu.memory_space<semaphore_mem>>
      %dma_start3A = arith.constant 0 : i32
      %dma_start3A_12 = tpu.memref_slice %arg2[%add3A_10, %dma_start3A] : memref<180736x16xf32, #tpu.memory_space<hbm>> -> memref<2824x16xf32, #tpu.memory_space<hbm>>
      %dma_start3A_13 = arith.constant 0 : i32
      %dma_start3A_14 = tpu.memref_slice %arg2[%add3A_10, %dma_start3A_13] : memref<180736x16xf32, #tpu.memory_space<hbm>> -> memref<2824x16xf32, #tpu.memory_space<hbm>>
      tpu.enqueue_dma source(%dma_start3A_14 : memref<2824x16xf32, #tpu.memory_space<hbm>>) target(%arg6 : memref<2824x16xf32, #tpu.memory_space<vmem>>) target_semaphore(%run_scoped3A : memref<!tpu.dma_semaphore, #tpu.memory_space<semaphore_mem>>)
      %dma_wait3A = arith.constant 0 : i32
      %dma_wait3A_15 = tpu.memref_slice %arg2[%add3A_10, %dma_wait3A] : memref<180736x16xf32, #tpu.memory_space<hbm>> -> memref<2824x16xf32, #tpu.memory_space<hbm>>
      %dma_wait3A_16 = arith.constant 0 : i32
      %dma_wait3A_17 = tpu.memref_slice %arg2[%add3A_10, %dma_wait3A_16] : memref<180736x16xf32, #tpu.memory_space<hbm>> -> memref<2824x16xf32, #tpu.memory_space<hbm>>
      tpu.wait_dma2 semaphore(%run_scoped3A : memref<!tpu.dma_semaphore, #tpu.memory_space<semaphore_mem>>) src(%dma_wait3A_17 : memref<2824x16xf32, #tpu.memory_space<hbm>>) dst(%arg6 : memref<2824x16xf32, #tpu.memory_space<vmem>>)
      tpu.yield
    }) : () -> ()
    "tpu.region"() ({
      %run_scoped3A = tpu.sem_alloc : memref<!tpu.dma_semaphore, #tpu.memory_space<semaphore_mem>>
      %dma_start3A = arith.constant 0 : i32
      %dma_start3A_12 = arith.constant 0 : i32
      %dma_start3A_13 = tpu.memref_slice %arg8[%dma_start3A, %dma_start3A_12] : memref<20016x16xf32, #tpu.memory_space<vmem_shared>> -> memref<20016x16xf32, #tpu.memory_space<vmem_shared>>
      tpu.enqueue_indirect_dma source(%arg6 : memref<2824x16xf32, #tpu.memory_space<vmem>>) target(%dma_start3A_13 : memref<20016x16xf32, #tpu.memory_space<vmem_shared>>) offsets(%arg7 : memref<2824xi32, #tpu.memory_space<vmem>>) semaphore(%run_scoped3A : memref<!tpu.dma_semaphore, #tpu.memory_space<semaphore_mem>>) {add = true}
      %dma_wait3A = arith.constant 0 : i32
      %dma_wait3A_14 = arith.constant 0 : i32
      %dma_wait3A_15 = tpu.memref_slice %arg8[%dma_wait3A, %dma_wait3A_14] : memref<20016x16xf32, #tpu.memory_space<vmem_shared>> -> memref<20016x16xf32, #tpu.memory_space<vmem_shared>>
      tpu.wait_indirect_dma semaphore(%run_scoped3A : memref<!tpu.dma_semaphore, #tpu.memory_space<semaphore_mem>>) src(%arg6 : memref<2824x16xf32, #tpu.memory_space<vmem>>) dst(%dma_wait3A_15 : memref<20016x16xf32, #tpu.memory_space<vmem_shared>>)
      tpu.yield
    }) : () -> ()
    %barrier3A_11 = arith.constant 0 : index
    tpu.barrier barrier_id(%barrier3A_11)
    "tpu.region"() ({
      %run_scoped3A = tpu.sem_alloc : memref<!tpu.dma_semaphore, #tpu.memory_space<semaphore_mem>>
      %dma_start3A = arith.constant 0 : i32
      %dma_start3A_12 = tpu.memref_slice %arg5[%arg0, %mul3A_2, %dma_start3A] : memref<2x20016x16xf32, #tpu.memory_space<hbm>> -> memref<1x1251x16xf32, #tpu.memory_space<hbm>>
      %dma_start3A_13 = tpu.memref_squeeze %dma_start3A_12 : memref<1x1251x16xf32, #tpu.memory_space<hbm>> -> memref<1251x16xf32, #tpu.memory_space<hbm>>
      %dma_start3A_14 = arith.constant 0 : i32
      %dma_start3A_15 = tpu.memref_slice %arg8[%mul3A_2, %dma_start3A_14] : memref<20016x16xf32, #tpu.memory_space<vmem_shared>> -> memref<1251x16xf32, #tpu.memory_space<vmem_shared>>
      tpu.enqueue_dma source(%dma_start3A_15 : memref<1251x16xf32, #tpu.memory_space<vmem_shared>>) target(%dma_start3A_13 : memref<1251x16xf32, #tpu.memory_space<hbm>>) target_semaphore(%run_scoped3A : memref<!tpu.dma_semaphore, #tpu.memory_space<semaphore_mem>>)
      %dma_wait3A = arith.constant 0 : i32
      %dma_wait3A_16 = tpu.memref_slice %arg5[%arg0, %mul3A_2, %dma_wait3A] : memref<2x20016x16xf32, #tpu.memory_space<hbm>> -> memref<1x1251x16xf32, #tpu.memory_space<hbm>>
      %dma_wait3A_17 = tpu.memref_squeeze %dma_wait3A_16 : memref<1x1251x16xf32, #tpu.memory_space<hbm>> -> memref<1251x16xf32, #tpu.memory_space<hbm>>
      %dma_wait3A_18 = arith.constant 0 : i32
      %dma_wait3A_19 = tpu.memref_slice %arg8[%mul3A_2, %dma_wait3A_18] : memref<20016x16xf32, #tpu.memory_space<vmem_shared>> -> memref<1251x16xf32, #tpu.memory_space<vmem_shared>>
      tpu.wait_dma2 semaphore(%run_scoped3A : memref<!tpu.dma_semaphore, #tpu.memory_space<semaphore_mem>>) src(%dma_wait3A_19 : memref<1251x16xf32, #tpu.memory_space<vmem_shared>>) dst(%dma_wait3A_17 : memref<1251x16xf32, #tpu.memory_space<hbm>>)
      tpu.yield
    }) : () -> ()
    return
  }
}

#map = affine_map<(d0, d1) -> (0, 0)>
#map1 = affine_map<(d0, d1) -> (0)>
#map2 = affine_map<(d0, d1) -> (0, 0, 0)>
module attributes {stable_mosaic.version = 14 : i64} {
  func.func @_sc_scatter_body(%arg0: i32, %arg1: i32, %arg2: memref<180736x32xf32, #tpu.memory_space<hbm>>, %arg3: memref<180736xi32, #tpu.memory_space<hbm>>, %arg4: memref<10016x32xf32, #tpu.memory_space<hbm>>, %arg5: memref<2x10016x32xf32, #tpu.memory_space<hbm>>, %arg6: memref<2824x32xf32, #tpu.memory_space<vmem>>, %arg7: memref<2824xi32, #tpu.memory_space<vmem>>, %arg8: memref<10016x32xf32, #tpu.memory_space<vmem_shared>>) attributes {dimension_semantics = [#tpu.dimension_semantics<core_parallel>, #tpu.dimension_semantics<subcore_parallel>], iteration_bounds = array<i64: 2, 16>, scalar_prefetch = 0 : i64, scratch_operands = 3 : i64, tpu.core_type = #tpu.core_type<sc_vector_subcore>, window_params = [{transform_indices = #map}, {transform_indices = #map1}, {transform_indices = #map}, {transform_indices = #map2}]} {
    %mul3A = arith.constant 2 : i32
    %mul3A_0 = arith.muli %arg1, %mul3A : i32
    %add3A = arith.addi %mul3A_0, %arg0 : i32
    %mul3A_1 = arith.constant 626 : i32
    %mul3A_2 = arith.muli %arg1, %mul3A_1 : i32
    "tpu.region"() ({
      %run_scoped3A = tpu.sem_alloc : memref<!tpu.dma_semaphore, #tpu.memory_space<semaphore_mem>>
      %dma_start3A = arith.constant 0 : i32
      %dma_start3A_12 = tpu.memref_slice %arg8[%mul3A_2, %dma_start3A] : memref<10016x32xf32, #tpu.memory_space<vmem_shared>> -> memref<626x32xf32, #tpu.memory_space<vmem_shared>>
      %dma_start3A_13 = arith.constant 0 : i32
      %dma_start3A_14 = tpu.memref_slice %arg4[%mul3A_2, %dma_start3A_13] : memref<10016x32xf32, #tpu.memory_space<hbm>> -> memref<626x32xf32, #tpu.memory_space<hbm>>
      tpu.enqueue_dma source(%dma_start3A_14 : memref<626x32xf32, #tpu.memory_space<hbm>>) target(%dma_start3A_12 : memref<626x32xf32, #tpu.memory_space<vmem_shared>>) target_semaphore(%run_scoped3A : memref<!tpu.dma_semaphore, #tpu.memory_space<semaphore_mem>>)
      %dma_wait3A = arith.constant 0 : i32
      %dma_wait3A_15 = tpu.memref_slice %arg8[%mul3A_2, %dma_wait3A] : memref<10016x32xf32, #tpu.memory_space<vmem_shared>> -> memref<626x32xf32, #tpu.memory_space<vmem_shared>>
      %dma_wait3A_16 = arith.constant 0 : i32
      %dma_wait3A_17 = tpu.memref_slice %arg4[%mul3A_2, %dma_wait3A_16] : memref<10016x32xf32, #tpu.memory_space<hbm>> -> memref<626x32xf32, #tpu.memory_space<hbm>>
      tpu.wait_dma2 semaphore(%run_scoped3A : memref<!tpu.dma_semaphore, #tpu.memory_space<semaphore_mem>>) src(%dma_wait3A_17 : memref<626x32xf32, #tpu.memory_space<hbm>>) dst(%dma_wait3A_15 : memref<626x32xf32, #tpu.memory_space<vmem_shared>>)
      tpu.yield
    }) : () -> ()
    %barrier3A = arith.constant 0 : index
    tpu.barrier barrier_id(%barrier3A)
    %mul3A_3 = arith.constant 5648 : i32
    %mul3A_4 = arith.muli %add3A, %mul3A_3 : i32
    %add3A_5 = arith.constant 0 : i32
    %add3A_6 = arith.addi %mul3A_4, %add3A_5 : i32
    "tpu.region"() ({
      %run_scoped3A = tpu.sem_alloc : memref<!tpu.dma_semaphore, #tpu.memory_space<semaphore_mem>>
      %dma_start3A = tpu.memref_slice %arg3[%add3A_6] : memref<180736xi32, #tpu.memory_space<hbm>> -> memref<2824xi32, #tpu.memory_space<hbm>>
      %dma_start3A_12 = tpu.memref_slice %arg3[%add3A_6] : memref<180736xi32, #tpu.memory_space<hbm>> -> memref<2824xi32, #tpu.memory_space<hbm>>
      tpu.enqueue_dma source(%dma_start3A_12 : memref<2824xi32, #tpu.memory_space<hbm>>) target(%arg7 : memref<2824xi32, #tpu.memory_space<vmem>>) target_semaphore(%run_scoped3A : memref<!tpu.dma_semaphore, #tpu.memory_space<semaphore_mem>>)
      %dma_wait3A = tpu.memref_slice %arg3[%add3A_6] : memref<180736xi32, #tpu.memory_space<hbm>> -> memref<2824xi32, #tpu.memory_space<hbm>>
      %dma_wait3A_13 = tpu.memref_slice %arg3[%add3A_6] : memref<180736xi32, #tpu.memory_space<hbm>> -> memref<2824xi32, #tpu.memory_space<hbm>>
      tpu.wait_dma2 semaphore(%run_scoped3A : memref<!tpu.dma_semaphore, #tpu.memory_space<semaphore_mem>>) src(%dma_wait3A_13 : memref<2824xi32, #tpu.memory_space<hbm>>) dst(%arg7 : memref<2824xi32, #tpu.memory_space<vmem>>)
      tpu.yield
    }) : () -> ()
    "tpu.region"() ({
      %run_scoped3A = tpu.sem_alloc : memref<!tpu.dma_semaphore, #tpu.memory_space<semaphore_mem>>
      %dma_start3A = arith.constant 0 : i32
      %dma_start3A_12 = tpu.memref_slice %arg2[%add3A_6, %dma_start3A] : memref<180736x32xf32, #tpu.memory_space<hbm>> -> memref<2824x32xf32, #tpu.memory_space<hbm>>
      %dma_start3A_13 = arith.constant 0 : i32
      %dma_start3A_14 = tpu.memref_slice %arg2[%add3A_6, %dma_start3A_13] : memref<180736x32xf32, #tpu.memory_space<hbm>> -> memref<2824x32xf32, #tpu.memory_space<hbm>>
      tpu.enqueue_dma source(%dma_start3A_14 : memref<2824x32xf32, #tpu.memory_space<hbm>>) target(%arg6 : memref<2824x32xf32, #tpu.memory_space<vmem>>) target_semaphore(%run_scoped3A : memref<!tpu.dma_semaphore, #tpu.memory_space<semaphore_mem>>)
      %dma_wait3A = arith.constant 0 : i32
      %dma_wait3A_15 = tpu.memref_slice %arg2[%add3A_6, %dma_wait3A] : memref<180736x32xf32, #tpu.memory_space<hbm>> -> memref<2824x32xf32, #tpu.memory_space<hbm>>
      %dma_wait3A_16 = arith.constant 0 : i32
      %dma_wait3A_17 = tpu.memref_slice %arg2[%add3A_6, %dma_wait3A_16] : memref<180736x32xf32, #tpu.memory_space<hbm>> -> memref<2824x32xf32, #tpu.memory_space<hbm>>
      tpu.wait_dma2 semaphore(%run_scoped3A : memref<!tpu.dma_semaphore, #tpu.memory_space<semaphore_mem>>) src(%dma_wait3A_17 : memref<2824x32xf32, #tpu.memory_space<hbm>>) dst(%arg6 : memref<2824x32xf32, #tpu.memory_space<vmem>>)
      tpu.yield
    }) : () -> ()
    "tpu.region"() ({
      %run_scoped3A = tpu.sem_alloc : memref<!tpu.dma_semaphore, #tpu.memory_space<semaphore_mem>>
      %dma_start3A = arith.constant 0 : i32
      %dma_start3A_12 = arith.constant 0 : i32
      %dma_start3A_13 = tpu.memref_slice %arg8[%dma_start3A, %dma_start3A_12] : memref<10016x32xf32, #tpu.memory_space<vmem_shared>> -> memref<10016x32xf32, #tpu.memory_space<vmem_shared>>
      tpu.enqueue_indirect_dma source(%arg6 : memref<2824x32xf32, #tpu.memory_space<vmem>>) target(%dma_start3A_13 : memref<10016x32xf32, #tpu.memory_space<vmem_shared>>) offsets(%arg7 : memref<2824xi32, #tpu.memory_space<vmem>>) semaphore(%run_scoped3A : memref<!tpu.dma_semaphore, #tpu.memory_space<semaphore_mem>>) {add = true}
      %dma_wait3A = arith.constant 0 : i32
      %dma_wait3A_14 = arith.constant 0 : i32
      %dma_wait3A_15 = tpu.memref_slice %arg8[%dma_wait3A, %dma_wait3A_14] : memref<10016x32xf32, #tpu.memory_space<vmem_shared>> -> memref<10016x32xf32, #tpu.memory_space<vmem_shared>>
      tpu.wait_indirect_dma semaphore(%run_scoped3A : memref<!tpu.dma_semaphore, #tpu.memory_space<semaphore_mem>>) src(%arg6 : memref<2824x32xf32, #tpu.memory_space<vmem>>) dst(%dma_wait3A_15 : memref<10016x32xf32, #tpu.memory_space<vmem_shared>>)
      tpu.yield
    }) : () -> ()
    %mul3A_7 = arith.constant 5648 : i32
    %mul3A_8 = arith.muli %add3A, %mul3A_7 : i32
    %add3A_9 = arith.constant 2824 : i32
    %add3A_10 = arith.addi %mul3A_8, %add3A_9 : i32
    "tpu.region"() ({
      %run_scoped3A = tpu.sem_alloc : memref<!tpu.dma_semaphore, #tpu.memory_space<semaphore_mem>>
      %dma_start3A = tpu.memref_slice %arg3[%add3A_10] : memref<180736xi32, #tpu.memory_space<hbm>> -> memref<2824xi32, #tpu.memory_space<hbm>>
      %dma_start3A_12 = tpu.memref_slice %arg3[%add3A_10] : memref<180736xi32, #tpu.memory_space<hbm>> -> memref<2824xi32, #tpu.memory_space<hbm>>
      tpu.enqueue_dma source(%dma_start3A_12 : memref<2824xi32, #tpu.memory_space<hbm>>) target(%arg7 : memref<2824xi32, #tpu.memory_space<vmem>>) target_semaphore(%run_scoped3A : memref<!tpu.dma_semaphore, #tpu.memory_space<semaphore_mem>>)
      %dma_wait3A = tpu.memref_slice %arg3[%add3A_10] : memref<180736xi32, #tpu.memory_space<hbm>> -> memref<2824xi32, #tpu.memory_space<hbm>>
      %dma_wait3A_13 = tpu.memref_slice %arg3[%add3A_10] : memref<180736xi32, #tpu.memory_space<hbm>> -> memref<2824xi32, #tpu.memory_space<hbm>>
      tpu.wait_dma2 semaphore(%run_scoped3A : memref<!tpu.dma_semaphore, #tpu.memory_space<semaphore_mem>>) src(%dma_wait3A_13 : memref<2824xi32, #tpu.memory_space<hbm>>) dst(%arg7 : memref<2824xi32, #tpu.memory_space<vmem>>)
      tpu.yield
    }) : () -> ()
    "tpu.region"() ({
      %run_scoped3A = tpu.sem_alloc : memref<!tpu.dma_semaphore, #tpu.memory_space<semaphore_mem>>
      %dma_start3A = arith.constant 0 : i32
      %dma_start3A_12 = tpu.memref_slice %arg2[%add3A_10, %dma_start3A] : memref<180736x32xf32, #tpu.memory_space<hbm>> -> memref<2824x32xf32, #tpu.memory_space<hbm>>
      %dma_start3A_13 = arith.constant 0 : i32
      %dma_start3A_14 = tpu.memref_slice %arg2[%add3A_10, %dma_start3A_13] : memref<180736x32xf32, #tpu.memory_space<hbm>> -> memref<2824x32xf32, #tpu.memory_space<hbm>>
      tpu.enqueue_dma source(%dma_start3A_14 : memref<2824x32xf32, #tpu.memory_space<hbm>>) target(%arg6 : memref<2824x32xf32, #tpu.memory_space<vmem>>) target_semaphore(%run_scoped3A : memref<!tpu.dma_semaphore, #tpu.memory_space<semaphore_mem>>)
      %dma_wait3A = arith.constant 0 : i32
      %dma_wait3A_15 = tpu.memref_slice %arg2[%add3A_10, %dma_wait3A] : memref<180736x32xf32, #tpu.memory_space<hbm>> -> memref<2824x32xf32, #tpu.memory_space<hbm>>
      %dma_wait3A_16 = arith.constant 0 : i32
      %dma_wait3A_17 = tpu.memref_slice %arg2[%add3A_10, %dma_wait3A_16] : memref<180736x32xf32, #tpu.memory_space<hbm>> -> memref<2824x32xf32, #tpu.memory_space<hbm>>
      tpu.wait_dma2 semaphore(%run_scoped3A : memref<!tpu.dma_semaphore, #tpu.memory_space<semaphore_mem>>) src(%dma_wait3A_17 : memref<2824x32xf32, #tpu.memory_space<hbm>>) dst(%arg6 : memref<2824x32xf32, #tpu.memory_space<vmem>>)
      tpu.yield
    }) : () -> ()
    "tpu.region"() ({
      %run_scoped3A = tpu.sem_alloc : memref<!tpu.dma_semaphore, #tpu.memory_space<semaphore_mem>>
      %dma_start3A = arith.constant 0 : i32
      %dma_start3A_12 = arith.constant 0 : i32
      %dma_start3A_13 = tpu.memref_slice %arg8[%dma_start3A, %dma_start3A_12] : memref<10016x32xf32, #tpu.memory_space<vmem_shared>> -> memref<10016x32xf32, #tpu.memory_space<vmem_shared>>
      tpu.enqueue_indirect_dma source(%arg6 : memref<2824x32xf32, #tpu.memory_space<vmem>>) target(%dma_start3A_13 : memref<10016x32xf32, #tpu.memory_space<vmem_shared>>) offsets(%arg7 : memref<2824xi32, #tpu.memory_space<vmem>>) semaphore(%run_scoped3A : memref<!tpu.dma_semaphore, #tpu.memory_space<semaphore_mem>>) {add = true}
      %dma_wait3A = arith.constant 0 : i32
      %dma_wait3A_14 = arith.constant 0 : i32
      %dma_wait3A_15 = tpu.memref_slice %arg8[%dma_wait3A, %dma_wait3A_14] : memref<10016x32xf32, #tpu.memory_space<vmem_shared>> -> memref<10016x32xf32, #tpu.memory_space<vmem_shared>>
      tpu.wait_indirect_dma semaphore(%run_scoped3A : memref<!tpu.dma_semaphore, #tpu.memory_space<semaphore_mem>>) src(%arg6 : memref<2824x32xf32, #tpu.memory_space<vmem>>) dst(%dma_wait3A_15 : memref<10016x32xf32, #tpu.memory_space<vmem_shared>>)
      tpu.yield
    }) : () -> ()
    %barrier3A_11 = arith.constant 0 : index
    tpu.barrier barrier_id(%barrier3A_11)
    "tpu.region"() ({
      %run_scoped3A = tpu.sem_alloc : memref<!tpu.dma_semaphore, #tpu.memory_space<semaphore_mem>>
      %dma_start3A = arith.constant 0 : i32
      %dma_start3A_12 = tpu.memref_slice %arg5[%arg0, %mul3A_2, %dma_start3A] : memref<2x10016x32xf32, #tpu.memory_space<hbm>> -> memref<1x626x32xf32, #tpu.memory_space<hbm>>
      %dma_start3A_13 = tpu.memref_squeeze %dma_start3A_12 : memref<1x626x32xf32, #tpu.memory_space<hbm>> -> memref<626x32xf32, #tpu.memory_space<hbm>>
      %dma_start3A_14 = arith.constant 0 : i32
      %dma_start3A_15 = tpu.memref_slice %arg8[%mul3A_2, %dma_start3A_14] : memref<10016x32xf32, #tpu.memory_space<vmem_shared>> -> memref<626x32xf32, #tpu.memory_space<vmem_shared>>
      tpu.enqueue_dma source(%dma_start3A_15 : memref<626x32xf32, #tpu.memory_space<vmem_shared>>) target(%dma_start3A_13 : memref<626x32xf32, #tpu.memory_space<hbm>>) target_semaphore(%run_scoped3A : memref<!tpu.dma_semaphore, #tpu.memory_space<semaphore_mem>>)
      %dma_wait3A = arith.constant 0 : i32
      %dma_wait3A_16 = tpu.memref_slice %arg5[%arg0, %mul3A_2, %dma_wait3A] : memref<2x10016x32xf32, #tpu.memory_space<hbm>> -> memref<1x626x32xf32, #tpu.memory_space<hbm>>
      %dma_wait3A_17 = tpu.memref_squeeze %dma_wait3A_16 : memref<1x626x32xf32, #tpu.memory_space<hbm>> -> memref<626x32xf32, #tpu.memory_space<hbm>>
      %dma_wait3A_18 = arith.constant 0 : i32
      %dma_wait3A_19 = tpu.memref_slice %arg8[%mul3A_2, %dma_wait3A_18] : memref<10016x32xf32, #tpu.memory_space<vmem_shared>> -> memref<626x32xf32, #tpu.memory_space<vmem_shared>>
      tpu.wait_dma2 semaphore(%run_scoped3A : memref<!tpu.dma_semaphore, #tpu.memory_space<semaphore_mem>>) src(%dma_wait3A_19 : memref<626x32xf32, #tpu.memory_space<vmem_shared>>) dst(%dma_wait3A_17 : memref<626x32xf32, #tpu.memory_space<hbm>>)
      tpu.yield
    }) : () -> ()
    return
  }
}

#map = affine_map<(d0, d1) -> (0, 0)>
#map1 = affine_map<(d0, d1) -> (0)>
module attributes {stable_mosaic.version = 14 : i64} {
  func.func @_sc_gather_body(%arg0: i32, %arg1: i32, %arg2: memref<20016x16xf32, #tpu.memory_space<hbm>>, %arg3: memref<180736xi32, #tpu.memory_space<hbm>>, %arg4: memref<180736x16xf32, #tpu.memory_space<hbm>>, %arg5: memref<2824xi32, #tpu.memory_space<vmem>>, %arg6: memref<2824x16xf32, #tpu.memory_space<vmem>>, %arg7: memref<!tpu.dma_semaphore, #tpu.memory_space<semaphore_mem>>) attributes {dimension_semantics = [#tpu.dimension_semantics<core_parallel>, #tpu.dimension_semantics<subcore_parallel>], iteration_bounds = array<i64: 2, 16>, scalar_prefetch = 0 : i64, scratch_operands = 3 : i64, tpu.core_type = #tpu.core_type<sc_vector_subcore>, window_params = [{transform_indices = #map}, {transform_indices = #map1}, {transform_indices = #map}]} {
    %mul3A = arith.constant 2 : i32
    %mul3A_0 = arith.muli %arg1, %mul3A : i32
    %add3A = arith.addi %mul3A_0, %arg0 : i32
    %mul3A_1 = arith.constant 5648 : i32
    %mul3A_2 = arith.muli %add3A, %mul3A_1 : i32
    %add3A_3 = arith.constant 0 : i32
    %add3A_4 = arith.addi %mul3A_2, %add3A_3 : i32
    "tpu.region"() ({
      %run_scoped3A = tpu.sem_alloc : memref<!tpu.dma_semaphore, #tpu.memory_space<semaphore_mem>>
      %dma_start3A_19 = tpu.memref_slice %arg3[%add3A_4] : memref<180736xi32, #tpu.memory_space<hbm>> -> memref<2824xi32, #tpu.memory_space<hbm>>
      %dma_start3A_20 = tpu.memref_slice %arg3[%add3A_4] : memref<180736xi32, #tpu.memory_space<hbm>> -> memref<2824xi32, #tpu.memory_space<hbm>>
      tpu.enqueue_dma source(%dma_start3A_20 : memref<2824xi32, #tpu.memory_space<hbm>>) target(%arg5 : memref<2824xi32, #tpu.memory_space<vmem>>) target_semaphore(%run_scoped3A : memref<!tpu.dma_semaphore, #tpu.memory_space<semaphore_mem>>)
      %dma_wait3A_21 = tpu.memref_slice %arg3[%add3A_4] : memref<180736xi32, #tpu.memory_space<hbm>> -> memref<2824xi32, #tpu.memory_space<hbm>>
      %dma_wait3A_22 = tpu.memref_slice %arg3[%add3A_4] : memref<180736xi32, #tpu.memory_space<hbm>> -> memref<2824xi32, #tpu.memory_space<hbm>>
      tpu.wait_dma2 semaphore(%run_scoped3A : memref<!tpu.dma_semaphore, #tpu.memory_space<semaphore_mem>>) src(%dma_wait3A_22 : memref<2824xi32, #tpu.memory_space<hbm>>) dst(%arg5 : memref<2824xi32, #tpu.memory_space<vmem>>)
      tpu.yield
    }) : () -> ()
    %dma_start3A = arith.constant 0 : i32
    %dma_start3A_5 = arith.constant 0 : i32
    %dma_start3A_6 = tpu.memref_slice %arg2[%dma_start3A, %dma_start3A_5] : memref<20016x16xf32, #tpu.memory_space<hbm>> -> memref<20016x16xf32, #tpu.memory_space<hbm>>
    tpu.enqueue_indirect_dma source(%dma_start3A_6 : memref<20016x16xf32, #tpu.memory_space<hbm>>) target(%arg6 : memref<2824x16xf32, #tpu.memory_space<vmem>>) offsets(%arg5 : memref<2824xi32, #tpu.memory_space<vmem>>) semaphore(%arg7 : memref<!tpu.dma_semaphore, #tpu.memory_space<semaphore_mem>>)
    %dma_wait3A = arith.constant 0 : i32
    %dma_wait3A_7 = arith.constant 0 : i32
    %dma_wait3A_8 = tpu.memref_slice %arg2[%dma_wait3A, %dma_wait3A_7] : memref<20016x16xf32, #tpu.memory_space<hbm>> -> memref<20016x16xf32, #tpu.memory_space<hbm>>
    tpu.wait_indirect_dma semaphore(%arg7 : memref<!tpu.dma_semaphore, #tpu.memory_space<semaphore_mem>>) src(%dma_wait3A_8 : memref<20016x16xf32, #tpu.memory_space<hbm>>) dst(%arg6 : memref<2824x16xf32, #tpu.memory_space<vmem>>)
    "tpu.region"() ({
      %run_scoped3A = tpu.sem_alloc : memref<!tpu.dma_semaphore, #tpu.memory_space<semaphore_mem>>
      %dma_start3A_19 = arith.constant 0 : i32
      %dma_start3A_20 = tpu.memref_slice %arg4[%add3A_4, %dma_start3A_19] : memref<180736x16xf32, #tpu.memory_space<hbm>> -> memref<2824x16xf32, #tpu.memory_space<hbm>>
      %dma_start3A_21 = arith.constant 0 : i32
      %dma_start3A_22 = tpu.memref_slice %arg4[%add3A_4, %dma_start3A_21] : memref<180736x16xf32, #tpu.memory_space<hbm>> -> memref<2824x16xf32, #tpu.memory_space<hbm>>
      tpu.enqueue_dma source(%arg6 : memref<2824x16xf32, #tpu.memory_space<vmem>>) target(%dma_start3A_22 : memref<2824x16xf32, #tpu.memory_space<hbm>>) target_semaphore(%run_scoped3A : memref<!tpu.dma_semaphore, #tpu.memory_space<semaphore_mem>>)
      %dma_wait3A_23 = arith.constant 0 : i32
      %dma_wait3A_24 = tpu.memref_slice %arg4[%add3A_4, %dma_wait3A_23] : memref<180736x16xf32, #tpu.memory_space<hbm>> -> memref<2824x16xf32, #tpu.memory_space<hbm>>
      %dma_wait3A_25 = arith.constant 0 : i32
      %dma_wait3A_26 = tpu.memref_slice %arg4[%add3A_4, %dma_wait3A_25] : memref<180736x16xf32, #tpu.memory_space<hbm>> -> memref<2824x16xf32, #tpu.memory_space<hbm>>
      tpu.wait_dma2 semaphore(%run_scoped3A : memref<!tpu.dma_semaphore, #tpu.memory_space<semaphore_mem>>) src(%arg6 : memref<2824x16xf32, #tpu.memory_space<vmem>>) dst(%dma_wait3A_26 : memref<2824x16xf32, #tpu.memory_space<hbm>>)
      tpu.yield
    }) : () -> ()
    %mul3A_9 = arith.constant 5648 : i32
    %mul3A_10 = arith.muli %add3A, %mul3A_9 : i32
    %add3A_11 = arith.constant 2824 : i32
    %add3A_12 = arith.addi %mul3A_10, %add3A_11 : i32
    "tpu.region"() ({
      %run_scoped3A = tpu.sem_alloc : memref<!tpu.dma_semaphore, #tpu.memory_space<semaphore_mem>>
      %dma_start3A_19 = tpu.memref_slice %arg3[%add3A_12] : memref<180736xi32, #tpu.memory_space<hbm>> -> memref<2824xi32, #tpu.memory_space<hbm>>
      %dma_start3A_20 = tpu.memref_slice %arg3[%add3A_12] : memref<180736xi32, #tpu.memory_space<hbm>> -> memref<2824xi32, #tpu.memory_space<hbm>>
      tpu.enqueue_dma source(%dma_start3A_20 : memref<2824xi32, #tpu.memory_space<hbm>>) target(%arg5 : memref<2824xi32, #tpu.memory_space<vmem>>) target_semaphore(%run_scoped3A : memref<!tpu.dma_semaphore, #tpu.memory_space<semaphore_mem>>)
      %dma_wait3A_21 = tpu.memref_slice %arg3[%add3A_12] : memref<180736xi32, #tpu.memory_space<hbm>> -> memref<2824xi32, #tpu.memory_space<hbm>>
      %dma_wait3A_22 = tpu.memref_slice %arg3[%add3A_12] : memref<180736xi32, #tpu.memory_space<hbm>> -> memref<2824xi32, #tpu.memory_space<hbm>>
      tpu.wait_dma2 semaphore(%run_scoped3A : memref<!tpu.dma_semaphore, #tpu.memory_space<semaphore_mem>>) src(%dma_wait3A_22 : memref<2824xi32, #tpu.memory_space<hbm>>) dst(%arg5 : memref<2824xi32, #tpu.memory_space<vmem>>)
      tpu.yield
    }) : () -> ()
    %dma_start3A_13 = arith.constant 0 : i32
    %dma_start3A_14 = arith.constant 0 : i32
    %dma_start3A_15 = tpu.memref_slice %arg2[%dma_start3A_13, %dma_start3A_14] : memref<20016x16xf32, #tpu.memory_space<hbm>> -> memref<20016x16xf32, #tpu.memory_space<hbm>>
    tpu.enqueue_indirect_dma source(%dma_start3A_15 : memref<20016x16xf32, #tpu.memory_space<hbm>>) target(%arg6 : memref<2824x16xf32, #tpu.memory_space<vmem>>) offsets(%arg5 : memref<2824xi32, #tpu.memory_space<vmem>>) semaphore(%arg7 : memref<!tpu.dma_semaphore, #tpu.memory_space<semaphore_mem>>)
    %dma_wait3A_16 = arith.constant 0 : i32
    %dma_wait3A_17 = arith.constant 0 : i32
    %dma_wait3A_18 = tpu.memref_slice %arg2[%dma_wait3A_16, %dma_wait3A_17] : memref<20016x16xf32, #tpu.memory_space<hbm>> -> memref<20016x16xf32, #tpu.memory_space<hbm>>
    tpu.wait_indirect_dma semaphore(%arg7 : memref<!tpu.dma_semaphore, #tpu.memory_space<semaphore_mem>>) src(%dma_wait3A_18 : memref<20016x16xf32, #tpu.memory_space<hbm>>) dst(%arg6 : memref<2824x16xf32, #tpu.memory_space<vmem>>)
    "tpu.region"() ({
      %run_scoped3A = tpu.sem_alloc : memref<!tpu.dma_semaphore, #tpu.memory_space<semaphore_mem>>
      %dma_start3A_19 = arith.constant 0 : i32
      %dma_start3A_20 = tpu.memref_slice %arg4[%add3A_12, %dma_start3A_19] : memref<180736x16xf32, #tpu.memory_space<hbm>> -> memref<2824x16xf32, #tpu.memory_space<hbm>>
      %dma_start3A_21 = arith.constant 0 : i32
      %dma_start3A_22 = tpu.memref_slice %arg4[%add3A_12, %dma_start3A_21] : memref<180736x16xf32, #tpu.memory_space<hbm>> -> memref<2824x16xf32, #tpu.memory_space<hbm>>
      tpu.enqueue_dma source(%arg6 : memref<2824x16xf32, #tpu.memory_space<vmem>>) target(%dma_start3A_22 : memref<2824x16xf32, #tpu.memory_space<hbm>>) target_semaphore(%run_scoped3A : memref<!tpu.dma_semaphore, #tpu.memory_space<semaphore_mem>>)
      %dma_wait3A_23 = arith.constant 0 : i32
      %dma_wait3A_24 = tpu.memref_slice %arg4[%add3A_12, %dma_wait3A_23] : memref<180736x16xf32, #tpu.memory_space<hbm>> -> memref<2824x16xf32, #tpu.memory_space<hbm>>
      %dma_wait3A_25 = arith.constant 0 : i32
      %dma_wait3A_26 = tpu.memref_slice %arg4[%add3A_12, %dma_wait3A_25] : memref<180736x16xf32, #tpu.memory_space<hbm>> -> memref<2824x16xf32, #tpu.memory_space<hbm>>
      tpu.wait_dma2 semaphore(%run_scoped3A : memref<!tpu.dma_semaphore, #tpu.memory_space<semaphore_mem>>) src(%arg6 : memref<2824x16xf32, #tpu.memory_space<vmem>>) dst(%dma_wait3A_26 : memref<2824x16xf32, #tpu.memory_space<hbm>>)
      tpu.yield
    }) : () -> ()
    return
  }
}

#map = affine_map<(d0, d1) -> (0, 0)>
#map1 = affine_map<(d0, d1) -> (0)>
module attributes {stable_mosaic.version = 14 : i64} {
  func.func @_sc_gather_body(%arg0: i32, %arg1: i32, %arg2: memref<10000x32xf32, #tpu.memory_space<hbm>>, %arg3: memref<180736xi32, #tpu.memory_space<hbm>>, %arg4: memref<180736x32xf32, #tpu.memory_space<hbm>>, %arg5: memref<2824xi32, #tpu.memory_space<vmem>>, %arg6: memref<2824x32xf32, #tpu.memory_space<vmem>>, %arg7: memref<!tpu.dma_semaphore, #tpu.memory_space<semaphore_mem>>) attributes {dimension_semantics = [#tpu.dimension_semantics<core_parallel>, #tpu.dimension_semantics<subcore_parallel>], iteration_bounds = array<i64: 2, 16>, scalar_prefetch = 0 : i64, scratch_operands = 3 : i64, tpu.core_type = #tpu.core_type<sc_vector_subcore>, window_params = [{transform_indices = #map}, {transform_indices = #map1}, {transform_indices = #map}]} {
    %mul3A = arith.constant 2 : i32
    %mul3A_0 = arith.muli %arg1, %mul3A : i32
    %add3A = arith.addi %mul3A_0, %arg0 : i32
    %mul3A_1 = arith.constant 5648 : i32
    %mul3A_2 = arith.muli %add3A, %mul3A_1 : i32
    %add3A_3 = arith.constant 0 : i32
    %add3A_4 = arith.addi %mul3A_2, %add3A_3 : i32
    "tpu.region"() ({
      %run_scoped3A = tpu.sem_alloc : memref<!tpu.dma_semaphore, #tpu.memory_space<semaphore_mem>>
      %dma_start3A_19 = tpu.memref_slice %arg3[%add3A_4] : memref<180736xi32, #tpu.memory_space<hbm>> -> memref<2824xi32, #tpu.memory_space<hbm>>
      %dma_start3A_20 = tpu.memref_slice %arg3[%add3A_4] : memref<180736xi32, #tpu.memory_space<hbm>> -> memref<2824xi32, #tpu.memory_space<hbm>>
      tpu.enqueue_dma source(%dma_start3A_20 : memref<2824xi32, #tpu.memory_space<hbm>>) target(%arg5 : memref<2824xi32, #tpu.memory_space<vmem>>) target_semaphore(%run_scoped3A : memref<!tpu.dma_semaphore, #tpu.memory_space<semaphore_mem>>)
      %dma_wait3A_21 = tpu.memref_slice %arg3[%add3A_4] : memref<180736xi32, #tpu.memory_space<hbm>> -> memref<2824xi32, #tpu.memory_space<hbm>>
      %dma_wait3A_22 = tpu.memref_slice %arg3[%add3A_4] : memref<180736xi32, #tpu.memory_space<hbm>> -> memref<2824xi32, #tpu.memory_space<hbm>>
      tpu.wait_dma2 semaphore(%run_scoped3A : memref<!tpu.dma_semaphore, #tpu.memory_space<semaphore_mem>>) src(%dma_wait3A_22 : memref<2824xi32, #tpu.memory_space<hbm>>) dst(%arg5 : memref<2824xi32, #tpu.memory_space<vmem>>)
      tpu.yield
    }) : () -> ()
    %dma_start3A = arith.constant 0 : i32
    %dma_start3A_5 = arith.constant 0 : i32
    %dma_start3A_6 = tpu.memref_slice %arg2[%dma_start3A, %dma_start3A_5] : memref<10000x32xf32, #tpu.memory_space<hbm>> -> memref<10000x32xf32, #tpu.memory_space<hbm>>
    tpu.enqueue_indirect_dma source(%dma_start3A_6 : memref<10000x32xf32, #tpu.memory_space<hbm>>) target(%arg6 : memref<2824x32xf32, #tpu.memory_space<vmem>>) offsets(%arg5 : memref<2824xi32, #tpu.memory_space<vmem>>) semaphore(%arg7 : memref<!tpu.dma_semaphore, #tpu.memory_space<semaphore_mem>>)
    %dma_wait3A = arith.constant 0 : i32
    %dma_wait3A_7 = arith.constant 0 : i32
    %dma_wait3A_8 = tpu.memref_slice %arg2[%dma_wait3A, %dma_wait3A_7] : memref<10000x32xf32, #tpu.memory_space<hbm>> -> memref<10000x32xf32, #tpu.memory_space<hbm>>
    tpu.wait_indirect_dma semaphore(%arg7 : memref<!tpu.dma_semaphore, #tpu.memory_space<semaphore_mem>>) src(%dma_wait3A_8 : memref<10000x32xf32, #tpu.memory_space<hbm>>) dst(%arg6 : memref<2824x32xf32, #tpu.memory_space<vmem>>)
    "tpu.region"() ({
      %run_scoped3A = tpu.sem_alloc : memref<!tpu.dma_semaphore, #tpu.memory_space<semaphore_mem>>
      %dma_start3A_19 = arith.constant 0 : i32
      %dma_start3A_20 = tpu.memref_slice %arg4[%add3A_4, %dma_start3A_19] : memref<180736x32xf32, #tpu.memory_space<hbm>> -> memref<2824x32xf32, #tpu.memory_space<hbm>>
      %dma_start3A_21 = arith.constant 0 : i32
      %dma_start3A_22 = tpu.memref_slice %arg4[%add3A_4, %dma_start3A_21] : memref<180736x32xf32, #tpu.memory_space<hbm>> -> memref<2824x32xf32, #tpu.memory_space<hbm>>
      tpu.enqueue_dma source(%arg6 : memref<2824x32xf32, #tpu.memory_space<vmem>>) target(%dma_start3A_22 : memref<2824x32xf32, #tpu.memory_space<hbm>>) target_semaphore(%run_scoped3A : memref<!tpu.dma_semaphore, #tpu.memory_space<semaphore_mem>>)
      %dma_wait3A_23 = arith.constant 0 : i32
      %dma_wait3A_24 = tpu.memref_slice %arg4[%add3A_4, %dma_wait3A_23] : memref<180736x32xf32, #tpu.memory_space<hbm>> -> memref<2824x32xf32, #tpu.memory_space<hbm>>
      %dma_wait3A_25 = arith.constant 0 : i32
      %dma_wait3A_26 = tpu.memref_slice %arg4[%add3A_4, %dma_wait3A_25] : memref<180736x32xf32, #tpu.memory_space<hbm>> -> memref<2824x32xf32, #tpu.memory_space<hbm>>
      tpu.wait_dma2 semaphore(%run_scoped3A : memref<!tpu.dma_semaphore, #tpu.memory_space<semaphore_mem>>) src(%arg6 : memref<2824x32xf32, #tpu.memory_space<vmem>>) dst(%dma_wait3A_26 : memref<2824x32xf32, #tpu.memory_space<hbm>>)
      tpu.yield
    }) : () -> ()
    %mul3A_9 = arith.constant 5648 : i32
    %mul3A_10 = arith.muli %add3A, %mul3A_9 : i32
    %add3A_11 = arith.constant 2824 : i32
    %add3A_12 = arith.addi %mul3A_10, %add3A_11 : i32
    "tpu.region"() ({
      %run_scoped3A = tpu.sem_alloc : memref<!tpu.dma_semaphore, #tpu.memory_space<semaphore_mem>>
      %dma_start3A_19 = tpu.memref_slice %arg3[%add3A_12] : memref<180736xi32, #tpu.memory_space<hbm>> -> memref<2824xi32, #tpu.memory_space<hbm>>
      %dma_start3A_20 = tpu.memref_slice %arg3[%add3A_12] : memref<180736xi32, #tpu.memory_space<hbm>> -> memref<2824xi32, #tpu.memory_space<hbm>>
      tpu.enqueue_dma source(%dma_start3A_20 : memref<2824xi32, #tpu.memory_space<hbm>>) target(%arg5 : memref<2824xi32, #tpu.memory_space<vmem>>) target_semaphore(%run_scoped3A : memref<!tpu.dma_semaphore, #tpu.memory_space<semaphore_mem>>)
      %dma_wait3A_21 = tpu.memref_slice %arg3[%add3A_12] : memref<180736xi32, #tpu.memory_space<hbm>> -> memref<2824xi32, #tpu.memory_space<hbm>>
      %dma_wait3A_22 = tpu.memref_slice %arg3[%add3A_12] : memref<180736xi32, #tpu.memory_space<hbm>> -> memref<2824xi32, #tpu.memory_space<hbm>>
      tpu.wait_dma2 semaphore(%run_scoped3A : memref<!tpu.dma_semaphore, #tpu.memory_space<semaphore_mem>>) src(%dma_wait3A_22 : memref<2824xi32, #tpu.memory_space<hbm>>) dst(%arg5 : memref<2824xi32, #tpu.memory_space<vmem>>)
      tpu.yield
    }) : () -> ()
    %dma_start3A_13 = arith.constant 0 : i32
    %dma_start3A_14 = arith.constant 0 : i32
    %dma_start3A_15 = tpu.memref_slice %arg2[%dma_start3A_13, %dma_start3A_14] : memref<10000x32xf32, #tpu.memory_space<hbm>> -> memref<10000x32xf32, #tpu.memory_space<hbm>>
    tpu.enqueue_indirect_dma source(%dma_start3A_15 : memref<10000x32xf32, #tpu.memory_space<hbm>>) target(%arg6 : memref<2824x32xf32, #tpu.memory_space<vmem>>) offsets(%arg5 : memref<2824xi32, #tpu.memory_space<vmem>>) semaphore(%arg7 : memref<!tpu.dma_semaphore, #tpu.memory_space<semaphore_mem>>)
    %dma_wait3A_16 = arith.constant 0 : i32
    %dma_wait3A_17 = arith.constant 0 : i32
    %dma_wait3A_18 = tpu.memref_slice %arg2[%dma_wait3A_16, %dma_wait3A_17] : memref<10000x32xf32, #tpu.memory_space<hbm>> -> memref<10000x32xf32, #tpu.memory_space<hbm>>
    tpu.wait_indirect_dma semaphore(%arg7 : memref<!tpu.dma_semaphore, #tpu.memory_space<semaphore_mem>>) src(%dma_wait3A_18 : memref<10000x32xf32, #tpu.memory_space<hbm>>) dst(%arg6 : memref<2824x32xf32, #tpu.memory_space<vmem>>)
    "tpu.region"() ({
      %run_scoped3A = tpu.sem_alloc : memref<!tpu.dma_semaphore, #tpu.memory_space<semaphore_mem>>
      %dma_start3A_19 = arith.constant 0 : i32
      %dma_start3A_20 = tpu.memref_slice %arg4[%add3A_12, %dma_start3A_19] : memref<180736x32xf32, #tpu.memory_space<hbm>> -> memref<2824x32xf32, #tpu.memory_space<hbm>>
      %dma_start3A_21 = arith.constant 0 : i32
      %dma_start3A_22 = tpu.memref_slice %arg4[%add3A_12, %dma_start3A_21] : memref<180736x32xf32, #tpu.memory_space<hbm>> -> memref<2824x32xf32, #tpu.memory_space<hbm>>
      tpu.enqueue_dma source(%arg6 : memref<2824x32xf32, #tpu.memory_space<vmem>>) target(%dma_start3A_22 : memref<2824x32xf32, #tpu.memory_space<hbm>>) target_semaphore(%run_scoped3A : memref<!tpu.dma_semaphore, #tpu.memory_space<semaphore_mem>>)
      %dma_wait3A_23 = arith.constant 0 : i32
      %dma_wait3A_24 = tpu.memref_slice %arg4[%add3A_12, %dma_wait3A_23] : memref<180736x32xf32, #tpu.memory_space<hbm>> -> memref<2824x32xf32, #tpu.memory_space<hbm>>
      %dma_wait3A_25 = arith.constant 0 : i32
      %dma_wait3A_26 = tpu.memref_slice %arg4[%add3A_12, %dma_wait3A_25] : memref<180736x32xf32, #tpu.memory_space<hbm>> -> memref<2824x32xf32, #tpu.memory_space<hbm>>
      tpu.wait_dma2 semaphore(%run_scoped3A : memref<!tpu.dma_semaphore, #tpu.memory_space<semaphore_mem>>) src(%arg6 : memref<2824x32xf32, #tpu.memory_space<vmem>>) dst(%dma_wait3A_26 : memref<2824x32xf32, #tpu.memory_space<hbm>>)
      tpu.yield
    }) : () -> ()
    return
  }
}

#map = affine_map<(d0, d1) -> (0, 0)>
#map1 = affine_map<(d0, d1) -> (0)>
#map2 = affine_map<(d0, d1) -> (0, 0, 0)>
module attributes {stable_mosaic.version = 14 : i64} {
  func.func @_sc_scatter_body(%arg0: i32, %arg1: i32, %arg2: memref<180736x32xf32, #tpu.memory_space<hbm>>, %arg3: memref<180736xi32, #tpu.memory_space<hbm>>, %arg4: memref<10016x32xf32, #tpu.memory_space<hbm>>, %arg5: memref<2x10016x32xf32, #tpu.memory_space<hbm>>, %arg6: memref<2824x32xf32, #tpu.memory_space<vmem>>, %arg7: memref<2824xi32, #tpu.memory_space<vmem>>, %arg8: memref<10016x32xf32, #tpu.memory_space<vmem_shared>>) attributes {dimension_semantics = [#tpu.dimension_semantics<core_parallel>, #tpu.dimension_semantics<subcore_parallel>], iteration_bounds = array<i64: 2, 16>, scalar_prefetch = 0 : i64, scratch_operands = 3 : i64, tpu.core_type = #tpu.core_type<sc_vector_subcore>, window_params = [{transform_indices = #map}, {transform_indices = #map1}, {transform_indices = #map}, {transform_indices = #map2}]} {
    %mul3A = arith.constant 2 : i32
    %mul3A_0 = arith.muli %arg1, %mul3A : i32
    %add3A = arith.addi %mul3A_0, %arg0 : i32
    %mul3A_1 = arith.constant 626 : i32
    %mul3A_2 = arith.muli %arg1, %mul3A_1 : i32
    "tpu.region"() ({
      %run_scoped3A = tpu.sem_alloc : memref<!tpu.dma_semaphore, #tpu.memory_space<semaphore_mem>>
      %dma_start3A = arith.constant 0 : i32
      %dma_start3A_12 = tpu.memref_slice %arg8[%mul3A_2, %dma_start3A] : memref<10016x32xf32, #tpu.memory_space<vmem_shared>> -> memref<626x32xf32, #tpu.memory_space<vmem_shared>>
      %dma_start3A_13 = arith.constant 0 : i32
      %dma_start3A_14 = tpu.memref_slice %arg4[%mul3A_2, %dma_start3A_13] : memref<10016x32xf32, #tpu.memory_space<hbm>> -> memref<626x32xf32, #tpu.memory_space<hbm>>
      tpu.enqueue_dma source(%dma_start3A_14 : memref<626x32xf32, #tpu.memory_space<hbm>>) target(%dma_start3A_12 : memref<626x32xf32, #tpu.memory_space<vmem_shared>>) target_semaphore(%run_scoped3A : memref<!tpu.dma_semaphore, #tpu.memory_space<semaphore_mem>>)
      %dma_wait3A = arith.constant 0 : i32
      %dma_wait3A_15 = tpu.memref_slice %arg8[%mul3A_2, %dma_wait3A] : memref<10016x32xf32, #tpu.memory_space<vmem_shared>> -> memref<626x32xf32, #tpu.memory_space<vmem_shared>>
      %dma_wait3A_16 = arith.constant 0 : i32
      %dma_wait3A_17 = tpu.memref_slice %arg4[%mul3A_2, %dma_wait3A_16] : memref<10016x32xf32, #tpu.memory_space<hbm>> -> memref<626x32xf32, #tpu.memory_space<hbm>>
      tpu.wait_dma2 semaphore(%run_scoped3A : memref<!tpu.dma_semaphore, #tpu.memory_space<semaphore_mem>>) src(%dma_wait3A_17 : memref<626x32xf32, #tpu.memory_space<hbm>>) dst(%dma_wait3A_15 : memref<626x32xf32, #tpu.memory_space<vmem_shared>>)
      tpu.yield
    }) : () -> ()
    %barrier3A = arith.constant 0 : index
    tpu.barrier barrier_id(%barrier3A)
    %mul3A_3 = arith.constant 5648 : i32
    %mul3A_4 = arith.muli %add3A, %mul3A_3 : i32
    %add3A_5 = arith.constant 0 : i32
    %add3A_6 = arith.addi %mul3A_4, %add3A_5 : i32
    "tpu.region"() ({
      %run_scoped3A = tpu.sem_alloc : memref<!tpu.dma_semaphore, #tpu.memory_space<semaphore_mem>>
      %dma_start3A = tpu.memref_slice %arg3[%add3A_6] : memref<180736xi32, #tpu.memory_space<hbm>> -> memref<2824xi32, #tpu.memory_space<hbm>>
      %dma_start3A_12 = tpu.memref_slice %arg3[%add3A_6] : memref<180736xi32, #tpu.memory_space<hbm>> -> memref<2824xi32, #tpu.memory_space<hbm>>
      tpu.enqueue_dma source(%dma_start3A_12 : memref<2824xi32, #tpu.memory_space<hbm>>) target(%arg7 : memref<2824xi32, #tpu.memory_space<vmem>>) target_semaphore(%run_scoped3A : memref<!tpu.dma_semaphore, #tpu.memory_space<semaphore_mem>>)
      %dma_wait3A = tpu.memref_slice %arg3[%add3A_6] : memref<180736xi32, #tpu.memory_space<hbm>> -> memref<2824xi32, #tpu.memory_space<hbm>>
      %dma_wait3A_13 = tpu.memref_slice %arg3[%add3A_6] : memref<180736xi32, #tpu.memory_space<hbm>> -> memref<2824xi32, #tpu.memory_space<hbm>>
      tpu.wait_dma2 semaphore(%run_scoped3A : memref<!tpu.dma_semaphore, #tpu.memory_space<semaphore_mem>>) src(%dma_wait3A_13 : memref<2824xi32, #tpu.memory_space<hbm>>) dst(%arg7 : memref<2824xi32, #tpu.memory_space<vmem>>)
      tpu.yield
    }) : () -> ()
    "tpu.region"() ({
      %run_scoped3A = tpu.sem_alloc : memref<!tpu.dma_semaphore, #tpu.memory_space<semaphore_mem>>
      %dma_start3A = arith.constant 0 : i32
      %dma_start3A_12 = tpu.memref_slice %arg2[%add3A_6, %dma_start3A] : memref<180736x32xf32, #tpu.memory_space<hbm>> -> memref<2824x32xf32, #tpu.memory_space<hbm>>
      %dma_start3A_13 = arith.constant 0 : i32
      %dma_start3A_14 = tpu.memref_slice %arg2[%add3A_6, %dma_start3A_13] : memref<180736x32xf32, #tpu.memory_space<hbm>> -> memref<2824x32xf32, #tpu.memory_space<hbm>>
      tpu.enqueue_dma source(%dma_start3A_14 : memref<2824x32xf32, #tpu.memory_space<hbm>>) target(%arg6 : memref<2824x32xf32, #tpu.memory_space<vmem>>) target_semaphore(%run_scoped3A : memref<!tpu.dma_semaphore, #tpu.memory_space<semaphore_mem>>)
      %dma_wait3A = arith.constant 0 : i32
      %dma_wait3A_15 = tpu.memref_slice %arg2[%add3A_6, %dma_wait3A] : memref<180736x32xf32, #tpu.memory_space<hbm>> -> memref<2824x32xf32, #tpu.memory_space<hbm>>
      %dma_wait3A_16 = arith.constant 0 : i32
      %dma_wait3A_17 = tpu.memref_slice %arg2[%add3A_6, %dma_wait3A_16] : memref<180736x32xf32, #tpu.memory_space<hbm>> -> memref<2824x32xf32, #tpu.memory_space<hbm>>
      tpu.wait_dma2 semaphore(%run_scoped3A : memref<!tpu.dma_semaphore, #tpu.memory_space<semaphore_mem>>) src(%dma_wait3A_17 : memref<2824x32xf32, #tpu.memory_space<hbm>>) dst(%arg6 : memref<2824x32xf32, #tpu.memory_space<vmem>>)
      tpu.yield
    }) : () -> ()
    "tpu.region"() ({
      %run_scoped3A = tpu.sem_alloc : memref<!tpu.dma_semaphore, #tpu.memory_space<semaphore_mem>>
      %dma_start3A = arith.constant 0 : i32
      %dma_start3A_12 = arith.constant 0 : i32
      %dma_start3A_13 = tpu.memref_slice %arg8[%dma_start3A, %dma_start3A_12] : memref<10016x32xf32, #tpu.memory_space<vmem_shared>> -> memref<10016x32xf32, #tpu.memory_space<vmem_shared>>
      tpu.enqueue_indirect_dma source(%arg6 : memref<2824x32xf32, #tpu.memory_space<vmem>>) target(%dma_start3A_13 : memref<10016x32xf32, #tpu.memory_space<vmem_shared>>) offsets(%arg7 : memref<2824xi32, #tpu.memory_space<vmem>>) semaphore(%run_scoped3A : memref<!tpu.dma_semaphore, #tpu.memory_space<semaphore_mem>>) {add = true}
      %dma_wait3A = arith.constant 0 : i32
      %dma_wait3A_14 = arith.constant 0 : i32
      %dma_wait3A_15 = tpu.memref_slice %arg8[%dma_wait3A, %dma_wait3A_14] : memref<10016x32xf32, #tpu.memory_space<vmem_shared>> -> memref<10016x32xf32, #tpu.memory_space<vmem_shared>>
      tpu.wait_indirect_dma semaphore(%run_scoped3A : memref<!tpu.dma_semaphore, #tpu.memory_space<semaphore_mem>>) src(%arg6 : memref<2824x32xf32, #tpu.memory_space<vmem>>) dst(%dma_wait3A_15 : memref<10016x32xf32, #tpu.memory_space<vmem_shared>>)
      tpu.yield
    }) : () -> ()
    %mul3A_7 = arith.constant 5648 : i32
    %mul3A_8 = arith.muli %add3A, %mul3A_7 : i32
    %add3A_9 = arith.constant 2824 : i32
    %add3A_10 = arith.addi %mul3A_8, %add3A_9 : i32
    "tpu.region"() ({
      %run_scoped3A = tpu.sem_alloc : memref<!tpu.dma_semaphore, #tpu.memory_space<semaphore_mem>>
      %dma_start3A = tpu.memref_slice %arg3[%add3A_10] : memref<180736xi32, #tpu.memory_space<hbm>> -> memref<2824xi32, #tpu.memory_space<hbm>>
      %dma_start3A_12 = tpu.memref_slice %arg3[%add3A_10] : memref<180736xi32, #tpu.memory_space<hbm>> -> memref<2824xi32, #tpu.memory_space<hbm>>
      tpu.enqueue_dma source(%dma_start3A_12 : memref<2824xi32, #tpu.memory_space<hbm>>) target(%arg7 : memref<2824xi32, #tpu.memory_space<vmem>>) target_semaphore(%run_scoped3A : memref<!tpu.dma_semaphore, #tpu.memory_space<semaphore_mem>>)
      %dma_wait3A = tpu.memref_slice %arg3[%add3A_10] : memref<180736xi32, #tpu.memory_space<hbm>> -> memref<2824xi32, #tpu.memory_space<hbm>>
      %dma_wait3A_13 = tpu.memref_slice %arg3[%add3A_10] : memref<180736xi32, #tpu.memory_space<hbm>> -> memref<2824xi32, #tpu.memory_space<hbm>>
      tpu.wait_dma2 semaphore(%run_scoped3A : memref<!tpu.dma_semaphore, #tpu.memory_space<semaphore_mem>>) src(%dma_wait3A_13 : memref<2824xi32, #tpu.memory_space<hbm>>) dst(%arg7 : memref<2824xi32, #tpu.memory_space<vmem>>)
      tpu.yield
    }) : () -> ()
    "tpu.region"() ({
      %run_scoped3A = tpu.sem_alloc : memref<!tpu.dma_semaphore, #tpu.memory_space<semaphore_mem>>
      %dma_start3A = arith.constant 0 : i32
      %dma_start3A_12 = tpu.memref_slice %arg2[%add3A_10, %dma_start3A] : memref<180736x32xf32, #tpu.memory_space<hbm>> -> memref<2824x32xf32, #tpu.memory_space<hbm>>
      %dma_start3A_13 = arith.constant 0 : i32
      %dma_start3A_14 = tpu.memref_slice %arg2[%add3A_10, %dma_start3A_13] : memref<180736x32xf32, #tpu.memory_space<hbm>> -> memref<2824x32xf32, #tpu.memory_space<hbm>>
      tpu.enqueue_dma source(%dma_start3A_14 : memref<2824x32xf32, #tpu.memory_space<hbm>>) target(%arg6 : memref<2824x32xf32, #tpu.memory_space<vmem>>) target_semaphore(%run_scoped3A : memref<!tpu.dma_semaphore, #tpu.memory_space<semaphore_mem>>)
      %dma_wait3A = arith.constant 0 : i32
      %dma_wait3A_15 = tpu.memref_slice %arg2[%add3A_10, %dma_wait3A] : memref<180736x32xf32, #tpu.memory_space<hbm>> -> memref<2824x32xf32, #tpu.memory_space<hbm>>
      %dma_wait3A_16 = arith.constant 0 : i32
      %dma_wait3A_17 = tpu.memref_slice %arg2[%add3A_10, %dma_wait3A_16] : memref<180736x32xf32, #tpu.memory_space<hbm>> -> memref<2824x32xf32, #tpu.memory_space<hbm>>
      tpu.wait_dma2 semaphore(%run_scoped3A : memref<!tpu.dma_semaphore, #tpu.memory_space<semaphore_mem>>) src(%dma_wait3A_17 : memref<2824x32xf32, #tpu.memory_space<hbm>>) dst(%arg6 : memref<2824x32xf32, #tpu.memory_space<vmem>>)
      tpu.yield
    }) : () -> ()
    "tpu.region"() ({
      %run_scoped3A = tpu.sem_alloc : memref<!tpu.dma_semaphore, #tpu.memory_space<semaphore_mem>>
      %dma_start3A = arith.constant 0 : i32
      %dma_start3A_12 = arith.constant 0 : i32
      %dma_start3A_13 = tpu.memref_slice %arg8[%dma_start3A, %dma_start3A_12] : memref<10016x32xf32, #tpu.memory_space<vmem_shared>> -> memref<10016x32xf32, #tpu.memory_space<vmem_shared>>
      tpu.enqueue_indirect_dma source(%arg6 : memref<2824x32xf32, #tpu.memory_space<vmem>>) target(%dma_start3A_13 : memref<10016x32xf32, #tpu.memory_space<vmem_shared>>) offsets(%arg7 : memref<2824xi32, #tpu.memory_space<vmem>>) semaphore(%run_scoped3A : memref<!tpu.dma_semaphore, #tpu.memory_space<semaphore_mem>>) {add = true}
      %dma_wait3A = arith.constant 0 : i32
      %dma_wait3A_14 = arith.constant 0 : i32
      %dma_wait3A_15 = tpu.memref_slice %arg8[%dma_wait3A, %dma_wait3A_14] : memref<10016x32xf32, #tpu.memory_space<vmem_shared>> -> memref<10016x32xf32, #tpu.memory_space<vmem_shared>>
      tpu.wait_indirect_dma semaphore(%run_scoped3A : memref<!tpu.dma_semaphore, #tpu.memory_space<semaphore_mem>>) src(%arg6 : memref<2824x32xf32, #tpu.memory_space<vmem>>) dst(%dma_wait3A_15 : memref<10016x32xf32, #tpu.memory_space<vmem_shared>>)
      tpu.yield
    }) : () -> ()
    %barrier3A_11 = arith.constant 0 : index
    tpu.barrier barrier_id(%barrier3A_11)
    "tpu.region"() ({
      %run_scoped3A = tpu.sem_alloc : memref<!tpu.dma_semaphore, #tpu.memory_space<semaphore_mem>>
      %dma_start3A = arith.constant 0 : i32
      %dma_start3A_12 = tpu.memref_slice %arg5[%arg0, %mul3A_2, %dma_start3A] : memref<2x10016x32xf32, #tpu.memory_space<hbm>> -> memref<1x626x32xf32, #tpu.memory_space<hbm>>
      %dma_start3A_13 = tpu.memref_squeeze %dma_start3A_12 : memref<1x626x32xf32, #tpu.memory_space<hbm>> -> memref<626x32xf32, #tpu.memory_space<hbm>>
      %dma_start3A_14 = arith.constant 0 : i32
      %dma_start3A_15 = tpu.memref_slice %arg8[%mul3A_2, %dma_start3A_14] : memref<10016x32xf32, #tpu.memory_space<vmem_shared>> -> memref<626x32xf32, #tpu.memory_space<vmem_shared>>
      tpu.enqueue_dma source(%dma_start3A_15 : memref<626x32xf32, #tpu.memory_space<vmem_shared>>) target(%dma_start3A_13 : memref<626x32xf32, #tpu.memory_space<hbm>>) target_semaphore(%run_scoped3A : memref<!tpu.dma_semaphore, #tpu.memory_space<semaphore_mem>>)
      %dma_wait3A = arith.constant 0 : i32
      %dma_wait3A_16 = tpu.memref_slice %arg5[%arg0, %mul3A_2, %dma_wait3A] : memref<2x10016x32xf32, #tpu.memory_space<hbm>> -> memref<1x626x32xf32, #tpu.memory_space<hbm>>
      %dma_wait3A_17 = tpu.memref_squeeze %dma_wait3A_16 : memref<1x626x32xf32, #tpu.memory_space<hbm>> -> memref<626x32xf32, #tpu.memory_space<hbm>>
      %dma_wait3A_18 = arith.constant 0 : i32
      %dma_wait3A_19 = tpu.memref_slice %arg8[%mul3A_2, %dma_wait3A_18] : memref<10016x32xf32, #tpu.memory_space<vmem_shared>> -> memref<626x32xf32, #tpu.memory_space<vmem_shared>>
      tpu.wait_dma2 semaphore(%run_scoped3A : memref<!tpu.dma_semaphore, #tpu.memory_space<semaphore_mem>>) src(%dma_wait3A_19 : memref<626x32xf32, #tpu.memory_space<vmem_shared>>) dst(%dma_wait3A_17 : memref<626x32xf32, #tpu.memory_space<hbm>>)
      tpu.yield
    }) : () -> ()
    return
  }
}

#map = affine_map<(d0, d1) -> (0, 0)>
#map1 = affine_map<(d0, d1) -> (0)>
module attributes {stable_mosaic.version = 14 : i64} {
  func.func @_sc_gather_body(%arg0: i32, %arg1: i32, %arg2: memref<10000x32xf32, #tpu.memory_space<hbm>>, %arg3: memref<180736xi32, #tpu.memory_space<hbm>>, %arg4: memref<180736x32xf32, #tpu.memory_space<hbm>>, %arg5: memref<2824xi32, #tpu.memory_space<vmem>>, %arg6: memref<2824x32xf32, #tpu.memory_space<vmem>>, %arg7: memref<!tpu.dma_semaphore, #tpu.memory_space<semaphore_mem>>) attributes {dimension_semantics = [#tpu.dimension_semantics<core_parallel>, #tpu.dimension_semantics<subcore_parallel>], iteration_bounds = array<i64: 2, 16>, scalar_prefetch = 0 : i64, scratch_operands = 3 : i64, tpu.core_type = #tpu.core_type<sc_vector_subcore>, window_params = [{transform_indices = #map}, {transform_indices = #map1}, {transform_indices = #map}]} {
    %mul3A = arith.constant 2 : i32
    %mul3A_0 = arith.muli %arg1, %mul3A : i32
    %add3A = arith.addi %mul3A_0, %arg0 : i32
    %mul3A_1 = arith.constant 5648 : i32
    %mul3A_2 = arith.muli %add3A, %mul3A_1 : i32
    %add3A_3 = arith.constant 0 : i32
    %add3A_4 = arith.addi %mul3A_2, %add3A_3 : i32
    "tpu.region"() ({
      %run_scoped3A = tpu.sem_alloc : memref<!tpu.dma_semaphore, #tpu.memory_space<semaphore_mem>>
      %dma_start3A_19 = tpu.memref_slice %arg3[%add3A_4] : memref<180736xi32, #tpu.memory_space<hbm>> -> memref<2824xi32, #tpu.memory_space<hbm>>
      %dma_start3A_20 = tpu.memref_slice %arg3[%add3A_4] : memref<180736xi32, #tpu.memory_space<hbm>> -> memref<2824xi32, #tpu.memory_space<hbm>>
      tpu.enqueue_dma source(%dma_start3A_20 : memref<2824xi32, #tpu.memory_space<hbm>>) target(%arg5 : memref<2824xi32, #tpu.memory_space<vmem>>) target_semaphore(%run_scoped3A : memref<!tpu.dma_semaphore, #tpu.memory_space<semaphore_mem>>)
      %dma_wait3A_21 = tpu.memref_slice %arg3[%add3A_4] : memref<180736xi32, #tpu.memory_space<hbm>> -> memref<2824xi32, #tpu.memory_space<hbm>>
      %dma_wait3A_22 = tpu.memref_slice %arg3[%add3A_4] : memref<180736xi32, #tpu.memory_space<hbm>> -> memref<2824xi32, #tpu.memory_space<hbm>>
      tpu.wait_dma2 semaphore(%run_scoped3A : memref<!tpu.dma_semaphore, #tpu.memory_space<semaphore_mem>>) src(%dma_wait3A_22 : memref<2824xi32, #tpu.memory_space<hbm>>) dst(%arg5 : memref<2824xi32, #tpu.memory_space<vmem>>)
      tpu.yield
    }) : () -> ()
    %dma_start3A = arith.constant 0 : i32
    %dma_start3A_5 = arith.constant 0 : i32
    %dma_start3A_6 = tpu.memref_slice %arg2[%dma_start3A, %dma_start3A_5] : memref<10000x32xf32, #tpu.memory_space<hbm>> -> memref<10000x32xf32, #tpu.memory_space<hbm>>
    tpu.enqueue_indirect_dma source(%dma_start3A_6 : memref<10000x32xf32, #tpu.memory_space<hbm>>) target(%arg6 : memref<2824x32xf32, #tpu.memory_space<vmem>>) offsets(%arg5 : memref<2824xi32, #tpu.memory_space<vmem>>) semaphore(%arg7 : memref<!tpu.dma_semaphore, #tpu.memory_space<semaphore_mem>>)
    %dma_wait3A = arith.constant 0 : i32
    %dma_wait3A_7 = arith.constant 0 : i32
    %dma_wait3A_8 = tpu.memref_slice %arg2[%dma_wait3A, %dma_wait3A_7] : memref<10000x32xf32, #tpu.memory_space<hbm>> -> memref<10000x32xf32, #tpu.memory_space<hbm>>
    tpu.wait_indirect_dma semaphore(%arg7 : memref<!tpu.dma_semaphore, #tpu.memory_space<semaphore_mem>>) src(%dma_wait3A_8 : memref<10000x32xf32, #tpu.memory_space<hbm>>) dst(%arg6 : memref<2824x32xf32, #tpu.memory_space<vmem>>)
    "tpu.region"() ({
      %run_scoped3A = tpu.sem_alloc : memref<!tpu.dma_semaphore, #tpu.memory_space<semaphore_mem>>
      %dma_start3A_19 = arith.constant 0 : i32
      %dma_start3A_20 = tpu.memref_slice %arg4[%add3A_4, %dma_start3A_19] : memref<180736x32xf32, #tpu.memory_space<hbm>> -> memref<2824x32xf32, #tpu.memory_space<hbm>>
      %dma_start3A_21 = arith.constant 0 : i32
      %dma_start3A_22 = tpu.memref_slice %arg4[%add3A_4, %dma_start3A_21] : memref<180736x32xf32, #tpu.memory_space<hbm>> -> memref<2824x32xf32, #tpu.memory_space<hbm>>
      tpu.enqueue_dma source(%arg6 : memref<2824x32xf32, #tpu.memory_space<vmem>>) target(%dma_start3A_22 : memref<2824x32xf32, #tpu.memory_space<hbm>>) target_semaphore(%run_scoped3A : memref<!tpu.dma_semaphore, #tpu.memory_space<semaphore_mem>>)
      %dma_wait3A_23 = arith.constant 0 : i32
      %dma_wait3A_24 = tpu.memref_slice %arg4[%add3A_4, %dma_wait3A_23] : memref<180736x32xf32, #tpu.memory_space<hbm>> -> memref<2824x32xf32, #tpu.memory_space<hbm>>
      %dma_wait3A_25 = arith.constant 0 : i32
      %dma_wait3A_26 = tpu.memref_slice %arg4[%add3A_4, %dma_wait3A_25] : memref<180736x32xf32, #tpu.memory_space<hbm>> -> memref<2824x32xf32, #tpu.memory_space<hbm>>
      tpu.wait_dma2 semaphore(%run_scoped3A : memref<!tpu.dma_semaphore, #tpu.memory_space<semaphore_mem>>) src(%arg6 : memref<2824x32xf32, #tpu.memory_space<vmem>>) dst(%dma_wait3A_26 : memref<2824x32xf32, #tpu.memory_space<hbm>>)
      tpu.yield
    }) : () -> ()
    %mul3A_9 = arith.constant 5648 : i32
    %mul3A_10 = arith.muli %add3A, %mul3A_9 : i32
    %add3A_11 = arith.constant 2824 : i32
    %add3A_12 = arith.addi %mul3A_10, %add3A_11 : i32
    "tpu.region"() ({
      %run_scoped3A = tpu.sem_alloc : memref<!tpu.dma_semaphore, #tpu.memory_space<semaphore_mem>>
      %dma_start3A_19 = tpu.memref_slice %arg3[%add3A_12] : memref<180736xi32, #tpu.memory_space<hbm>> -> memref<2824xi32, #tpu.memory_space<hbm>>
      %dma_start3A_20 = tpu.memref_slice %arg3[%add3A_12] : memref<180736xi32, #tpu.memory_space<hbm>> -> memref<2824xi32, #tpu.memory_space<hbm>>
      tpu.enqueue_dma source(%dma_start3A_20 : memref<2824xi32, #tpu.memory_space<hbm>>) target(%arg5 : memref<2824xi32, #tpu.memory_space<vmem>>) target_semaphore(%run_scoped3A : memref<!tpu.dma_semaphore, #tpu.memory_space<semaphore_mem>>)
      %dma_wait3A_21 = tpu.memref_slice %arg3[%add3A_12] : memref<180736xi32, #tpu.memory_space<hbm>> -> memref<2824xi32, #tpu.memory_space<hbm>>
      %dma_wait3A_22 = tpu.memref_slice %arg3[%add3A_12] : memref<180736xi32, #tpu.memory_space<hbm>> -> memref<2824xi32, #tpu.memory_space<hbm>>
      tpu.wait_dma2 semaphore(%run_scoped3A : memref<!tpu.dma_semaphore, #tpu.memory_space<semaphore_mem>>) src(%dma_wait3A_22 : memref<2824xi32, #tpu.memory_space<hbm>>) dst(%arg5 : memref<2824xi32, #tpu.memory_space<vmem>>)
      tpu.yield
    }) : () -> ()
    %dma_start3A_13 = arith.constant 0 : i32
    %dma_start3A_14 = arith.constant 0 : i32
    %dma_start3A_15 = tpu.memref_slice %arg2[%dma_start3A_13, %dma_start3A_14] : memref<10000x32xf32, #tpu.memory_space<hbm>> -> memref<10000x32xf32, #tpu.memory_space<hbm>>
    tpu.enqueue_indirect_dma source(%dma_start3A_15 : memref<10000x32xf32, #tpu.memory_space<hbm>>) target(%arg6 : memref<2824x32xf32, #tpu.memory_space<vmem>>) offsets(%arg5 : memref<2824xi32, #tpu.memory_space<vmem>>) semaphore(%arg7 : memref<!tpu.dma_semaphore, #tpu.memory_space<semaphore_mem>>)
    %dma_wait3A_16 = arith.constant 0 : i32
    %dma_wait3A_17 = arith.constant 0 : i32
    %dma_wait3A_18 = tpu.memref_slice %arg2[%dma_wait3A_16, %dma_wait3A_17] : memref<10000x32xf32, #tpu.memory_space<hbm>> -> memref<10000x32xf32, #tpu.memory_space<hbm>>
    tpu.wait_indirect_dma semaphore(%arg7 : memref<!tpu.dma_semaphore, #tpu.memory_space<semaphore_mem>>) src(%dma_wait3A_18 : memref<10000x32xf32, #tpu.memory_space<hbm>>) dst(%arg6 : memref<2824x32xf32, #tpu.memory_space<vmem>>)
    "tpu.region"() ({
      %run_scoped3A = tpu.sem_alloc : memref<!tpu.dma_semaphore, #tpu.memory_space<semaphore_mem>>
      %dma_start3A_19 = arith.constant 0 : i32
      %dma_start3A_20 = tpu.memref_slice %arg4[%add3A_12, %dma_start3A_19] : memref<180736x32xf32, #tpu.memory_space<hbm>> -> memref<2824x32xf32, #tpu.memory_space<hbm>>
      %dma_start3A_21 = arith.constant 0 : i32
      %dma_start3A_22 = tpu.memref_slice %arg4[%add3A_12, %dma_start3A_21] : memref<180736x32xf32, #tpu.memory_space<hbm>> -> memref<2824x32xf32, #tpu.memory_space<hbm>>
      tpu.enqueue_dma source(%arg6 : memref<2824x32xf32, #tpu.memory_space<vmem>>) target(%dma_start3A_22 : memref<2824x32xf32, #tpu.memory_space<hbm>>) target_semaphore(%run_scoped3A : memref<!tpu.dma_semaphore, #tpu.memory_space<semaphore_mem>>)
      %dma_wait3A_23 = arith.constant 0 : i32
      %dma_wait3A_24 = tpu.memref_slice %arg4[%add3A_12, %dma_wait3A_23] : memref<180736x32xf32, #tpu.memory_space<hbm>> -> memref<2824x32xf32, #tpu.memory_space<hbm>>
      %dma_wait3A_25 = arith.constant 0 : i32
      %dma_wait3A_26 = tpu.memref_slice %arg4[%add3A_12, %dma_wait3A_25] : memref<180736x32xf32, #tpu.memory_space<hbm>> -> memref<2824x32xf32, #tpu.memory_space<hbm>>
      tpu.wait_dma2 semaphore(%run_scoped3A : memref<!tpu.dma_semaphore, #tpu.memory_space<semaphore_mem>>) src(%arg6 : memref<2824x32xf32, #tpu.memory_space<vmem>>) dst(%dma_wait3A_26 : memref<2824x32xf32, #tpu.memory_space<hbm>>)
      tpu.yield
    }) : () -> ()
    return
  }
}

#map = affine_map<(d0, d1) -> (0, 0)>
#map1 = affine_map<(d0, d1) -> (0)>
#map2 = affine_map<(d0, d1) -> (0, 0, 0)>
module attributes {stable_mosaic.version = 14 : i64} {
  func.func @_sc_scatter_body(%arg0: i32, %arg1: i32, %arg2: memref<180736x32xf32, #tpu.memory_space<hbm>>, %arg3: memref<180736xi32, #tpu.memory_space<hbm>>, %arg4: memref<10016x32xf32, #tpu.memory_space<hbm>>, %arg5: memref<2x10016x32xf32, #tpu.memory_space<hbm>>, %arg6: memref<2824x32xf32, #tpu.memory_space<vmem>>, %arg7: memref<2824xi32, #tpu.memory_space<vmem>>, %arg8: memref<10016x32xf32, #tpu.memory_space<vmem_shared>>) attributes {dimension_semantics = [#tpu.dimension_semantics<core_parallel>, #tpu.dimension_semantics<subcore_parallel>], iteration_bounds = array<i64: 2, 16>, scalar_prefetch = 0 : i64, scratch_operands = 3 : i64, tpu.core_type = #tpu.core_type<sc_vector_subcore>, window_params = [{transform_indices = #map}, {transform_indices = #map1}, {transform_indices = #map}, {transform_indices = #map2}]} {
    %mul3A = arith.constant 2 : i32
    %mul3A_0 = arith.muli %arg1, %mul3A : i32
    %add3A = arith.addi %mul3A_0, %arg0 : i32
    %mul3A_1 = arith.constant 626 : i32
    %mul3A_2 = arith.muli %arg1, %mul3A_1 : i32
    "tpu.region"() ({
      %run_scoped3A = tpu.sem_alloc : memref<!tpu.dma_semaphore, #tpu.memory_space<semaphore_mem>>
      %dma_start3A = arith.constant 0 : i32
      %dma_start3A_12 = tpu.memref_slice %arg8[%mul3A_2, %dma_start3A] : memref<10016x32xf32, #tpu.memory_space<vmem_shared>> -> memref<626x32xf32, #tpu.memory_space<vmem_shared>>
      %dma_start3A_13 = arith.constant 0 : i32
      %dma_start3A_14 = tpu.memref_slice %arg4[%mul3A_2, %dma_start3A_13] : memref<10016x32xf32, #tpu.memory_space<hbm>> -> memref<626x32xf32, #tpu.memory_space<hbm>>
      tpu.enqueue_dma source(%dma_start3A_14 : memref<626x32xf32, #tpu.memory_space<hbm>>) target(%dma_start3A_12 : memref<626x32xf32, #tpu.memory_space<vmem_shared>>) target_semaphore(%run_scoped3A : memref<!tpu.dma_semaphore, #tpu.memory_space<semaphore_mem>>)
      %dma_wait3A = arith.constant 0 : i32
      %dma_wait3A_15 = tpu.memref_slice %arg8[%mul3A_2, %dma_wait3A] : memref<10016x32xf32, #tpu.memory_space<vmem_shared>> -> memref<626x32xf32, #tpu.memory_space<vmem_shared>>
      %dma_wait3A_16 = arith.constant 0 : i32
      %dma_wait3A_17 = tpu.memref_slice %arg4[%mul3A_2, %dma_wait3A_16] : memref<10016x32xf32, #tpu.memory_space<hbm>> -> memref<626x32xf32, #tpu.memory_space<hbm>>
      tpu.wait_dma2 semaphore(%run_scoped3A : memref<!tpu.dma_semaphore, #tpu.memory_space<semaphore_mem>>) src(%dma_wait3A_17 : memref<626x32xf32, #tpu.memory_space<hbm>>) dst(%dma_wait3A_15 : memref<626x32xf32, #tpu.memory_space<vmem_shared>>)
      tpu.yield
    }) : () -> ()
    %barrier3A = arith.constant 0 : index
    tpu.barrier barrier_id(%barrier3A)
    %mul3A_3 = arith.constant 5648 : i32
    %mul3A_4 = arith.muli %add3A, %mul3A_3 : i32
    %add3A_5 = arith.constant 0 : i32
    %add3A_6 = arith.addi %mul3A_4, %add3A_5 : i32
    "tpu.region"() ({
      %run_scoped3A = tpu.sem_alloc : memref<!tpu.dma_semaphore, #tpu.memory_space<semaphore_mem>>
      %dma_start3A = tpu.memref_slice %arg3[%add3A_6] : memref<180736xi32, #tpu.memory_space<hbm>> -> memref<2824xi32, #tpu.memory_space<hbm>>
      %dma_start3A_12 = tpu.memref_slice %arg3[%add3A_6] : memref<180736xi32, #tpu.memory_space<hbm>> -> memref<2824xi32, #tpu.memory_space<hbm>>
      tpu.enqueue_dma source(%dma_start3A_12 : memref<2824xi32, #tpu.memory_space<hbm>>) target(%arg7 : memref<2824xi32, #tpu.memory_space<vmem>>) target_semaphore(%run_scoped3A : memref<!tpu.dma_semaphore, #tpu.memory_space<semaphore_mem>>)
      %dma_wait3A = tpu.memref_slice %arg3[%add3A_6] : memref<180736xi32, #tpu.memory_space<hbm>> -> memref<2824xi32, #tpu.memory_space<hbm>>
      %dma_wait3A_13 = tpu.memref_slice %arg3[%add3A_6] : memref<180736xi32, #tpu.memory_space<hbm>> -> memref<2824xi32, #tpu.memory_space<hbm>>
      tpu.wait_dma2 semaphore(%run_scoped3A : memref<!tpu.dma_semaphore, #tpu.memory_space<semaphore_mem>>) src(%dma_wait3A_13 : memref<2824xi32, #tpu.memory_space<hbm>>) dst(%arg7 : memref<2824xi32, #tpu.memory_space<vmem>>)
      tpu.yield
    }) : () -> ()
    "tpu.region"() ({
      %run_scoped3A = tpu.sem_alloc : memref<!tpu.dma_semaphore, #tpu.memory_space<semaphore_mem>>
      %dma_start3A = arith.constant 0 : i32
      %dma_start3A_12 = tpu.memref_slice %arg2[%add3A_6, %dma_start3A] : memref<180736x32xf32, #tpu.memory_space<hbm>> -> memref<2824x32xf32, #tpu.memory_space<hbm>>
      %dma_start3A_13 = arith.constant 0 : i32
      %dma_start3A_14 = tpu.memref_slice %arg2[%add3A_6, %dma_start3A_13] : memref<180736x32xf32, #tpu.memory_space<hbm>> -> memref<2824x32xf32, #tpu.memory_space<hbm>>
      tpu.enqueue_dma source(%dma_start3A_14 : memref<2824x32xf32, #tpu.memory_space<hbm>>) target(%arg6 : memref<2824x32xf32, #tpu.memory_space<vmem>>) target_semaphore(%run_scoped3A : memref<!tpu.dma_semaphore, #tpu.memory_space<semaphore_mem>>)
      %dma_wait3A = arith.constant 0 : i32
      %dma_wait3A_15 = tpu.memref_slice %arg2[%add3A_6, %dma_wait3A] : memref<180736x32xf32, #tpu.memory_space<hbm>> -> memref<2824x32xf32, #tpu.memory_space<hbm>>
      %dma_wait3A_16 = arith.constant 0 : i32
      %dma_wait3A_17 = tpu.memref_slice %arg2[%add3A_6, %dma_wait3A_16] : memref<180736x32xf32, #tpu.memory_space<hbm>> -> memref<2824x32xf32, #tpu.memory_space<hbm>>
      tpu.wait_dma2 semaphore(%run_scoped3A : memref<!tpu.dma_semaphore, #tpu.memory_space<semaphore_mem>>) src(%dma_wait3A_17 : memref<2824x32xf32, #tpu.memory_space<hbm>>) dst(%arg6 : memref<2824x32xf32, #tpu.memory_space<vmem>>)
      tpu.yield
    }) : () -> ()
    "tpu.region"() ({
      %run_scoped3A = tpu.sem_alloc : memref<!tpu.dma_semaphore, #tpu.memory_space<semaphore_mem>>
      %dma_start3A = arith.constant 0 : i32
      %dma_start3A_12 = arith.constant 0 : i32
      %dma_start3A_13 = tpu.memref_slice %arg8[%dma_start3A, %dma_start3A_12] : memref<10016x32xf32, #tpu.memory_space<vmem_shared>> -> memref<10016x32xf32, #tpu.memory_space<vmem_shared>>
      tpu.enqueue_indirect_dma source(%arg6 : memref<2824x32xf32, #tpu.memory_space<vmem>>) target(%dma_start3A_13 : memref<10016x32xf32, #tpu.memory_space<vmem_shared>>) offsets(%arg7 : memref<2824xi32, #tpu.memory_space<vmem>>) semaphore(%run_scoped3A : memref<!tpu.dma_semaphore, #tpu.memory_space<semaphore_mem>>) {add = true}
      %dma_wait3A = arith.constant 0 : i32
      %dma_wait3A_14 = arith.constant 0 : i32
      %dma_wait3A_15 = tpu.memref_slice %arg8[%dma_wait3A, %dma_wait3A_14] : memref<10016x32xf32, #tpu.memory_space<vmem_shared>> -> memref<10016x32xf32, #tpu.memory_space<vmem_shared>>
      tpu.wait_indirect_dma semaphore(%run_scoped3A : memref<!tpu.dma_semaphore, #tpu.memory_space<semaphore_mem>>) src(%arg6 : memref<2824x32xf32, #tpu.memory_space<vmem>>) dst(%dma_wait3A_15 : memref<10016x32xf32, #tpu.memory_space<vmem_shared>>)
      tpu.yield
    }) : () -> ()
    %mul3A_7 = arith.constant 5648 : i32
    %mul3A_8 = arith.muli %add3A, %mul3A_7 : i32
    %add3A_9 = arith.constant 2824 : i32
    %add3A_10 = arith.addi %mul3A_8, %add3A_9 : i32
    "tpu.region"() ({
      %run_scoped3A = tpu.sem_alloc : memref<!tpu.dma_semaphore, #tpu.memory_space<semaphore_mem>>
      %dma_start3A = tpu.memref_slice %arg3[%add3A_10] : memref<180736xi32, #tpu.memory_space<hbm>> -> memref<2824xi32, #tpu.memory_space<hbm>>
      %dma_start3A_12 = tpu.memref_slice %arg3[%add3A_10] : memref<180736xi32, #tpu.memory_space<hbm>> -> memref<2824xi32, #tpu.memory_space<hbm>>
      tpu.enqueue_dma source(%dma_start3A_12 : memref<2824xi32, #tpu.memory_space<hbm>>) target(%arg7 : memref<2824xi32, #tpu.memory_space<vmem>>) target_semaphore(%run_scoped3A : memref<!tpu.dma_semaphore, #tpu.memory_space<semaphore_mem>>)
      %dma_wait3A = tpu.memref_slice %arg3[%add3A_10] : memref<180736xi32, #tpu.memory_space<hbm>> -> memref<2824xi32, #tpu.memory_space<hbm>>
      %dma_wait3A_13 = tpu.memref_slice %arg3[%add3A_10] : memref<180736xi32, #tpu.memory_space<hbm>> -> memref<2824xi32, #tpu.memory_space<hbm>>
      tpu.wait_dma2 semaphore(%run_scoped3A : memref<!tpu.dma_semaphore, #tpu.memory_space<semaphore_mem>>) src(%dma_wait3A_13 : memref<2824xi32, #tpu.memory_space<hbm>>) dst(%arg7 : memref<2824xi32, #tpu.memory_space<vmem>>)
      tpu.yield
    }) : () -> ()
    "tpu.region"() ({
      %run_scoped3A = tpu.sem_alloc : memref<!tpu.dma_semaphore, #tpu.memory_space<semaphore_mem>>
      %dma_start3A = arith.constant 0 : i32
      %dma_start3A_12 = tpu.memref_slice %arg2[%add3A_10, %dma_start3A] : memref<180736x32xf32, #tpu.memory_space<hbm>> -> memref<2824x32xf32, #tpu.memory_space<hbm>>
      %dma_start3A_13 = arith.constant 0 : i32
      %dma_start3A_14 = tpu.memref_slice %arg2[%add3A_10, %dma_start3A_13] : memref<180736x32xf32, #tpu.memory_space<hbm>> -> memref<2824x32xf32, #tpu.memory_space<hbm>>
      tpu.enqueue_dma source(%dma_start3A_14 : memref<2824x32xf32, #tpu.memory_space<hbm>>) target(%arg6 : memref<2824x32xf32, #tpu.memory_space<vmem>>) target_semaphore(%run_scoped3A : memref<!tpu.dma_semaphore, #tpu.memory_space<semaphore_mem>>)
      %dma_wait3A = arith.constant 0 : i32
      %dma_wait3A_15 = tpu.memref_slice %arg2[%add3A_10, %dma_wait3A] : memref<180736x32xf32, #tpu.memory_space<hbm>> -> memref<2824x32xf32, #tpu.memory_space<hbm>>
      %dma_wait3A_16 = arith.constant 0 : i32
      %dma_wait3A_17 = tpu.memref_slice %arg2[%add3A_10, %dma_wait3A_16] : memref<180736x32xf32, #tpu.memory_space<hbm>> -> memref<2824x32xf32, #tpu.memory_space<hbm>>
      tpu.wait_dma2 semaphore(%run_scoped3A : memref<!tpu.dma_semaphore, #tpu.memory_space<semaphore_mem>>) src(%dma_wait3A_17 : memref<2824x32xf32, #tpu.memory_space<hbm>>) dst(%arg6 : memref<2824x32xf32, #tpu.memory_space<vmem>>)
      tpu.yield
    }) : () -> ()
    "tpu.region"() ({
      %run_scoped3A = tpu.sem_alloc : memref<!tpu.dma_semaphore, #tpu.memory_space<semaphore_mem>>
      %dma_start3A = arith.constant 0 : i32
      %dma_start3A_12 = arith.constant 0 : i32
      %dma_start3A_13 = tpu.memref_slice %arg8[%dma_start3A, %dma_start3A_12] : memref<10016x32xf32, #tpu.memory_space<vmem_shared>> -> memref<10016x32xf32, #tpu.memory_space<vmem_shared>>
      tpu.enqueue_indirect_dma source(%arg6 : memref<2824x32xf32, #tpu.memory_space<vmem>>) target(%dma_start3A_13 : memref<10016x32xf32, #tpu.memory_space<vmem_shared>>) offsets(%arg7 : memref<2824xi32, #tpu.memory_space<vmem>>) semaphore(%run_scoped3A : memref<!tpu.dma_semaphore, #tpu.memory_space<semaphore_mem>>) {add = true}
      %dma_wait3A = arith.constant 0 : i32
      %dma_wait3A_14 = arith.constant 0 : i32
      %dma_wait3A_15 = tpu.memref_slice %arg8[%dma_wait3A, %dma_wait3A_14] : memref<10016x32xf32, #tpu.memory_space<vmem_shared>> -> memref<10016x32xf32, #tpu.memory_space<vmem_shared>>
      tpu.wait_indirect_dma semaphore(%run_scoped3A : memref<!tpu.dma_semaphore, #tpu.memory_space<semaphore_mem>>) src(%arg6 : memref<2824x32xf32, #tpu.memory_space<vmem>>) dst(%dma_wait3A_15 : memref<10016x32xf32, #tpu.memory_space<vmem_shared>>)
      tpu.yield
    }) : () -> ()
    %barrier3A_11 = arith.constant 0 : index
    tpu.barrier barrier_id(%barrier3A_11)
    "tpu.region"() ({
      %run_scoped3A = tpu.sem_alloc : memref<!tpu.dma_semaphore, #tpu.memory_space<semaphore_mem>>
      %dma_start3A = arith.constant 0 : i32
      %dma_start3A_12 = tpu.memref_slice %arg5[%arg0, %mul3A_2, %dma_start3A] : memref<2x10016x32xf32, #tpu.memory_space<hbm>> -> memref<1x626x32xf32, #tpu.memory_space<hbm>>
      %dma_start3A_13 = tpu.memref_squeeze %dma_start3A_12 : memref<1x626x32xf32, #tpu.memory_space<hbm>> -> memref<626x32xf32, #tpu.memory_space<hbm>>
      %dma_start3A_14 = arith.constant 0 : i32
      %dma_start3A_15 = tpu.memref_slice %arg8[%mul3A_2, %dma_start3A_14] : memref<10016x32xf32, #tpu.memory_space<vmem_shared>> -> memref<626x32xf32, #tpu.memory_space<vmem_shared>>
      tpu.enqueue_dma source(%dma_start3A_15 : memref<626x32xf32, #tpu.memory_space<vmem_shared>>) target(%dma_start3A_13 : memref<626x32xf32, #tpu.memory_space<hbm>>) target_semaphore(%run_scoped3A : memref<!tpu.dma_semaphore, #tpu.memory_space<semaphore_mem>>)
      %dma_wait3A = arith.constant 0 : i32
      %dma_wait3A_16 = tpu.memref_slice %arg5[%arg0, %mul3A_2, %dma_wait3A] : memref<2x10016x32xf32, #tpu.memory_space<hbm>> -> memref<1x626x32xf32, #tpu.memory_space<hbm>>
      %dma_wait3A_17 = tpu.memref_squeeze %dma_wait3A_16 : memref<1x626x32xf32, #tpu.memory_space<hbm>> -> memref<626x32xf32, #tpu.memory_space<hbm>>
      %dma_wait3A_18 = arith.constant 0 : i32
      %dma_wait3A_19 = tpu.memref_slice %arg8[%mul3A_2, %dma_wait3A_18] : memref<10016x32xf32, #tpu.memory_space<vmem_shared>> -> memref<626x32xf32, #tpu.memory_space<vmem_shared>>
      tpu.wait_dma2 semaphore(%run_scoped3A : memref<!tpu.dma_semaphore, #tpu.memory_space<semaphore_mem>>) src(%dma_wait3A_19 : memref<626x32xf32, #tpu.memory_space<vmem_shared>>) dst(%dma_wait3A_17 : memref<626x32xf32, #tpu.memory_space<hbm>>)
      tpu.yield
    }) : () -> ()
    return
  }
}

#map = affine_map<(d0, d1) -> (0, 0)>
#map1 = affine_map<(d0, d1) -> (0)>
#map2 = affine_map<(d0, d1) -> (0, 0, 0)>
module attributes {stable_mosaic.version = 14 : i64} {
  func.func @_sc_scatter_body(%arg0: i32, %arg1: i32, %arg2: memref<180736x32xf32, #tpu.memory_space<hbm>>, %arg3: memref<180736xi32, #tpu.memory_space<hbm>>, %arg4: memref<10016x32xf32, #tpu.memory_space<hbm>>, %arg5: memref<2x10016x32xf32, #tpu.memory_space<hbm>>, %arg6: memref<2824x32xf32, #tpu.memory_space<vmem>>, %arg7: memref<2824xi32, #tpu.memory_space<vmem>>, %arg8: memref<10016x32xf32, #tpu.memory_space<vmem_shared>>) attributes {dimension_semantics = [#tpu.dimension_semantics<core_parallel>, #tpu.dimension_semantics<subcore_parallel>], iteration_bounds = array<i64: 2, 16>, scalar_prefetch = 0 : i64, scratch_operands = 3 : i64, tpu.core_type = #tpu.core_type<sc_vector_subcore>, window_params = [{transform_indices = #map}, {transform_indices = #map1}, {transform_indices = #map}, {transform_indices = #map2}]} {
    %mul3A = arith.constant 2 : i32
    %mul3A_0 = arith.muli %arg1, %mul3A : i32
    %add3A = arith.addi %mul3A_0, %arg0 : i32
    %mul3A_1 = arith.constant 626 : i32
    %mul3A_2 = arith.muli %arg1, %mul3A_1 : i32
    "tpu.region"() ({
      %run_scoped3A = tpu.sem_alloc : memref<!tpu.dma_semaphore, #tpu.memory_space<semaphore_mem>>
      %dma_start3A = arith.constant 0 : i32
      %dma_start3A_12 = tpu.memref_slice %arg8[%mul3A_2, %dma_start3A] : memref<10016x32xf32, #tpu.memory_space<vmem_shared>> -> memref<626x32xf32, #tpu.memory_space<vmem_shared>>
      %dma_start3A_13 = arith.constant 0 : i32
      %dma_start3A_14 = tpu.memref_slice %arg4[%mul3A_2, %dma_start3A_13] : memref<10016x32xf32, #tpu.memory_space<hbm>> -> memref<626x32xf32, #tpu.memory_space<hbm>>
      tpu.enqueue_dma source(%dma_start3A_14 : memref<626x32xf32, #tpu.memory_space<hbm>>) target(%dma_start3A_12 : memref<626x32xf32, #tpu.memory_space<vmem_shared>>) target_semaphore(%run_scoped3A : memref<!tpu.dma_semaphore, #tpu.memory_space<semaphore_mem>>)
      %dma_wait3A = arith.constant 0 : i32
      %dma_wait3A_15 = tpu.memref_slice %arg8[%mul3A_2, %dma_wait3A] : memref<10016x32xf32, #tpu.memory_space<vmem_shared>> -> memref<626x32xf32, #tpu.memory_space<vmem_shared>>
      %dma_wait3A_16 = arith.constant 0 : i32
      %dma_wait3A_17 = tpu.memref_slice %arg4[%mul3A_2, %dma_wait3A_16] : memref<10016x32xf32, #tpu.memory_space<hbm>> -> memref<626x32xf32, #tpu.memory_space<hbm>>
      tpu.wait_dma2 semaphore(%run_scoped3A : memref<!tpu.dma_semaphore, #tpu.memory_space<semaphore_mem>>) src(%dma_wait3A_17 : memref<626x32xf32, #tpu.memory_space<hbm>>) dst(%dma_wait3A_15 : memref<626x32xf32, #tpu.memory_space<vmem_shared>>)
      tpu.yield
    }) : () -> ()
    %barrier3A = arith.constant 0 : index
    tpu.barrier barrier_id(%barrier3A)
    %mul3A_3 = arith.constant 5648 : i32
    %mul3A_4 = arith.muli %add3A, %mul3A_3 : i32
    %add3A_5 = arith.constant 0 : i32
    %add3A_6 = arith.addi %mul3A_4, %add3A_5 : i32
    "tpu.region"() ({
      %run_scoped3A = tpu.sem_alloc : memref<!tpu.dma_semaphore, #tpu.memory_space<semaphore_mem>>
      %dma_start3A = tpu.memref_slice %arg3[%add3A_6] : memref<180736xi32, #tpu.memory_space<hbm>> -> memref<2824xi32, #tpu.memory_space<hbm>>
      %dma_start3A_12 = tpu.memref_slice %arg3[%add3A_6] : memref<180736xi32, #tpu.memory_space<hbm>> -> memref<2824xi32, #tpu.memory_space<hbm>>
      tpu.enqueue_dma source(%dma_start3A_12 : memref<2824xi32, #tpu.memory_space<hbm>>) target(%arg7 : memref<2824xi32, #tpu.memory_space<vmem>>) target_semaphore(%run_scoped3A : memref<!tpu.dma_semaphore, #tpu.memory_space<semaphore_mem>>)
      %dma_wait3A = tpu.memref_slice %arg3[%add3A_6] : memref<180736xi32, #tpu.memory_space<hbm>> -> memref<2824xi32, #tpu.memory_space<hbm>>
      %dma_wait3A_13 = tpu.memref_slice %arg3[%add3A_6] : memref<180736xi32, #tpu.memory_space<hbm>> -> memref<2824xi32, #tpu.memory_space<hbm>>
      tpu.wait_dma2 semaphore(%run_scoped3A : memref<!tpu.dma_semaphore, #tpu.memory_space<semaphore_mem>>) src(%dma_wait3A_13 : memref<2824xi32, #tpu.memory_space<hbm>>) dst(%arg7 : memref<2824xi32, #tpu.memory_space<vmem>>)
      tpu.yield
    }) : () -> ()
    "tpu.region"() ({
      %run_scoped3A = tpu.sem_alloc : memref<!tpu.dma_semaphore, #tpu.memory_space<semaphore_mem>>
      %dma_start3A = arith.constant 0 : i32
      %dma_start3A_12 = tpu.memref_slice %arg2[%add3A_6, %dma_start3A] : memref<180736x32xf32, #tpu.memory_space<hbm>> -> memref<2824x32xf32, #tpu.memory_space<hbm>>
      %dma_start3A_13 = arith.constant 0 : i32
      %dma_start3A_14 = tpu.memref_slice %arg2[%add3A_6, %dma_start3A_13] : memref<180736x32xf32, #tpu.memory_space<hbm>> -> memref<2824x32xf32, #tpu.memory_space<hbm>>
      tpu.enqueue_dma source(%dma_start3A_14 : memref<2824x32xf32, #tpu.memory_space<hbm>>) target(%arg6 : memref<2824x32xf32, #tpu.memory_space<vmem>>) target_semaphore(%run_scoped3A : memref<!tpu.dma_semaphore, #tpu.memory_space<semaphore_mem>>)
      %dma_wait3A = arith.constant 0 : i32
      %dma_wait3A_15 = tpu.memref_slice %arg2[%add3A_6, %dma_wait3A] : memref<180736x32xf32, #tpu.memory_space<hbm>> -> memref<2824x32xf32, #tpu.memory_space<hbm>>
      %dma_wait3A_16 = arith.constant 0 : i32
      %dma_wait3A_17 = tpu.memref_slice %arg2[%add3A_6, %dma_wait3A_16] : memref<180736x32xf32, #tpu.memory_space<hbm>> -> memref<2824x32xf32, #tpu.memory_space<hbm>>
      tpu.wait_dma2 semaphore(%run_scoped3A : memref<!tpu.dma_semaphore, #tpu.memory_space<semaphore_mem>>) src(%dma_wait3A_17 : memref<2824x32xf32, #tpu.memory_space<hbm>>) dst(%arg6 : memref<2824x32xf32, #tpu.memory_space<vmem>>)
      tpu.yield
    }) : () -> ()
    "tpu.region"() ({
      %run_scoped3A = tpu.sem_alloc : memref<!tpu.dma_semaphore, #tpu.memory_space<semaphore_mem>>
      %dma_start3A = arith.constant 0 : i32
      %dma_start3A_12 = arith.constant 0 : i32
      %dma_start3A_13 = tpu.memref_slice %arg8[%dma_start3A, %dma_start3A_12] : memref<10016x32xf32, #tpu.memory_space<vmem_shared>> -> memref<10016x32xf32, #tpu.memory_space<vmem_shared>>
      tpu.enqueue_indirect_dma source(%arg6 : memref<2824x32xf32, #tpu.memory_space<vmem>>) target(%dma_start3A_13 : memref<10016x32xf32, #tpu.memory_space<vmem_shared>>) offsets(%arg7 : memref<2824xi32, #tpu.memory_space<vmem>>) semaphore(%run_scoped3A : memref<!tpu.dma_semaphore, #tpu.memory_space<semaphore_mem>>) {add = true}
      %dma_wait3A = arith.constant 0 : i32
      %dma_wait3A_14 = arith.constant 0 : i32
      %dma_wait3A_15 = tpu.memref_slice %arg8[%dma_wait3A, %dma_wait3A_14] : memref<10016x32xf32, #tpu.memory_space<vmem_shared>> -> memref<10016x32xf32, #tpu.memory_space<vmem_shared>>
      tpu.wait_indirect_dma semaphore(%run_scoped3A : memref<!tpu.dma_semaphore, #tpu.memory_space<semaphore_mem>>) src(%arg6 : memref<2824x32xf32, #tpu.memory_space<vmem>>) dst(%dma_wait3A_15 : memref<10016x32xf32, #tpu.memory_space<vmem_shared>>)
      tpu.yield
    }) : () -> ()
    %mul3A_7 = arith.constant 5648 : i32
    %mul3A_8 = arith.muli %add3A, %mul3A_7 : i32
    %add3A_9 = arith.constant 2824 : i32
    %add3A_10 = arith.addi %mul3A_8, %add3A_9 : i32
    "tpu.region"() ({
      %run_scoped3A = tpu.sem_alloc : memref<!tpu.dma_semaphore, #tpu.memory_space<semaphore_mem>>
      %dma_start3A = tpu.memref_slice %arg3[%add3A_10] : memref<180736xi32, #tpu.memory_space<hbm>> -> memref<2824xi32, #tpu.memory_space<hbm>>
      %dma_start3A_12 = tpu.memref_slice %arg3[%add3A_10] : memref<180736xi32, #tpu.memory_space<hbm>> -> memref<2824xi32, #tpu.memory_space<hbm>>
      tpu.enqueue_dma source(%dma_start3A_12 : memref<2824xi32, #tpu.memory_space<hbm>>) target(%arg7 : memref<2824xi32, #tpu.memory_space<vmem>>) target_semaphore(%run_scoped3A : memref<!tpu.dma_semaphore, #tpu.memory_space<semaphore_mem>>)
      %dma_wait3A = tpu.memref_slice %arg3[%add3A_10] : memref<180736xi32, #tpu.memory_space<hbm>> -> memref<2824xi32, #tpu.memory_space<hbm>>
      %dma_wait3A_13 = tpu.memref_slice %arg3[%add3A_10] : memref<180736xi32, #tpu.memory_space<hbm>> -> memref<2824xi32, #tpu.memory_space<hbm>>
      tpu.wait_dma2 semaphore(%run_scoped3A : memref<!tpu.dma_semaphore, #tpu.memory_space<semaphore_mem>>) src(%dma_wait3A_13 : memref<2824xi32, #tpu.memory_space<hbm>>) dst(%arg7 : memref<2824xi32, #tpu.memory_space<vmem>>)
      tpu.yield
    }) : () -> ()
    "tpu.region"() ({
      %run_scoped3A = tpu.sem_alloc : memref<!tpu.dma_semaphore, #tpu.memory_space<semaphore_mem>>
      %dma_start3A = arith.constant 0 : i32
      %dma_start3A_12 = tpu.memref_slice %arg2[%add3A_10, %dma_start3A] : memref<180736x32xf32, #tpu.memory_space<hbm>> -> memref<2824x32xf32, #tpu.memory_space<hbm>>
      %dma_start3A_13 = arith.constant 0 : i32
      %dma_start3A_14 = tpu.memref_slice %arg2[%add3A_10, %dma_start3A_13] : memref<180736x32xf32, #tpu.memory_space<hbm>> -> memref<2824x32xf32, #tpu.memory_space<hbm>>
      tpu.enqueue_dma source(%dma_start3A_14 : memref<2824x32xf32, #tpu.memory_space<hbm>>) target(%arg6 : memref<2824x32xf32, #tpu.memory_space<vmem>>) target_semaphore(%run_scoped3A : memref<!tpu.dma_semaphore, #tpu.memory_space<semaphore_mem>>)
      %dma_wait3A = arith.constant 0 : i32
      %dma_wait3A_15 = tpu.memref_slice %arg2[%add3A_10, %dma_wait3A] : memref<180736x32xf32, #tpu.memory_space<hbm>> -> memref<2824x32xf32, #tpu.memory_space<hbm>>
      %dma_wait3A_16 = arith.constant 0 : i32
      %dma_wait3A_17 = tpu.memref_slice %arg2[%add3A_10, %dma_wait3A_16] : memref<180736x32xf32, #tpu.memory_space<hbm>> -> memref<2824x32xf32, #tpu.memory_space<hbm>>
      tpu.wait_dma2 semaphore(%run_scoped3A : memref<!tpu.dma_semaphore, #tpu.memory_space<semaphore_mem>>) src(%dma_wait3A_17 : memref<2824x32xf32, #tpu.memory_space<hbm>>) dst(%arg6 : memref<2824x32xf32, #tpu.memory_space<vmem>>)
      tpu.yield
    }) : () -> ()
    "tpu.region"() ({
      %run_scoped3A = tpu.sem_alloc : memref<!tpu.dma_semaphore, #tpu.memory_space<semaphore_mem>>
      %dma_start3A = arith.constant 0 : i32
      %dma_start3A_12 = arith.constant 0 : i32
      %dma_start3A_13 = tpu.memref_slice %arg8[%dma_start3A, %dma_start3A_12] : memref<10016x32xf32, #tpu.memory_space<vmem_shared>> -> memref<10016x32xf32, #tpu.memory_space<vmem_shared>>
      tpu.enqueue_indirect_dma source(%arg6 : memref<2824x32xf32, #tpu.memory_space<vmem>>) target(%dma_start3A_13 : memref<10016x32xf32, #tpu.memory_space<vmem_shared>>) offsets(%arg7 : memref<2824xi32, #tpu.memory_space<vmem>>) semaphore(%run_scoped3A : memref<!tpu.dma_semaphore, #tpu.memory_space<semaphore_mem>>) {add = true}
      %dma_wait3A = arith.constant 0 : i32
      %dma_wait3A_14 = arith.constant 0 : i32
      %dma_wait3A_15 = tpu.memref_slice %arg8[%dma_wait3A, %dma_wait3A_14] : memref<10016x32xf32, #tpu.memory_space<vmem_shared>> -> memref<10016x32xf32, #tpu.memory_space<vmem_shared>>
      tpu.wait_indirect_dma semaphore(%run_scoped3A : memref<!tpu.dma_semaphore, #tpu.memory_space<semaphore_mem>>) src(%arg6 : memref<2824x32xf32, #tpu.memory_space<vmem>>) dst(%dma_wait3A_15 : memref<10016x32xf32, #tpu.memory_space<vmem_shared>>)
      tpu.yield
    }) : () -> ()
    %barrier3A_11 = arith.constant 0 : index
    tpu.barrier barrier_id(%barrier3A_11)
    "tpu.region"() ({
      %run_scoped3A = tpu.sem_alloc : memref<!tpu.dma_semaphore, #tpu.memory_space<semaphore_mem>>
      %dma_start3A = arith.constant 0 : i32
      %dma_start3A_12 = tpu.memref_slice %arg5[%arg0, %mul3A_2, %dma_start3A] : memref<2x10016x32xf32, #tpu.memory_space<hbm>> -> memref<1x626x32xf32, #tpu.memory_space<hbm>>
      %dma_start3A_13 = tpu.memref_squeeze %dma_start3A_12 : memref<1x626x32xf32, #tpu.memory_space<hbm>> -> memref<626x32xf32, #tpu.memory_space<hbm>>
      %dma_start3A_14 = arith.constant 0 : i32
      %dma_start3A_15 = tpu.memref_slice %arg8[%mul3A_2, %dma_start3A_14] : memref<10016x32xf32, #tpu.memory_space<vmem_shared>> -> memref<626x32xf32, #tpu.memory_space<vmem_shared>>
      tpu.enqueue_dma source(%dma_start3A_15 : memref<626x32xf32, #tpu.memory_space<vmem_shared>>) target(%dma_start3A_13 : memref<626x32xf32, #tpu.memory_space<hbm>>) target_semaphore(%run_scoped3A : memref<!tpu.dma_semaphore, #tpu.memory_space<semaphore_mem>>)
      %dma_wait3A = arith.constant 0 : i32
      %dma_wait3A_16 = tpu.memref_slice %arg5[%arg0, %mul3A_2, %dma_wait3A] : memref<2x10016x32xf32, #tpu.memory_space<hbm>> -> memref<1x626x32xf32, #tpu.memory_space<hbm>>
      %dma_wait3A_17 = tpu.memref_squeeze %dma_wait3A_16 : memref<1x626x32xf32, #tpu.memory_space<hbm>> -> memref<626x32xf32, #tpu.memory_space<hbm>>
      %dma_wait3A_18 = arith.constant 0 : i32
      %dma_wait3A_19 = tpu.memref_slice %arg8[%mul3A_2, %dma_wait3A_18] : memref<10016x32xf32, #tpu.memory_space<vmem_shared>> -> memref<626x32xf32, #tpu.memory_space<vmem_shared>>
      tpu.wait_dma2 semaphore(%run_scoped3A : memref<!tpu.dma_semaphore, #tpu.memory_space<semaphore_mem>>) src(%dma_wait3A_19 : memref<626x32xf32, #tpu.memory_space<vmem_shared>>) dst(%dma_wait3A_17 : memref<626x32xf32, #tpu.memory_space<hbm>>)
      tpu.yield
    }) : () -> ()
    return
  }
}

#map = affine_map<(d0, d1) -> (0, 0)>
#map1 = affine_map<(d0, d1) -> (0)>
module attributes {stable_mosaic.version = 14 : i64} {
  func.func @_sc_gather_body(%arg0: i32, %arg1: i32, %arg2: memref<10000x32xf32, #tpu.memory_space<hbm>>, %arg3: memref<180736xi32, #tpu.memory_space<hbm>>, %arg4: memref<180736x32xf32, #tpu.memory_space<hbm>>, %arg5: memref<2824xi32, #tpu.memory_space<vmem>>, %arg6: memref<2824x32xf32, #tpu.memory_space<vmem>>, %arg7: memref<!tpu.dma_semaphore, #tpu.memory_space<semaphore_mem>>) attributes {dimension_semantics = [#tpu.dimension_semantics<core_parallel>, #tpu.dimension_semantics<subcore_parallel>], iteration_bounds = array<i64: 2, 16>, scalar_prefetch = 0 : i64, scratch_operands = 3 : i64, tpu.core_type = #tpu.core_type<sc_vector_subcore>, window_params = [{transform_indices = #map}, {transform_indices = #map1}, {transform_indices = #map}]} {
    %mul3A = arith.constant 2 : i32
    %mul3A_0 = arith.muli %arg1, %mul3A : i32
    %add3A = arith.addi %mul3A_0, %arg0 : i32
    %mul3A_1 = arith.constant 5648 : i32
    %mul3A_2 = arith.muli %add3A, %mul3A_1 : i32
    %add3A_3 = arith.constant 0 : i32
    %add3A_4 = arith.addi %mul3A_2, %add3A_3 : i32
    "tpu.region"() ({
      %run_scoped3A = tpu.sem_alloc : memref<!tpu.dma_semaphore, #tpu.memory_space<semaphore_mem>>
      %dma_start3A_19 = tpu.memref_slice %arg3[%add3A_4] : memref<180736xi32, #tpu.memory_space<hbm>> -> memref<2824xi32, #tpu.memory_space<hbm>>
      %dma_start3A_20 = tpu.memref_slice %arg3[%add3A_4] : memref<180736xi32, #tpu.memory_space<hbm>> -> memref<2824xi32, #tpu.memory_space<hbm>>
      tpu.enqueue_dma source(%dma_start3A_20 : memref<2824xi32, #tpu.memory_space<hbm>>) target(%arg5 : memref<2824xi32, #tpu.memory_space<vmem>>) target_semaphore(%run_scoped3A : memref<!tpu.dma_semaphore, #tpu.memory_space<semaphore_mem>>)
      %dma_wait3A_21 = tpu.memref_slice %arg3[%add3A_4] : memref<180736xi32, #tpu.memory_space<hbm>> -> memref<2824xi32, #tpu.memory_space<hbm>>
      %dma_wait3A_22 = tpu.memref_slice %arg3[%add3A_4] : memref<180736xi32, #tpu.memory_space<hbm>> -> memref<2824xi32, #tpu.memory_space<hbm>>
      tpu.wait_dma2 semaphore(%run_scoped3A : memref<!tpu.dma_semaphore, #tpu.memory_space<semaphore_mem>>) src(%dma_wait3A_22 : memref<2824xi32, #tpu.memory_space<hbm>>) dst(%arg5 : memref<2824xi32, #tpu.memory_space<vmem>>)
      tpu.yield
    }) : () -> ()
    %dma_start3A = arith.constant 0 : i32
    %dma_start3A_5 = arith.constant 0 : i32
    %dma_start3A_6 = tpu.memref_slice %arg2[%dma_start3A, %dma_start3A_5] : memref<10000x32xf32, #tpu.memory_space<hbm>> -> memref<10000x32xf32, #tpu.memory_space<hbm>>
    tpu.enqueue_indirect_dma source(%dma_start3A_6 : memref<10000x32xf32, #tpu.memory_space<hbm>>) target(%arg6 : memref<2824x32xf32, #tpu.memory_space<vmem>>) offsets(%arg5 : memref<2824xi32, #tpu.memory_space<vmem>>) semaphore(%arg7 : memref<!tpu.dma_semaphore, #tpu.memory_space<semaphore_mem>>)
    %dma_wait3A = arith.constant 0 : i32
    %dma_wait3A_7 = arith.constant 0 : i32
    %dma_wait3A_8 = tpu.memref_slice %arg2[%dma_wait3A, %dma_wait3A_7] : memref<10000x32xf32, #tpu.memory_space<hbm>> -> memref<10000x32xf32, #tpu.memory_space<hbm>>
    tpu.wait_indirect_dma semaphore(%arg7 : memref<!tpu.dma_semaphore, #tpu.memory_space<semaphore_mem>>) src(%dma_wait3A_8 : memref<10000x32xf32, #tpu.memory_space<hbm>>) dst(%arg6 : memref<2824x32xf32, #tpu.memory_space<vmem>>)
    "tpu.region"() ({
      %run_scoped3A = tpu.sem_alloc : memref<!tpu.dma_semaphore, #tpu.memory_space<semaphore_mem>>
      %dma_start3A_19 = arith.constant 0 : i32
      %dma_start3A_20 = tpu.memref_slice %arg4[%add3A_4, %dma_start3A_19] : memref<180736x32xf32, #tpu.memory_space<hbm>> -> memref<2824x32xf32, #tpu.memory_space<hbm>>
      %dma_start3A_21 = arith.constant 0 : i32
      %dma_start3A_22 = tpu.memref_slice %arg4[%add3A_4, %dma_start3A_21] : memref<180736x32xf32, #tpu.memory_space<hbm>> -> memref<2824x32xf32, #tpu.memory_space<hbm>>
      tpu.enqueue_dma source(%arg6 : memref<2824x32xf32, #tpu.memory_space<vmem>>) target(%dma_start3A_22 : memref<2824x32xf32, #tpu.memory_space<hbm>>) target_semaphore(%run_scoped3A : memref<!tpu.dma_semaphore, #tpu.memory_space<semaphore_mem>>)
      %dma_wait3A_23 = arith.constant 0 : i32
      %dma_wait3A_24 = tpu.memref_slice %arg4[%add3A_4, %dma_wait3A_23] : memref<180736x32xf32, #tpu.memory_space<hbm>> -> memref<2824x32xf32, #tpu.memory_space<hbm>>
      %dma_wait3A_25 = arith.constant 0 : i32
      %dma_wait3A_26 = tpu.memref_slice %arg4[%add3A_4, %dma_wait3A_25] : memref<180736x32xf32, #tpu.memory_space<hbm>> -> memref<2824x32xf32, #tpu.memory_space<hbm>>
      tpu.wait_dma2 semaphore(%run_scoped3A : memref<!tpu.dma_semaphore, #tpu.memory_space<semaphore_mem>>) src(%arg6 : memref<2824x32xf32, #tpu.memory_space<vmem>>) dst(%dma_wait3A_26 : memref<2824x32xf32, #tpu.memory_space<hbm>>)
      tpu.yield
    }) : () -> ()
    %mul3A_9 = arith.constant 5648 : i32
    %mul3A_10 = arith.muli %add3A, %mul3A_9 : i32
    %add3A_11 = arith.constant 2824 : i32
    %add3A_12 = arith.addi %mul3A_10, %add3A_11 : i32
    "tpu.region"() ({
      %run_scoped3A = tpu.sem_alloc : memref<!tpu.dma_semaphore, #tpu.memory_space<semaphore_mem>>
      %dma_start3A_19 = tpu.memref_slice %arg3[%add3A_12] : memref<180736xi32, #tpu.memory_space<hbm>> -> memref<2824xi32, #tpu.memory_space<hbm>>
      %dma_start3A_20 = tpu.memref_slice %arg3[%add3A_12] : memref<180736xi32, #tpu.memory_space<hbm>> -> memref<2824xi32, #tpu.memory_space<hbm>>
      tpu.enqueue_dma source(%dma_start3A_20 : memref<2824xi32, #tpu.memory_space<hbm>>) target(%arg5 : memref<2824xi32, #tpu.memory_space<vmem>>) target_semaphore(%run_scoped3A : memref<!tpu.dma_semaphore, #tpu.memory_space<semaphore_mem>>)
      %dma_wait3A_21 = tpu.memref_slice %arg3[%add3A_12] : memref<180736xi32, #tpu.memory_space<hbm>> -> memref<2824xi32, #tpu.memory_space<hbm>>
      %dma_wait3A_22 = tpu.memref_slice %arg3[%add3A_12] : memref<180736xi32, #tpu.memory_space<hbm>> -> memref<2824xi32, #tpu.memory_space<hbm>>
      tpu.wait_dma2 semaphore(%run_scoped3A : memref<!tpu.dma_semaphore, #tpu.memory_space<semaphore_mem>>) src(%dma_wait3A_22 : memref<2824xi32, #tpu.memory_space<hbm>>) dst(%arg5 : memref<2824xi32, #tpu.memory_space<vmem>>)
      tpu.yield
    }) : () -> ()
    %dma_start3A_13 = arith.constant 0 : i32
    %dma_start3A_14 = arith.constant 0 : i32
    %dma_start3A_15 = tpu.memref_slice %arg2[%dma_start3A_13, %dma_start3A_14] : memref<10000x32xf32, #tpu.memory_space<hbm>> -> memref<10000x32xf32, #tpu.memory_space<hbm>>
    tpu.enqueue_indirect_dma source(%dma_start3A_15 : memref<10000x32xf32, #tpu.memory_space<hbm>>) target(%arg6 : memref<2824x32xf32, #tpu.memory_space<vmem>>) offsets(%arg5 : memref<2824xi32, #tpu.memory_space<vmem>>) semaphore(%arg7 : memref<!tpu.dma_semaphore, #tpu.memory_space<semaphore_mem>>)
    %dma_wait3A_16 = arith.constant 0 : i32
    %dma_wait3A_17 = arith.constant 0 : i32
    %dma_wait3A_18 = tpu.memref_slice %arg2[%dma_wait3A_16, %dma_wait3A_17] : memref<10000x32xf32, #tpu.memory_space<hbm>> -> memref<10000x32xf32, #tpu.memory_space<hbm>>
    tpu.wait_indirect_dma semaphore(%arg7 : memref<!tpu.dma_semaphore, #tpu.memory_space<semaphore_mem>>) src(%dma_wait3A_18 : memref<10000x32xf32, #tpu.memory_space<hbm>>) dst(%arg6 : memref<2824x32xf32, #tpu.memory_space<vmem>>)
    "tpu.region"() ({
      %run_scoped3A = tpu.sem_alloc : memref<!tpu.dma_semaphore, #tpu.memory_space<semaphore_mem>>
      %dma_start3A_19 = arith.constant 0 : i32
      %dma_start3A_20 = tpu.memref_slice %arg4[%add3A_12, %dma_start3A_19] : memref<180736x32xf32, #tpu.memory_space<hbm>> -> memref<2824x32xf32, #tpu.memory_space<hbm>>
      %dma_start3A_21 = arith.constant 0 : i32
      %dma_start3A_22 = tpu.memref_slice %arg4[%add3A_12, %dma_start3A_21] : memref<180736x32xf32, #tpu.memory_space<hbm>> -> memref<2824x32xf32, #tpu.memory_space<hbm>>
      tpu.enqueue_dma source(%arg6 : memref<2824x32xf32, #tpu.memory_space<vmem>>) target(%dma_start3A_22 : memref<2824x32xf32, #tpu.memory_space<hbm>>) target_semaphore(%run_scoped3A : memref<!tpu.dma_semaphore, #tpu.memory_space<semaphore_mem>>)
      %dma_wait3A_23 = arith.constant 0 : i32
      %dma_wait3A_24 = tpu.memref_slice %arg4[%add3A_12, %dma_wait3A_23] : memref<180736x32xf32, #tpu.memory_space<hbm>> -> memref<2824x32xf32, #tpu.memory_space<hbm>>
      %dma_wait3A_25 = arith.constant 0 : i32
      %dma_wait3A_26 = tpu.memref_slice %arg4[%add3A_12, %dma_wait3A_25] : memref<180736x32xf32, #tpu.memory_space<hbm>> -> memref<2824x32xf32, #tpu.memory_space<hbm>>
      tpu.wait_dma2 semaphore(%run_scoped3A : memref<!tpu.dma_semaphore, #tpu.memory_space<semaphore_mem>>) src(%arg6 : memref<2824x32xf32, #tpu.memory_space<vmem>>) dst(%dma_wait3A_26 : memref<2824x32xf32, #tpu.memory_space<hbm>>)
      tpu.yield
    }) : () -> ()
    return
  }
}

module attributes {stable_mosaic.version = 14 : i64} {
  func.func @_skip_body(%arg0: memref<2500x4xf32, #tpu.memory_space<vmem>>, %arg1: memref<4x128xf32, #tpu.memory_space<vmem>>, %arg2: memref<1x128xf32, #tpu.memory_space<vmem>>, %arg3: memref<2500x128xf32, #tpu.memory_space<vmem>>) attributes {dimension_semantics = [], scalar_prefetch = 0 : i64, scratch_operands = 0 : i64, tpu.core_type = #tpu.core_type<tc>} {
    %get3A = arith.constant 0 : index
    %get3A_0 = arith.constant 0 : index
    %get3A_1 = vector.load %arg0[%get3A, %get3A_0] : memref<2500x4xf32, #tpu.memory_space<vmem>>, vector<2500x4xf32>
    %get3A_2 = arith.constant 0 : index
    %get3A_3 = arith.constant 0 : index
    %get3A_4 = vector.load %arg1[%get3A_2, %get3A_3] : memref<4x128xf32, #tpu.memory_space<vmem>>, vector<4x128xf32>
    %dot_general3A = arith.constant dense<0.000000e+00> : vector<2500x128xf32>
    %dot_general3A_5 = tpu.matmul %get3A_1, %get3A_4, %dot_general3A {dimension_numbers = #tpu.dot_dimension_numbers<[1], [0], [0], [1], [0, 0, 1, 1], [], []>, transpose_lhs_hint = false} : vector<2500x4xf32>, vector<4x128xf32>, vector<2500x128xf32> -> vector<2500x128xf32>
    %get3A_6 = arith.constant 0 : index
    %get3A_7 = arith.constant 0 : index
    %get3A_8 = vector.load %arg2[%get3A_6, %get3A_7] : memref<1x128xf32, #tpu.memory_space<vmem>>, vector<1x128xf32>
    %add3A = vector.broadcast %get3A_8 : vector<1x128xf32> to vector<2500x128xf32>
    %add3A_9 = arith.addf %dot_general3A_5, %add3A : vector<2500x128xf32>
    %swap3A = arith.constant 0 : index
    %swap3A_10 = arith.constant 0 : index
    %swap3A_11 = vector.load %arg3[%swap3A, %swap3A_10] : memref<2500x128xf32, #tpu.memory_space<vmem>>, vector<2500x128xf32>
    tpu.vector_store %arg3[%swap3A, %swap3A_10], %add3A_9 {strides = array<i32>} : memref<2500x128xf32, #tpu.memory_space<vmem>>, vector<2500x128xf32>,
    return
  }
}

module attributes {stable_mosaic.version = 14 : i64} {
  func.func @_inv_body(%arg0: memref<2502x128xf32, #tpu.memory_space<vmem>>, %arg1: memref<2502x128xf32, #tpu.memory_space<vmem>>, %arg2: memref<2502x128xf32, #tpu.memory_space<vmem>>) attributes {dimension_semantics = [], scalar_prefetch = 0 : i64, scratch_operands = 0 : i64, tpu.core_type = #tpu.core_type<tc>} {
    %get3A = arith.constant 0 : index
    %get3A_0 = arith.constant 0 : index
    %get3A_1 = vector.load %arg0[%get3A, %get3A_0] : memref<2502x128xf32, #tpu.memory_space<vmem>>, vector<2502x128xf32>
    %get3A_2 = arith.constant 0 : index
    %get3A_3 = arith.constant 0 : index
    %get3A_4 = vector.load %arg1[%get3A_2, %get3A_3] : memref<2502x128xf32, #tpu.memory_space<vmem>>, vector<2502x128xf32>
    %add3A = arith.addf %get3A_1, %get3A_4 : vector<2502x128xf32>
    %max3A = arith.constant 1.000000e+00 : f32
    %max3A_5 = vector.broadcast %max3A : f32 to vector<2502x128xf32>
    %max3A_6 = arith.maximumf %add3A, %max3A_5 : vector<2502x128xf32>
    %swap3A = arith.constant 0 : index
    %swap3A_7 = arith.constant 0 : index
    %swap3A_8 = vector.load %arg2[%swap3A, %swap3A_7] : memref<2502x128xf32, #tpu.memory_space<vmem>>, vector<2502x128xf32>
    tpu.vector_store %arg2[%swap3A, %swap3A_7], %max3A_6 {strides = array<i32>} : memref<2502x128xf32, #tpu.memory_space<vmem>>, vector<2502x128xf32>,
    return
  }
}

module attributes {stable_mosaic.version = 14 : i64} {
  func.func @_wbig_body(%arg0: i32, %arg1: memref<512x6xf32, #tpu.memory_space<vmem>>, %arg2: memref<1x6x64xf32, #tpu.memory_space<vmem>>, %arg3: memref<1x1x64xf32, #tpu.memory_space<vmem>>, %arg4: memref<1x64x64xf32, #tpu.memory_space<vmem>>, %arg5: memref<1x1x64xf32, #tpu.memory_space<vmem>>, %arg6: memref<1x64x1024xf32, #tpu.memory_space<vmem>>, %arg7: memref<512x1024xf32, #tpu.memory_space<vmem>>) attributes {dimension_semantics = [#tpu.dimension_semantics<arbitrary>], iteration_bounds = array<i64: 353>, scalar_prefetch = 0 : i64, scratch_operands = 0 : i64, tpu.core_type = #tpu.core_type<tc>, window_params = [{transform_indices = @transform_0, window_bounds = array<i64: 512, 6>}, {transform_indices = @transform_1, window_bounds = array<i64: 1, 6, 64>}, {transform_indices = @transform_2, window_bounds = array<i64: 1, 1, 64>}, {transform_indices = @transform_3, window_bounds = array<i64: 1, 64, 64>}, {transform_indices = @transform_4, window_bounds = array<i64: 1, 1, 64>}, {transform_indices = @transform_5, window_bounds = array<i64: 1, 64, 1024>}, {transform_indices = @transform_6, window_bounds = array<i64: 512, 1024>}]} {
    %get3A = arith.constant 0 : index
    %get3A_0 = arith.constant 0 : index
    %get3A_1 = vector.load %arg1[%get3A, %get3A_0] : memref<512x6xf32, #tpu.memory_space<vmem>>, vector<512x6xf32>
    %get3A_2 = arith.constant 0 : index
    %get3A_3 = arith.constant 0 : index
    %get3A_4 = arith.constant 0 : index
    %get3A_5 = vector.load %arg2[%get3A_2, %get3A_3, %get3A_4] : memref<1x6x64xf32, #tpu.memory_space<vmem>>, vector<1x6x64xf32>
    %get3A_6 = vector.shape_cast %get3A_5 : vector<1x6x64xf32> to vector<6x64xf32>
    %dot_general3A = arith.constant dense<0.000000e+00> : vector<512x64xf32>
    %dot_general3A_7 = tpu.matmul %get3A_1, %get3A_6, %dot_general3A {dimension_numbers = #tpu.dot_dimension_numbers<[1], [0], [0], [1], [0, 0, 1, 1], [], []>, transpose_lhs_hint = false} : vector<512x6xf32>, vector<6x64xf32>, vector<512x64xf32> -> vector<512x64xf32>
    %get3A_8 = arith.constant 0 : index
    %get3A_9 = arith.constant 0 : index
    %get3A_10 = arith.constant 0 : index
    %get3A_11 = vector.load %arg3[%get3A_8, %get3A_9, %get3A_10] : memref<1x1x64xf32, #tpu.memory_space<vmem>>, vector<1x1x64xf32>
    %get3A_12 = vector.shape_cast %get3A_11 : vector<1x1x64xf32> to vector<1x64xf32>
    %add3A = vector.broadcast %get3A_12 : vector<1x64xf32> to vector<512x64xf32>
    %add3A_13 = arith.addf %dot_general3A_7, %add3A : vector<512x64xf32>
    %max3A = arith.constant 0.000000e+00 : f32
    %max3A_14 = vector.broadcast %max3A : f32 to vector<512x64xf32>
    %max3A_15 = arith.maximumf %add3A_13, %max3A_14 : vector<512x64xf32>
    %get3A_16 = arith.constant 0 : index
    %get3A_17 = arith.constant 0 : index
    %get3A_18 = arith.constant 0 : index
    %get3A_19 = vector.load %arg4[%get3A_16, %get3A_17, %get3A_18] : memref<1x64x64xf32, #tpu.memory_space<vmem>>, vector<1x64x64xf32>
    %get3A_20 = vector.shape_cast %get3A_19 : vector<1x64x64xf32> to vector<64x64xf32>
    %dot_general3A_21 = arith.constant dense<0.000000e+00> : vector<512x64xf32>
    %dot_general3A_22 = tpu.matmul %max3A_15, %get3A_20, %dot_general3A_21 {dimension_numbers = #tpu.dot_dimension_numbers<[1], [0], [0], [1], [0, 0, 1, 1], [], []>, transpose_lhs_hint = false} : vector<512x64xf32>, vector<64x64xf32>, vector<512x64xf32> -> vector<512x64xf32>
    %get3A_23 = arith.constant 0 : index
    %get3A_24 = arith.constant 0 : index
    %get3A_25 = arith.constant 0 : index
    %get3A_26 = vector.load %arg5[%get3A_23, %get3A_24, %get3A_25] : memref<1x1x64xf32, #tpu.memory_space<vmem>>, vector<1x1x64xf32>
    %get3A_27 = vector.shape_cast %get3A_26 : vector<1x1x64xf32> to vector<1x64xf32>
    %add3A_28 = vector.broadcast %get3A_27 : vector<1x64xf32> to vector<512x64xf32>
    %add3A_29 = arith.addf %dot_general3A_22, %add3A_28 : vector<512x64xf32>
    %max3A_30 = arith.constant 0.000000e+00 : f32
    %max3A_31 = vector.broadcast %max3A_30 : f32 to vector<512x64xf32>
    %max3A_32 = arith.maximumf %add3A_29, %max3A_31 : vector<512x64xf32>
    %get3A_33 = arith.constant 0 : index
    %get3A_34 = arith.constant 0 : index
    %get3A_35 = arith.constant 0 : index
    %get3A_36 = vector.load %arg6[%get3A_33, %get3A_34, %get3A_35] : memref<1x64x1024xf32, #tpu.memory_space<vmem>>, vector<1x64x1024xf32>
    %get3A_37 = vector.shape_cast %get3A_36 : vector<1x64x1024xf32> to vector<64x1024xf32>
    %dot_general3A_38 = arith.constant dense<0.000000e+00> : vector<512x1024xf32>
    %dot_general3A_39 = tpu.matmul %max3A_32, %get3A_37, %dot_general3A_38 {dimension_numbers = #tpu.dot_dimension_numbers<[1], [0], [0], [1], [0, 0, 1, 1], [], []>, transpose_lhs_hint = false} : vector<512x64xf32>, vector<64x1024xf32>, vector<512x1024xf32> -> vector<512x1024xf32>
    %swap3A = arith.constant 0 : index
    %swap3A_40 = arith.constant 0 : index
    %swap3A_41 = vector.load %arg7[%swap3A, %swap3A_40] : memref<512x1024xf32, #tpu.memory_space<vmem>>, vector<512x1024xf32>
    tpu.vector_store %arg7[%swap3A, %swap3A_40], %dot_general3A_39 {strides = array<i32>} : memref<512x1024xf32, #tpu.memory_space<vmem>>, vector<512x1024xf32>,
    return
  }
  func.func @transform_0(%arg0: i32) -> (i32, i32) {
    %c0_i32 = arith.constant 0 : i32
    %c0_i32_0 = arith.constant 0 : i32
    return %arg0, %c0_i32 : i32, i32
  }
  func.func @transform_1(%arg0: i32) -> (i32, i32, i32) {
    %lt3A = arith.constant 313 : i32
    %lt3A_0 = arith.cmpi slt, %arg0, %lt3A : i32
    %jit3A = arith.constant 0 : i32
    %jit3A_1 = arith.constant 1 : i32
    %select_n3A = arith.select %lt3A_0, %jit3A, %jit3A_1 : i32
    %c0_i32 = arith.constant 0 : i32
    %c0_i32_2 = arith.constant 0 : i32
    %c0_i32_3 = arith.constant 0 : i32
    return %select_n3A, %c0_i32, %c0_i32_2 : i32, i32, i32
  }
  func.func @transform_2(%arg0: i32) -> (i32, i32, i32) {
    %lt3A = arith.constant 313 : i32
    %lt3A_0 = arith.cmpi slt, %arg0, %lt3A : i32
    %jit3A = arith.constant 0 : i32
    %jit3A_1 = arith.constant 1 : i32
    %select_n3A = arith.select %lt3A_0, %jit3A, %jit3A_1 : i32
    %c0_i32 = arith.constant 0 : i32
    %c0_i32_2 = arith.constant 0 : i32
    %c0_i32_3 = arith.constant 0 : i32
    return %select_n3A, %c0_i32, %c0_i32_2 : i32, i32, i32
  }
  func.func @transform_3(%arg0: i32) -> (i32, i32, i32) {
    %lt3A = arith.constant 313 : i32
    %lt3A_0 = arith.cmpi slt, %arg0, %lt3A : i32
    %jit3A = arith.constant 0 : i32
    %jit3A_1 = arith.constant 1 : i32
    %select_n3A = arith.select %lt3A_0, %jit3A, %jit3A_1 : i32
    %c0_i32 = arith.constant 0 : i32
    %c0_i32_2 = arith.constant 0 : i32
    %c0_i32_3 = arith.constant 0 : i32
    return %select_n3A, %c0_i32, %c0_i32_2 : i32, i32, i32
  }
  func.func @transform_4(%arg0: i32) -> (i32, i32, i32) {
    %lt3A = arith.constant 313 : i32
    %lt3A_0 = arith.cmpi slt, %arg0, %lt3A : i32
    %jit3A = arith.constant 0 : i32
    %jit3A_1 = arith.constant 1 : i32
    %select_n3A = arith.select %lt3A_0, %jit3A, %jit3A_1 : i32
    %c0_i32 = arith.constant 0 : i32
    %c0_i32_2 = arith.constant 0 : i32
    %c0_i32_3 = arith.constant 0 : i32
    return %select_n3A, %c0_i32, %c0_i32_2 : i32, i32, i32
  }
  func.func @transform_5(%arg0: i32) -> (i32, i32, i32) {
    %lt3A = arith.constant 313 : i32
    %lt3A_0 = arith.cmpi slt, %arg0, %lt3A : i32
    %jit3A = arith.constant 0 : i32
    %jit3A_1 = arith.constant 1 : i32
    %select_n3A = arith.select %lt3A_0, %jit3A, %jit3A_1 : i32
    %c0_i32 = arith.constant 0 : i32
    %c0_i32_2 = arith.constant 0 : i32
    %c0_i32_3 = arith.constant 0 : i32
    return %select_n3A, %c0_i32, %c0_i32_2 : i32, i32, i32
  }
  func.func @transform_6(%arg0: i32) -> (i32, i32) {
    %c0_i32 = arith.constant 0 : i32
    %c0_i32_0 = arith.constant 0 : i32
    return %arg0, %c0_i32 : i32, i32
  }
}

module attributes {stable_mosaic.version = 14 : i64} {
  func.func @_msg_body(%arg0: i32, %arg1: memref<512x32xf32, #tpu.memory_space<vmem>>, %arg2: memref<512x1024xf32, #tpu.memory_space<vmem>>, %arg3: memref<1x32x32xf32, #tpu.memory_space<vmem>>, %arg4: memref<512x16xf32, #tpu.memory_space<vmem>>, %arg5: memref<32x1024xf32, #tpu.memory_space<vmem>>, %arg6: memref<512x32xf32, #tpu.memory_space<vmem>>) attributes {dimension_semantics = [#tpu.dimension_semantics<arbitrary>], iteration_bounds = array<i64: 353>, scalar_prefetch = 0 : i64, scratch_operands = 0 : i64, tpu.core_type = #tpu.core_type<tc>, window_params = [{transform_indices = @transform_0, window_bounds = array<i64: 512, 32>}, {transform_indices = @transform_1, window_bounds = array<i64: 512, 1024>}, {transform_indices = @transform_2, window_bounds = array<i64: 1, 32, 32>}, {transform_indices = @transform_3, window_bounds = array<i64: 512, 16>}, {pipeline_mode = #tpu.pipeline_mode<synchronous>, transform_indices = @transform_4, window_bounds = array<i64: 32, 1024>}, {transform_indices = @transform_5, window_bounds = array<i64: 512, 32>}]} {
    %get3A = arith.constant 0 : index
    %get3A_0 = arith.constant 0 : index
    %get3A_1 = vector.load %arg1[%get3A, %get3A_0] : memref<512x32xf32, #tpu.memory_space<vmem>>, vector<512x32xf32>
    %get3A_2 = arith.constant 0 : index
    %get3A_3 = arith.constant 0 : index
    %get3A_4 = vector.load %arg5[%get3A_2, %get3A_3] : memref<32x1024xf32, #tpu.memory_space<vmem>>, vector<32x1024xf32>
    %dot_general3A = arith.constant dense<0.000000e+00> : vector<512x1024xf32>
    %dot_general3A_5 = tpu.matmul %get3A_1, %get3A_4, %dot_general3A {dimension_numbers = #tpu.dot_dimension_numbers<[1], [0], [0], [1], [0, 0, 1, 1], [], []>, transpose_lhs_hint = false} : vector<512x32xf32>, vector<32x1024xf32>, vector<512x1024xf32> -> vector<512x1024xf32>
    %get3A_6 = arith.constant 0 : index
    %get3A_7 = arith.constant 0 : index
    %get3A_8 = vector.load %arg2[%get3A_6, %get3A_7] : memref<512x1024xf32, #tpu.memory_space<vmem>>, vector<512x1024xf32>
    %slice3A = vector.extract_strided_slice %dot_general3A_5 {offsets = [0, 0], sizes = [512, 128], strides = [1, 1]} : vector<512x1024xf32> to vector<512x128xf32>
    %slice3A_9 = vector.extract_strided_slice %get3A_8 {offsets = [0, 0], sizes = [512, 128], strides = [1, 1]} : vector<512x1024xf32> to vector<512x128xf32>
    %mul3A = arith.mulf %slice3A, %slice3A_9 : vector<512x128xf32>
    %slice3A_10 = vector.extract_strided_slice %dot_general3A_5 {offsets = [0, 128], sizes = [512, 128], strides = [1, 1]} : vector<512x1024xf32> to vector<512x128xf32>
    %slice3A_11 = vector.extract_strided_slice %get3A_8 {offsets = [0, 128], sizes = [512, 128], strides = [1, 1]} : vector<512x1024xf32> to vector<512x128xf32>
    %mul3A_12 = arith.mulf %slice3A_10, %slice3A_11 : vector<512x128xf32>
    %add3A = arith.addf %mul3A, %mul3A_12 : vector<512x128xf32>
    %slice3A_13 = vector.extract_strided_slice %dot_general3A_5 {offsets = [0, 256], sizes = [512, 128], strides = [1, 1]} : vector<512x1024xf32> to vector<512x128xf32>
    %slice3A_14 = vector.extract_strided_slice %get3A_8 {offsets = [0, 256], sizes = [512, 128], strides = [1, 1]} : vector<512x1024xf32> to vector<512x128xf32>
    %mul3A_15 = arith.mulf %slice3A_13, %slice3A_14 : vector<512x128xf32>
    %add3A_16 = arith.addf %add3A, %mul3A_15 : vector<512x128xf32>
    %slice3A_17 = vector.extract_strided_slice %dot_general3A_5 {offsets = [0, 384], sizes = [512, 128], strides = [1, 1]} : vector<512x1024xf32> to vector<512x128xf32>
    %slice3A_18 = vector.extract_strided_slice %get3A_8 {offsets = [0, 384], sizes = [512, 128], strides = [1, 1]} : vector<512x1024xf32> to vector<512x128xf32>
    %mul3A_19 = arith.mulf %slice3A_17, %slice3A_18 : vector<512x128xf32>
    %add3A_20 = arith.addf %add3A_16, %mul3A_19 : vector<512x128xf32>
    %slice3A_21 = vector.extract_strided_slice %dot_general3A_5 {offsets = [0, 512], sizes = [512, 128], strides = [1, 1]} : vector<512x1024xf32> to vector<512x128xf32>
    %slice3A_22 = vector.extract_strided_slice %get3A_8 {offsets = [0, 512], sizes = [512, 128], strides = [1, 1]} : vector<512x1024xf32> to vector<512x128xf32>
    %mul3A_23 = arith.mulf %slice3A_21, %slice3A_22 : vector<512x128xf32>
    %add3A_24 = arith.addf %add3A_20, %mul3A_23 : vector<512x128xf32>
    %slice3A_25 = vector.extract_strided_slice %dot_general3A_5 {offsets = [0, 640], sizes = [512, 128], strides = [1, 1]} : vector<512x1024xf32> to vector<512x128xf32>
    %slice3A_26 = vector.extract_strided_slice %get3A_8 {offsets = [0, 640], sizes = [512, 128], strides = [1, 1]} : vector<512x1024xf32> to vector<512x128xf32>
    %mul3A_27 = arith.mulf %slice3A_25, %slice3A_26 : vector<512x128xf32>
    %add3A_28 = arith.addf %add3A_24, %mul3A_27 : vector<512x128xf32>
    %slice3A_29 = vector.extract_strided_slice %dot_general3A_5 {offsets = [0, 768], sizes = [512, 128], strides = [1, 1]} : vector<512x1024xf32> to vector<512x128xf32>
    %slice3A_30 = vector.extract_strided_slice %get3A_8 {offsets = [0, 768], sizes = [512, 128], strides = [1, 1]} : vector<512x1024xf32> to vector<512x128xf32>
    %mul3A_31 = arith.mulf %slice3A_29, %slice3A_30 : vector<512x128xf32>
    %add3A_32 = arith.addf %add3A_28, %mul3A_31 : vector<512x128xf32>
    %slice3A_33 = vector.extract_strided_slice %dot_general3A_5 {offsets = [0, 896], sizes = [512, 128], strides = [1, 1]} : vector<512x1024xf32> to vector<512x128xf32>
    %slice3A_34 = vector.extract_strided_slice %get3A_8 {offsets = [0, 896], sizes = [512, 128], strides = [1, 1]} : vector<512x1024xf32> to vector<512x128xf32>
    %mul3A_35 = arith.mulf %slice3A_33, %slice3A_34 : vector<512x128xf32>
    %add3A_36 = arith.addf %add3A_32, %mul3A_35 : vector<512x128xf32>
    %slice3A_37 = vector.extract_strided_slice %add3A_36 {offsets = [0, 0], sizes = [512, 32], strides = [1, 1]} : vector<512x128xf32> to vector<512x32xf32>
    %slice3A_38 = vector.extract_strided_slice %add3A_36 {offsets = [0, 32], sizes = [512, 32], strides = [1, 1]} : vector<512x128xf32> to vector<512x32xf32>
    %add3A_39 = arith.addf %slice3A_37, %slice3A_38 : vector<512x32xf32>
    %slice3A_40 = vector.extract_strided_slice %add3A_36 {offsets = [0, 64], sizes = [512, 32], strides = [1, 1]} : vector<512x128xf32> to vector<512x32xf32>
    %add3A_41 = arith.addf %add3A_39, %slice3A_40 : vector<512x32xf32>
    %slice3A_42 = vector.extract_strided_slice %add3A_36 {offsets = [0, 96], sizes = [512, 32], strides = [1, 1]} : vector<512x128xf32> to vector<512x32xf32>
    %add3A_43 = arith.addf %add3A_41, %slice3A_42 : vector<512x32xf32>
    %get3A_44 = arith.constant 0 : index
    %get3A_45 = arith.constant 0 : index
    %get3A_46 = arith.constant 0 : index
    %get3A_47 = vector.load %arg3[%get3A_44, %get3A_45, %get3A_46] : memref<1x32x32xf32, #tpu.memory_space<vmem>>, vector<1x32x32xf32>
    %get3A_48 = vector.shape_cast %get3A_47 : vector<1x32x32xf32> to vector<32x32xf32>
    %dot_general3A_49 = arith.constant dense<0.000000e+00> : vector<512x32xf32>
    %dot_general3A_50 = tpu.matmul %get3A_1, %get3A_48, %dot_general3A_49 {dimension_numbers = #tpu.dot_dimension_numbers<[1], [0], [0], [1], [0, 0, 1, 1], [], []>, transpose_lhs_hint = false} : vector<512x32xf32>, vector<32x32xf32>, vector<512x32xf32> -> vector<512x32xf32>
    %add3A_51 = arith.addf %add3A_43, %dot_general3A_50 : vector<512x32xf32>
    %get3A_52 = arith.constant 0 : index
    %get3A_53 = arith.constant 0 : index
    %get3A_54 = vector.load %arg4[%get3A_52, %get3A_53] : memref<512x16xf32, #tpu.memory_space<vmem>>, vector<512x1xf32>
    %div3A = vector.broadcast %get3A_54 : vector<512x1xf32> to vector<512x32xf32>
    %div3A_55 = arith.divf %add3A_51, %div3A : vector<512x32xf32>
    %swap3A = arith.constant 0 : index
    %swap3A_56 = arith.constant 0 : index
    %swap3A_57 = vector.load %arg6[%swap3A, %swap3A_56] : memref<512x32xf32, #tpu.memory_space<vmem>>, vector<512x32xf32>
    tpu.vector_store %arg6[%swap3A, %swap3A_56], %div3A_55 {strides = array<i32>} : memref<512x32xf32, #tpu.memory_space<vmem>>, vector<512x32xf32>,
    return
  }
  func.func @transform_0(%arg0: i32) -> (i32, i32) {
    %c0_i32 = arith.constant 0 : i32
    %c0_i32_0 = arith.constant 0 : i32
    return %arg0, %c0_i32 : i32, i32
  }
  func.func @transform_1(%arg0: i32) -> (i32, i32) {
    %c0_i32 = arith.constant 0 : i32
    %c0_i32_0 = arith.constant 0 : i32
    return %arg0, %c0_i32 : i32, i32
  }
  func.func @transform_2(%arg0: i32) -> (i32, i32, i32) {
    %lt3A = arith.constant 313 : i32
    %lt3A_0 = arith.cmpi slt, %arg0, %lt3A : i32
    %jit3A = arith.constant 0 : i32
    %jit3A_1 = arith.constant 1 : i32
    %select_n3A = arith.select %lt3A_0, %jit3A, %jit3A_1 : i32
    %c0_i32 = arith.constant 0 : i32
    %c0_i32_2 = arith.constant 0 : i32
    %c0_i32_3 = arith.constant 0 : i32
    return %select_n3A, %c0_i32, %c0_i32_2 : i32, i32, i32
  }
  func.func @transform_3(%arg0: i32) -> (i32, i32) {
    %c0_i32 = arith.constant 0 : i32
    %c0_i32_0 = arith.constant 0 : i32
    return %arg0, %c0_i32 : i32, i32
  }
  func.func @transform_4(%arg0: i32) -> (i32, i32) {
    %c0_i32 = arith.constant 0 : i32
    %c0_i32_0 = arith.constant 0 : i32
    %c0_i32_1 = arith.constant 0 : i32
    return %c0_i32, %c0_i32_0 : i32, i32
  }
  func.func @transform_5(%arg0: i32) -> (i32, i32) {
    %c0_i32 = arith.constant 0 : i32
    %c0_i32_0 = arith.constant 0 : i32
    return %arg0, %c0_i32 : i32, i32
  }
}

module attributes {stable_mosaic.version = 14 : i64} {
  func.func @_combine_body(%arg0: memref<2500x128xf32, #tpu.memory_space<vmem>>, %arg1: memref<2500x128xf32, #tpu.memory_space<vmem>>, %arg2: memref<2500x128xf32, #tpu.memory_space<vmem>>, %arg3: memref<2500x128xf32, #tpu.memory_space<vmem>>, %arg4: memref<128x128xf32, #tpu.memory_space<vmem>>, %arg5: memref<128x128xf32, #tpu.memory_space<vmem>>, %arg6: memref<1x128xf32, #tpu.memory_space<vmem>>, %arg7: memref<2500x128xf32, #tpu.memory_space<vmem>>) attributes {dimension_semantics = [], scalar_prefetch = 0 : i64, scratch_operands = 0 : i64, tpu.core_type = #tpu.core_type<tc>} {
    %get3A = arith.constant 0 : index
    %get3A_0 = arith.constant 0 : index
    %get3A_1 = vector.load %arg2[%get3A, %get3A_0] : memref<2500x128xf32, #tpu.memory_space<vmem>>, vector<2500x128xf32>
    %get3A_2 = arith.constant 0 : index
    %get3A_3 = arith.constant 0 : index
    %get3A_4 = vector.load %arg0[%get3A_2, %get3A_3] : memref<2500x128xf32, #tpu.memory_space<vmem>>, vector<2500x128xf32>
    %get3A_5 = arith.constant 0 : index
    %get3A_6 = arith.constant 0 : index
    %get3A_7 = vector.load %arg1[%get3A_5, %get3A_6] : memref<2500x128xf32, #tpu.memory_space<vmem>>, vector<2500x128xf32>
    %add3A = arith.addf %get3A_4, %get3A_7 : vector<2500x128xf32>
    %get3A_8 = arith.constant 0 : index
    %get3A_9 = arith.constant 0 : index
    %get3A_10 = vector.load %arg4[%get3A_8, %get3A_9] : memref<128x128xf32, #tpu.memory_space<vmem>>, vector<128x128xf32>
    %dot_general3A = arith.constant dense<0.000000e+00> : vector<2500x128xf32>
    %dot_general3A_11 = tpu.matmul %get3A_1, %get3A_10, %dot_general3A {dimension_numbers = #tpu.dot_dimension_numbers<[1], [0], [0], [1], [0, 0, 1, 1], [], []>, transpose_lhs_hint = false} : vector<2500x128xf32>, vector<128x128xf32>, vector<2500x128xf32> -> vector<2500x128xf32>
    %add3A_12 = arith.addf %add3A, %dot_general3A_11 : vector<2500x128xf32>
    %get3A_13 = arith.constant 0 : index
    %get3A_14 = arith.constant 0 : index
    %get3A_15 = vector.load %arg5[%get3A_13, %get3A_14] : memref<128x128xf32, #tpu.memory_space<vmem>>, vector<128x128xf32>
    %dot_general3A_16 = arith.constant dense<0.000000e+00> : vector<2500x128xf32>
    %dot_general3A_17 = tpu.matmul %get3A_1, %get3A_15, %dot_general3A_16 {dimension_numbers = #tpu.dot_dimension_numbers<[1], [0], [0], [1], [0, 0, 1, 1], [], []>, transpose_lhs_hint = false} : vector<2500x128xf32>, vector<128x128xf32>, vector<2500x128xf32> -> vector<2500x128xf32>
    %add3A_18 = arith.addf %add3A_12, %dot_general3A_17 : vector<2500x128xf32>
    %get3A_19 = arith.constant 0 : index
    %get3A_20 = arith.constant 0 : index
    %get3A_21 = vector.load %arg6[%get3A_19, %get3A_20] : memref<1x128xf32, #tpu.memory_space<vmem>>, vector<1x128xf32>
    %add3A_22 = vector.broadcast %get3A_21 : vector<1x128xf32> to vector<2500x128xf32>
    %add3A_23 = arith.addf %add3A_18, %add3A_22 : vector<2500x128xf32>
    %max3A = arith.constant 0.000000e+00 : f32
    %max3A_24 = vector.broadcast %max3A : f32 to vector<2500x128xf32>
    %max3A_25 = arith.maximumf %add3A_23, %max3A_24 : vector<2500x128xf32>
    %get3A_26 = arith.constant 0 : index
    %get3A_27 = arith.constant 0 : index
    %get3A_28 = vector.load %arg3[%get3A_26, %get3A_27] : memref<2500x128xf32, #tpu.memory_space<vmem>>, vector<2500x128xf32>
    %add3A_29 = arith.addf %max3A_25, %get3A_28 : vector<2500x128xf32>
    %swap3A = arith.constant 0 : index
    %swap3A_30 = arith.constant 0 : index
    %swap3A_31 = vector.load %arg7[%swap3A, %swap3A_30] : memref<2500x128xf32, #tpu.memory_space<vmem>>, vector<2500x128xf32>
    tpu.vector_store %arg7[%swap3A, %swap3A_30], %add3A_29 {strides = array<i32>} : memref<2500x128xf32, #tpu.memory_space<vmem>>, vector<2500x128xf32>,
    return
  }
}

module attributes {stable_mosaic.version = 14 : i64} {
  func.func @_final_body(%arg0: memref<2500x128xf32, #tpu.memory_space<vmem>>, %arg1: memref<128x4xf32, #tpu.memory_space<vmem>>, %arg2: memref<1x4xf32, #tpu.memory_space<vmem>>, %arg3: memref<2500x4xf32, #tpu.memory_space<vmem>>) attributes {dimension_semantics = [], scalar_prefetch = 0 : i64, scratch_operands = 0 : i64, tpu.core_type = #tpu.core_type<tc>} {
    %get3A = arith.constant 0 : index
    %get3A_0 = arith.constant 0 : index
    %get3A_1 = vector.load %arg0[%get3A, %get3A_0] : memref<2500x128xf32, #tpu.memory_space<vmem>>, vector<2500x128xf32>
    %get3A_2 = arith.constant 0 : index
    %get3A_3 = arith.constant 0 : index
    %get3A_4 = vector.load %arg1[%get3A_2, %get3A_3] : memref<128x4xf32, #tpu.memory_space<vmem>>, vector<128x4xf32>
    %dot_general3A = arith.constant dense<0.000000e+00> : vector<2500x4xf32>
    %dot_general3A_5 = tpu.matmul %get3A_1, %get3A_4, %dot_general3A {dimension_numbers = #tpu.dot_dimension_numbers<[1], [0], [0], [1], [0, 0, 1, 1], [], []>, transpose_lhs_hint = false} : vector<2500x128xf32>, vector<128x4xf32>, vector<2500x4xf32> -> vector<2500x4xf32>
    %get3A_6 = arith.constant 0 : index
    %get3A_7 = arith.constant 0 : index
    %get3A_8 = vector.load %arg2[%get3A_6, %get3A_7] : memref<1x4xf32, #tpu.memory_space<vmem>>, vector<1x4xf32>
    %add3A = vector.broadcast %get3A_8 : vector<1x4xf32> to vector<2500x4xf32>
    %add3A_9 = arith.addf %dot_general3A_5, %add3A : vector<2500x4xf32>
    %swap3A = arith.constant 0 : index
    %swap3A_10 = arith.constant 0 : index
    %swap3A_11 = vector.load %arg3[%swap3A, %swap3A_10] : memref<2500x4xf32, #tpu.memory_space<vmem>>, vector<2500x4xf32>
    tpu.vector_store %arg3[%swap3A, %swap3A_10], %add3A_9 {strides = array<i32>} : memref<2500x4xf32, #tpu.memory_space<vmem>>, vector<2500x4xf32>,
    return
  }
}

</mosaic_0001>

<sc_bundles>
// kernel: kernel.24.cloned.1.call-start
scs
__scs_entry_jumppad:
0x0: {  	(pc) =	sbr.rel $0x88, $3  }
0x1: {  	(tag) =	ssettag $0x0;
	lr =	simm.s32 $0x1  }
0x2: {  	[smem:$0x3F88] =	sst lr;
	_ =	strace $0xD0000000  }
0x3: {  	_ = 	snop  }
0x4: {  	_ = 	snop  }
0x5: {  	_ = 	snop  }
0x6: {  	_ = 	snop  }
0x7: {  	_ = 	snop  }
__scs_overlays_trampoline_lowered:
0x8: {  	[smem:$0x3F97] =	sst s0  }
0x9: {  	[smem:$0x3F98] =	sst s1  }
0xa: {  	[smem:$0x3F99] =	sst s2  }
0xb: {  	[smem:$0x3F9A] =	sst s3  }
0xc: {  	[smem:$0x3F9B] =	sst s4  }
0xd: {  	[smem:$0x3F9C] =	sst s5  }
0xe: {  	[smem:$0x3F9D] =	sst s6  }
0xf: {  	[smem:$0x3F9E] =	sst s7  }
0x10: {  	[smem:$0x3F9F] =	sst s8  }
0x11: {  	[smem:$0x3FA0] =	sst s9;
	s0 =	simm.s32 @!p0 $0x0  }
0x12: {  	s1 =	sld [smem:$0x3F86];
	s0 =	simm.s32 @p0 $0x1  }
0x13: {  	[smem:$0x3FA1] =	sst s0;
	s0 =	simm.s32 @!p1 $0x0  }
0x14: {  	s2 =	sld [smem:$0x3F85];
	s0 =	simm.s32 @p1 $0x1  }
0x15: {  	[smem:$0x3FA2] =	sst s0;
	s0 =	simm.s32 @!p2 $0x0  }
0x16: {  	s3 =	sld [smem:$0x3FDB];
	s0 =	simm.s32 @p2 $0x1  }
0x17: {  	s4 =	simm.s32 $0x1BF5;
	[smem:$0x3FA4] =	sst s0  }
0x18: {  	s0 =	sld [smem:$0x3F87];
	_ =	swait.ge [sflag:s4], $0x0  }
0x19: {  	s7 =	sld [smem:$0x3F88]  }
0x1a: {  	s8 =	sadd.s32 $0xFFFFE003, lr  }
0x1b: {  	s9 =	sadd.s32 $0xFFFFFEF7, lr;
	s5 =	simm.s32 $0xFFFFFFFF;
	p2 =	slt.u32 s8, $0xFFFFF086  }
0x1c: {  	p1 =	slt.u32 s9, $0xF7A;
	s5 =	simm.s32 @!p2 $0x0  }
0x1d: {  	s5 =	simm.s32 @p1 $0x1;
	p0 =	seq.s32 s7, s2  }
0x1e: {  	s7 =	smul.u32 @!p0 $0xF7A, s2;
	p2 =	seq.s32 @!p0 s5, $0x0  }
0x1f: {  	s9 =	smul.u32 $0xF7A, s1;
	s8 =	simm.s32 @!p0 $0x1BF5;
	p2 =	por !p2, p0  }
0x20: {  	[sflag:s8] =	ssyncset.s32 @!p0 $0xFFFFF086;
	s6 =	sadd.s32 @!p0 s3, s7;
	s7 =	simm.s32 @!p0 $0x108  }
0x21: {  	s3 =	sadd.s32 s3, s9;
	s6 =	sadd.s32 @!p0 $0x88, s6;
	s7 =	simm.s32 @p2 $0x1082  }
0x22: {  	[simem:s7], [sflag:s8] =	dma.local @!p0 [hbm:s6], $0xF7A  }
0x23: {  	s9 =	sor.u32 $0xD0000000, s2;
	s6 =	simm.s32 $0x108;
	_ =	swait.ge @!p0 [sflag:s8], $0x0  }
0x24: {  	s3 =	sadd.s32 $0x88, s3;
	s6 =	simm.s32 @!p1 $0x1082;
	[sflag:s4] =	ssyncset.s32 $0xFFFFF086  }
0x25: {  	[simem:s6], [sflag:s4] =	dma.local [hbm:s3], $0xF7A  }
0x26: {  	[smem:$0x3F88] =	sst s1;
	(tag) =	ssettag s2;
	_ =	strace s9  }
0x27: {  	s1 =	sld [smem:$0x3F98]  }
0x28: {  	s2 =	sld [smem:$0x3F99]  }
0x29: {  	s4 =	sld [smem:$0x3F9B]  }
0x2a: {  	p0 =	seq.s32 s5, $0x0;
	s5 =	sld [smem:$0x3F9C]  }
0x2b: {  	s6 =	sld [smem:$0x3F9D]  }
0x2c: {  	s7 =	sld [smem:$0x3F9E]  }
0x2d: {  	s3 =	simm.s32 $0x108;
	s8 =	sld [smem:$0x3F9F]  }
0x2e: {  	s3 =	simm.s32 @!p0 $0x1082;
	s9 =	sld [smem:$0x3FA0]  }
0x2f: {  	lr =	sadd.s32 s0, s3;
	s0 =	sld [smem:$0x3F97]  }
0x30: {  	s3 =	sld [smem:$0x3F9A]  }
0x31: {  	[smem:$0x3FA3] =	sst s10  }
0x32: {  	s10 =	sld [smem:$0x3FA1];
	_ =	sdelay $0x3  }
0x33: {  	p0 =	seq.s32 s10, $0x1;
	s10 =	sld [smem:$0x3FA3];
	_ =	sdelay $0x3  }
0x34: {  	[smem:$0x3FA3] =	sst s10  }
0x35: {  	s10 =	sld [smem:$0x3FA2];
	_ =	sdelay $0x3  }
0x36: {  	p1 =	seq.s32 s10, $0x1;
	s10 =	sld [smem:$0x3FA3];
	_ =	sdelay $0x3  }
0x37: {  	[smem:$0x3FA3] =	sst s10  }
0x38: {  	s10 =	sld [smem:$0x3FA4]  }
0x39: {  	_ = 	snop;
	(pc) =	sbr.ind lr, $3  }
0x3a: {  	_ = 	snop  }
0x3b: {  	_ = 	snop  }
0x3c: {  	p2 =	seq.s32 s10, $0x1;
	s10 =	sld [smem:$0x3FA3]  }
0x3d: {  	_ =	shalt  }
0x3e: {  	_ =	shalt  }
0x3f: {  	_ =	shalt  }
0x40: {  	_ =	shalt  }
0x41: {  	_ =	shalt  }
0x42: {  	_ =	shalt  }
0x43: {  	_ =	shalt  }
0x44: {  	_ =	shalt  }
0x45: {  	_ =	shalt  }
0x46: {  	_ =	shalt  }
0x47: {  	_ =	shalt  }
0x48: {  	_ =	shalt  }
0x49: {  	_ =	shalt  }
0x4a: {  	_ =	shalt  }
0x4b: {  	_ =	shalt  }
0x4c: {  	_ =	shalt  }
0x4d: {  	_ =	shalt  }
0x4e: {  	_ =	shalt  }
0x4f: {  	_ =	shalt  }
0x50: {  	_ =	shalt  }
0x51: {  	_ =	shalt  }
0x52: {  	_ =	shalt  }
0x53: {  	_ =	shalt  }
0x54: {  	_ =	shalt  }
0x55: {  	_ =	shalt  }
0x56: {  	_ =	shalt  }
0x57: {  	_ =	shalt  }
0x58: {  	_ =	shalt  }
0x59: {  	_ =	shalt  }
0x5a: {  	_ =	shalt  }
0x5b: {  	_ =	shalt  }
0x5c: {  	_ =	shalt  }
0x5d: {  	_ =	shalt  }
0x5e: {  	_ =	shalt  }
0x5f: {  	_ =	shalt  }
0x60: {  	_ =	shalt  }
0x61: {  	_ =	shalt  }
0x62: {  	_ =	shalt  }
0x63: {  	_ =	shalt  }
0x64: {  	_ =	shalt  }
0x65: {  	_ =	shalt  }
0x66: {  	_ =	shalt  }
0x67: {  	_ =	shalt  }
0x68: {  	_ =	shalt  }
0x69: {  	_ =	shalt  }
0x6a: {  	_ =	shalt  }
0x6b: {  	_ =	shalt  }
0x6c: {  	_ =	shalt  }
0x6d: {  	_ =	shalt  }
0x6e: {  	_ =	shalt  }
0x6f: {  	_ =	shalt  }
0x70: {  	_ =	shalt  }
0x71: {  	_ =	shalt  }
0x72: {  	_ =	shalt  }
0x73: {  	_ =	shalt  }
0x74: {  	_ =	shalt  }
0x75: {  	_ =	shalt  }
0x76: {  	_ =	shalt  }
0x77: {  	_ =	shalt  }
0x78: {  	_ =	shalt  }
0x79: {  	_ =	shalt  }
0x7a: {  	_ =	shalt  }
0x7b: {  	_ =	shalt  }
0x7c: {  	_ =	shalt  }
0x7d: {  	_ =	shalt  }
0x7e: {  	_ =	shalt  }
0x7f: {  	_ =	shalt  }
0x80: {  	_ =	shalt  }
0x81: {  	_ =	shalt  }
0x82: {  	_ =	shalt  }
0x83: {  	_ =	shalt  }
0x84: {  	_ =	shalt  }
0x85: {  	_ =	shalt  }
0x86: {  	_ =	shalt  }
0x87: {  	_ =	shalt  }
.Lfunc_end0:
.L_simem_size_0:
called_computation_lowered:
.L_overlay_start_0:
0x88: {  	s2 =	sld [smem:$0x3FD9]  }
0x89: {  	s3 =	sld [smem:$0x3FFE];
	_ =	sdelay $0x1  }
0x8a: {  	s1 =	srdreg.scid  }
0x8b: {  	s0 =	sand.u32 $0x1, s1  }
0x8c: {  	s16 =	sshll.u32 s0, $0xA;
	s2 =	sadd.s32 s3, s2  }
0x8d: {  	s2 =	sadd.s32 s2, s16  }
0x8e: {  	[smem:$0x3FAF] =	sst s2  }
0x8f: {  	_ = 	snop  }
0x90: {  	(tm) =	ssettm $0x1  }
0x91: {  	s17 =	sld [smem:$0x3FFB];
	_ =	sdelay $0x3  }
0x92: {  	_ =	strace s17  }
0x93: {  	s2 =	sld [smem:$0x3FFC];
	_ =	sdelay $0x3  }
0x94: {  	_ =	strace s2  }
0x95: {  	s2 =	sld [smem:$0x3FFD];
	_ =	sdelay $0x3  }
0x96: {  	_ =	strace s2  }
0x97: {  	_ =	strace $0x8FFFFFFF  }
0x98: {  	s18 =	sld [smem:$0x3FDB];
	_ =	sdelay $0x1  }
0x99: {  	s19 =	simm.s32 $_scs_section_size  }
0x9a: {  	s4 =	simm.s32 $_size__tile_overlayer_lowered;
	s5 =	simm.s32 $_tile_overlayer_lowered  }
0x9b: {  	s22 =	simm.s32 $0x1BFF;
	s21 =	sshll.u32 s5, $0x1;
	s2 =	sadd.s32 s19, s18  }
0x9c: {  	s6 =	simm.s32 $0x0;
	s20 =	sshll.u32 s4, $0x1;
	s4 =	sadd.s32 s21, s2  }
0x9d: {  	[timem:s6], [sflag:s22] =	dma.local [hbm:s4], s20  }
0x9e: {  	_ =	swait.ge [sflag:s22], s20  }
0x9f: {  	s3 =	ssub.s32 $0x0, s20;
	[sflag:s22] =	ssyncset.done $0x0  }
0xa0: {  	[sflag:s22] =	ssyncadd.s32 s3;
	_ =	sdelay $0x1  }
0xa1: {  	s23 =	simm.s32 $0x1B8B  }
0xa2: {  	_ =	swait.ge [sflag:s23], $0x1  }
0xa3: {  	[sflag:s23] =	ssyncset.done $0x0  }
0xa4: {  	s25 =	simm.s32 $0x1B8E;
	s24 =	sld [smem:$0x3FFE];
	[sflag:s23] =	ssyncadd.s32 $0xFFFFFFFF  }
0xa5: {  	s26 =	simm.s32 $execute0_lowered;
	[smem:$0x3FD2] =	sst s25  }
0xa6: {  	s4 =	sshll.u32 s26, $0x1;
	_ =	strace $0x80000046;
	[dreg:$0x1] =	wrdreg $0xFFFFFFFF  }
0xa7: {  	s28 =	simm.s32 $_size_execute0_lowered;
	s2 =	sadd.s32 s2, s4;
	[dreg:$0x0] =	wrdreg $0x0  }
0xa8: {  	s4 =	sshll.u32 s28, $0x1;
	[dreg:$0x2] =	wrdreg s2  }
0xa9: {  	[dreg:$0x3] =	wrdreg s4  }
0xaa: {  	[dreg:$0x4] =	wrdreg $0xC0  }
0xab: {  	_ =	task [dreg:s6], $0x5FFFF  }
0xac: {  	[dreg:$0x1] =	wrdreg $0xFFFFFFFF  }
0xad: {  	[dreg:$0x0] =	wrdreg $0x60  }
0xae: {  	[dreg:$0x2] =	wrdreg s24  }
0xaf: {  	[dreg:$0x3] =	wrdreg $0xBB880  }
0xb0: {  	[dreg:$0x4] =	wrdreg $0xA  }
0xb1: {  	_ =	task.clear_ibuf [dreg:s6], $0x5FFFF;
	_ =	strace $0x90000046  }
0xb2: {  	s29 =	simm.s32 $0xA;
	_ =	strace $0x80000048  }
0xb3: {  	_ =	swait.ge [sflag:s29], $0x1  }
0xb4: {  	[sflag:s29] =	ssyncadd.s32 $0xFFFFFFFF  }
0xb5: {  	_ =	strace $0x90000048  }
0xb6: {  	_ =	sfence  }
0xb7: {  	s30 =	sld [smem:$0x0];
	_ =	sdelay $0x2  }
0xb8: {  	s31 =	sshll.u32 s1, $0xD;
	s1 =	sshrl.u32 s1, $0x2  }
0xb9: {  	s3 =	sand.u32 $0x4000, s31;
	s1 =	sadd.s32 s1, s30  }
0xba: {  	s0 =	sor.u32 s3, s0;
	s1 =	sshll.u32 s1, $0x11  }
0xbb: {  	s0 =	sor.u32 s1, s0  }
0xbc: {  	s0 =	sadd.s32 $0x8F2B, s0  }
0xbd: {  	[sflag:s0] =	ssyncadd.remote.s32 $0x1  }
0xbe: {  	_ =	sfence.sel $0xFFFF  }
0xbf: {  	[dreg:$0x0] =	wrdreg $0xFFFFFFFF;
	(pc) =	sbr.abs _section_cstart, $3  }
0xc0: {  	[dreg:$0x1] =	wrdreg $0xFFFFFFFF  }
0xc1: {  	_ =	task.clear_ibuf [dreg:s6], $0x2FFFF;
	_ =	strace $0x9FFFFFFF  }
0xc2: {  	(tm) =	ssettm $0x7FFFFFFF  }
0xc3: {  	_ =	shalt  }
tec
execute0_lowered:
.L_overlay_start_1:
0x0: {  	(tag) =	ssettag $0x1  }
0x1: {  	s14 =	rddreg [dreg:$0x0]  }
0x2: {  	s2 =	rddreg [dreg:$0x1];
	s1 =	stileid.u32  }
0x3: {  	s0 =	rddreg [dreg:$0x2];
	s3 =	simm.s32 $0x0;
	s4 =	srdreg.scid  }
0x4: {  	s15 =	smul.u32 $0x4E30, s1;
	[smem:$0x7FF] =	sst s3  }
0x5: {  	s16 =	sand.u32 $0x1, s4;
	s25 =	sshll.u32 s1, $0x1;
	s26 =	sshll.u32 s1, $0x6  }
0x6: {  	_ =	strace $0x80000047;
	s5 =	sshrl.u32 s15, $0x3;
	s6 =	sadd.s32 s15, s2  }
0x7: {  	s10 =	sor.u32 s16, s25;
	s5 =	sadd.s32 s5, s14;
	s7 =	sshrl.u32 s6, $0x3  }
0x8: {  	s6 =	simm.s32 $0x1;
	s4 =	sadd.s32 $0x71E00, s5;
	s5 =	sor.u32 $0x1C01, s26  }
0x9: {  	[spmem:s7], [sflag:s5] =	dma.local [hbm:s4], $0x9C6  }
0xa: {  	s12 =	smul.u32 $0x1610, s10;
	_ =	swait.ge [sflag:s6], $0x9C6  }
0xb: {  	[sflag:s6] =	ssyncset.done $0x0  }
0xc: {  	s13 =	sadd.s32 $0x14000, s14;
	s8 =	sshrl.u32 s12, $0x3;
	[sflag:s6] =	ssyncadd.s32 $0xFFFFF63A  }
0xd: {  	s9 =	simm.s32 $0xB080;
	s8 =	sadd.s32 s13, s8;
	[bflag:$0x0] =	sbarrier.arrive $0xFFFF  }
0xe: {  	[tilespmem:s9], [sflag:$0x1] =	stream.linear.gather [hbm4b:s8+s3], $0xB08, $0x38;
	[tilespmem:$0x109B8] =	vst v63  }
0xf: {  	s10 =	smul.u32 $0x2C20, s10;
	_ =	swait.ge [sflag:s6], $0xB08  }
0x10: {  	s17 =	sadd.s32 $0x19A00, s14;
	[sflag:s6] =	ssyncset.done $0x0  }
0x11: {  	s10 =	sadd.s32 s17, s10;
	[sflag:s6] =	ssyncadd.s32 $0xFFFFF4F8  }
0x12: {  	[tilespmem:s3], [sflag:$0x1] =	stream.linear.gather [hbm4b:s10+s3], $0xB080, $0x38;
	[tilespmem:$0x109B8] =	vst v63  }
0x13: {  	_ =	swait.ge [sflag:s6], $0xB080  }
0x14: {  	[sflag:s6] =	ssyncset.done $0x0  }
0x15: {  	s11 =	simm.s32 $0xB08;
	[sflag:s6] =	ssyncadd.s32 $0xFFFF4F80  }
0x16: {  	[spmem:s2] =	stream.indirect.scatter.add.f32 [tilespmem:s3], [sflag:$0x1], $0x10, s9, s11, $0xb8;
	[tilespmem:$0x109B8] =	vst v63  }
0x17: {  	s18 =	sadd.s32 $0xB08, s12;
	_ =	swait.ge [sflag:s6], $0xB080  }
0x18: {  	s12 =	sshrl.u32 s18, $0x3;
	[sflag:s6] =	ssyncset.done $0x0  }
0x19: {  	s12 =	sadd.s32 s13, s12;
	[sflag:s6] =	ssyncadd.s32 $0xFFFF4F80  }
0x1a: {  	[tilespmem:s9], [sflag:$0x1] =	stream.linear.gather [hbm4b:s12+s3], $0xB08, $0x38;
	[tilespmem:$0x109B8] =	vst v63  }
0x1b: {  	_ =	swait.ge [sflag:s6], $0xB08  }
0x1c: {  	s28 =	sshll.u32 s18, $0x1;
	[sflag:s6] =	ssyncset.done $0x0  }
0x1d: {  	s29 =	smul.u32 $0x4E300, s16;
	s13 =	sadd.s32 s17, s28;
	[sflag:s6] =	ssyncadd.s32 $0xFFFFF4F8  }
0x1e: {  	[tilespmem:s3], [sflag:$0x1] =	stream.linear.gather [hbm4b:s13+s3], $0xB080, $0x38;
	[tilespmem:$0x109B8] =	vst v63  }
0x1f: {  	s16 =	ssub.s32 $0x2, s16;
	_ =	swait.ge [sflag:s6], $0xB080  }
0x20: {  	s30 =	sshrl.u32 s16, $0x1;
	s15 =	sadd.s32 s15, s29;
	[sflag:s6] =	ssyncset.done $0x0  }
0x21: {  	s31 =	ssub.s32 s16, s30;
	s15 =	sshrl.u32 s15, $0x3;
	[sflag:s6] =	ssyncadd.s32 $0xFFFF4F80  }
0x22: {  	[spmem:s2] =	stream.indirect.scatter.add.f32 [tilespmem:s3], [sflag:$0x1], $0x10, s9, s11, $0xb8;
	[tilespmem:$0x109B8] =	vst v63  }
0x23: {  	s14 =	sadd.s32 s15, s14;
	s15 =	smax.u32 s31, $0x1;
	_ =	swait.ge [sflag:s6], $0xB080  }
0x24: {  	p0 =	sne.s32 s15, $0x1;
	[sflag:s6] =	ssyncset.done $0x0  }
.Ltmp0:
0x25: {  	[sflag:s6] =	ssyncadd.s32 $0xFFFF4F80;
	(pc) =	sbr.rel @!p0 .LBB2_2-.Ltmp0, $4  }
0x26: {  	s14 =	sadd.s32 $0x7BC00, s14;
	[bflag:$0x0] =	sbarrier.arrive $0xFFFF  }
0x27: {  	[hbm:s14], [sflag:s5] =	dma.local [spmem:s7], $0x9C6  }
0x28: {  	_ =	swait.ge [sflag:s6], $0x9C6  }
0x29: {  	s15 =	sadd.s32 $0xFFFFFFFF, s15;
	[sflag:s6] =	ssyncset.done $0x0  }
.LBB2_1:
0x2a: {  	p0 =	sne.s32 s15, $0x1;
	s15 =	sadd.s32 $0xFFFFFFFF, s15;
	[sflag:s6] =	ssyncadd.s32 $0xFFFFF63A  }
0x2b: {  	[spmem:s7], [sflag:s5] =	dma.local [hbm:s4], $0x9C6  }
0x2c: {  	_ =	swait.ge [sflag:s6], $0x9C6  }
0x2d: {  	[sflag:s6] =	ssyncset.done $0x0  }
0x2e: {  	[sflag:s6] =	ssyncadd.s32 $0xFFFFF63A  }
0x2f: {  	[bflag:$0x0] =	sbarrier.arrive $0xFFFF  }
0x30: {  	[tilespmem:s9], [sflag:$0x1] =	stream.linear.gather [hbm4b:s8+s3], $0xB08, $0x38;
	[tilespmem:$0x109B8] =	vst v63  }
0x31: {  	_ =	swait.ge [sflag:s6], $0xB08  }
0x32: {  	[sflag:s6] =	ssyncset.done $0x0  }
0x33: {  	[sflag:s6] =	ssyncadd.s32 $0xFFFFF4F8  }
0x34: {  	[tilespmem:s3], [sflag:$0x1] =	stream.linear.gather [hbm4b:s10+s3], $0xB080, $0x38;
	[tilespmem:$0x109B8] =	vst v63  }
0x35: {  	_ =	swait.ge [sflag:s6], $0xB080  }
0x36: {  	[sflag:s6] =	ssyncset.done $0x0  }
0x37: {  	[sflag:s6] =	ssyncadd.s32 $0xFFFF4F80  }
0x38: {  	[spmem:s2] =	stream.indirect.scatter.add.f32 [tilespmem:s3], [sflag:$0x1], $0x10, s9, s11, $0xb8;
	[tilespmem:$0x109B8] =	vst v63  }
0x39: {  	_ =	swait.ge [sflag:s6], $0xB080  }
0x3a: {  	[sflag:s6] =	ssyncset.done $0x0  }
0x3b: {  	[sflag:s6] =	ssyncadd.s32 $0xFFFF4F80  }
0x3c: {  	[tilespmem:s9], [sflag:$0x1] =	stream.linear.gather [hbm4b:s12+s3], $0xB08, $0x38;
	[tilespmem:$0x109B8] =	vst v63  }
0x3d: {  	_ =	swait.ge [sflag:s6], $0xB08  }
0x3e: {  	[sflag:s6] =	ssyncset.done $0x0  }
0x3f: {  	[sflag:s6] =	ssyncadd.s32 $0xFFFFF4F8  }
0x40: {  	[tilespmem:s3], [sflag:$0x1] =	stream.linear.gather [hbm4b:s13+s3], $0xB080, $0x38;
	[tilespmem:$0x109B8] =	vst v63  }
0x41: {  	_ =	swait.ge [sflag:s6], $0xB080  }
0x42: {  	[sflag:s6] =	ssyncset.done $0x0  }
0x43: {  	[sflag:s6] =	ssyncadd.s32 $0xFFFF4F80  }
0x44: {  	[spmem:s2] =	stream.indirect.scatter.add.f32 [tilespmem:s3], [sflag:$0x1], $0x10, s9, s11, $0xb8;
	[tilespmem:$0x109B8] =	vst v63  }
0x45: {  	_ =	swait.ge [sflag:s6], $0xB080  }
0x46: {  	[sflag:s6] =	ssyncset.done $0x0  }
.Ltmp1:
0x47: {  	[sflag:s6] =	ssyncadd.s32 $0xFFFF4F80;
	(pc) =	sbr.rel @p0 .LBB2_1-.Ltmp1, $4  }
0x48: {  	[bflag:$0x0] =	sbarrier.arrive $0xFFFF  }
0x49: {  	[hbm:s14], [sflag:s5] =	dma.local [spmem:s7], $0x9C6  }
0x4a: {  	_ =	swait.ge [sflag:s6], $0x9C6  }
0x4b: {  	[sflag:s6] =	ssyncset.done $0x0  }
.LBB2_2:
0x4c: {  	[sflag:s6] =	ssyncadd.s32 $0xFFFFF63A  }
0x4d: {  	_ =	sfence.sel $0x180000  }
0x4e: {  	[bflag:$0x0] =	sbarrier.arrive $0xFFFF  }
0x4f: {  	p0 =	sne.s32 s1, $0x0;
	_ =	strace $0x90000047  }
0x50: {  	s0 =	sadd.s32 @!p0 $0x100000, s0;
	[bflag:$0x2] =	sbarrier.arrive $0xFFFF  }
0x51: {  	[sflag:s0] =	ssyncadd.tile.s32 @!p0 $0x1;
	_ =	shalt  }
.Lfunc_end2:
_tile_overlayer_lowered:
.L_overlay_start_2:
0x52: {  	(tag) =	ssettag $0x2  }
0x53: {  	s0 =	rddreg [dreg:$0x0];
	s2 =	stileid.u32  }
0x54: {  	s1 =	rddreg [dreg:$0x1];
	p0 =	sne.s32 s2, $0x0  }
0x55: {  	s3 =	rddreg [dreg:$0x2];
	[bflag:$0x3] =	sbarrier.arrive $0xFFFF;
	s2 =	simm.s32 @!p0 $0x1C01  }
0x56: {  	[timem:s3], [sflag:s2] =	dma.local @!p0 [hbm:s0], s1  }
0x57: {  	s0 =	simm.s32 @!p0 $0x1  }
0x58: {  	_ =	swait.ge @!p0 [sflag:s0], s1  }
0x59: {  	s1 =	ssub.s32 @!p0 $0x0, s1;
	[sflag:s0] =	ssyncset.done @!p0 $0x0  }
0x5a: {  	[sflag:s0] =	ssyncadd.s32 @!p0 s1  }
0x5b: {  	[bflag:$0x3] =	sbarrier.arrive $0xFFFF  }
0x5c: {  	_ =	shalt  }

// kernel: kernel.27.cloned.1.call-start
scs
__scs_entry_jumppad:
0x0: {  	(pc) =	sbr.rel $0x88, $3  }
0x1: {  	(tag) =	ssettag $0x0;
	lr =	simm.s32 $0x1  }
0x2: {  	[smem:$0x3F88] =	sst lr;
	_ =	strace $0xD0000000  }
0x3: {  	_ = 	snop  }
0x4: {  	_ = 	snop  }
0x5: {  	_ = 	snop  }
0x6: {  	_ = 	snop  }
0x7: {  	_ = 	snop  }
__scs_overlays_trampoline_lowered:
0x8: {  	[smem:$0x3F97] =	sst s0  }
0x9: {  	[smem:$0x3F98] =	sst s1  }
0xa: {  	[smem:$0x3F99] =	sst s2  }
0xb: {  	[smem:$0x3F9A] =	sst s3  }
0xc: {  	[smem:$0x3F9B] =	sst s4  }
0xd: {  	[smem:$0x3F9C] =	sst s5  }
0xe: {  	[smem:$0x3F9D] =	sst s6  }
0xf: {  	[smem:$0x3F9E] =	sst s7  }
0x10: {  	[smem:$0x3F9F] =	sst s8  }
0x11: {  	[smem:$0x3FA0] =	sst s9;
	s0 =	simm.s32 @!p0 $0x0  }
0x12: {  	s1 =	sld [smem:$0x3F86];
	s0 =	simm.s32 @p0 $0x1  }
0x13: {  	[smem:$0x3FA1] =	sst s0;
	s0 =	simm.s32 @!p1 $0x0  }
0x14: {  	s2 =	sld [smem:$0x3F85];
	s0 =	simm.s32 @p1 $0x1  }
0x15: {  	[smem:$0x3FA2] =	sst s0;
	s0 =	simm.s32 @!p2 $0x0  }
0x16: {  	s3 =	sld [smem:$0x3FDB];
	s0 =	simm.s32 @p2 $0x1  }
0x17: {  	s4 =	simm.s32 $0x1BF5;
	[smem:$0x3FA4] =	sst s0  }
0x18: {  	s0 =	sld [smem:$0x3F87];
	_ =	swait.ge [sflag:s4], $0x0  }
0x19: {  	s7 =	sld [smem:$0x3F88]  }
0x1a: {  	s8 =	sadd.s32 $0xFFFFE003, lr  }
0x1b: {  	s9 =	sadd.s32 $0xFFFFFEF7, lr;
	s5 =	simm.s32 $0xFFFFFFFF;
	p2 =	slt.u32 s8, $0xFFFFF086  }
0x1c: {  	p1 =	slt.u32 s9, $0xF7A;
	s5 =	simm.s32 @!p2 $0x0  }
0x1d: {  	s5 =	simm.s32 @p1 $0x1;
	p0 =	seq.s32 s7, s2  }
0x1e: {  	s7 =	smul.u32 @!p0 $0xF7A, s2;
	p2 =	seq.s32 @!p0 s5, $0x0  }
0x1f: {  	s9 =	smul.u32 $0xF7A, s1;
	s8 =	simm.s32 @!p0 $0x1BF5;
	p2 =	por !p2, p0  }
0x20: {  	[sflag:s8] =	ssyncset.s32 @!p0 $0xFFFFF086;
	s6 =	sadd.s32 @!p0 s3, s7;
	s7 =	simm.s32 @!p0 $0x108  }
0x21: {  	s3 =	sadd.s32 s3, s9;
	s6 =	sadd.s32 @!p0 $0x88, s6;
	s7 =	simm.s32 @p2 $0x1082  }
0x22: {  	[simem:s7], [sflag:s8] =	dma.local @!p0 [hbm:s6], $0xF7A  }
0x23: {  	s9 =	sor.u32 $0xD0000000, s2;
	s6 =	simm.s32 $0x108;
	_ =	swait.ge @!p0 [sflag:s8], $0x0  }
0x24: {  	s3 =	sadd.s32 $0x88, s3;
	s6 =	simm.s32 @!p1 $0x1082;
	[sflag:s4] =	ssyncset.s32 $0xFFFFF086  }
0x25: {  	[simem:s6], [sflag:s4] =	dma.local [hbm:s3], $0xF7A  }
0x26: {  	[smem:$0x3F88] =	sst s1;
	(tag) =	ssettag s2;
	_ =	strace s9  }
0x27: {  	s1 =	sld [smem:$0x3F98]  }
0x28: {  	s2 =	sld [smem:$0x3F99]  }
0x29: {  	s4 =	sld [smem:$0x3F9B]  }
0x2a: {  	p0 =	seq.s32 s5, $0x0;
	s5 =	sld [smem:$0x3F9C]  }
0x2b: {  	s6 =	sld [smem:$0x3F9D]  }
0x2c: {  	s7 =	sld [smem:$0x3F9E]  }
0x2d: {  	s3 =	simm.s32 $0x108;
	s8 =	sld [smem:$0x3F9F]  }
0x2e: {  	s3 =	simm.s32 @!p0 $0x1082;
	s9 =	sld [smem:$0x3FA0]  }
0x2f: {  	lr =	sadd.s32 s0, s3;
	s0 =	sld [smem:$0x3F97]  }
0x30: {  	s3 =	sld [smem:$0x3F9A]  }
0x31: {  	[smem:$0x3FA3] =	sst s10  }
0x32: {  	s10 =	sld [smem:$0x3FA1];
	_ =	sdelay $0x3  }
0x33: {  	p0 =	seq.s32 s10, $0x1;
	s10 =	sld [smem:$0x3FA3];
	_ =	sdelay $0x3  }
0x34: {  	[smem:$0x3FA3] =	sst s10  }
0x35: {  	s10 =	sld [smem:$0x3FA2];
	_ =	sdelay $0x3  }
0x36: {  	p1 =	seq.s32 s10, $0x1;
	s10 =	sld [smem:$0x3FA3];
	_ =	sdelay $0x3  }
0x37: {  	[smem:$0x3FA3] =	sst s10  }
0x38: {  	s10 =	sld [smem:$0x3FA4]  }
0x39: {  	_ = 	snop;
	(pc) =	sbr.ind lr, $3  }
0x3a: {  	_ = 	snop  }
0x3b: {  	_ = 	snop  }
0x3c: {  	p2 =	seq.s32 s10, $0x1;
	s10 =	sld [smem:$0x3FA3]  }
0x3d: {  	_ =	shalt  }
0x3e: {  	_ =	shalt  }
0x3f: {  	_ =	shalt  }
0x40: {  	_ =	shalt  }
0x41: {  	_ =	shalt  }
0x42: {  	_ =	shalt  }
0x43: {  	_ =	shalt  }
0x44: {  	_ =	shalt  }
0x45: {  	_ =	shalt  }
0x46: {  	_ =	shalt  }
0x47: {  	_ =	shalt  }
0x48: {  	_ =	shalt  }
0x49: {  	_ =	shalt  }
0x4a: {  	_ =	shalt  }
0x4b: {  	_ =	shalt  }
0x4c: {  	_ =	shalt  }
0x4d: {  	_ =	shalt  }
0x4e: {  	_ =	shalt  }
0x4f: {  	_ =	shalt  }
0x50: {  	_ =	shalt  }
0x51: {  	_ =	shalt  }
0x52: {  	_ =	shalt  }
0x53: {  	_ =	shalt  }
0x54: {  	_ =	shalt  }
0x55: {  	_ =	shalt  }
0x56: {  	_ =	shalt  }
0x57: {  	_ =	shalt  }
0x58: {  	_ =	shalt  }
0x59: {  	_ =	shalt  }
0x5a: {  	_ =	shalt  }
0x5b: {  	_ =	shalt  }
0x5c: {  	_ =	shalt  }
0x5d: {  	_ =	shalt  }
0x5e: {  	_ =	shalt  }
0x5f: {  	_ =	shalt  }
0x60: {  	_ =	shalt  }
0x61: {  	_ =	shalt  }
0x62: {  	_ =	shalt  }
0x63: {  	_ =	shalt  }
0x64: {  	_ =	shalt  }
0x65: {  	_ =	shalt  }
0x66: {  	_ =	shalt  }
0x67: {  	_ =	shalt  }
0x68: {  	_ =	shalt  }
0x69: {  	_ =	shalt  }
0x6a: {  	_ =	shalt  }
0x6b: {  	_ =	shalt  }
0x6c: {  	_ =	shalt  }
0x6d: {  	_ =	shalt  }
0x6e: {  	_ =	shalt  }
0x6f: {  	_ =	shalt  }
0x70: {  	_ =	shalt  }
0x71: {  	_ =	shalt  }
0x72: {  	_ =	shalt  }
0x73: {  	_ =	shalt  }
0x74: {  	_ =	shalt  }
0x75: {  	_ =	shalt  }
0x76: {  	_ =	shalt  }
0x77: {  	_ =	shalt  }
0x78: {  	_ =	shalt  }
0x79: {  	_ =	shalt  }
0x7a: {  	_ =	shalt  }
0x7b: {  	_ =	shalt  }
0x7c: {  	_ =	shalt  }
0x7d: {  	_ =	shalt  }
0x7e: {  	_ =	shalt  }
0x7f: {  	_ =	shalt  }
0x80: {  	_ =	shalt  }
0x81: {  	_ =	shalt  }
0x82: {  	_ =	shalt  }
0x83: {  	_ =	shalt  }
0x84: {  	_ =	shalt  }
0x85: {  	_ =	shalt  }
0x86: {  	_ =	shalt  }
0x87: {  	_ =	shalt  }
.Lfunc_end0:
.L_simem_size_0:
called_computation.1_lowered:
.L_overlay_start_0:
0x88: {  	s2 =	sld [smem:$0x3FD9]  }
0x89: {  	s3 =	sld [smem:$0x3FFE];
	_ =	sdelay $0x1  }
0x8a: {  	s1 =	srdreg.scid  }
0x8b: {  	s0 =	sand.u32 $0x1, s1  }
0x8c: {  	s17 =	sshll.u32 s0, $0xA;
	s2 =	sadd.s32 s3, s2  }
0x8d: {  	s2 =	sadd.s32 s2, s17  }
0x8e: {  	[smem:$0x3FAF] =	sst s2  }
0x8f: {  	_ = 	snop  }
0x90: {  	(tm) =	ssettm $0x1  }
0x91: {  	s18 =	sld [smem:$0x3FFB];
	_ =	sdelay $0x3  }
0x92: {  	_ =	strace s18  }
0x93: {  	s2 =	sld [smem:$0x3FFC];
	_ =	sdelay $0x3  }
0x94: {  	_ =	strace s2  }
0x95: {  	s2 =	sld [smem:$0x3FFD];
	_ =	sdelay $0x3  }
0x96: {  	_ =	strace s2  }
0x97: {  	_ =	strace $0x8FFFFFFF  }
0x98: {  	s19 =	sld [smem:$0x3FDB];
	_ =	sdelay $0x1  }
0x99: {  	s20 =	simm.s32 $_scs_section_size  }
0x9a: {  	s4 =	simm.s32 $_size__tile_overlayer_lowered;
	s5 =	simm.s32 $_tile_overlayer_lowered  }
0x9b: {  	s6 =	simm.s32 $0x1BFF;
	s21 =	sshll.u32 s5, $0x1;
	s3 =	sadd.s32 s20, s19  }
0x9c: {  	s22 =	simm.s32 $0x0;
	s4 =	sshll.u32 s4, $0x1;
	s5 =	sadd.s32 s21, s3  }
0x9d: {  	[timem:s22], [sflag:s6] =	dma.local [hbm:s5], s4  }
0x9e: {  	_ =	swait.ge [sflag:s6], s4  }
0x9f: {  	s4 =	ssub.s32 $0x0, s4;
	[sflag:s6] =	ssyncset.done $0x0  }
0xa0: {  	[sflag:s6] =	ssyncadd.s32 s4;
	_ =	sdelay $0x1  }
0xa1: {  	s23 =	simm.s32 $0x1B8B  }
0xa2: {  	_ =	swait.ge [sflag:s23], $0x1  }
0xa3: {  	[sflag:s23] =	ssyncset.done $0x0  }
0xa4: {  	[sflag:s23] =	ssyncadd.s32 $0xFFFFFFFF  }
0xa5: {  	s4 =	sld [smem:$0x0]  }
0xa6: {  	s5 =	sand.u32 $0xFFFFFFFE, s1  }
0xa7: {  	p0 =	sne.s32 s1, s5  }
0xa8: {  	s5 =	sshll.u32 @p0 s5, $0xE  }
0xa9: {  	s5 =	sadd.s32 @p0 $0x11B8D, s5;
	s6 =	sshll.u32 @p0 s4, $0x11  }
0xaa: {  	s5 =	sor.u32 @p0 s6, s5  }
0xab: {  	[sflag:s5] =	ssyncadd.remote.s32 @p0 $0x1;
	_ =	sdelay $0x1  }
0xac: {  	s5 =	simm.s32 @p0 $0x1B8D  }
0xad: {  	_ =	swait.eq @p0 [sflag:s5], $0x1  }
0xae: {  	[sflag:s5] =	ssyncadd.s32 @p0 $0xFFFFFFFF  }
0xaf: {  	s6 =	sshll.u32 @!p0 s1, $0xE  }
0xb0: {  	s6 =	sor.u32 @!p0 $0x4000, s6;
	s5 =	simm.s32 @!p0 $0x1B8D  }
0xb1: {  	s4 =	sshll.u32 @!p0 s4, $0x11;
	s6 =	sadd.s32 @!p0 $0x11B8D, s6;
	_ =	swait.eq @!p0 [sflag:s5], $0x1  }
0xb2: {  	s4 =	sor.u32 @!p0 s4, s6;
	[sflag:s5] =	ssyncadd.s32 @!p0 $0xFFFFFFFF  }
0xb3: {  	s25 =	simm.s32 $0x1B8E;
	s24 =	sld [smem:$0x3FFE];
	[sflag:s4] =	ssyncadd.remote.s32 @!p0 $0x1  }
0xb4: {  	s26 =	simm.s32 $execute0_lowered;
	[smem:$0x3FD2] =	sst s25  }
0xb5: {  	s5 =	sshll.u32 s26, $0x1;
	_ =	strace $0x8000004C;
	[dreg:$0x1] =	wrdreg $0xFFFFFFFF  }
0xb6: {  	s28 =	simm.s32 $_size_execute0_lowered;
	s3 =	sadd.s32 s3, s5;
	[dreg:$0x0] =	wrdreg $0x0  }
0xb7: {  	s5 =	sshll.u32 s28, $0x1;
	[dreg:$0x2] =	wrdreg s3  }
0xb8: {  	[dreg:$0x3] =	wrdreg s5  }
0xb9: {  	[dreg:$0x4] =	wrdreg $0xC0  }
0xba: {  	_ =	task [dreg:s22], $0x5FFFF  }
0xbb: {  	[dreg:$0x1] =	wrdreg $0xFFFFFFFF  }
0xbc: {  	[dreg:$0x0] =	wrdreg $0x60  }
0xbd: {  	[dreg:$0x2] =	wrdreg s24  }
0xbe: {  	[dreg:$0x3] =	wrdreg $0xA  }
0xbf: {  	_ =	task.clear_ibuf [dreg:s22], $0x4FFFF;
	_ =	strace $0x9000004C  }
0xc0: {  	s29 =	simm.s32 $0xA;
	_ =	strace $0x8000004E  }
0xc1: {  	_ =	swait.ge [sflag:s29], $0x1  }
0xc2: {  	[sflag:s29] =	ssyncadd.s32 $0xFFFFFFFF  }
0xc3: {  	_ =	strace $0x9000004E  }
0xc4: {  	_ =	sfence  }
0xc5: {  	s30 =	sld [smem:$0x0];
	_ =	sdelay $0x2  }
0xc6: {  	s31 =	sshll.u32 s1, $0xD;
	s1 =	sshrl.u32 s1, $0x2  }
0xc7: {  	s4 =	sand.u32 $0x4000, s31;
	s1 =	sadd.s32 s1, s30  }
0xc8: {  	s0 =	sor.u32 s4, s0;
	s1 =	sshll.u32 s1, $0x11  }
0xc9: {  	s0 =	sor.u32 s1, s0  }
0xca: {  	s0 =	sadd.s32 $0x8F2B, s0  }
0xcb: {  	[sflag:s0] =	ssyncadd.remote.s32 $0x1  }
0xcc: {  	_ =	sfence.sel $0xFFFF  }
0xcd: {  	[dreg:$0x0] =	wrdreg $0xFFFFFFFF;
	(pc) =	sbr.abs _section_cstart, $3  }
0xce: {  	[dreg:$0x1] =	wrdreg $0xFFFFFFFF  }
0xcf: {  	_ =	task.clear_ibuf [dreg:s22], $0x2FFFF;
	_ =	strace $0x9FFFFFFF  }
0xd0: {  	(tm) =	ssettm $0x7FFFFFFF  }
0xd1: {  	_ =	shalt  }
tec
execute0_lowered:
.L_overlay_start_1:
0x0: {  	(tag) =	ssettag $0x1  }
0x1: {  	s1 =	srdreg.scid;
	s0 =	stileid.u32  }
0x2: {  	s10 =	sand.u32 $0x1, s1;
	s26 =	sshll.u32 s0, $0x1  }
0x3: {  	s8 =	sor.u32 s10, s26  }
0x4: {  	s9 =	rddreg [dreg:$0x0];
	s11 =	smul.u32 $0x1610, s8  }
0x5: {  	s2 =	simm.s32 $0x0;
	s1 =	rddreg [dreg:$0x1]  }
0x6: {  	[smem:$0x7FF] =	sst s2;
	s12 =	sadd.s32 $0x14000, s9;
	s3 =	sshrl.u32 s11, $0x3  }
0x7: {  	_ =	strace $0x8000004D;
	s4 =	sadd.s32 s12, s3;
	s3 =	simm.s32 $0x2  }
0x8: {  	[tilespmem:s2], [sflag:$0x2] =	stream.linear.gather [hbm4b:s4+s2], $0xB08, $0x38;
	[tilespmem:$0xBB88] =	vst v63  }
0x9: {  	_ =	swait.ge [sflag:s3], $0xB08  }
0xa: {  	s6 =	simm.s32 $0xB08;
	[sflag:s3] =	ssyncset.done $0x0  }
0xb: {  	s7 =	simm.s32 $0x1;
	s5 =	sadd.s32 $0x19A00, s9;
	[sflag:s3] =	ssyncadd.s32 $0xFFFFF4F8  }
0xc: {  	[tilespmem:s6], [sflag:$0x1] =	stream.indirect.gather [hbm4b:s5+s6], $0x10, s2, s6, $0xb8;
	[tilespmem:$0xBB88] =	vst v63  }
0xd: {  	s8 =	smul.u32 $0x2C20, s8;
	_ =	swait.ge [sflag:s7], $0xB080  }
0xe: {  	s13 =	sadd.s32 $0x23800, s9;
	[sflag:s7] =	ssyncset.done $0x0  }
0xf: {  	s8 =	sadd.s32 s13, s8;
	[sflag:s7] =	ssyncadd.s32 $0xFFFF4F80  }
0x10: {  	[hbm4b:s8+s2] =	stream.linear.scatter [tilespmem:s6], [sflag:$0x2], $0xB080, $0x38;
	[tilespmem:$0xBB88] =	vst v63  }
0x11: {  	s11 =	sadd.s32 $0xB08, s11;
	_ =	swait.ge [sflag:s3], $0xB080  }
0x12: {  	s28 =	sshrl.u32 s11, $0x3;
	[sflag:s3] =	ssyncset.done $0x0  }
0x13: {  	s10 =	ssub.s32 $0x2, s10;
	s9 =	sadd.s32 s12, s28;
	[sflag:s3] =	ssyncadd.s32 $0xFFFF4F80  }
0x14: {  	[tilespmem:s2], [sflag:$0x2] =	stream.linear.gather [hbm4b:s9+s2], $0xB08, $0x38;
	[tilespmem:$0xBB88] =	vst v63  }
0x15: {  	s29 =	sshrl.u32 s10, $0x1;
	_ =	swait.ge [sflag:s3], $0xB08  }
0x16: {  	s12 =	ssub.s32 s10, s29;
	[sflag:s3] =	ssyncset.done $0x0  }
0x17: {  	s31 =	smax.u32 s12, $0x1;
	[sflag:s3] =	ssyncadd.s32 $0xFFFFF4F8  }
0x18: {  	[tilespmem:s6], [sflag:$0x1] =	stream.indirect.gather [hbm4b:s5+s6], $0x10, s2, s6, $0xb8;
	[tilespmem:$0xBB88] =	vst v63  }
0x19: {  	p0 =	sne.s32 s31, $0x1;
	_ =	swait.ge [sflag:s7], $0xB080  }
.Ltmp0:
0x1a: {  	s30 =	sshll.u32 s11, $0x1;
	[sflag:s7] =	ssyncset.done $0x0;
	(pc) =	sbr.rel @!p0 .LBB2_2-.Ltmp0, $4  }
0x1b: {  	s10 =	sadd.s32 s13, s30;
	[sflag:s7] =	ssyncadd.s32 $0xFFFF4F80  }
0x1c: {  	[hbm4b:s10+s2] =	stream.linear.scatter [tilespmem:s6], [sflag:$0x2], $0xB080, $0x38;
	[tilespmem:$0xBB88] =	vst v63  }
0x1d: {  	_ =	swait.ge [sflag:s3], $0xB080  }
0x1e: {  	s11 =	sadd.s32 $0xFFFFFFFF, s31;
	[sflag:s3] =	ssyncset.done $0x0  }
.LBB2_1:
0x1f: {  	p0 =	sne.s32 s11, $0x1;
	s11 =	sadd.s32 $0xFFFFFFFF, s11;
	[sflag:s3] =	ssyncadd.s32 $0xFFFF4F80  }
0x20: {  	[tilespmem:s2], [sflag:$0x2] =	stream.linear.gather [hbm4b:s4+s2], $0xB08, $0x38;
	[tilespmem:$0xBB88] =	vst v63  }
0x21: {  	_ =	swait.ge [sflag:s3], $0xB08  }
0x22: {  	[sflag:s3] =	ssyncset.done $0x0  }
0x23: {  	[sflag:s3] =	ssyncadd.s32 $0xFFFFF4F8  }
0x24: {  	[tilespmem:s6], [sflag:$0x1] =	stream.indirect.gather [hbm4b:s5+s6], $0x10, s2, s6, $0xb8;
	[tilespmem:$0xBB88] =	vst v63  }
0x25: {  	_ =	swait.ge [sflag:s7], $0xB080  }
0x26: {  	[sflag:s7] =	ssyncset.done $0x0  }
0x27: {  	[sflag:s7] =	ssyncadd.s32 $0xFFFF4F80  }
0x28: {  	[hbm4b:s8+s2] =	stream.linear.scatter [tilespmem:s6], [sflag:$0x2], $0xB080, $0x38;
	[tilespmem:$0xBB88] =	vst v63  }
0x29: {  	_ =	swait.ge [sflag:s3], $0xB080  }
0x2a: {  	[sflag:s3] =	ssyncset.done $0x0  }
0x2b: {  	[sflag:s3] =	ssyncadd.s32 $0xFFFF4F80  }
0x2c: {  	[tilespmem:s2], [sflag:$0x2] =	stream.linear.gather [hbm4b:s9+s2], $0xB08, $0x38;
	[tilespmem:$0xBB88] =	vst v63  }
0x2d: {  	_ =	swait.ge [sflag:s3], $0xB08  }
0x2e: {  	[sflag:s3] =	ssyncset.done $0x0  }
0x2f: {  	[sflag:s3] =	ssyncadd.s32 $0xFFFFF4F8  }
0x30: {  	[tilespmem:s6], [sflag:$0x1] =	stream.indirect.gather [hbm4b:s5+s6], $0x10, s2, s6, $0xb8;
	[tilespmem:$0xBB88] =	vst v63  }
0x31: {  	_ =	swait.ge [sflag:s7], $0xB080  }
.Ltmp1:
0x32: {  	[sflag:s7] =	ssyncset.done $0x0;
	(pc) =	sbr.rel @p0 .LBB2_1-.Ltmp1, $4  }
0x33: {  	[sflag:s7] =	ssyncadd.s32 $0xFFFF4F80  }
0x34: {  	[hbm4b:s10+s2] =	stream.linear.scatter [tilespmem:s6], [sflag:$0x2], $0xB080, $0x38;
	[tilespmem:$0xBB88] =	vst v63  }
0x35: {  	_ =	swait.ge [sflag:s3], $0xB080  }
0x36: {  	[sflag:s3] =	ssyncset.done $0x0  }
.LBB2_2:
0x37: {  	[sflag:s3] =	ssyncadd.s32 $0xFFFF4F80  }
0x38: {  	_ =	sfence.sel $0x180000  }
0x39: {  	[bflag:$0x0] =	sbarrier.arrive $0xFFFF  }
0x3a: {  	p0 =	sne.s32 s0, $0x0;
	_ =	strace $0x9000004D  }
0x3b: {  	s0 =	sadd.s32 @!p0 $0x100000, s1;
	[bflag:$0x2] =	sbarrier.arrive $0xFFFF  }
0x3c: {  	[sflag:s0] =	ssyncadd.tile.s32 @!p0 $0x1;
	_ =	shalt  }
.Lfunc_end2:
_tile_overlayer_lowered:
.L_overlay_start_2:
0x3d: {  	(tag) =	ssettag $0x2  }
0x3e: {  	s0 =	rddreg [dreg:$0x0];
	s2 =	stileid.u32  }
0x3f: {  	s1 =	rddreg [dreg:$0x1];
	p0 =	sne.s32 s2, $0x0  }
0x40: {  	s3 =	rddreg [dreg:$0x2];
	[bflag:$0x3] =	sbarrier.arrive $0xFFFF;
	s2 =	simm.s32 @!p0 $0x1C02  }
0x41: {  	[timem:s3], [sflag:s2] =	dma.local @!p0 [hbm:s0], s1  }
0x42: {  	s0 =	simm.s32 @!p0 $0x2  }
0x43: {  	_ =	swait.ge @!p0 [sflag:s0], s1  }
0x44: {  	s1 =	ssub.s32 @!p0 $0x0, s1;
	[sflag:s0] =	ssyncset.done @!p0 $0x0  }
0x45: {  	[sflag:s0] =	ssyncadd.s32 @!p0 s1  }
0x46: {  	[bflag:$0x3] =	sbarrier.arrive $0xFFFF  }
0x47: {  	_ =	shalt  }

// kernel: kernel.30.cloned.1.call-start
scs
__scs_entry_jumppad:
0x0: {  	(pc) =	sbr.rel $0x88, $3  }
0x1: {  	(tag) =	ssettag $0x0;
	lr =	simm.s32 $0x1  }
0x2: {  	[smem:$0x3F88] =	sst lr;
	_ =	strace $0xD0000000  }
0x3: {  	_ = 	snop  }
0x4: {  	_ = 	snop  }
0x5: {  	_ = 	snop  }
0x6: {  	_ = 	snop  }
0x7: {  	_ = 	snop  }
__scs_overlays_trampoline_lowered:
0x8: {  	[smem:$0x3F97] =	sst s0  }
0x9: {  	[smem:$0x3F98] =	sst s1  }
0xa: {  	[smem:$0x3F99] =	sst s2  }
0xb: {  	[smem:$0x3F9A] =	sst s3  }
0xc: {  	[smem:$0x3F9B] =	sst s4  }
0xd: {  	[smem:$0x3F9C] =	sst s5  }
0xe: {  	[smem:$0x3F9D] =	sst s6  }
0xf: {  	[smem:$0x3F9E] =	sst s7  }
0x10: {  	[smem:$0x3F9F] =	sst s8  }
0x11: {  	[smem:$0x3FA0] =	sst s9;
	s0 =	simm.s32 @!p0 $0x0  }
0x12: {  	s1 =	sld [smem:$0x3F86];
	s0 =	simm.s32 @p0 $0x1  }
0x13: {  	[smem:$0x3FA1] =	sst s0;
	s0 =	simm.s32 @!p1 $0x0  }
0x14: {  	s2 =	sld [smem:$0x3F85];
	s0 =	simm.s32 @p1 $0x1  }
0x15: {  	[smem:$0x3FA2] =	sst s0;
	s0 =	simm.s32 @!p2 $0x0  }
0x16: {  	s3 =	sld [smem:$0x3FDB];
	s0 =	simm.s32 @p2 $0x1  }
0x17: {  	s4 =	simm.s32 $0x1BF5;
	[smem:$0x3FA4] =	sst s0  }
0x18: {  	s0 =	sld [smem:$0x3F87];
	_ =	swait.ge [sflag:s4], $0x0  }
0x19: {  	s7 =	sld [smem:$0x3F88]  }
0x1a: {  	s8 =	sadd.s32 $0xFFFFE003, lr  }
0x1b: {  	s9 =	sadd.s32 $0xFFFFFEF7, lr;
	s5 =	simm.s32 $0xFFFFFFFF;
	p2 =	slt.u32 s8, $0xFFFFF086  }
0x1c: {  	p1 =	slt.u32 s9, $0xF7A;
	s5 =	simm.s32 @!p2 $0x0  }
0x1d: {  	s5 =	simm.s32 @p1 $0x1;
	p0 =	seq.s32 s7, s2  }
0x1e: {  	s7 =	smul.u32 @!p0 $0xF7A, s2;
	p2 =	seq.s32 @!p0 s5, $0x0  }
0x1f: {  	s9 =	smul.u32 $0xF7A, s1;
	s8 =	simm.s32 @!p0 $0x1BF5;
	p2 =	por !p2, p0  }
0x20: {  	[sflag:s8] =	ssyncset.s32 @!p0 $0xFFFFF086;
	s6 =	sadd.s32 @!p0 s3, s7;
	s7 =	simm.s32 @!p0 $0x108  }
0x21: {  	s3 =	sadd.s32 s3, s9;
	s6 =	sadd.s32 @!p0 $0x88, s6;
	s7 =	simm.s32 @p2 $0x1082  }
0x22: {  	[simem:s7], [sflag:s8] =	dma.local @!p0 [hbm:s6], $0xF7A  }
0x23: {  	s9 =	sor.u32 $0xD0000000, s2;
	s6 =	simm.s32 $0x108;
	_ =	swait.ge @!p0 [sflag:s8], $0x0  }
0x24: {  	s3 =	sadd.s32 $0x88, s3;
	s6 =	simm.s32 @!p1 $0x1082;
	[sflag:s4] =	ssyncset.s32 $0xFFFFF086  }
0x25: {  	[simem:s6], [sflag:s4] =	dma.local [hbm:s3], $0xF7A  }
0x26: {  	[smem:$0x3F88] =	sst s1;
	(tag) =	ssettag s2;
	_ =	strace s9  }
0x27: {  	s1 =	sld [smem:$0x3F98]  }
0x28: {  	s2 =	sld [smem:$0x3F99]  }
0x29: {  	s4 =	sld [smem:$0x3F9B]  }
0x2a: {  	p0 =	seq.s32 s5, $0x0;
	s5 =	sld [smem:$0x3F9C]  }
0x2b: {  	s6 =	sld [smem:$0x3F9D]  }
0x2c: {  	s7 =	sld [smem:$0x3F9E]  }
0x2d: {  	s3 =	simm.s32 $0x108;
	s8 =	sld [smem:$0x3F9F]  }
0x2e: {  	s3 =	simm.s32 @!p0 $0x1082;
	s9 =	sld [smem:$0x3FA0]  }
0x2f: {  	lr =	sadd.s32 s0, s3;
	s0 =	sld [smem:$0x3F97]  }
0x30: {  	s3 =	sld [smem:$0x3F9A]  }
0x31: {  	[smem:$0x3FA3] =	sst s10  }
0x32: {  	s10 =	sld [smem:$0x3FA1];
	_ =	sdelay $0x3  }
0x33: {  	p0 =	seq.s32 s10, $0x1;
	s10 =	sld [smem:$0x3FA3];
	_ =	sdelay $0x3  }
0x34: {  	[smem:$0x3FA3] =	sst s10  }
0x35: {  	s10 =	sld [smem:$0x3FA2];
	_ =	sdelay $0x3  }
0x36: {  	p1 =	seq.s32 s10, $0x1;
	s10 =	sld [smem:$0x3FA3];
	_ =	sdelay $0x3  }
0x37: {  	[smem:$0x3FA3] =	sst s10  }
0x38: {  	s10 =	sld [smem:$0x3FA4]  }
0x39: {  	_ = 	snop;
	(pc) =	sbr.ind lr, $3  }
0x3a: {  	_ = 	snop  }
0x3b: {  	_ = 	snop  }
0x3c: {  	p2 =	seq.s32 s10, $0x1;
	s10 =	sld [smem:$0x3FA3]  }
0x3d: {  	_ =	shalt  }
0x3e: {  	_ =	shalt  }
0x3f: {  	_ =	shalt  }
0x40: {  	_ =	shalt  }
0x41: {  	_ =	shalt  }
0x42: {  	_ =	shalt  }
0x43: {  	_ =	shalt  }
0x44: {  	_ =	shalt  }
0x45: {  	_ =	shalt  }
0x46: {  	_ =	shalt  }
0x47: {  	_ =	shalt  }
0x48: {  	_ =	shalt  }
0x49: {  	_ =	shalt  }
0x4a: {  	_ =	shalt  }
0x4b: {  	_ =	shalt  }
0x4c: {  	_ =	shalt  }
0x4d: {  	_ =	shalt  }
0x4e: {  	_ =	shalt  }
0x4f: {  	_ =	shalt  }
0x50: {  	_ =	shalt  }
0x51: {  	_ =	shalt  }
0x52: {  	_ =	shalt  }
0x53: {  	_ =	shalt  }
0x54: {  	_ =	shalt  }
0x55: {  	_ =	shalt  }
0x56: {  	_ =	shalt  }
0x57: {  	_ =	shalt  }
0x58: {  	_ =	shalt  }
0x59: {  	_ =	shalt  }
0x5a: {  	_ =	shalt  }
0x5b: {  	_ =	shalt  }
0x5c: {  	_ =	shalt  }
0x5d: {  	_ =	shalt  }
0x5e: {  	_ =	shalt  }
0x5f: {  	_ =	shalt  }
0x60: {  	_ =	shalt  }
0x61: {  	_ =	shalt  }
0x62: {  	_ =	shalt  }
0x63: {  	_ =	shalt  }
0x64: {  	_ =	shalt  }
0x65: {  	_ =	shalt  }
0x66: {  	_ =	shalt  }
0x67: {  	_ =	shalt  }
0x68: {  	_ =	shalt  }
0x69: {  	_ =	shalt  }
0x6a: {  	_ =	shalt  }
0x6b: {  	_ =	shalt  }
0x6c: {  	_ =	shalt  }
0x6d: {  	_ =	shalt  }
0x6e: {  	_ =	shalt  }
0x6f: {  	_ =	shalt  }
0x70: {  	_ =	shalt  }
0x71: {  	_ =	shalt  }
0x72: {  	_ =	shalt  }
0x73: {  	_ =	shalt  }
0x74: {  	_ =	shalt  }
0x75: {  	_ =	shalt  }
0x76: {  	_ =	shalt  }
0x77: {  	_ =	shalt  }
0x78: {  	_ =	shalt  }
0x79: {  	_ =	shalt  }
0x7a: {  	_ =	shalt  }
0x7b: {  	_ =	shalt  }
0x7c: {  	_ =	shalt  }
0x7d: {  	_ =	shalt  }
0x7e: {  	_ =	shalt  }
0x7f: {  	_ =	shalt  }
0x80: {  	_ =	shalt  }
0x81: {  	_ =	shalt  }
0x82: {  	_ =	shalt  }
0x83: {  	_ =	shalt  }
0x84: {  	_ =	shalt  }
0x85: {  	_ =	shalt  }
0x86: {  	_ =	shalt  }
0x87: {  	_ =	shalt  }
.Lfunc_end0:
.L_simem_size_0:
called_computation.2_lowered:
.L_overlay_start_0:
0x88: {  	s2 =	sld [smem:$0x3FD9]  }
0x89: {  	s3 =	sld [smem:$0x3FFE];
	_ =	sdelay $0x1  }
0x8a: {  	s1 =	srdreg.scid  }
0x8b: {  	s0 =	sand.u32 $0x1, s1  }
0x8c: {  	s17 =	sshll.u32 s0, $0xA;
	s2 =	sadd.s32 s3, s2  }
0x8d: {  	s2 =	sadd.s32 s2, s17  }
0x8e: {  	[smem:$0x3FAF] =	sst s2  }
0x8f: {  	_ = 	snop  }
0x90: {  	(tm) =	ssettm $0x1  }
0x91: {  	s18 =	sld [smem:$0x3FFB];
	_ =	sdelay $0x3  }
0x92: {  	_ =	strace s18  }
0x93: {  	s2 =	sld [smem:$0x3FFC];
	_ =	sdelay $0x3  }
0x94: {  	_ =	strace s2  }
0x95: {  	s2 =	sld [smem:$0x3FFD];
	_ =	sdelay $0x3  }
0x96: {  	_ =	strace s2  }
0x97: {  	_ =	strace $0x8FFFFFFF  }
0x98: {  	s19 =	sld [smem:$0x3FDB];
	_ =	sdelay $0x1  }
0x99: {  	s20 =	simm.s32 $_scs_section_size  }
0x9a: {  	s4 =	simm.s32 $_size__tile_overlayer_lowered;
	s5 =	simm.s32 $_tile_overlayer_lowered  }
0x9b: {  	s6 =	simm.s32 $0x1BFF;
	s21 =	sshll.u32 s5, $0x1;
	s3 =	sadd.s32 s20, s19  }
0x9c: {  	s22 =	simm.s32 $0x0;
	s4 =	sshll.u32 s4, $0x1;
	s5 =	sadd.s32 s21, s3  }
0x9d: {  	[timem:s22], [sflag:s6] =	dma.local [hbm:s5], s4  }
0x9e: {  	_ =	swait.ge [sflag:s6], s4  }
0x9f: {  	s4 =	ssub.s32 $0x0, s4;
	[sflag:s6] =	ssyncset.done $0x0  }
0xa0: {  	[sflag:s6] =	ssyncadd.s32 s4;
	_ =	sdelay $0x1  }
0xa1: {  	s23 =	simm.s32 $0x1B8B  }
0xa2: {  	_ =	swait.ge [sflag:s23], $0x1  }
0xa3: {  	[sflag:s23] =	ssyncset.done $0x0  }
0xa4: {  	[sflag:s23] =	ssyncadd.s32 $0xFFFFFFFF  }
0xa5: {  	s4 =	sld [smem:$0x0]  }
0xa6: {  	s5 =	sand.u32 $0xFFFFFFFE, s1  }
0xa7: {  	p0 =	sne.s32 s1, s5  }
0xa8: {  	s5 =	sshll.u32 @p0 s5, $0xE  }
0xa9: {  	s5 =	sadd.s32 @p0 $0x11B8D, s5;
	s6 =	sshll.u32 @p0 s4, $0x11  }
0xaa: {  	s5 =	sor.u32 @p0 s6, s5  }
0xab: {  	[sflag:s5] =	ssyncadd.remote.s32 @p0 $0x1;
	_ =	sdelay $0x1  }
0xac: {  	s5 =	simm.s32 @p0 $0x1B8D  }
0xad: {  	_ =	swait.eq @p0 [sflag:s5], $0x1  }
0xae: {  	[sflag:s5] =	ssyncadd.s32 @p0 $0xFFFFFFFF  }
0xaf: {  	s6 =	sshll.u32 @!p0 s1, $0xE  }
0xb0: {  	s6 =	sor.u32 @!p0 $0x4000, s6;
	s5 =	simm.s32 @!p0 $0x1B8D  }
0xb1: {  	s4 =	sshll.u32 @!p0 s4, $0x11;
	s6 =	sadd.s32 @!p0 $0x11B8D, s6;
	_ =	swait.eq @!p0 [sflag:s5], $0x1  }
0xb2: {  	s4 =	sor.u32 @!p0 s4, s6;
	[sflag:s5] =	ssyncadd.s32 @!p0 $0xFFFFFFFF  }
0xb3: {  	s25 =	simm.s32 $0x1B8E;
	s24 =	sld [smem:$0x3FFE];
	[sflag:s4] =	ssyncadd.remote.s32 @!p0 $0x1  }
0xb4: {  	s26 =	simm.s32 $execute0_lowered;
	[smem:$0x3FD2] =	sst s25  }
0xb5: {  	s5 =	sshll.u32 s26, $0x1;
	_ =	strace $0x80000049;
	[dreg:$0x1] =	wrdreg $0xFFFFFFFF  }
0xb6: {  	s28 =	simm.s32 $_size_execute0_lowered;
	s3 =	sadd.s32 s3, s5;
	[dreg:$0x0] =	wrdreg $0x0  }
0xb7: {  	s5 =	sshll.u32 s28, $0x1;
	[dreg:$0x2] =	wrdreg s3  }
0xb8: {  	[dreg:$0x3] =	wrdreg s5  }
0xb9: {  	[dreg:$0x4] =	wrdreg $0xC0  }
0xba: {  	_ =	task [dreg:s22], $0x5FFFF  }
0xbb: {  	[dreg:$0x1] =	wrdreg $0xFFFFFFFF  }
0xbc: {  	[dreg:$0x0] =	wrdreg $0x60  }
0xbd: {  	[dreg:$0x2] =	wrdreg s24  }
0xbe: {  	[dreg:$0x3] =	wrdreg $0x9  }
0xbf: {  	_ =	task.clear_ibuf [dreg:s22], $0x4FFFF;
	_ =	strace $0x90000049  }
0xc0: {  	s29 =	simm.s32 $0x9;
	_ =	strace $0x8000004B  }
0xc1: {  	_ =	swait.ge [sflag:s29], $0x1  }
0xc2: {  	[sflag:s29] =	ssyncadd.s32 $0xFFFFFFFF  }
0xc3: {  	_ =	strace $0x9000004B  }
0xc4: {  	_ =	sfence  }
0xc5: {  	s30 =	sld [smem:$0x0];
	_ =	sdelay $0x2  }
0xc6: {  	s31 =	sshll.u32 s1, $0xD;
	s1 =	sshrl.u32 s1, $0x2  }
0xc7: {  	s4 =	sand.u32 $0x4000, s31;
	s1 =	sadd.s32 s1, s30  }
0xc8: {  	s0 =	sor.u32 s4, s0;
	s1 =	sshll.u32 s1, $0x11  }
0xc9: {  	s0 =	sor.u32 s1, s0  }
0xca: {  	s0 =	sadd.s32 $0x8F2B, s0  }
0xcb: {  	[sflag:s0] =	ssyncadd.remote.s32 $0x1  }
0xcc: {  	_ =	sfence.sel $0xFFFF  }
0xcd: {  	[dreg:$0x0] =	wrdreg $0xFFFFFFFF;
	(pc) =	sbr.abs _section_cstart, $3  }
0xce: {  	[dreg:$0x1] =	wrdreg $0xFFFFFFFF  }
0xcf: {  	_ =	task.clear_ibuf [dreg:s22], $0x2FFFF;
	_ =	strace $0x9FFFFFFF  }
0xd0: {  	(tm) =	ssettm $0x7FFFFFFF  }
0xd1: {  	_ =	shalt  }
tec
execute0_lowered:
.L_overlay_start_1:
0x0: {  	(tag) =	ssettag $0x1  }
0x1: {  	s1 =	srdreg.scid;
	s0 =	stileid.u32  }
0x2: {  	s10 =	sand.u32 $0x1, s1;
	s26 =	sshll.u32 s0, $0x1  }
0x3: {  	s8 =	sor.u32 s10, s26  }
0x4: {  	s9 =	rddreg [dreg:$0x0];
	s11 =	smul.u32 $0x1610, s8  }
0x5: {  	s2 =	simm.s32 $0x0;
	s1 =	rddreg [dreg:$0x1]  }
0x6: {  	[smem:$0x7FF] =	sst s2;
	s12 =	sadd.s32 $0xE600, s9;
	s3 =	sshrl.u32 s11, $0x3  }
0x7: {  	_ =	strace $0x8000004A;
	s4 =	sadd.s32 s12, s3;
	s3 =	simm.s32 $0x2  }
0x8: {  	[tilespmem:s2], [sflag:$0x2] =	stream.linear.gather [hbm4b:s4+s2], $0xB08, $0x38;
	[tilespmem:$0x16C08] =	vst v63  }
0x9: {  	_ =	swait.ge [sflag:s3], $0xB08  }
0xa: {  	s6 =	simm.s32 $0xB08;
	[sflag:s3] =	ssyncset.done $0x0  }
0xb: {  	s7 =	simm.s32 $0x1;
	s5 =	sadd.s32 $0x8F600, s9;
	[sflag:s3] =	ssyncadd.s32 $0xFFFFF4F8  }
0xc: {  	[tilespmem:s6], [sflag:$0x1] =	stream.indirect.gather [hbm4b:s5+s6], $0x20, s2, s6, $0xb8;
	[tilespmem:$0x16C08] =	vst v63  }
0xd: {  	s8 =	smul.u32 $0x5840, s8;
	_ =	swait.ge [sflag:s7], $0x16100  }
0xe: {  	s13 =	sadd.s32 $0x99400, s9;
	[sflag:s7] =	ssyncset.done $0x0  }
0xf: {  	s8 =	sadd.s32 s13, s8;
	[sflag:s7] =	ssyncadd.s32 $0xFFFE9F00  }
0x10: {  	[hbm4b:s8+s2] =	stream.linear.scatter [tilespmem:s6], [sflag:$0x2], $0x16100, $0x38;
	[tilespmem:$0x16C08] =	vst v63  }
0x11: {  	s11 =	sadd.s32 $0xB08, s11;
	_ =	swait.ge [sflag:s3], $0x16100  }
0x12: {  	s28 =	sshrl.u32 s11, $0x3;
	[sflag:s3] =	ssyncset.done $0x0  }
0x13: {  	s10 =	ssub.s32 $0x2, s10;
	s9 =	sadd.s32 s12, s28;
	[sflag:s3] =	ssyncadd.s32 $0xFFFE9F00  }
0x14: {  	[tilespmem:s2], [sflag:$0x2] =	stream.linear.gather [hbm4b:s9+s2], $0xB08, $0x38;
	[tilespmem:$0x16C08] =	vst v63  }
0x15: {  	s29 =	sshrl.u32 s10, $0x1;
	_ =	swait.ge [sflag:s3], $0xB08  }
0x16: {  	s12 =	ssub.s32 s10, s29;
	[sflag:s3] =	ssyncset.done $0x0  }
0x17: {  	s31 =	smax.u32 s12, $0x1;
	[sflag:s3] =	ssyncadd.s32 $0xFFFFF4F8  }
0x18: {  	[tilespmem:s6], [sflag:$0x1] =	stream.indirect.gather [hbm4b:s5+s6], $0x20, s2, s6, $0xb8;
	[tilespmem:$0x16C08] =	vst v63  }
0x19: {  	p0 =	sne.s32 s31, $0x1;
	_ =	swait.ge [sflag:s7], $0x16100  }
.Ltmp0:
0x1a: {  	s30 =	sshll.u32 s11, $0x2;
	[sflag:s7] =	ssyncset.done $0x0;
	(pc) =	sbr.rel @!p0 .LBB2_2-.Ltmp0, $4  }
0x1b: {  	s10 =	sadd.s32 s13, s30;
	[sflag:s7] =	ssyncadd.s32 $0xFFFE9F00  }
0x1c: {  	[hbm4b:s10+s2] =	stream.linear.scatter [tilespmem:s6], [sflag:$0x2], $0x16100, $0x38;
	[tilespmem:$0x16C08] =	vst v63  }
0x1d: {  	_ =	swait.ge [sflag:s3], $0x16100  }
0x1e: {  	s11 =	sadd.s32 $0xFFFFFFFF, s31;
	[sflag:s3] =	ssyncset.done $0x0  }
.LBB2_1:
0x1f: {  	p0 =	sne.s32 s11, $0x1;
	s11 =	sadd.s32 $0xFFFFFFFF, s11;
	[sflag:s3] =	ssyncadd.s32 $0xFFFE9F00  }
0x20: {  	[tilespmem:s2], [sflag:$0x2] =	stream.linear.gather [hbm4b:s4+s2], $0xB08, $0x38;
	[tilespmem:$0x16C08] =	vst v63  }
0x21: {  	_ =	swait.ge [sflag:s3], $0xB08  }
0x22: {  	[sflag:s3] =	ssyncset.done $0x0  }
0x23: {  	[sflag:s3] =	ssyncadd.s32 $0xFFFFF4F8  }
0x24: {  	[tilespmem:s6], [sflag:$0x1] =	stream.indirect.gather [hbm4b:s5+s6], $0x20, s2, s6, $0xb8;
	[tilespmem:$0x16C08] =	vst v63  }
0x25: {  	_ =	swait.ge [sflag:s7], $0x16100  }
0x26: {  	[sflag:s7] =	ssyncset.done $0x0  }
0x27: {  	[sflag:s7] =	ssyncadd.s32 $0xFFFE9F00  }
0x28: {  	[hbm4b:s8+s2] =	stream.linear.scatter [tilespmem:s6], [sflag:$0x2], $0x16100, $0x38;
	[tilespmem:$0x16C08] =	vst v63  }
0x29: {  	_ =	swait.ge [sflag:s3], $0x16100  }
0x2a: {  	[sflag:s3] =	ssyncset.done $0x0  }
0x2b: {  	[sflag:s3] =	ssyncadd.s32 $0xFFFE9F00  }
0x2c: {  	[tilespmem:s2], [sflag:$0x2] =	stream.linear.gather [hbm4b:s9+s2], $0xB08, $0x38;
	[tilespmem:$0x16C08] =	vst v63  }
0x2d: {  	_ =	swait.ge [sflag:s3], $0xB08  }
0x2e: {  	[sflag:s3] =	ssyncset.done $0x0  }
0x2f: {  	[sflag:s3] =	ssyncadd.s32 $0xFFFFF4F8  }
0x30: {  	[tilespmem:s6], [sflag:$0x1] =	stream.indirect.gather [hbm4b:s5+s6], $0x20, s2, s6, $0xb8;
	[tilespmem:$0x16C08] =	vst v63  }
0x31: {  	_ =	swait.ge [sflag:s7], $0x16100  }
.Ltmp1:
0x32: {  	[sflag:s7] =	ssyncset.done $0x0;
	(pc) =	sbr.rel @p0 .LBB2_1-.Ltmp1, $4  }
0x33: {  	[sflag:s7] =	ssyncadd.s32 $0xFFFE9F00  }
0x34: {  	[hbm4b:s10+s2] =	stream.linear.scatter [tilespmem:s6], [sflag:$0x2], $0x16100, $0x38;
	[tilespmem:$0x16C08] =	vst v63  }
0x35: {  	_ =	swait.ge [sflag:s3], $0x16100  }
0x36: {  	[sflag:s3] =	ssyncset.done $0x0  }
.LBB2_2:
0x37: {  	[sflag:s3] =	ssyncadd.s32 $0xFFFE9F00  }
0x38: {  	_ =	sfence.sel $0x180000  }
0x39: {  	[bflag:$0x0] =	sbarrier.arrive $0xFFFF  }
0x3a: {  	p0 =	sne.s32 s0, $0x0;
	_ =	strace $0x9000004A  }
0x3b: {  	s0 =	sadd.s32 @!p0 $0x100000, s1;
	[bflag:$0x2] =	sbarrier.arrive $0xFFFF  }
0x3c: {  	[sflag:s0] =	ssyncadd.tile.s32 @!p0 $0x1;
	_ =	shalt  }
.Lfunc_end2:
_tile_overlayer_lowered:
.L_overlay_start_2:
0x3d: {  	(tag) =	ssettag $0x2  }
0x3e: {  	s0 =	rddreg [dreg:$0x0];
	s2 =	stileid.u32  }
0x3f: {  	s1 =	rddreg [dreg:$0x1];
	p0 =	sne.s32 s2, $0x0  }
0x40: {  	s3 =	rddreg [dreg:$0x2];
	[bflag:$0x3] =	sbarrier.arrive $0xFFFF;
	s2 =	simm.s32 @!p0 $0x1C02  }
0x41: {  	[timem:s3], [sflag:s2] =	dma.local @!p0 [hbm:s0], s1  }
0x42: {  	s0 =	simm.s32 @!p0 $0x2  }
0x43: {  	_ =	swait.ge @!p0 [sflag:s0], s1  }
0x44: {  	s1 =	ssub.s32 @!p0 $0x0, s1;
	[sflag:s0] =	ssyncset.done @!p0 $0x0  }
0x45: {  	[sflag:s0] =	ssyncadd.s32 @!p0 s1  }
0x46: {  	[bflag:$0x3] =	sbarrier.arrive $0xFFFF  }
0x47: {  	_ =	shalt  }

// kernel: kernel.33.cloned.1.call-start
scs
__scs_entry_jumppad:
0x0: {  	(pc) =	sbr.rel $0x88, $3  }
0x1: {  	(tag) =	ssettag $0x0;
	lr =	simm.s32 $0x1  }
0x2: {  	[smem:$0x3F88] =	sst lr;
	_ =	strace $0xD0000000  }
0x3: {  	_ = 	snop  }
0x4: {  	_ = 	snop  }
0x5: {  	_ = 	snop  }
0x6: {  	_ = 	snop  }
0x7: {  	_ = 	snop  }
__scs_overlays_trampoline_lowered:
0x8: {  	[smem:$0x3F97] =	sst s0  }
0x9: {  	[smem:$0x3F98] =	sst s1  }
0xa: {  	[smem:$0x3F99] =	sst s2  }
0xb: {  	[smem:$0x3F9A] =	sst s3  }
0xc: {  	[smem:$0x3F9B] =	sst s4  }
0xd: {  	[smem:$0x3F9C] =	sst s5  }
0xe: {  	[smem:$0x3F9D] =	sst s6  }
0xf: {  	[smem:$0x3F9E] =	sst s7  }
0x10: {  	[smem:$0x3F9F] =	sst s8  }
0x11: {  	[smem:$0x3FA0] =	sst s9;
	s0 =	simm.s32 @!p0 $0x0  }
0x12: {  	s1 =	sld [smem:$0x3F86];
	s0 =	simm.s32 @p0 $0x1  }
0x13: {  	[smem:$0x3FA1] =	sst s0;
	s0 =	simm.s32 @!p1 $0x0  }
0x14: {  	s2 =	sld [smem:$0x3F85];
	s0 =	simm.s32 @p1 $0x1  }
0x15: {  	[smem:$0x3FA2] =	sst s0;
	s0 =	simm.s32 @!p2 $0x0  }
0x16: {  	s3 =	sld [smem:$0x3FDB];
	s0 =	simm.s32 @p2 $0x1  }
0x17: {  	s4 =	simm.s32 $0x1BF5;
	[smem:$0x3FA4] =	sst s0  }
0x18: {  	s0 =	sld [smem:$0x3F87];
	_ =	swait.ge [sflag:s4], $0x0  }
0x19: {  	s7 =	sld [smem:$0x3F88]  }
0x1a: {  	s8 =	sadd.s32 $0xFFFFE003, lr  }
0x1b: {  	s9 =	sadd.s32 $0xFFFFFEF7, lr;
	s5 =	simm.s32 $0xFFFFFFFF;
	p2 =	slt.u32 s8, $0xFFFFF086  }
0x1c: {  	p1 =	slt.u32 s9, $0xF7A;
	s5 =	simm.s32 @!p2 $0x0  }
0x1d: {  	s5 =	simm.s32 @p1 $0x1;
	p0 =	seq.s32 s7, s2  }
0x1e: {  	s7 =	smul.u32 @!p0 $0xF7A, s2;
	p2 =	seq.s32 @!p0 s5, $0x0  }
0x1f: {  	s9 =	smul.u32 $0xF7A, s1;
	s8 =	simm.s32 @!p0 $0x1BF5;
	p2 =	por !p2, p0  }
0x20: {  	[sflag:s8] =	ssyncset.s32 @!p0 $0xFFFFF086;
	s6 =	sadd.s32 @!p0 s3, s7;
	s7 =	simm.s32 @!p0 $0x108  }
0x21: {  	s3 =	sadd.s32 s3, s9;
	s6 =	sadd.s32 @!p0 $0x88, s6;
	s7 =	simm.s32 @p2 $0x1082  }
0x22: {  	[simem:s7], [sflag:s8] =	dma.local @!p0 [hbm:s6], $0xF7A  }
0x23: {  	s9 =	sor.u32 $0xD0000000, s2;
	s6 =	simm.s32 $0x108;
	_ =	swait.ge @!p0 [sflag:s8], $0x0  }
0x24: {  	s3 =	sadd.s32 $0x88, s3;
	s6 =	simm.s32 @!p1 $0x1082;
	[sflag:s4] =	ssyncset.s32 $0xFFFFF086  }
0x25: {  	[simem:s6], [sflag:s4] =	dma.local [hbm:s3], $0xF7A  }
0x26: {  	[smem:$0x3F88] =	sst s1;
	(tag) =	ssettag s2;
	_ =	strace s9  }
0x27: {  	s1 =	sld [smem:$0x3F98]  }
0x28: {  	s2 =	sld [smem:$0x3F99]  }
0x29: {  	s4 =	sld [smem:$0x3F9B]  }
0x2a: {  	p0 =	seq.s32 s5, $0x0;
	s5 =	sld [smem:$0x3F9C]  }
0x2b: {  	s6 =	sld [smem:$0x3F9D]  }
0x2c: {  	s7 =	sld [smem:$0x3F9E]  }
0x2d: {  	s3 =	simm.s32 $0x108;
	s8 =	sld [smem:$0x3F9F]  }
0x2e: {  	s3 =	simm.s32 @!p0 $0x1082;
	s9 =	sld [smem:$0x3FA0]  }
0x2f: {  	lr =	sadd.s32 s0, s3;
	s0 =	sld [smem:$0x3F97]  }
0x30: {  	s3 =	sld [smem:$0x3F9A]  }
0x31: {  	[smem:$0x3FA3] =	sst s10  }
0x32: {  	s10 =	sld [smem:$0x3FA1];
	_ =	sdelay $0x3  }
0x33: {  	p0 =	seq.s32 s10, $0x1;
	s10 =	sld [smem:$0x3FA3];
	_ =	sdelay $0x3  }
0x34: {  	[smem:$0x3FA3] =	sst s10  }
0x35: {  	s10 =	sld [smem:$0x3FA2];
	_ =	sdelay $0x3  }
0x36: {  	p1 =	seq.s32 s10, $0x1;
	s10 =	sld [smem:$0x3FA3];
	_ =	sdelay $0x3  }
0x37: {  	[smem:$0x3FA3] =	sst s10  }
0x38: {  	s10 =	sld [smem:$0x3FA4]  }
0x39: {  	_ = 	snop;
	(pc) =	sbr.ind lr, $3  }
0x3a: {  	_ = 	snop  }
0x3b: {  	_ = 	snop  }
0x3c: {  	p2 =	seq.s32 s10, $0x1;
	s10 =	sld [smem:$0x3FA3]  }
0x3d: {  	_ =	shalt  }
0x3e: {  	_ =	shalt  }
0x3f: {  	_ =	shalt  }
0x40: {  	_ =	shalt  }
0x41: {  	_ =	shalt  }
0x42: {  	_ =	shalt  }
0x43: {  	_ =	shalt  }
0x44: {  	_ =	shalt  }
0x45: {  	_ =	shalt  }
0x46: {  	_ =	shalt  }
0x47: {  	_ =	shalt  }
0x48: {  	_ =	shalt  }
0x49: {  	_ =	shalt  }
0x4a: {  	_ =	shalt  }
0x4b: {  	_ =	shalt  }
0x4c: {  	_ =	shalt  }
0x4d: {  	_ =	shalt  }
0x4e: {  	_ =	shalt  }
0x4f: {  	_ =	shalt  }
0x50: {  	_ =	shalt  }
0x51: {  	_ =	shalt  }
0x52: {  	_ =	shalt  }
0x53: {  	_ =	shalt  }
0x54: {  	_ =	shalt  }
0x55: {  	_ =	shalt  }
0x56: {  	_ =	shalt  }
0x57: {  	_ =	shalt  }
0x58: {  	_ =	shalt  }
0x59: {  	_ =	shalt  }
0x5a: {  	_ =	shalt  }
0x5b: {  	_ =	shalt  }
0x5c: {  	_ =	shalt  }
0x5d: {  	_ =	shalt  }
0x5e: {  	_ =	shalt  }
0x5f: {  	_ =	shalt  }
0x60: {  	_ =	shalt  }
0x61: {  	_ =	shalt  }
0x62: {  	_ =	shalt  }
0x63: {  	_ =	shalt  }
0x64: {  	_ =	shalt  }
0x65: {  	_ =	shalt  }
0x66: {  	_ =	shalt  }
0x67: {  	_ =	shalt  }
0x68: {  	_ =	shalt  }
0x69: {  	_ =	shalt  }
0x6a: {  	_ =	shalt  }
0x6b: {  	_ =	shalt  }
0x6c: {  	_ =	shalt  }
0x6d: {  	_ =	shalt  }
0x6e: {  	_ =	shalt  }
0x6f: {  	_ =	shalt  }
0x70: {  	_ =	shalt  }
0x71: {  	_ =	shalt  }
0x72: {  	_ =	shalt  }
0x73: {  	_ =	shalt  }
0x74: {  	_ =	shalt  }
0x75: {  	_ =	shalt  }
0x76: {  	_ =	shalt  }
0x77: {  	_ =	shalt  }
0x78: {  	_ =	shalt  }
0x79: {  	_ =	shalt  }
0x7a: {  	_ =	shalt  }
0x7b: {  	_ =	shalt  }
0x7c: {  	_ =	shalt  }
0x7d: {  	_ =	shalt  }
0x7e: {  	_ =	shalt  }
0x7f: {  	_ =	shalt  }
0x80: {  	_ =	shalt  }
0x81: {  	_ =	shalt  }
0x82: {  	_ =	shalt  }
0x83: {  	_ =	shalt  }
0x84: {  	_ =	shalt  }
0x85: {  	_ =	shalt  }
0x86: {  	_ =	shalt  }
0x87: {  	_ =	shalt  }
.Lfunc_end0:
.L_simem_size_0:
called_computation.3_lowered:
.L_overlay_start_0:
0x88: {  	s2 =	sld [smem:$0x3FD9]  }
0x89: {  	s3 =	sld [smem:$0x3FFE];
	_ =	sdelay $0x1  }
0x8a: {  	s1 =	srdreg.scid  }
0x8b: {  	s0 =	sand.u32 $0x1, s1  }
0x8c: {  	s16 =	sshll.u32 s0, $0xA;
	s2 =	sadd.s32 s3, s2  }
0x8d: {  	s2 =	sadd.s32 s2, s16  }
0x8e: {  	[smem:$0x3FAF] =	sst s2  }
0x8f: {  	_ = 	snop  }
0x90: {  	(tm) =	ssettm $0x1  }
0x91: {  	s17 =	sld [smem:$0x3FFB];
	_ =	sdelay $0x3  }
0x92: {  	_ =	strace s17  }
0x93: {  	s2 =	sld [smem:$0x3FFC];
	_ =	sdelay $0x3  }
0x94: {  	_ =	strace s2  }
0x95: {  	s2 =	sld [smem:$0x3FFD];
	_ =	sdelay $0x3  }
0x96: {  	_ =	strace s2  }
0x97: {  	_ =	strace $0x8FFFFFFF  }
0x98: {  	s18 =	sld [smem:$0x3FDB];
	_ =	sdelay $0x1  }
0x99: {  	s19 =	simm.s32 $_scs_section_size  }
0x9a: {  	s4 =	simm.s32 $_size__tile_overlayer_lowered;
	s5 =	simm.s32 $_tile_overlayer_lowered  }
0x9b: {  	s22 =	simm.s32 $0x1BFF;
	s21 =	sshll.u32 s5, $0x1;
	s2 =	sadd.s32 s19, s18  }
0x9c: {  	s6 =	simm.s32 $0x0;
	s20 =	sshll.u32 s4, $0x1;
	s4 =	sadd.s32 s21, s2  }
0x9d: {  	[timem:s6], [sflag:s22] =	dma.local [hbm:s4], s20  }
0x9e: {  	_ =	swait.ge [sflag:s22], s20  }
0x9f: {  	s3 =	ssub.s32 $0x0, s20;
	[sflag:s22] =	ssyncset.done $0x0  }
0xa0: {  	[sflag:s22] =	ssyncadd.s32 s3;
	_ =	sdelay $0x1  }
0xa1: {  	s23 =	simm.s32 $0x1B8B  }
0xa2: {  	_ =	swait.ge [sflag:s23], $0x1  }
0xa3: {  	[sflag:s23] =	ssyncset.done $0x0  }
0xa4: {  	s25 =	simm.s32 $0x1B8E;
	s24 =	sld [smem:$0x3FFE];
	[sflag:s23] =	ssyncadd.s32 $0xFFFFFFFF  }
0xa5: {  	s26 =	simm.s32 $execute0_lowered;
	[smem:$0x3FD2] =	sst s25  }
0xa6: {  	s4 =	sshll.u32 s26, $0x1;
	_ =	strace $0x8000004F;
	[dreg:$0x1] =	wrdreg $0xFFFFFFFF  }
0xa7: {  	s28 =	simm.s32 $_size_execute0_lowered;
	s2 =	sadd.s32 s2, s4;
	[dreg:$0x0] =	wrdreg $0x0  }
0xa8: {  	s4 =	sshll.u32 s28, $0x1;
	[dreg:$0x2] =	wrdreg s2  }
0xa9: {  	[dreg:$0x3] =	wrdreg s4  }
0xaa: {  	[dreg:$0x4] =	wrdreg $0xC0  }
0xab: {  	_ =	task [dreg:s6], $0x5FFFF  }
0xac: {  	[dreg:$0x1] =	wrdreg $0xFFFFFFFF  }
0xad: {  	[dreg:$0x0] =	wrdreg $0x60  }
0xae: {  	[dreg:$0x2] =	wrdreg s24  }
0xaf: {  	[dreg:$0x3] =	wrdreg $0x16C080  }
0xb0: {  	[dreg:$0x4] =	wrdreg $0x9  }
0xb1: {  	_ =	task.clear_ibuf [dreg:s6], $0x5FFFF;
	_ =	strace $0x9000004F  }
0xb2: {  	s29 =	simm.s32 $0x9;
	_ =	strace $0x80000051  }
0xb3: {  	_ =	swait.ge [sflag:s29], $0x1  }
0xb4: {  	[sflag:s29] =	ssyncadd.s32 $0xFFFFFFFF  }
0xb5: {  	_ =	strace $0x90000051  }
0xb6: {  	_ =	sfence  }
0xb7: {  	s30 =	sld [smem:$0x0];
	_ =	sdelay $0x2  }
0xb8: {  	s31 =	sshll.u32 s1, $0xD;
	s1 =	sshrl.u32 s1, $0x2  }
0xb9: {  	s3 =	sand.u32 $0x4000, s31;
	s1 =	sadd.s32 s1, s30  }
0xba: {  	s0 =	sor.u32 s3, s0;
	s1 =	sshll.u32 s1, $0x11  }
0xbb: {  	s0 =	sor.u32 s1, s0  }
0xbc: {  	s0 =	sadd.s32 $0x8F2B, s0  }
0xbd: {  	[sflag:s0] =	ssyncadd.remote.s32 $0x1  }
0xbe: {  	_ =	sfence.sel $0xFFFF  }
0xbf: {  	[dreg:$0x0] =	wrdreg $0xFFFFFFFF;
	(pc) =	sbr.abs _section_cstart, $3  }
0xc0: {  	[dreg:$0x1] =	wrdreg $0xFFFFFFFF  }
0xc1: {  	_ =	task.clear_ibuf [dreg:s6], $0x2FFFF;
	_ =	strace $0x9FFFFFFF  }
0xc2: {  	(tm) =	ssettm $0x7FFFFFFF  }
0xc3: {  	_ =	shalt  }
tec
execute0_lowered:
.L_overlay_start_1:
0x0: {  	(tag) =	ssettag $0x1  }
0x1: {  	s14 =	rddreg [dreg:$0x0]  }
0x2: {  	s2 =	rddreg [dreg:$0x1];
	s1 =	stileid.u32  }
0x3: {  	s0 =	rddreg [dreg:$0x2];
	s3 =	simm.s32 $0x0;
	s4 =	srdreg.scid  }
0x4: {  	s15 =	smul.u32 $0x4E40, s1;
	[smem:$0x7FF] =	sst s3  }
0x5: {  	s16 =	sand.u32 $0x1, s4;
	s25 =	sshll.u32 s1, $0x1;
	s26 =	sshll.u32 s1, $0x6  }
0x6: {  	_ =	strace $0x80000050;
	s5 =	sshrl.u32 s15, $0x3;
	s6 =	sadd.s32 s15, s2  }
0x7: {  	s10 =	sor.u32 s16, s25;
	s5 =	sadd.s32 s5, s14;
	s7 =	sshrl.u32 s6, $0x3  }
0x8: {  	s6 =	simm.s32 $0x1;
	s4 =	sadd.s32 $0x14000, s5;
	s5 =	sor.u32 $0x1C01, s26  }
0x9: {  	[spmem:s7], [sflag:s5] =	dma.local [hbm:s4], $0x9C8  }
0xa: {  	s12 =	smul.u32 $0x1610, s10;
	_ =	swait.ge [sflag:s6], $0x9C8  }
0xb: {  	[sflag:s6] =	ssyncset.done $0x0  }
0xc: {  	s13 =	sadd.s32 $0x8C00, s14;
	s8 =	sshrl.u32 s12, $0x3;
	[sflag:s6] =	ssyncadd.s32 $0xFFFFF638  }
0xd: {  	s9 =	simm.s32 $0x16100;
	s8 =	sadd.s32 s13, s8;
	[bflag:$0x0] =	sbarrier.arrive $0xFFFF  }
0xe: {  	[tilespmem:s9], [sflag:$0x1] =	stream.linear.gather [hbm4b:s8+s3], $0xB08, $0x38;
	[tilespmem:$0x1BA48] =	vst v63  }
0xf: {  	s10 =	smul.u32 $0x5840, s10;
	_ =	swait.ge [sflag:s6], $0xB08  }
0x10: {  	s17 =	sadd.s32 $0x99400, s14;
	[sflag:s6] =	ssyncset.done $0x0  }
0x11: {  	s10 =	sadd.s32 s17, s10;
	[sflag:s6] =	ssyncadd.s32 $0xFFFFF4F8  }
0x12: {  	[tilespmem:s3], [sflag:$0x1] =	stream.linear.gather [hbm4b:s10+s3], $0x16100, $0x38;
	[tilespmem:$0x1BA48] =	vst v63  }
0x13: {  	_ =	swait.ge [sflag:s6], $0x16100  }
0x14: {  	[sflag:s6] =	ssyncset.done $0x0  }
0x15: {  	s11 =	simm.s32 $0xB08;
	[sflag:s6] =	ssyncadd.s32 $0xFFFE9F00  }
0x16: {  	[spmem:s2] =	stream.indirect.scatter.add.f32 [tilespmem:s3], [sflag:$0x1], $0x20, s9, s11, $0xb8;
	[tilespmem:$0x1BA48] =	vst v63  }
0x17: {  	s18 =	sadd.s32 $0xB08, s12;
	_ =	swait.ge [sflag:s6], $0x16100  }
0x18: {  	s12 =	sshrl.u32 s18, $0x3;
	[sflag:s6] =	ssyncset.done $0x0  }
0x19: {  	s12 =	sadd.s32 s13, s12;
	[sflag:s6] =	ssyncadd.s32 $0xFFFE9F00  }
0x1a: {  	[tilespmem:s9], [sflag:$0x1] =	stream.linear.gather [hbm4b:s12+s3], $0xB08, $0x38;
	[tilespmem:$0x1BA48] =	vst v63  }
0x1b: {  	_ =	swait.ge [sflag:s6], $0xB08  }
0x1c: {  	s28 =	sshll.u32 s18, $0x2;
	[sflag:s6] =	ssyncset.done $0x0  }
0x1d: {  	s29 =	smul.u32 $0x4E400, s16;
	s13 =	sadd.s32 s17, s28;
	[sflag:s6] =	ssyncadd.s32 $0xFFFFF4F8  }
0x1e: {  	[tilespmem:s3], [sflag:$0x1] =	stream.linear.gather [hbm4b:s13+s3], $0x16100, $0x38;
	[tilespmem:$0x1BA48] =	vst v63  }
0x1f: {  	s16 =	ssub.s32 $0x2, s16;
	_ =	swait.ge [sflag:s6], $0x16100  }
0x20: {  	s30 =	sshrl.u32 s16, $0x1;
	s15 =	sadd.s32 s15, s29;
	[sflag:s6] =	ssyncset.done $0x0  }
0x21: {  	s31 =	ssub.s32 s16, s30;
	s15 =	sshrl.u32 s15, $0x3;
	[sflag:s6] =	ssyncadd.s32 $0xFFFE9F00  }
0x22: {  	[spmem:s2] =	stream.indirect.scatter.add.f32 [tilespmem:s3], [sflag:$0x1], $0x20, s9, s11, $0xb8;
	[tilespmem:$0x1BA48] =	vst v63  }
0x23: {  	s14 =	sadd.s32 s15, s14;
	s15 =	smax.u32 s31, $0x1;
	_ =	swait.ge [sflag:s6], $0x16100  }
0x24: {  	p0 =	sne.s32 s15, $0x1;
	[sflag:s6] =	ssyncset.done $0x0  }
.Ltmp0:
0x25: {  	[sflag:s6] =	ssyncadd.s32 $0xFFFE9F00;
	(pc) =	sbr.rel @!p0 .LBB2_2-.Ltmp0, $4  }
0x26: {  	s14 =	sadd.s32 $0x1DE00, s14;
	[bflag:$0x0] =	sbarrier.arrive $0xFFFF  }
0x27: {  	[hbm:s14], [sflag:s5] =	dma.local [spmem:s7], $0x9C8  }
0x28: {  	_ =	swait.ge [sflag:s6], $0x9C8  }
0x29: {  	s15 =	sadd.s32 $0xFFFFFFFF, s15;
	[sflag:s6] =	ssyncset.done $0x0  }
.LBB2_1:
0x2a: {  	p0 =	sne.s32 s15, $0x1;
	s15 =	sadd.s32 $0xFFFFFFFF, s15;
	[sflag:s6] =	ssyncadd.s32 $0xFFFFF638  }
0x2b: {  	[spmem:s7], [sflag:s5] =	dma.local [hbm:s4], $0x9C8  }
0x2c: {  	_ =	swait.ge [sflag:s6], $0x9C8  }
0x2d: {  	[sflag:s6] =	ssyncset.done $0x0  }
0x2e: {  	[sflag:s6] =	ssyncadd.s32 $0xFFFFF638  }
0x2f: {  	[bflag:$0x0] =	sbarrier.arrive $0xFFFF  }
0x30: {  	[tilespmem:s9], [sflag:$0x1] =	stream.linear.gather [hbm4b:s8+s3], $0xB08, $0x38;
	[tilespmem:$0x1BA48] =	vst v63  }
0x31: {  	_ =	swait.ge [sflag:s6], $0xB08  }
0x32: {  	[sflag:s6] =	ssyncset.done $0x0  }
0x33: {  	[sflag:s6] =	ssyncadd.s32 $0xFFFFF4F8  }
0x34: {  	[tilespmem:s3], [sflag:$0x1] =	stream.linear.gather [hbm4b:s10+s3], $0x16100, $0x38;
	[tilespmem:$0x1BA48] =	vst v63  }
0x35: {  	_ =	swait.ge [sflag:s6], $0x16100  }
0x36: {  	[sflag:s6] =	ssyncset.done $0x0  }
0x37: {  	[sflag:s6] =	ssyncadd.s32 $0xFFFE9F00  }
0x38: {  	[spmem:s2] =	stream.indirect.scatter.add.f32 [tilespmem:s3], [sflag:$0x1], $0x20, s9, s11, $0xb8;
	[tilespmem:$0x1BA48] =	vst v63  }
0x39: {  	_ =	swait.ge [sflag:s6], $0x16100  }
0x3a: {  	[sflag:s6] =	ssyncset.done $0x0  }
0x3b: {  	[sflag:s6] =	ssyncadd.s32 $0xFFFE9F00  }
0x3c: {  	[tilespmem:s9], [sflag:$0x1] =	stream.linear.gather [hbm4b:s12+s3], $0xB08, $0x38;
	[tilespmem:$0x1BA48] =	vst v63  }
0x3d: {  	_ =	swait.ge [sflag:s6], $0xB08  }
0x3e: {  	[sflag:s6] =	ssyncset.done $0x0  }
0x3f: {  	[sflag:s6] =	ssyncadd.s32 $0xFFFFF4F8  }
0x40: {  	[tilespmem:s3], [sflag:$0x1] =	stream.linear.gather [hbm4b:s13+s3], $0x16100, $0x38;
	[tilespmem:$0x1BA48] =	vst v63  }
0x41: {  	_ =	swait.ge [sflag:s6], $0x16100  }
0x42: {  	[sflag:s6] =	ssyncset.done $0x0  }
0x43: {  	[sflag:s6] =	ssyncadd.s32 $0xFFFE9F00  }
0x44: {  	[spmem:s2] =	stream.indirect.scatter.add.f32 [tilespmem:s3], [sflag:$0x1], $0x20, s9, s11, $0xb8;
	[tilespmem:$0x1BA48] =	vst v63  }
0x45: {  	_ =	swait.ge [sflag:s6], $0x16100  }
0x46: {  	[sflag:s6] =	ssyncset.done $0x0  }
.Ltmp1:
0x47: {  	[sflag:s6] =	ssyncadd.s32 $0xFFFE9F00;
	(pc) =	sbr.rel @p0 .LBB2_1-.Ltmp1, $4  }
0x48: {  	[bflag:$0x0] =	sbarrier.arrive $0xFFFF  }
0x49: {  	[hbm:s14], [sflag:s5] =	dma.local [spmem:s7], $0x9C8  }
0x4a: {  	_ =	swait.ge [sflag:s6], $0x9C8  }
0x4b: {  	[sflag:s6] =	ssyncset.done $0x0  }
.LBB2_2:
0x4c: {  	[sflag:s6] =	ssyncadd.s32 $0xFFFFF638  }
0x4d: {  	_ =	sfence.sel $0x180000  }
0x4e: {  	[bflag:$0x0] =	sbarrier.arrive $0xFFFF  }
0x4f: {  	p0 =	sne.s32 s1, $0x0;
	_ =	strace $0x90000050  }
0x50: {  	s0 =	sadd.s32 @!p0 $0x100000, s0;
	[bflag:$0x2] =	sbarrier.arrive $0xFFFF  }
0x51: {  	[sflag:s0] =	ssyncadd.tile.s32 @!p0 $0x1;
	_ =	shalt  }
.Lfunc_end2:
_tile_overlayer_lowered:
.L_overlay_start_2:
0x52: {  	(tag) =	ssettag $0x2  }
0x53: {  	s0 =	rddreg [dreg:$0x0];
	s2 =	stileid.u32  }
0x54: {  	s1 =	rddreg [dreg:$0x1];
	p0 =	sne.s32 s2, $0x0  }
0x55: {  	s3 =	rddreg [dreg:$0x2];
	[bflag:$0x3] =	sbarrier.arrive $0xFFFF;
	s2 =	simm.s32 @!p0 $0x1C01  }
0x56: {  	[timem:s3], [sflag:s2] =	dma.local @!p0 [hbm:s0], s1  }
0x57: {  	s0 =	simm.s32 @!p0 $0x1  }
0x58: {  	_ =	swait.ge @!p0 [sflag:s0], s1  }
0x59: {  	s1 =	ssub.s32 @!p0 $0x0, s1;
	[sflag:s0] =	ssyncset.done @!p0 $0x0  }
0x5a: {  	[sflag:s0] =	ssyncadd.s32 @!p0 s1  }
0x5b: {  	[bflag:$0x3] =	sbarrier.arrive $0xFFFF  }
0x5c: {  	_ =	shalt  }

// kernel: kernel.36.cloned.1.call-start
scs
__scs_entry_jumppad:
0x0: {  	(pc) =	sbr.rel $0x88, $3  }
0x1: {  	(tag) =	ssettag $0x0;
	lr =	simm.s32 $0x1  }
0x2: {  	[smem:$0x3F88] =	sst lr;
	_ =	strace $0xD0000000  }
0x3: {  	_ = 	snop  }
0x4: {  	_ = 	snop  }
0x5: {  	_ = 	snop  }
0x6: {  	_ = 	snop  }
0x7: {  	_ = 	snop  }
__scs_overlays_trampoline_lowered:
0x8: {  	[smem:$0x3F97] =	sst s0  }
0x9: {  	[smem:$0x3F98] =	sst s1  }
0xa: {  	[smem:$0x3F99] =	sst s2  }
0xb: {  	[smem:$0x3F9A] =	sst s3  }
0xc: {  	[smem:$0x3F9B] =	sst s4  }
0xd: {  	[smem:$0x3F9C] =	sst s5  }
0xe: {  	[smem:$0x3F9D] =	sst s6  }
0xf: {  	[smem:$0x3F9E] =	sst s7  }
0x10: {  	[smem:$0x3F9F] =	sst s8  }
0x11: {  	[smem:$0x3FA0] =	sst s9;
	s0 =	simm.s32 @!p0 $0x0  }
0x12: {  	s1 =	sld [smem:$0x3F86];
	s0 =	simm.s32 @p0 $0x1  }
0x13: {  	[smem:$0x3FA1] =	sst s0;
	s0 =	simm.s32 @!p1 $0x0  }
0x14: {  	s2 =	sld [smem:$0x3F85];
	s0 =	simm.s32 @p1 $0x1  }
0x15: {  	[smem:$0x3FA2] =	sst s0;
	s0 =	simm.s32 @!p2 $0x0  }
0x16: {  	s3 =	sld [smem:$0x3FDB];
	s0 =	simm.s32 @p2 $0x1  }
0x17: {  	s4 =	simm.s32 $0x1BF5;
	[smem:$0x3FA4] =	sst s0  }
0x18: {  	s0 =	sld [smem:$0x3F87];
	_ =	swait.ge [sflag:s4], $0x0  }
0x19: {  	s7 =	sld [smem:$0x3F88]  }
0x1a: {  	s8 =	sadd.s32 $0xFFFFE003, lr  }
0x1b: {  	s9 =	sadd.s32 $0xFFFFFEF7, lr;
	s5 =	simm.s32 $0xFFFFFFFF;
	p2 =	slt.u32 s8, $0xFFFFF086  }
0x1c: {  	p1 =	slt.u32 s9, $0xF7A;
	s5 =	simm.s32 @!p2 $0x0  }
0x1d: {  	s5 =	simm.s32 @p1 $0x1;
	p0 =	seq.s32 s7, s2  }
0x1e: {  	s7 =	smul.u32 @!p0 $0xF7A, s2;
	p2 =	seq.s32 @!p0 s5, $0x0  }
0x1f: {  	s9 =	smul.u32 $0xF7A, s1;
	s8 =	simm.s32 @!p0 $0x1BF5;
	p2 =	por !p2, p0  }
0x20: {  	[sflag:s8] =	ssyncset.s32 @!p0 $0xFFFFF086;
	s6 =	sadd.s32 @!p0 s3, s7;
	s7 =	simm.s32 @!p0 $0x108  }
0x21: {  	s3 =	sadd.s32 s3, s9;
	s6 =	sadd.s32 @!p0 $0x88, s6;
	s7 =	simm.s32 @p2 $0x1082  }
0x22: {  	[simem:s7], [sflag:s8] =	dma.local @!p0 [hbm:s6], $0xF7A  }
0x23: {  	s9 =	sor.u32 $0xD0000000, s2;
	s6 =	simm.s32 $0x108;
	_ =	swait.ge @!p0 [sflag:s8], $0x0  }
0x24: {  	s3 =	sadd.s32 $0x88, s3;
	s6 =	simm.s32 @!p1 $0x1082;
	[sflag:s4] =	ssyncset.s32 $0xFFFFF086  }
0x25: {  	[simem:s6], [sflag:s4] =	dma.local [hbm:s3], $0xF7A  }
0x26: {  	[smem:$0x3F88] =	sst s1;
	(tag) =	ssettag s2;
	_ =	strace s9  }
0x27: {  	s1 =	sld [smem:$0x3F98]  }
0x28: {  	s2 =	sld [smem:$0x3F99]  }
0x29: {  	s4 =	sld [smem:$0x3F9B]  }
0x2a: {  	p0 =	seq.s32 s5, $0x0;
	s5 =	sld [smem:$0x3F9C]  }
0x2b: {  	s6 =	sld [smem:$0x3F9D]  }
0x2c: {  	s7 =	sld [smem:$0x3F9E]  }
0x2d: {  	s3 =	simm.s32 $0x108;
	s8 =	sld [smem:$0x3F9F]  }
0x2e: {  	s3 =	simm.s32 @!p0 $0x1082;
	s9 =	sld [smem:$0x3FA0]  }
0x2f: {  	lr =	sadd.s32 s0, s3;
	s0 =	sld [smem:$0x3F97]  }
0x30: {  	s3 =	sld [smem:$0x3F9A]  }
0x31: {  	[smem:$0x3FA3] =	sst s10  }
0x32: {  	s10 =	sld [smem:$0x3FA1];
	_ =	sdelay $0x3  }
0x33: {  	p0 =	seq.s32 s10, $0x1;
	s10 =	sld [smem:$0x3FA3];
	_ =	sdelay $0x3  }
0x34: {  	[smem:$0x3FA3] =	sst s10  }
0x35: {  	s10 =	sld [smem:$0x3FA2];
	_ =	sdelay $0x3  }
0x36: {  	p1 =	seq.s32 s10, $0x1;
	s10 =	sld [smem:$0x3FA3];
	_ =	sdelay $0x3  }
0x37: {  	[smem:$0x3FA3] =	sst s10  }
0x38: {  	s10 =	sld [smem:$0x3FA4]  }
0x39: {  	_ = 	snop;
	(pc) =	sbr.ind lr, $3  }
0x3a: {  	_ = 	snop  }
0x3b: {  	_ = 	snop  }
0x3c: {  	p2 =	seq.s32 s10, $0x1;
	s10 =	sld [smem:$0x3FA3]  }
0x3d: {  	_ =	shalt  }
0x3e: {  	_ =	shalt  }
0x3f: {  	_ =	shalt  }
0x40: {  	_ =	shalt  }
0x41: {  	_ =	shalt  }
0x42: {  	_ =	shalt  }
0x43: {  	_ =	shalt  }
0x44: {  	_ =	shalt  }
0x45: {  	_ =	shalt  }
0x46: {  	_ =	shalt  }
0x47: {  	_ =	shalt  }
0x48: {  	_ =	shalt  }
0x49: {  	_ =	shalt  }
0x4a: {  	_ =	shalt  }
0x4b: {  	_ =	shalt  }
0x4c: {  	_ =	shalt  }
0x4d: {  	_ =	shalt  }
0x4e: {  	_ =	shalt  }
0x4f: {  	_ =	shalt  }
0x50: {  	_ =	shalt  }
0x51: {  	_ =	shalt  }
0x52: {  	_ =	shalt  }
0x53: {  	_ =	shalt  }
0x54: {  	_ =	shalt  }
0x55: {  	_ =	shalt  }
0x56: {  	_ =	shalt  }
0x57: {  	_ =	shalt  }
0x58: {  	_ =	shalt  }
0x59: {  	_ =	shalt  }
0x5a: {  	_ =	shalt  }
0x5b: {  	_ =	shalt  }
0x5c: {  	_ =	shalt  }
0x5d: {  	_ =	shalt  }
0x5e: {  	_ =	shalt  }
0x5f: {  	_ =	shalt  }
0x60: {  	_ =	shalt  }
0x61: {  	_ =	shalt  }
0x62: {  	_ =	shalt  }
0x63: {  	_ =	shalt  }
0x64: {  	_ =	shalt  }
0x65: {  	_ =	shalt  }
0x66: {  	_ =	shalt  }
0x67: {  	_ =	shalt  }
0x68: {  	_ =	shalt  }
0x69: {  	_ =	shalt  }
0x6a: {  	_ =	shalt  }
0x6b: {  	_ =	shalt  }
0x6c: {  	_ =	shalt  }
0x6d: {  	_ =	shalt  }
0x6e: {  	_ =	shalt  }
0x6f: {  	_ =	shalt  }
0x70: {  	_ =	shalt  }
0x71: {  	_ =	shalt  }
0x72: {  	_ =	shalt  }
0x73: {  	_ =	shalt  }
0x74: {  	_ =	shalt  }
0x75: {  	_ =	shalt  }
0x76: {  	_ =	shalt  }
0x77: {  	_ =	shalt  }
0x78: {  	_ =	shalt  }
0x79: {  	_ =	shalt  }
0x7a: {  	_ =	shalt  }
0x7b: {  	_ =	shalt  }
0x7c: {  	_ =	shalt  }
0x7d: {  	_ =	shalt  }
0x7e: {  	_ =	shalt  }
0x7f: {  	_ =	shalt  }
0x80: {  	_ =	shalt  }
0x81: {  	_ =	shalt  }
0x82: {  	_ =	shalt  }
0x83: {  	_ =	shalt  }
0x84: {  	_ =	shalt  }
0x85: {  	_ =	shalt  }
0x86: {  	_ =	shalt  }
0x87: {  	_ =	shalt  }
.Lfunc_end0:
.L_simem_size_0:
called_computation.4_lowered:
.L_overlay_start_0:
0x88: {  	s2 =	sld [smem:$0x3FD9]  }
0x89: {  	s3 =	sld [smem:$0x3FFE];
	_ =	sdelay $0x1  }
0x8a: {  	s1 =	srdreg.scid  }
0x8b: {  	s0 =	sand.u32 $0x1, s1  }
0x8c: {  	s16 =	sshll.u32 s0, $0xA;
	s2 =	sadd.s32 s3, s2  }
0x8d: {  	s2 =	sadd.s32 s2, s16  }
0x8e: {  	[smem:$0x3FAF] =	sst s2  }
0x8f: {  	_ = 	snop  }
0x90: {  	(tm) =	ssettm $0x1  }
0x91: {  	s17 =	sld [smem:$0x3FFB];
	_ =	sdelay $0x3  }
0x92: {  	_ =	strace s17  }
0x93: {  	s2 =	sld [smem:$0x3FFC];
	_ =	sdelay $0x3  }
0x94: {  	_ =	strace s2  }
0x95: {  	s2 =	sld [smem:$0x3FFD];
	_ =	sdelay $0x3  }
0x96: {  	_ =	strace s2  }
0x97: {  	_ =	strace $0x8FFFFFFF  }
0x98: {  	s18 =	sld [smem:$0x3FDB];
	_ =	sdelay $0x1  }
0x99: {  	s19 =	simm.s32 $_scs_section_size  }
0x9a: {  	s4 =	simm.s32 $_size__tile_overlayer_lowered;
	s5 =	simm.s32 $_tile_overlayer_lowered  }
0x9b: {  	s22 =	simm.s32 $0x1BFF;
	s21 =	sshll.u32 s5, $0x1;
	s2 =	sadd.s32 s19, s18  }
0x9c: {  	s6 =	simm.s32 $0x0;
	s20 =	sshll.u32 s4, $0x1;
	s4 =	sadd.s32 s21, s2  }
0x9d: {  	[timem:s6], [sflag:s22] =	dma.local [hbm:s4], s20  }
0x9e: {  	_ =	swait.ge [sflag:s22], s20  }
0x9f: {  	s3 =	ssub.s32 $0x0, s20;
	[sflag:s22] =	ssyncset.done $0x0  }
0xa0: {  	[sflag:s22] =	ssyncadd.s32 s3;
	_ =	sdelay $0x1  }
0xa1: {  	s23 =	simm.s32 $0x1B8B  }
0xa2: {  	_ =	swait.ge [sflag:s23], $0x1  }
0xa3: {  	[sflag:s23] =	ssyncset.done $0x0  }
0xa4: {  	s25 =	simm.s32 $0x1B8E;
	s24 =	sld [smem:$0x3FFE];
	[sflag:s23] =	ssyncadd.s32 $0xFFFFFFFF  }
0xa5: {  	s26 =	simm.s32 $execute0_lowered;
	[smem:$0x3FD2] =	sst s25  }
0xa6: {  	s4 =	sshll.u32 s26, $0x1;
	_ =	strace $0x80000052;
	[dreg:$0x1] =	wrdreg $0xFFFFFFFF  }
0xa7: {  	s28 =	simm.s32 $_size_execute0_lowered;
	s2 =	sadd.s32 s2, s4;
	[dreg:$0x0] =	wrdreg $0x0  }
0xa8: {  	s4 =	sshll.u32 s28, $0x1;
	[dreg:$0x2] =	wrdreg s2  }
0xa9: {  	[dreg:$0x3] =	wrdreg s4  }
0xaa: {  	[dreg:$0x4] =	wrdreg $0xC0  }
0xab: {  	_ =	task [dreg:s6], $0x5FFFF  }
0xac: {  	[dreg:$0x1] =	wrdreg $0xFFFFFFFF  }
0xad: {  	[dreg:$0x0] =	wrdreg $0x60  }
0xae: {  	[dreg:$0x2] =	wrdreg s24  }
0xaf: {  	[dreg:$0x3] =	wrdreg $0x9  }
0xb0: {  	_ =	task.clear_ibuf [dreg:s6], $0x4FFFF;
	_ =	strace $0x90000052  }
0xb1: {  	s29 =	simm.s32 $0x9;
	_ =	strace $0x80000054  }
0xb2: {  	_ =	swait.ge [sflag:s29], $0x1  }
0xb3: {  	[sflag:s29] =	ssyncadd.s32 $0xFFFFFFFF  }
0xb4: {  	_ =	strace $0x90000054  }
0xb5: {  	_ =	sfence  }
0xb6: {  	s30 =	sld [smem:$0x0];
	_ =	sdelay $0x2  }
0xb7: {  	s31 =	sshll.u32 s1, $0xD;
	s1 =	sshrl.u32 s1, $0x2  }
0xb8: {  	s3 =	sand.u32 $0x4000, s31;
	s1 =	sadd.s32 s1, s30  }
0xb9: {  	s0 =	sor.u32 s3, s0;
	s1 =	sshll.u32 s1, $0x11  }
0xba: {  	s0 =	sor.u32 s1, s0  }
0xbb: {  	s0 =	sadd.s32 $0x8F2B, s0  }
0xbc: {  	[sflag:s0] =	ssyncadd.remote.s32 $0x1  }
0xbd: {  	_ =	sfence.sel $0xFFFF  }
0xbe: {  	[dreg:$0x0] =	wrdreg $0xFFFFFFFF;
	(pc) =	sbr.abs _section_cstart, $3  }
0xbf: {  	[dreg:$0x1] =	wrdreg $0xFFFFFFFF  }
0xc0: {  	_ =	task.clear_ibuf [dreg:s6], $0x2FFFF;
	_ =	strace $0x9FFFFFFF  }
0xc1: {  	(tm) =	ssettm $0x7FFFFFFF  }
tec
execute0_lowered:
.L_overlay_start_1:
0x0: {  	(tag) =	ssettag $0x1  }
0x1: {  	s1 =	srdreg.scid;
	s0 =	stileid.u32  }
0x2: {  	s10 =	sand.u32 $0x1, s1;
	s26 =	sshll.u32 s0, $0x1  }
0x3: {  	s8 =	sor.u32 s10, s26  }
0x4: {  	s9 =	rddreg [dreg:$0x0];
	s11 =	smul.u32 $0x1610, s8  }
0x5: {  	s2 =	simm.s32 $0x0;
	s1 =	rddreg [dreg:$0x1]  }
0x6: {  	[smem:$0x7FF] =	sst s2;
	s12 =	sadd.s32 $0xE600, s9;
	s3 =	sshrl.u32 s11, $0x3  }
0x7: {  	_ =	strace $0x80000053;
	s4 =	sadd.s32 s12, s3;
	s3 =	simm.s32 $0x2  }
0x8: {  	[tilespmem:s2], [sflag:$0x2] =	stream.linear.gather [hbm4b:s4+s2], $0xB08, $0x38;
	[tilespmem:$0x16C08] =	vst v63  }
0x9: {  	_ =	swait.ge [sflag:s3], $0xB08  }
0xa: {  	s6 =	simm.s32 $0xB08;
	[sflag:s3] =	ssyncset.done $0x0  }
0xb: {  	s7 =	simm.s32 $0x1;
	s5 =	sadd.s32 $0x1DE00, s9;
	[sflag:s3] =	ssyncadd.s32 $0xFFFFF4F8  }
0xc: {  	[tilespmem:s6], [sflag:$0x1] =	stream.indirect.gather [hbm4b:s5+s6], $0x20, s2, s6, $0xb8;
	[tilespmem:$0x16C08] =	vst v63  }
0xd: {  	s8 =	smul.u32 $0x5840, s8;
	_ =	swait.ge [sflag:s7], $0x16100  }
0xe: {  	s13 =	sadd.s32 $0x99400, s9;
	[sflag:s7] =	ssyncset.done $0x0  }
0xf: {  	s8 =	sadd.s32 s13, s8;
	[sflag:s7] =	ssyncadd.s32 $0xFFFE9F00  }
0x10: {  	[hbm4b:s8+s2] =	stream.linear.scatter [tilespmem:s6], [sflag:$0x2], $0x16100, $0x38;
	[tilespmem:$0x16C08] =	vst v63  }
0x11: {  	s11 =	sadd.s32 $0xB08, s11;
	_ =	swait.ge [sflag:s3], $0x16100  }
0x12: {  	s28 =	sshrl.u32 s11, $0x3;
	[sflag:s3] =	ssyncset.done $0x0  }
0x13: {  	s10 =	ssub.s32 $0x2, s10;
	s9 =	sadd.s32 s12, s28;
	[sflag:s3] =	ssyncadd.s32 $0xFFFE9F00  }
0x14: {  	[tilespmem:s2], [sflag:$0x2] =	stream.linear.gather [hbm4b:s9+s2], $0xB08, $0x38;
	[tilespmem:$0x16C08] =	vst v63  }
0x15: {  	s29 =	sshrl.u32 s10, $0x1;
	_ =	swait.ge [sflag:s3], $0xB08  }
0x16: {  	s12 =	ssub.s32 s10, s29;
	[sflag:s3] =	ssyncset.done $0x0  }
0x17: {  	s31 =	smax.u32 s12, $0x1;
	[sflag:s3] =	ssyncadd.s32 $0xFFFFF4F8  }
0x18: {  	[tilespmem:s6], [sflag:$0x1] =	stream.indirect.gather [hbm4b:s5+s6], $0x20, s2, s6, $0xb8;
	[tilespmem:$0x16C08] =	vst v63  }
0x19: {  	p0 =	sne.s32 s31, $0x1;
	_ =	swait.ge [sflag:s7], $0x16100  }
.Ltmp0:
0x1a: {  	s30 =	sshll.u32 s11, $0x2;
	[sflag:s7] =	ssyncset.done $0x0;
	(pc) =	sbr.rel @!p0 .LBB2_2-.Ltmp0, $4  }
0x1b: {  	s10 =	sadd.s32 s13, s30;
	[sflag:s7] =	ssyncadd.s32 $0xFFFE9F00  }
0x1c: {  	[hbm4b:s10+s2] =	stream.linear.scatter [tilespmem:s6], [sflag:$0x2], $0x16100, $0x38;
	[tilespmem:$0x16C08] =	vst v63  }
0x1d: {  	_ =	swait.ge [sflag:s3], $0x16100  }
0x1e: {  	s11 =	sadd.s32 $0xFFFFFFFF, s31;
	[sflag:s3] =	ssyncset.done $0x0  }
.LBB2_1:
0x1f: {  	p0 =	sne.s32 s11, $0x1;
	s11 =	sadd.s32 $0xFFFFFFFF, s11;
	[sflag:s3] =	ssyncadd.s32 $0xFFFE9F00  }
0x20: {  	[tilespmem:s2], [sflag:$0x2] =	stream.linear.gather [hbm4b:s4+s2], $0xB08, $0x38;
	[tilespmem:$0x16C08] =	vst v63  }
0x21: {  	_ =	swait.ge [sflag:s3], $0xB08  }
0x22: {  	[sflag:s3] =	ssyncset.done $0x0  }
0x23: {  	[sflag:s3] =	ssyncadd.s32 $0xFFFFF4F8  }
0x24: {  	[tilespmem:s6], [sflag:$0x1] =	stream.indirect.gather [hbm4b:s5+s6], $0x20, s2, s6, $0xb8;
	[tilespmem:$0x16C08] =	vst v63  }
0x25: {  	_ =	swait.ge [sflag:s7], $0x16100  }
0x26: {  	[sflag:s7] =	ssyncset.done $0x0  }
0x27: {  	[sflag:s7] =	ssyncadd.s32 $0xFFFE9F00  }
0x28: {  	[hbm4b:s8+s2] =	stream.linear.scatter [tilespmem:s6], [sflag:$0x2], $0x16100, $0x38;
	[tilespmem:$0x16C08] =	vst v63  }
0x29: {  	_ =	swait.ge [sflag:s3], $0x16100  }
0x2a: {  	[sflag:s3] =	ssyncset.done $0x0  }
0x2b: {  	[sflag:s3] =	ssyncadd.s32 $0xFFFE9F00  }
0x2c: {  	[tilespmem:s2], [sflag:$0x2] =	stream.linear.gather [hbm4b:s9+s2], $0xB08, $0x38;
	[tilespmem:$0x16C08] =	vst v63  }
0x2d: {  	_ =	swait.ge [sflag:s3], $0xB08  }
0x2e: {  	[sflag:s3] =	ssyncset.done $0x0  }
0x2f: {  	[sflag:s3] =	ssyncadd.s32 $0xFFFFF4F8  }
0x30: {  	[tilespmem:s6], [sflag:$0x1] =	stream.indirect.gather [hbm4b:s5+s6], $0x20, s2, s6, $0xb8;
	[tilespmem:$0x16C08] =	vst v63  }
0x31: {  	_ =	swait.ge [sflag:s7], $0x16100  }
.Ltmp1:
0x32: {  	[sflag:s7] =	ssyncset.done $0x0;
	(pc) =	sbr.rel @p0 .LBB2_1-.Ltmp1, $4  }
0x33: {  	[sflag:s7] =	ssyncadd.s32 $0xFFFE9F00  }
0x34: {  	[hbm4b:s10+s2] =	stream.linear.scatter [tilespmem:s6], [sflag:$0x2], $0x16100, $0x38;
	[tilespmem:$0x16C08] =	vst v63  }
0x35: {  	_ =	swait.ge [sflag:s3], $0x16100  }
0x36: {  	[sflag:s3] =	ssyncset.done $0x0  }
.LBB2_2:
0x37: {  	[sflag:s3] =	ssyncadd.s32 $0xFFFE9F00  }
0x38: {  	_ =	sfence.sel $0x180000  }
0x39: {  	[bflag:$0x0] =	sbarrier.arrive $0xFFFF  }
0x3a: {  	p0 =	sne.s32 s0, $0x0;
	_ =	strace $0x90000053  }
0x3b: {  	s0 =	sadd.s32 @!p0 $0x100000, s1;
	[bflag:$0x2] =	sbarrier.arrive $0xFFFF  }
0x3c: {  	[sflag:s0] =	ssyncadd.tile.s32 @!p0 $0x1;
	_ =	shalt  }
.Lfunc_end2:
_tile_overlayer_lowered:
.L_overlay_start_2:
0x3d: {  	(tag) =	ssettag $0x2  }
0x3e: {  	s0 =	rddreg [dreg:$0x0];
	s2 =	stileid.u32  }
0x3f: {  	s1 =	rddreg [dreg:$0x1];
	p0 =	sne.s32 s2, $0x0  }
0x40: {  	s3 =	rddreg [dreg:$0x2];
	[bflag:$0x3] =	sbarrier.arrive $0xFFFF;
	s2 =	simm.s32 @!p0 $0x1C02  }
0x41: {  	[timem:s3], [sflag:s2] =	dma.local @!p0 [hbm:s0], s1  }
0x42: {  	s0 =	simm.s32 @!p0 $0x2  }
0x43: {  	_ =	swait.ge @!p0 [sflag:s0], s1  }
0x44: {  	s1 =	ssub.s32 @!p0 $0x0, s1;
	[sflag:s0] =	ssyncset.done @!p0 $0x0  }
0x45: {  	[sflag:s0] =	ssyncadd.s32 @!p0 s1  }
0x46: {  	[bflag:$0x3] =	sbarrier.arrive $0xFFFF  }
0x47: {  	_ =	shalt  }

// kernel: kernel.39.cloned.1.call-start
scs
__scs_entry_jumppad:
0x0: {  	(pc) =	sbr.rel $0x88, $3  }
0x1: {  	(tag) =	ssettag $0x0;
	lr =	simm.s32 $0x1  }
0x2: {  	[smem:$0x3F88] =	sst lr;
	_ =	strace $0xD0000000  }
0x3: {  	_ = 	snop  }
0x4: {  	_ = 	snop  }
0x5: {  	_ = 	snop  }
0x6: {  	_ = 	snop  }
0x7: {  	_ = 	snop  }
__scs_overlays_trampoline_lowered:
0x8: {  	[smem:$0x3F97] =	sst s0  }
0x9: {  	[smem:$0x3F98] =	sst s1  }
0xa: {  	[smem:$0x3F99] =	sst s2  }
0xb: {  	[smem:$0x3F9A] =	sst s3  }
0xc: {  	[smem:$0x3F9B] =	sst s4  }
0xd: {  	[smem:$0x3F9C] =	sst s5  }
0xe: {  	[smem:$0x3F9D] =	sst s6  }
0xf: {  	[smem:$0x3F9E] =	sst s7  }
0x10: {  	[smem:$0x3F9F] =	sst s8  }
0x11: {  	[smem:$0x3FA0] =	sst s9;
	s0 =	simm.s32 @!p0 $0x0  }
0x12: {  	s1 =	sld [smem:$0x3F86];
	s0 =	simm.s32 @p0 $0x1  }
0x13: {  	[smem:$0x3FA1] =	sst s0;
	s0 =	simm.s32 @!p1 $0x0  }
0x14: {  	s2 =	sld [smem:$0x3F85];
	s0 =	simm.s32 @p1 $0x1  }
0x15: {  	[smem:$0x3FA2] =	sst s0;
	s0 =	simm.s32 @!p2 $0x0  }
0x16: {  	s3 =	sld [smem:$0x3FDB];
	s0 =	simm.s32 @p2 $0x1  }
0x17: {  	s4 =	simm.s32 $0x1BF5;
	[smem:$0x3FA4] =	sst s0  }
0x18: {  	s0 =	sld [smem:$0x3F87];
	_ =	swait.ge [sflag:s4], $0x0  }
0x19: {  	s7 =	sld [smem:$0x3F88]  }
0x1a: {  	s8 =	sadd.s32 $0xFFFFE003, lr  }
0x1b: {  	s9 =	sadd.s32 $0xFFFFFEF7, lr;
	s5 =	simm.s32 $0xFFFFFFFF;
	p2 =	slt.u32 s8, $0xFFFFF086  }
0x1c: {  	p1 =	slt.u32 s9, $0xF7A;
	s5 =	simm.s32 @!p2 $0x0  }
0x1d: {  	s5 =	simm.s32 @p1 $0x1;
	p0 =	seq.s32 s7, s2  }
0x1e: {  	s7 =	smul.u32 @!p0 $0xF7A, s2;
	p2 =	seq.s32 @!p0 s5, $0x0  }
0x1f: {  	s9 =	smul.u32 $0xF7A, s1;
	s8 =	simm.s32 @!p0 $0x1BF5;
	p2 =	por !p2, p0  }
0x20: {  	[sflag:s8] =	ssyncset.s32 @!p0 $0xFFFFF086;
	s6 =	sadd.s32 @!p0 s3, s7;
	s7 =	simm.s32 @!p0 $0x108  }
0x21: {  	s3 =	sadd.s32 s3, s9;
	s6 =	sadd.s32 @!p0 $0x88, s6;
	s7 =	simm.s32 @p2 $0x1082  }
0x22: {  	[simem:s7], [sflag:s8] =	dma.local @!p0 [hbm:s6], $0xF7A  }
0x23: {  	s9 =	sor.u32 $0xD0000000, s2;
	s6 =	simm.s32 $0x108;
	_ =	swait.ge @!p0 [sflag:s8], $0x0  }
0x24: {  	s3 =	sadd.s32 $0x88, s3;
	s6 =	simm.s32 @!p1 $0x1082;
	[sflag:s4] =	ssyncset.s32 $0xFFFFF086  }
0x25: {  	[simem:s6], [sflag:s4] =	dma.local [hbm:s3], $0xF7A  }
0x26: {  	[smem:$0x3F88] =	sst s1;
	(tag) =	ssettag s2;
	_ =	strace s9  }
0x27: {  	s1 =	sld [smem:$0x3F98]  }
0x28: {  	s2 =	sld [smem:$0x3F99]  }
0x29: {  	s4 =	sld [smem:$0x3F9B]  }
0x2a: {  	p0 =	seq.s32 s5, $0x0;
	s5 =	sld [smem:$0x3F9C]  }
0x2b: {  	s6 =	sld [smem:$0x3F9D]  }
0x2c: {  	s7 =	sld [smem:$0x3F9E]  }
0x2d: {  	s3 =	simm.s32 $0x108;
	s8 =	sld [smem:$0x3F9F]  }
0x2e: {  	s3 =	simm.s32 @!p0 $0x1082;
	s9 =	sld [smem:$0x3FA0]  }
0x2f: {  	lr =	sadd.s32 s0, s3;
	s0 =	sld [smem:$0x3F97]  }
0x30: {  	s3 =	sld [smem:$0x3F9A]  }
0x31: {  	[smem:$0x3FA3] =	sst s10  }
0x32: {  	s10 =	sld [smem:$0x3FA1];
	_ =	sdelay $0x3  }
0x33: {  	p0 =	seq.s32 s10, $0x1;
	s10 =	sld [smem:$0x3FA3];
	_ =	sdelay $0x3  }
0x34: {  	[smem:$0x3FA3] =	sst s10  }
0x35: {  	s10 =	sld [smem:$0x3FA2];
	_ =	sdelay $0x3  }
0x36: {  	p1 =	seq.s32 s10, $0x1;
	s10 =	sld [smem:$0x3FA3];
	_ =	sdelay $0x3  }
0x37: {  	[smem:$0x3FA3] =	sst s10  }
0x38: {  	s10 =	sld [smem:$0x3FA4]  }
0x39: {  	_ = 	snop;
	(pc) =	sbr.ind lr, $3  }
0x3a: {  	_ = 	snop  }
0x3b: {  	_ = 	snop  }
0x3c: {  	p2 =	seq.s32 s10, $0x1;
	s10 =	sld [smem:$0x3FA3]  }
0x3d: {  	_ =	shalt  }
0x3e: {  	_ =	shalt  }
0x3f: {  	_ =	shalt  }
0x40: {  	_ =	shalt  }
0x41: {  	_ =	shalt  }
0x42: {  	_ =	shalt  }
0x43: {  	_ =	shalt  }
0x44: {  	_ =	shalt  }
0x45: {  	_ =	shalt  }
0x46: {  	_ =	shalt  }
0x47: {  	_ =	shalt  }
0x48: {  	_ =	shalt  }
0x49: {  	_ =	shalt  }
0x4a: {  	_ =	shalt  }
0x4b: {  	_ =	shalt  }
0x4c: {  	_ =	shalt  }
0x4d: {  	_ =	shalt  }
0x4e: {  	_ =	shalt  }
0x4f: {  	_ =	shalt  }
0x50: {  	_ =	shalt  }
0x51: {  	_ =	shalt  }
0x52: {  	_ =	shalt  }
0x53: {  	_ =	shalt  }
0x54: {  	_ =	shalt  }
0x55: {  	_ =	shalt  }
0x56: {  	_ =	shalt  }
0x57: {  	_ =	shalt  }
0x58: {  	_ =	shalt  }
0x59: {  	_ =	shalt  }
0x5a: {  	_ =	shalt  }
0x5b: {  	_ =	shalt  }
0x5c: {  	_ =	shalt  }
0x5d: {  	_ =	shalt  }
0x5e: {  	_ =	shalt  }
0x5f: {  	_ =	shalt  }
0x60: {  	_ =	shalt  }
0x61: {  	_ =	shalt  }
0x62: {  	_ =	shalt  }
0x63: {  	_ =	shalt  }
0x64: {  	_ =	shalt  }
0x65: {  	_ =	shalt  }
0x66: {  	_ =	shalt  }
0x67: {  	_ =	shalt  }
0x68: {  	_ =	shalt  }
0x69: {  	_ =	shalt  }
0x6a: {  	_ =	shalt  }
0x6b: {  	_ =	shalt  }
0x6c: {  	_ =	shalt  }
0x6d: {  	_ =	shalt  }
0x6e: {  	_ =	shalt  }
0x6f: {  	_ =	shalt  }
0x70: {  	_ =	shalt  }
0x71: {  	_ =	shalt  }
0x72: {  	_ =	shalt  }
0x73: {  	_ =	shalt  }
0x74: {  	_ =	shalt  }
0x75: {  	_ =	shalt  }
0x76: {  	_ =	shalt  }
0x77: {  	_ =	shalt  }
0x78: {  	_ =	shalt  }
0x79: {  	_ =	shalt  }
0x7a: {  	_ =	shalt  }
0x7b: {  	_ =	shalt  }
0x7c: {  	_ =	shalt  }
0x7d: {  	_ =	shalt  }
0x7e: {  	_ =	shalt  }
0x7f: {  	_ =	shalt  }
0x80: {  	_ =	shalt  }
0x81: {  	_ =	shalt  }
0x82: {  	_ =	shalt  }
0x83: {  	_ =	shalt  }
0x84: {  	_ =	shalt  }
0x85: {  	_ =	shalt  }
0x86: {  	_ =	shalt  }
0x87: {  	_ =	shalt  }
.Lfunc_end0:
.L_simem_size_0:
called_computation.5_lowered:
.L_overlay_start_0:
0x88: {  	s2 =	sld [smem:$0x3FD9]  }
0x89: {  	s3 =	sld [smem:$0x3FFE];
	_ =	sdelay $0x1  }
0x8a: {  	s1 =	srdreg.scid  }
0x8b: {  	s0 =	sand.u32 $0x1, s1  }
0x8c: {  	s16 =	sshll.u32 s0, $0xA;
	s2 =	sadd.s32 s3, s2  }
0x8d: {  	s2 =	sadd.s32 s2, s16  }
0x8e: {  	[smem:$0x3FAF] =	sst s2  }
0x8f: {  	_ = 	snop  }
0x90: {  	(tm) =	ssettm $0x1  }
0x91: {  	s17 =	sld [smem:$0x3FFB];
	_ =	sdelay $0x3  }
0x92: {  	_ =	strace s17  }
0x93: {  	s2 =	sld [smem:$0x3FFC];
	_ =	sdelay $0x3  }
0x94: {  	_ =	strace s2  }
0x95: {  	s2 =	sld [smem:$0x3FFD];
	_ =	sdelay $0x3  }
0x96: {  	_ =	strace s2  }
0x97: {  	_ =	strace $0x8FFFFFFF  }
0x98: {  	s18 =	sld [smem:$0x3FDB];
	_ =	sdelay $0x1  }
0x99: {  	s19 =	simm.s32 $_scs_section_size  }
0x9a: {  	s4 =	simm.s32 $_size__tile_overlayer_lowered;
	s5 =	simm.s32 $_tile_overlayer_lowered  }
0x9b: {  	s22 =	simm.s32 $0x1BFF;
	s21 =	sshll.u32 s5, $0x1;
	s2 =	sadd.s32 s19, s18  }
0x9c: {  	s6 =	simm.s32 $0x0;
	s20 =	sshll.u32 s4, $0x1;
	s4 =	sadd.s32 s21, s2  }
0x9d: {  	[timem:s6], [sflag:s22] =	dma.local [hbm:s4], s20  }
0x9e: {  	_ =	swait.ge [sflag:s22], s20  }
0x9f: {  	s3 =	ssub.s32 $0x0, s20;
	[sflag:s22] =	ssyncset.done $0x0  }
0xa0: {  	[sflag:s22] =	ssyncadd.s32 s3;
	_ =	sdelay $0x1  }
0xa1: {  	s23 =	simm.s32 $0x1B8B  }
0xa2: {  	_ =	swait.ge [sflag:s23], $0x1  }
0xa3: {  	[sflag:s23] =	ssyncset.done $0x0  }
0xa4: {  	s25 =	simm.s32 $0x1B8E;
	s24 =	sld [smem:$0x3FFE];
	[sflag:s23] =	ssyncadd.s32 $0xFFFFFFFF  }
0xa5: {  	s26 =	simm.s32 $execute0_lowered;
	[smem:$0x3FD2] =	sst s25  }
0xa6: {  	s4 =	sshll.u32 s26, $0x1;
	_ =	strace $0x80000055;
	[dreg:$0x1] =	wrdreg $0xFFFFFFFF  }
0xa7: {  	s28 =	simm.s32 $_size_execute0_lowered;
	s2 =	sadd.s32 s2, s4;
	[dreg:$0x0] =	wrdreg $0x0  }
0xa8: {  	s4 =	sshll.u32 s28, $0x1;
	[dreg:$0x2] =	wrdreg s2  }
0xa9: {  	[dreg:$0x3] =	wrdreg s4  }
0xaa: {  	[dreg:$0x4] =	wrdreg $0xC0  }
0xab: {  	_ =	task [dreg:s6], $0x5FFFF  }
0xac: {  	[dreg:$0x1] =	wrdreg $0xFFFFFFFF  }
0xad: {  	[dreg:$0x0] =	wrdreg $0x60  }
0xae: {  	[dreg:$0x2] =	wrdreg s24  }
0xaf: {  	[dreg:$0x3] =	wrdreg $0x16C080  }
0xb0: {  	[dreg:$0x4] =	wrdreg $0x9  }
0xb1: {  	_ =	task.clear_ibuf [dreg:s6], $0x5FFFF;
	_ =	strace $0x90000055  }
0xb2: {  	s29 =	simm.s32 $0x9;
	_ =	strace $0x80000057  }
0xb3: {  	_ =	swait.ge [sflag:s29], $0x1  }
0xb4: {  	[sflag:s29] =	ssyncadd.s32 $0xFFFFFFFF  }
0xb5: {  	_ =	strace $0x90000057  }
0xb6: {  	_ =	sfence  }
0xb7: {  	s30 =	sld [smem:$0x0];
	_ =	sdelay $0x2  }
0xb8: {  	s31 =	sshll.u32 s1, $0xD;
	s1 =	sshrl.u32 s1, $0x2  }
0xb9: {  	s3 =	sand.u32 $0x4000, s31;
	s1 =	sadd.s32 s1, s30  }
0xba: {  	s0 =	sor.u32 s3, s0;
	s1 =	sshll.u32 s1, $0x11  }
0xbb: {  	s0 =	sor.u32 s1, s0  }
0xbc: {  	s0 =	sadd.s32 $0x8F2B, s0  }
0xbd: {  	[sflag:s0] =	ssyncadd.remote.s32 $0x1  }
0xbe: {  	_ =	sfence.sel $0xFFFF  }
0xbf: {  	[dreg:$0x0] =	wrdreg $0xFFFFFFFF;
	(pc) =	sbr.abs _section_cstart, $3  }
0xc0: {  	[dreg:$0x1] =	wrdreg $0xFFFFFFFF  }
0xc1: {  	_ =	task.clear_ibuf [dreg:s6], $0x2FFFF;
	_ =	strace $0x9FFFFFFF  }
0xc2: {  	(tm) =	ssettm $0x7FFFFFFF  }
0xc3: {  	_ =	shalt  }
tec
execute0_lowered:
.L_overlay_start_1:
0x0: {  	(tag) =	ssettag $0x1  }
0x1: {  	s14 =	rddreg [dreg:$0x0]  }
0x2: {  	s2 =	rddreg [dreg:$0x1];
	s1 =	stileid.u32  }
0x3: {  	s0 =	rddreg [dreg:$0x2];
	s3 =	simm.s32 $0x0;
	s4 =	srdreg.scid  }
0x4: {  	s15 =	smul.u32 $0x4E40, s1;
	[smem:$0x7FF] =	sst s3  }
0x5: {  	s16 =	sand.u32 $0x1, s4;
	s25 =	sshll.u32 s1, $0x1;
	s26 =	sshll.u32 s1, $0x6  }
0x6: {  	_ =	strace $0x80000056;
	s5 =	sshrl.u32 s15, $0x3;
	s6 =	sadd.s32 s15, s2  }
0x7: {  	s10 =	sor.u32 s16, s25;
	s5 =	sadd.s32 s5, s14;
	s7 =	sshrl.u32 s6, $0x3  }
0x8: {  	s6 =	simm.s32 $0x1;
	s4 =	sadd.s32 $0x14000, s5;
	s5 =	sor.u32 $0x1C01, s26  }
0x9: {  	[spmem:s7], [sflag:s5] =	dma.local [hbm:s4], $0x9C8  }
0xa: {  	s12 =	smul.u32 $0x1610, s10;
	_ =	swait.ge [sflag:s6], $0x9C8  }
0xb: {  	[sflag:s6] =	ssyncset.done $0x0  }
0xc: {  	s13 =	sadd.s32 $0x8C00, s14;
	s8 =	sshrl.u32 s12, $0x3;
	[sflag:s6] =	ssyncadd.s32 $0xFFFFF638  }
0xd: {  	s9 =	simm.s32 $0x16100;
	s8 =	sadd.s32 s13, s8;
	[bflag:$0x0] =	sbarrier.arrive $0xFFFF  }
0xe: {  	[tilespmem:s9], [sflag:$0x1] =	stream.linear.gather [hbm4b:s8+s3], $0xB08, $0x38;
	[tilespmem:$0x1BA48] =	vst v63  }
0xf: {  	s10 =	smul.u32 $0x5840, s10;
	_ =	swait.ge [sflag:s6], $0xB08  }
0x10: {  	s17 =	sadd.s32 $0x99400, s14;
	[sflag:s6] =	ssyncset.done $0x0  }
0x11: {  	s10 =	sadd.s32 s17, s10;
	[sflag:s6] =	ssyncadd.s32 $0xFFFFF4F8  }
0x12: {  	[tilespmem:s3], [sflag:$0x1] =	stream.linear.gather [hbm4b:s10+s3], $0x16100, $0x38;
	[tilespmem:$0x1BA48] =	vst v63  }
0x13: {  	_ =	swait.ge [sflag:s6], $0x16100  }
0x14: {  	[sflag:s6] =	ssyncset.done $0x0  }
0x15: {  	s11 =	simm.s32 $0xB08;
	[sflag:s6] =	ssyncadd.s32 $0xFFFE9F00  }
0x16: {  	[spmem:s2] =	stream.indirect.scatter.add.f32 [tilespmem:s3], [sflag:$0x1], $0x20, s9, s11, $0xb8;
	[tilespmem:$0x1BA48] =	vst v63  }
0x17: {  	s18 =	sadd.s32 $0xB08, s12;
	_ =	swait.ge [sflag:s6], $0x16100  }
0x18: {  	s12 =	sshrl.u32 s18, $0x3;
	[sflag:s6] =	ssyncset.done $0x0  }
0x19: {  	s12 =	sadd.s32 s13, s12;
	[sflag:s6] =	ssyncadd.s32 $0xFFFE9F00  }
0x1a: {  	[tilespmem:s9], [sflag:$0x1] =	stream.linear.gather [hbm4b:s12+s3], $0xB08, $0x38;
	[tilespmem:$0x1BA48] =	vst v63  }
0x1b: {  	_ =	swait.ge [sflag:s6], $0xB08  }
0x1c: {  	s28 =	sshll.u32 s18, $0x2;
	[sflag:s6] =	ssyncset.done $0x0  }
0x1d: {  	s29 =	smul.u32 $0x4E400, s16;
	s13 =	sadd.s32 s17, s28;
	[sflag:s6] =	ssyncadd.s32 $0xFFFFF4F8  }
0x1e: {  	[tilespmem:s3], [sflag:$0x1] =	stream.linear.gather [hbm4b:s13+s3], $0x16100, $0x38;
	[tilespmem:$0x1BA48] =	vst v63  }
0x1f: {  	s16 =	ssub.s32 $0x2, s16;
	_ =	swait.ge [sflag:s6], $0x16100  }
0x20: {  	s30 =	sshrl.u32 s16, $0x1;
	s15 =	sadd.s32 s15, s29;
	[sflag:s6] =	ssyncset.done $0x0  }
0x21: {  	s31 =	ssub.s32 s16, s30;
	s15 =	sshrl.u32 s15, $0x3;
	[sflag:s6] =	ssyncadd.s32 $0xFFFE9F00  }
0x22: {  	[spmem:s2] =	stream.indirect.scatter.add.f32 [tilespmem:s3], [sflag:$0x1], $0x20, s9, s11, $0xb8;
	[tilespmem:$0x1BA48] =	vst v63  }
0x23: {  	s14 =	sadd.s32 s15, s14;
	s15 =	smax.u32 s31, $0x1;
	_ =	swait.ge [sflag:s6], $0x16100  }
0x24: {  	p0 =	sne.s32 s15, $0x1;
	[sflag:s6] =	ssyncset.done $0x0  }
.Ltmp0:
0x25: {  	[sflag:s6] =	ssyncadd.s32 $0xFFFE9F00;
	(pc) =	sbr.rel @!p0 .LBB2_2-.Ltmp0, $4  }
0x26: {  	s14 =	sadd.s32 $0x32800, s14;
	[bflag:$0x0] =	sbarrier.arrive $0xFFFF  }
0x27: {  	[hbm:s14], [sflag:s5] =	dma.local [spmem:s7], $0x9C8  }
0x28: {  	_ =	swait.ge [sflag:s6], $0x9C8  }
0x29: {  	s15 =	sadd.s32 $0xFFFFFFFF, s15;
	[sflag:s6] =	ssyncset.done $0x0  }
.LBB2_1:
0x2a: {  	p0 =	sne.s32 s15, $0x1;
	s15 =	sadd.s32 $0xFFFFFFFF, s15;
	[sflag:s6] =	ssyncadd.s32 $0xFFFFF638  }
0x2b: {  	[spmem:s7], [sflag:s5] =	dma.local [hbm:s4], $0x9C8  }
0x2c: {  	_ =	swait.ge [sflag:s6], $0x9C8  }
0x2d: {  	[sflag:s6] =	ssyncset.done $0x0  }
0x2e: {  	[sflag:s6] =	ssyncadd.s32 $0xFFFFF638  }
0x2f: {  	[bflag:$0x0] =	sbarrier.arrive $0xFFFF  }
0x30: {  	[tilespmem:s9], [sflag:$0x1] =	stream.linear.gather [hbm4b:s8+s3], $0xB08, $0x38;
	[tilespmem:$0x1BA48] =	vst v63  }
0x31: {  	_ =	swait.ge [sflag:s6], $0xB08  }
0x32: {  	[sflag:s6] =	ssyncset.done $0x0  }
0x33: {  	[sflag:s6] =	ssyncadd.s32 $0xFFFFF4F8  }
0x34: {  	[tilespmem:s3], [sflag:$0x1] =	stream.linear.gather [hbm4b:s10+s3], $0x16100, $0x38;
	[tilespmem:$0x1BA48] =	vst v63  }
0x35: {  	_ =	swait.ge [sflag:s6], $0x16100  }
0x36: {  	[sflag:s6] =	ssyncset.done $0x0  }
0x37: {  	[sflag:s6] =	ssyncadd.s32 $0xFFFE9F00  }
0x38: {  	[spmem:s2] =	stream.indirect.scatter.add.f32 [tilespmem:s3], [sflag:$0x1], $0x20, s9, s11, $0xb8;
	[tilespmem:$0x1BA48] =	vst v63  }
0x39: {  	_ =	swait.ge [sflag:s6], $0x16100  }
0x3a: {  	[sflag:s6] =	ssyncset.done $0x0  }
0x3b: {  	[sflag:s6] =	ssyncadd.s32 $0xFFFE9F00  }
0x3c: {  	[tilespmem:s9], [sflag:$0x1] =	stream.linear.gather [hbm4b:s12+s3], $0xB08, $0x38;
	[tilespmem:$0x1BA48] =	vst v63  }
0x3d: {  	_ =	swait.ge [sflag:s6], $0xB08  }
0x3e: {  	[sflag:s6] =	ssyncset.done $0x0  }
0x3f: {  	[sflag:s6] =	ssyncadd.s32 $0xFFFFF4F8  }
0x40: {  	[tilespmem:s3], [sflag:$0x1] =	stream.linear.gather [hbm4b:s13+s3], $0x16100, $0x38;
	[tilespmem:$0x1BA48] =	vst v63  }
0x41: {  	_ =	swait.ge [sflag:s6], $0x16100  }
0x42: {  	[sflag:s6] =	ssyncset.done $0x0  }
0x43: {  	[sflag:s6] =	ssyncadd.s32 $0xFFFE9F00  }
0x44: {  	[spmem:s2] =	stream.indirect.scatter.add.f32 [tilespmem:s3], [sflag:$0x1], $0x20, s9, s11, $0xb8;
	[tilespmem:$0x1BA48] =	vst v63  }
0x45: {  	_ =	swait.ge [sflag:s6], $0x16100  }
0x46: {  	[sflag:s6] =	ssyncset.done $0x0  }
.Ltmp1:
0x47: {  	[sflag:s6] =	ssyncadd.s32 $0xFFFE9F00;
	(pc) =	sbr.rel @p0 .LBB2_1-.Ltmp1, $4  }
0x48: {  	[bflag:$0x0] =	sbarrier.arrive $0xFFFF  }
0x49: {  	[hbm:s14], [sflag:s5] =	dma.local [spmem:s7], $0x9C8  }
0x4a: {  	_ =	swait.ge [sflag:s6], $0x9C8  }
0x4b: {  	[sflag:s6] =	ssyncset.done $0x0  }
.LBB2_2:
0x4c: {  	[sflag:s6] =	ssyncadd.s32 $0xFFFFF638  }
0x4d: {  	_ =	sfence.sel $0x180000  }
0x4e: {  	[bflag:$0x0] =	sbarrier.arrive $0xFFFF  }
0x4f: {  	p0 =	sne.s32 s1, $0x0;
	_ =	strace $0x90000056  }
0x50: {  	s0 =	sadd.s32 @!p0 $0x100000, s0;
	[bflag:$0x2] =	sbarrier.arrive $0xFFFF  }
0x51: {  	[sflag:s0] =	ssyncadd.tile.s32 @!p0 $0x1;
	_ =	shalt  }
.Lfunc_end2:
_tile_overlayer_lowered:
.L_overlay_start_2:
0x52: {  	(tag) =	ssettag $0x2  }
0x53: {  	s0 =	rddreg [dreg:$0x0];
	s2 =	stileid.u32  }
0x54: {  	s1 =	rddreg [dreg:$0x1];
	p0 =	sne.s32 s2, $0x0  }
0x55: {  	s3 =	rddreg [dreg:$0x2];
	[bflag:$0x3] =	sbarrier.arrive $0xFFFF;
	s2 =	simm.s32 @!p0 $0x1C01  }
0x56: {  	[timem:s3], [sflag:s2] =	dma.local @!p0 [hbm:s0], s1  }
0x57: {  	s0 =	simm.s32 @!p0 $0x1  }
0x58: {  	_ =	swait.ge @!p0 [sflag:s0], s1  }
0x59: {  	s1 =	ssub.s32 @!p0 $0x0, s1;
	[sflag:s0] =	ssyncset.done @!p0 $0x0  }
0x5a: {  	[sflag:s0] =	ssyncadd.s32 @!p0 s1  }
0x5b: {  	[bflag:$0x3] =	sbarrier.arrive $0xFFFF  }
0x5c: {  	_ =	shalt  }

// kernel: kernel.42.cloned.1.call-start
scs
__scs_entry_jumppad:
0x0: {  	(pc) =	sbr.rel $0x88, $3  }
0x1: {  	(tag) =	ssettag $0x0;
	lr =	simm.s32 $0x1  }
0x2: {  	[smem:$0x3F88] =	sst lr;
	_ =	strace $0xD0000000  }
0x3: {  	_ = 	snop  }
0x4: {  	_ = 	snop  }
0x5: {  	_ = 	snop  }
0x6: {  	_ = 	snop  }
0x7: {  	_ = 	snop  }
__scs_overlays_trampoline_lowered:
0x8: {  	[smem:$0x3F97] =	sst s0  }
0x9: {  	[smem:$0x3F98] =	sst s1  }
0xa: {  	[smem:$0x3F99] =	sst s2  }
0xb: {  	[smem:$0x3F9A] =	sst s3  }
0xc: {  	[smem:$0x3F9B] =	sst s4  }
0xd: {  	[smem:$0x3F9C] =	sst s5  }
0xe: {  	[smem:$0x3F9D] =	sst s6  }
0xf: {  	[smem:$0x3F9E] =	sst s7  }
0x10: {  	[smem:$0x3F9F] =	sst s8  }
0x11: {  	[smem:$0x3FA0] =	sst s9;
	s0 =	simm.s32 @!p0 $0x0  }
0x12: {  	s1 =	sld [smem:$0x3F86];
	s0 =	simm.s32 @p0 $0x1  }
0x13: {  	[smem:$0x3FA1] =	sst s0;
	s0 =	simm.s32 @!p1 $0x0  }
0x14: {  	s2 =	sld [smem:$0x3F85];
	s0 =	simm.s32 @p1 $0x1  }
0x15: {  	[smem:$0x3FA2] =	sst s0;
	s0 =	simm.s32 @!p2 $0x0  }
0x16: {  	s3 =	sld [smem:$0x3FDB];
	s0 =	simm.s32 @p2 $0x1  }
0x17: {  	s4 =	simm.s32 $0x1BF5;
	[smem:$0x3FA4] =	sst s0  }
0x18: {  	s0 =	sld [smem:$0x3F87];
	_ =	swait.ge [sflag:s4], $0x0  }
0x19: {  	s7 =	sld [smem:$0x3F88]  }
0x1a: {  	s8 =	sadd.s32 $0xFFFFE003, lr  }
0x1b: {  	s9 =	sadd.s32 $0xFFFFFEF7, lr;
	s5 =	simm.s32 $0xFFFFFFFF;
	p2 =	slt.u32 s8, $0xFFFFF086  }
0x1c: {  	p1 =	slt.u32 s9, $0xF7A;
	s5 =	simm.s32 @!p2 $0x0  }
0x1d: {  	s5 =	simm.s32 @p1 $0x1;
	p0 =	seq.s32 s7, s2  }
0x1e: {  	s7 =	smul.u32 @!p0 $0xF7A, s2;
	p2 =	seq.s32 @!p0 s5, $0x0  }
0x1f: {  	s9 =	smul.u32 $0xF7A, s1;
	s8 =	simm.s32 @!p0 $0x1BF5;
	p2 =	por !p2, p0  }
0x20: {  	[sflag:s8] =	ssyncset.s32 @!p0 $0xFFFFF086;
	s6 =	sadd.s32 @!p0 s3, s7;
	s7 =	simm.s32 @!p0 $0x108  }
0x21: {  	s3 =	sadd.s32 s3, s9;
	s6 =	sadd.s32 @!p0 $0x88, s6;
	s7 =	simm.s32 @p2 $0x1082  }
0x22: {  	[simem:s7], [sflag:s8] =	dma.local @!p0 [hbm:s6], $0xF7A  }
0x23: {  	s9 =	sor.u32 $0xD0000000, s2;
	s6 =	simm.s32 $0x108;
	_ =	swait.ge @!p0 [sflag:s8], $0x0  }
0x24: {  	s3 =	sadd.s32 $0x88, s3;
	s6 =	simm.s32 @!p1 $0x1082;
	[sflag:s4] =	ssyncset.s32 $0xFFFFF086  }
0x25: {  	[simem:s6], [sflag:s4] =	dma.local [hbm:s3], $0xF7A  }
0x26: {  	[smem:$0x3F88] =	sst s1;
	(tag) =	ssettag s2;
	_ =	strace s9  }
0x27: {  	s1 =	sld [smem:$0x3F98]  }
0x28: {  	s2 =	sld [smem:$0x3F99]  }
0x29: {  	s4 =	sld [smem:$0x3F9B]  }
0x2a: {  	p0 =	seq.s32 s5, $0x0;
	s5 =	sld [smem:$0x3F9C]  }
0x2b: {  	s6 =	sld [smem:$0x3F9D]  }
0x2c: {  	s7 =	sld [smem:$0x3F9E]  }
0x2d: {  	s3 =	simm.s32 $0x108;
	s8 =	sld [smem:$0x3F9F]  }
0x2e: {  	s3 =	simm.s32 @!p0 $0x1082;
	s9 =	sld [smem:$0x3FA0]  }
0x2f: {  	lr =	sadd.s32 s0, s3;
	s0 =	sld [smem:$0x3F97]  }
0x30: {  	s3 =	sld [smem:$0x3F9A]  }
0x31: {  	[smem:$0x3FA3] =	sst s10  }
0x32: {  	s10 =	sld [smem:$0x3FA1];
	_ =	sdelay $0x3  }
0x33: {  	p0 =	seq.s32 s10, $0x1;
	s10 =	sld [smem:$0x3FA3];
	_ =	sdelay $0x3  }
0x34: {  	[smem:$0x3FA3] =	sst s10  }
0x35: {  	s10 =	sld [smem:$0x3FA2];
	_ =	sdelay $0x3  }
0x36: {  	p1 =	seq.s32 s10, $0x1;
	s10 =	sld [smem:$0x3FA3];
	_ =	sdelay $0x3  }
0x37: {  	[smem:$0x3FA3] =	sst s10  }
0x38: {  	s10 =	sld [smem:$0x3FA4]  }
0x39: {  	_ = 	snop;
	(pc) =	sbr.ind lr, $3  }
0x3a: {  	_ = 	snop  }
0x3b: {  	_ = 	snop  }
0x3c: {  	p2 =	seq.s32 s10, $0x1;
	s10 =	sld [smem:$0x3FA3]  }
0x3d: {  	_ =	shalt  }
0x3e: {  	_ =	shalt  }
0x3f: {  	_ =	shalt  }
0x40: {  	_ =	shalt  }
0x41: {  	_ =	shalt  }
0x42: {  	_ =	shalt  }
0x43: {  	_ =	shalt  }
0x44: {  	_ =	shalt  }
0x45: {  	_ =	shalt  }
0x46: {  	_ =	shalt  }
0x47: {  	_ =	shalt  }
0x48: {  	_ =	shalt  }
0x49: {  	_ =	shalt  }
0x4a: {  	_ =	shalt  }
0x4b: {  	_ =	shalt  }
0x4c: {  	_ =	shalt  }
0x4d: {  	_ =	shalt  }
0x4e: {  	_ =	shalt  }
0x4f: {  	_ =	shalt  }
0x50: {  	_ =	shalt  }
0x51: {  	_ =	shalt  }
0x52: {  	_ =	shalt  }
0x53: {  	_ =	shalt  }
0x54: {  	_ =	shalt  }
0x55: {  	_ =	shalt  }
0x56: {  	_ =	shalt  }
0x57: {  	_ =	shalt  }
0x58: {  	_ =	shalt  }
0x59: {  	_ =	shalt  }
0x5a: {  	_ =	shalt  }
0x5b: {  	_ =	shalt  }
0x5c: {  	_ =	shalt  }
0x5d: {  	_ =	shalt  }
0x5e: {  	_ =	shalt  }
0x5f: {  	_ =	shalt  }
0x60: {  	_ =	shalt  }
0x61: {  	_ =	shalt  }
0x62: {  	_ =	shalt  }
0x63: {  	_ =	shalt  }
0x64: {  	_ =	shalt  }
0x65: {  	_ =	shalt  }
0x66: {  	_ =	shalt  }
0x67: {  	_ =	shalt  }
0x68: {  	_ =	shalt  }
0x69: {  	_ =	shalt  }
0x6a: {  	_ =	shalt  }
0x6b: {  	_ =	shalt  }
0x6c: {  	_ =	shalt  }
0x6d: {  	_ =	shalt  }
0x6e: {  	_ =	shalt  }
0x6f: {  	_ =	shalt  }
0x70: {  	_ =	shalt  }
0x71: {  	_ =	shalt  }
0x72: {  	_ =	shalt  }
0x73: {  	_ =	shalt  }
0x74: {  	_ =	shalt  }
0x75: {  	_ =	shalt  }
0x76: {  	_ =	shalt  }
0x77: {  	_ =	shalt  }
0x78: {  	_ =	shalt  }
0x79: {  	_ =	shalt  }
0x7a: {  	_ =	shalt  }
0x7b: {  	_ =	shalt  }
0x7c: {  	_ =	shalt  }
0x7d: {  	_ =	shalt  }
0x7e: {  	_ =	shalt  }
0x7f: {  	_ =	shalt  }
0x80: {  	_ =	shalt  }
0x81: {  	_ =	shalt  }
0x82: {  	_ =	shalt  }
0x83: {  	_ =	shalt  }
0x84: {  	_ =	shalt  }
0x85: {  	_ =	shalt  }
0x86: {  	_ =	shalt  }
0x87: {  	_ =	shalt  }
.Lfunc_end0:
.L_simem_size_0:
called_computation.6_lowered:
.L_overlay_start_0:
0x88: {  	s2 =	sld [smem:$0x3FD9]  }
0x89: {  	s3 =	sld [smem:$0x3FFE];
	_ =	sdelay $0x1  }
0x8a: {  	s1 =	srdreg.scid  }
0x8b: {  	s0 =	sand.u32 $0x1, s1  }
0x8c: {  	s16 =	sshll.u32 s0, $0xA;
	s2 =	sadd.s32 s3, s2  }
0x8d: {  	s2 =	sadd.s32 s2, s16  }
0x8e: {  	[smem:$0x3FAF] =	sst s2  }
0x8f: {  	_ = 	snop  }
0x90: {  	(tm) =	ssettm $0x1  }
0x91: {  	s17 =	sld [smem:$0x3FFB];
	_ =	sdelay $0x3  }
0x92: {  	_ =	strace s17  }
0x93: {  	s2 =	sld [smem:$0x3FFC];
	_ =	sdelay $0x3  }
0x94: {  	_ =	strace s2  }
0x95: {  	s2 =	sld [smem:$0x3FFD];
	_ =	sdelay $0x3  }
0x96: {  	_ =	strace s2  }
0x97: {  	_ =	strace $0x8FFFFFFF  }
0x98: {  	s18 =	sld [smem:$0x3FDB];
	_ =	sdelay $0x1  }
0x99: {  	s19 =	simm.s32 $_scs_section_size  }
0x9a: {  	s4 =	simm.s32 $_size__tile_overlayer_lowered;
	s5 =	simm.s32 $_tile_overlayer_lowered  }
0x9b: {  	s22 =	simm.s32 $0x1BFF;
	s21 =	sshll.u32 s5, $0x1;
	s2 =	sadd.s32 s19, s18  }
0x9c: {  	s6 =	simm.s32 $0x0;
	s20 =	sshll.u32 s4, $0x1;
	s4 =	sadd.s32 s21, s2  }
0x9d: {  	[timem:s6], [sflag:s22] =	dma.local [hbm:s4], s20  }
0x9e: {  	_ =	swait.ge [sflag:s22], s20  }
0x9f: {  	s3 =	ssub.s32 $0x0, s20;
	[sflag:s22] =	ssyncset.done $0x0  }
0xa0: {  	[sflag:s22] =	ssyncadd.s32 s3;
	_ =	sdelay $0x1  }
0xa1: {  	s23 =	simm.s32 $0x1B8B  }
0xa2: {  	_ =	swait.ge [sflag:s23], $0x1  }
0xa3: {  	[sflag:s23] =	ssyncset.done $0x0  }
0xa4: {  	s25 =	simm.s32 $0x1B8E;
	s24 =	sld [smem:$0x3FFE];
	[sflag:s23] =	ssyncadd.s32 $0xFFFFFFFF  }
0xa5: {  	s26 =	simm.s32 $execute0_lowered;
	[smem:$0x3FD2] =	sst s25  }
0xa6: {  	s4 =	sshll.u32 s26, $0x1;
	_ =	strace $0x80000058;
	[dreg:$0x1] =	wrdreg $0xFFFFFFFF  }
0xa7: {  	s28 =	simm.s32 $_size_execute0_lowered;
	s2 =	sadd.s32 s2, s4;
	[dreg:$0x0] =	wrdreg $0x0  }
0xa8: {  	s4 =	sshll.u32 s28, $0x1;
	[dreg:$0x2] =	wrdreg s2  }
0xa9: {  	[dreg:$0x3] =	wrdreg s4  }
0xaa: {  	[dreg:$0x4] =	wrdreg $0xC0  }
0xab: {  	_ =	task [dreg:s6], $0x5FFFF  }
0xac: {  	[dreg:$0x1] =	wrdreg $0xFFFFFFFF  }
0xad: {  	[dreg:$0x0] =	wrdreg $0x60  }
0xae: {  	[dreg:$0x2] =	wrdreg s24  }
0xaf: {  	[dreg:$0x3] =	wrdreg $0x9  }
0xb0: {  	_ =	task.clear_ibuf [dreg:s6], $0x4FFFF;
	_ =	strace $0x90000058  }
0xb1: {  	s29 =	simm.s32 $0x9;
	_ =	strace $0x8000005A  }
0xb2: {  	_ =	swait.ge [sflag:s29], $0x1  }
0xb3: {  	[sflag:s29] =	ssyncadd.s32 $0xFFFFFFFF  }
0xb4: {  	_ =	strace $0x9000005A  }
0xb5: {  	_ =	sfence  }
0xb6: {  	s30 =	sld [smem:$0x0];
	_ =	sdelay $0x2  }
0xb7: {  	s31 =	sshll.u32 s1, $0xD;
	s1 =	sshrl.u32 s1, $0x2  }
0xb8: {  	s3 =	sand.u32 $0x4000, s31;
	s1 =	sadd.s32 s1, s30  }
0xb9: {  	s0 =	sor.u32 s3, s0;
	s1 =	sshll.u32 s1, $0x11  }
0xba: {  	s0 =	sor.u32 s1, s0  }
0xbb: {  	s0 =	sadd.s32 $0x8F2B, s0  }
0xbc: {  	[sflag:s0] =	ssyncadd.remote.s32 $0x1  }
0xbd: {  	_ =	sfence.sel $0xFFFF  }
0xbe: {  	[dreg:$0x0] =	wrdreg $0xFFFFFFFF;
	(pc) =	sbr.abs _section_cstart, $3  }
0xbf: {  	[dreg:$0x1] =	wrdreg $0xFFFFFFFF  }
0xc0: {  	_ =	task.clear_ibuf [dreg:s6], $0x2FFFF;
	_ =	strace $0x9FFFFFFF  }
0xc1: {  	(tm) =	ssettm $0x7FFFFFFF  }
tec
execute0_lowered:
.L_overlay_start_1:
0x0: {  	(tag) =	ssettag $0x1  }
0x1: {  	s1 =	srdreg.scid;
	s0 =	stileid.u32  }
0x2: {  	s10 =	sand.u32 $0x1, s1;
	s26 =	sshll.u32 s0, $0x1  }
0x3: {  	s8 =	sor.u32 s10, s26  }
0x4: {  	s9 =	rddreg [dreg:$0x0];
	s11 =	smul.u32 $0x1610, s8  }
0x5: {  	s2 =	simm.s32 $0x0;
	s1 =	rddreg [dreg:$0x1]  }
0x6: {  	[smem:$0x7FF] =	sst s2;
	s12 =	sadd.s32 $0xE600, s9;
	s3 =	sshrl.u32 s11, $0x3  }
0x7: {  	_ =	strace $0x80000059;
	s4 =	sadd.s32 s12, s3;
	s3 =	simm.s32 $0x2  }
0x8: {  	[tilespmem:s2], [sflag:$0x2] =	stream.linear.gather [hbm4b:s4+s2], $0xB08, $0x38;
	[tilespmem:$0x16C08] =	vst v63  }
0x9: {  	_ =	swait.ge [sflag:s3], $0xB08  }
0xa: {  	s6 =	simm.s32 $0xB08;
	[sflag:s3] =	ssyncset.done $0x0  }
0xb: {  	s7 =	simm.s32 $0x1;
	s5 =	sadd.s32 $0x1DE00, s9;
	[sflag:s3] =	ssyncadd.s32 $0xFFFFF4F8  }
0xc: {  	[tilespmem:s6], [sflag:$0x1] =	stream.indirect.gather [hbm4b:s5+s6], $0x20, s2, s6, $0xb8;
	[tilespmem:$0x16C08] =	vst v63  }
0xd: {  	s8 =	smul.u32 $0x5840, s8;
	_ =	swait.ge [sflag:s7], $0x16100  }
0xe: {  	s13 =	sadd.s32 $0x99400, s9;
	[sflag:s7] =	ssyncset.done $0x0  }
0xf: {  	s8 =	sadd.s32 s13, s8;
	[sflag:s7] =	ssyncadd.s32 $0xFFFE9F00  }
0x10: {  	[hbm4b:s8+s2] =	stream.linear.scatter [tilespmem:s6], [sflag:$0x2], $0x16100, $0x38;
	[tilespmem:$0x16C08] =	vst v63  }
0x11: {  	s11 =	sadd.s32 $0xB08, s11;
	_ =	swait.ge [sflag:s3], $0x16100  }
0x12: {  	s28 =	sshrl.u32 s11, $0x3;
	[sflag:s3] =	ssyncset.done $0x0  }
0x13: {  	s10 =	ssub.s32 $0x2, s10;
	s9 =	sadd.s32 s12, s28;
	[sflag:s3] =	ssyncadd.s32 $0xFFFE9F00  }
0x14: {  	[tilespmem:s2], [sflag:$0x2] =	stream.linear.gather [hbm4b:s9+s2], $0xB08, $0x38;
	[tilespmem:$0x16C08] =	vst v63  }
0x15: {  	s29 =	sshrl.u32 s10, $0x1;
	_ =	swait.ge [sflag:s3], $0xB08  }
0x16: {  	s12 =	ssub.s32 s10, s29;
	[sflag:s3] =	ssyncset.done $0x0  }
0x17: {  	s31 =	smax.u32 s12, $0x1;
	[sflag:s3] =	ssyncadd.s32 $0xFFFFF4F8  }
0x18: {  	[tilespmem:s6], [sflag:$0x1] =	stream.indirect.gather [hbm4b:s5+s6], $0x20, s2, s6, $0xb8;
	[tilespmem:$0x16C08] =	vst v63  }
0x19: {  	p0 =	sne.s32 s31, $0x1;
	_ =	swait.ge [sflag:s7], $0x16100  }
.Ltmp0:
0x1a: {  	s30 =	sshll.u32 s11, $0x2;
	[sflag:s7] =	ssyncset.done $0x0;
	(pc) =	sbr.rel @!p0 .LBB2_2-.Ltmp0, $4  }
0x1b: {  	s10 =	sadd.s32 s13, s30;
	[sflag:s7] =	ssyncadd.s32 $0xFFFE9F00  }
0x1c: {  	[hbm4b:s10+s2] =	stream.linear.scatter [tilespmem:s6], [sflag:$0x2], $0x16100, $0x38;
	[tilespmem:$0x16C08] =	vst v63  }
0x1d: {  	_ =	swait.ge [sflag:s3], $0x16100  }
0x1e: {  	s11 =	sadd.s32 $0xFFFFFFFF, s31;
	[sflag:s3] =	ssyncset.done $0x0  }
.LBB2_1:
0x1f: {  	p0 =	sne.s32 s11, $0x1;
	s11 =	sadd.s32 $0xFFFFFFFF, s11;
	[sflag:s3] =	ssyncadd.s32 $0xFFFE9F00  }
0x20: {  	[tilespmem:s2], [sflag:$0x2] =	stream.linear.gather [hbm4b:s4+s2], $0xB08, $0x38;
	[tilespmem:$0x16C08] =	vst v63  }
0x21: {  	_ =	swait.ge [sflag:s3], $0xB08  }
0x22: {  	[sflag:s3] =	ssyncset.done $0x0  }
0x23: {  	[sflag:s3] =	ssyncadd.s32 $0xFFFFF4F8  }
0x24: {  	[tilespmem:s6], [sflag:$0x1] =	stream.indirect.gather [hbm4b:s5+s6], $0x20, s2, s6, $0xb8;
	[tilespmem:$0x16C08] =	vst v63  }
0x25: {  	_ =	swait.ge [sflag:s7], $0x16100  }
0x26: {  	[sflag:s7] =	ssyncset.done $0x0  }
0x27: {  	[sflag:s7] =	ssyncadd.s32 $0xFFFE9F00  }
0x28: {  	[hbm4b:s8+s2] =	stream.linear.scatter [tilespmem:s6], [sflag:$0x2], $0x16100, $0x38;
	[tilespmem:$0x16C08] =	vst v63  }
0x29: {  	_ =	swait.ge [sflag:s3], $0x16100  }
0x2a: {  	[sflag:s3] =	ssyncset.done $0x0  }
0x2b: {  	[sflag:s3] =	ssyncadd.s32 $0xFFFE9F00  }
0x2c: {  	[tilespmem:s2], [sflag:$0x2] =	stream.linear.gather [hbm4b:s9+s2], $0xB08, $0x38;
	[tilespmem:$0x16C08] =	vst v63  }
0x2d: {  	_ =	swait.ge [sflag:s3], $0xB08  }
0x2e: {  	[sflag:s3] =	ssyncset.done $0x0  }
0x2f: {  	[sflag:s3] =	ssyncadd.s32 $0xFFFFF4F8  }
0x30: {  	[tilespmem:s6], [sflag:$0x1] =	stream.indirect.gather [hbm4b:s5+s6], $0x20, s2, s6, $0xb8;
	[tilespmem:$0x16C08] =	vst v63  }
0x31: {  	_ =	swait.ge [sflag:s7], $0x16100  }
.Ltmp1:
0x32: {  	[sflag:s7] =	ssyncset.done $0x0;
	(pc) =	sbr.rel @p0 .LBB2_1-.Ltmp1, $4  }
0x33: {  	[sflag:s7] =	ssyncadd.s32 $0xFFFE9F00  }
0x34: {  	[hbm4b:s10+s2] =	stream.linear.scatter [tilespmem:s6], [sflag:$0x2], $0x16100, $0x38;
	[tilespmem:$0x16C08] =	vst v63  }
0x35: {  	_ =	swait.ge [sflag:s3], $0x16100  }
0x36: {  	[sflag:s3] =	ssyncset.done $0x0  }
.LBB2_2:
0x37: {  	[sflag:s3] =	ssyncadd.s32 $0xFFFE9F00  }
0x38: {  	_ =	sfence.sel $0x180000  }
0x39: {  	[bflag:$0x0] =	sbarrier.arrive $0xFFFF  }
0x3a: {  	p0 =	sne.s32 s0, $0x0;
	_ =	strace $0x90000059  }
0x3b: {  	s0 =	sadd.s32 @!p0 $0x100000, s1;
	[bflag:$0x2] =	sbarrier.arrive $0xFFFF  }
0x3c: {  	[sflag:s0] =	ssyncadd.tile.s32 @!p0 $0x1;
	_ =	shalt  }
.Lfunc_end2:
_tile_overlayer_lowered:
.L_overlay_start_2:
0x3d: {  	(tag) =	ssettag $0x2  }
0x3e: {  	s0 =	rddreg [dreg:$0x0];
	s2 =	stileid.u32  }
0x3f: {  	s1 =	rddreg [dreg:$0x1];
	p0 =	sne.s32 s2, $0x0  }
0x40: {  	s3 =	rddreg [dreg:$0x2];
	[bflag:$0x3] =	sbarrier.arrive $0xFFFF;
	s2 =	simm.s32 @!p0 $0x1C02  }
0x41: {  	[timem:s3], [sflag:s2] =	dma.local @!p0 [hbm:s0], s1  }
0x42: {  	s0 =	simm.s32 @!p0 $0x2  }
0x43: {  	_ =	swait.ge @!p0 [sflag:s0], s1  }
0x44: {  	s1 =	ssub.s32 @!p0 $0x0, s1;
	[sflag:s0] =	ssyncset.done @!p0 $0x0  }
0x45: {  	[sflag:s0] =	ssyncadd.s32 @!p0 s1  }
0x46: {  	[bflag:$0x3] =	sbarrier.arrive $0xFFFF  }
0x47: {  	_ =	shalt  }

// kernel: kernel.45.cloned.1.call-start
scs
__scs_entry_jumppad:
0x0: {  	(pc) =	sbr.rel $0x88, $3  }
0x1: {  	(tag) =	ssettag $0x0;
	lr =	simm.s32 $0x1  }
0x2: {  	[smem:$0x3F88] =	sst lr;
	_ =	strace $0xD0000000  }
0x3: {  	_ = 	snop  }
0x4: {  	_ = 	snop  }
0x5: {  	_ = 	snop  }
0x6: {  	_ = 	snop  }
0x7: {  	_ = 	snop  }
__scs_overlays_trampoline_lowered:
0x8: {  	[smem:$0x3F97] =	sst s0  }
0x9: {  	[smem:$0x3F98] =	sst s1  }
0xa: {  	[smem:$0x3F99] =	sst s2  }
0xb: {  	[smem:$0x3F9A] =	sst s3  }
0xc: {  	[smem:$0x3F9B] =	sst s4  }
0xd: {  	[smem:$0x3F9C] =	sst s5  }
0xe: {  	[smem:$0x3F9D] =	sst s6  }
0xf: {  	[smem:$0x3F9E] =	sst s7  }
0x10: {  	[smem:$0x3F9F] =	sst s8  }
0x11: {  	[smem:$0x3FA0] =	sst s9;
	s0 =	simm.s32 @!p0 $0x0  }
0x12: {  	s1 =	sld [smem:$0x3F86];
	s0 =	simm.s32 @p0 $0x1  }
0x13: {  	[smem:$0x3FA1] =	sst s0;
	s0 =	simm.s32 @!p1 $0x0  }
0x14: {  	s2 =	sld [smem:$0x3F85];
	s0 =	simm.s32 @p1 $0x1  }
0x15: {  	[smem:$0x3FA2] =	sst s0;
	s0 =	simm.s32 @!p2 $0x0  }
0x16: {  	s3 =	sld [smem:$0x3FDB];
	s0 =	simm.s32 @p2 $0x1  }
0x17: {  	s4 =	simm.s32 $0x1BF5;
	[smem:$0x3FA4] =	sst s0  }
0x18: {  	s0 =	sld [smem:$0x3F87];
	_ =	swait.ge [sflag:s4], $0x0  }
0x19: {  	s7 =	sld [smem:$0x3F88]  }
0x1a: {  	s8 =	sadd.s32 $0xFFFFE003, lr  }
0x1b: {  	s9 =	sadd.s32 $0xFFFFFEF7, lr;
	s5 =	simm.s32 $0xFFFFFFFF;
	p2 =	slt.u32 s8, $0xFFFFF086  }
0x1c: {  	p1 =	slt.u32 s9, $0xF7A;
	s5 =	simm.s32 @!p2 $0x0  }
0x1d: {  	s5 =	simm.s32 @p1 $0x1;
	p0 =	seq.s32 s7, s2  }
0x1e: {  	s7 =	smul.u32 @!p0 $0xF7A, s2;
	p2 =	seq.s32 @!p0 s5, $0x0  }
0x1f: {  	s9 =	smul.u32 $0xF7A, s1;
	s8 =	simm.s32 @!p0 $0x1BF5;
	p2 =	por !p2, p0  }
0x20: {  	[sflag:s8] =	ssyncset.s32 @!p0 $0xFFFFF086;
	s6 =	sadd.s32 @!p0 s3, s7;
	s7 =	simm.s32 @!p0 $0x108  }
0x21: {  	s3 =	sadd.s32 s3, s9;
	s6 =	sadd.s32 @!p0 $0x88, s6;
	s7 =	simm.s32 @p2 $0x1082  }
0x22: {  	[simem:s7], [sflag:s8] =	dma.local @!p0 [hbm:s6], $0xF7A  }
0x23: {  	s9 =	sor.u32 $0xD0000000, s2;
	s6 =	simm.s32 $0x108;
	_ =	swait.ge @!p0 [sflag:s8], $0x0  }
0x24: {  	s3 =	sadd.s32 $0x88, s3;
	s6 =	simm.s32 @!p1 $0x1082;
	[sflag:s4] =	ssyncset.s32 $0xFFFFF086  }
0x25: {  	[simem:s6], [sflag:s4] =	dma.local [hbm:s3], $0xF7A  }
0x26: {  	[smem:$0x3F88] =	sst s1;
	(tag) =	ssettag s2;
	_ =	strace s9  }
0x27: {  	s1 =	sld [smem:$0x3F98]  }
0x28: {  	s2 =	sld [smem:$0x3F99]  }
0x29: {  	s4 =	sld [smem:$0x3F9B]  }
0x2a: {  	p0 =	seq.s32 s5, $0x0;
	s5 =	sld [smem:$0x3F9C]  }
0x2b: {  	s6 =	sld [smem:$0x3F9D]  }
0x2c: {  	s7 =	sld [smem:$0x3F9E]  }
0x2d: {  	s3 =	simm.s32 $0x108;
	s8 =	sld [smem:$0x3F9F]  }
0x2e: {  	s3 =	simm.s32 @!p0 $0x1082;
	s9 =	sld [smem:$0x3FA0]  }
0x2f: {  	lr =	sadd.s32 s0, s3;
	s0 =	sld [smem:$0x3F97]  }
0x30: {  	s3 =	sld [smem:$0x3F9A]  }
0x31: {  	[smem:$0x3FA3] =	sst s10  }
0x32: {  	s10 =	sld [smem:$0x3FA1];
	_ =	sdelay $0x3  }
0x33: {  	p0 =	seq.s32 s10, $0x1;
	s10 =	sld [smem:$0x3FA3];
	_ =	sdelay $0x3  }
0x34: {  	[smem:$0x3FA3] =	sst s10  }
0x35: {  	s10 =	sld [smem:$0x3FA2];
	_ =	sdelay $0x3  }
0x36: {  	p1 =	seq.s32 s10, $0x1;
	s10 =	sld [smem:$0x3FA3];
	_ =	sdelay $0x3  }
0x37: {  	[smem:$0x3FA3] =	sst s10  }
0x38: {  	s10 =	sld [smem:$0x3FA4]  }
0x39: {  	_ = 	snop;
	(pc) =	sbr.ind lr, $3  }
0x3a: {  	_ = 	snop  }
0x3b: {  	_ = 	snop  }
0x3c: {  	p2 =	seq.s32 s10, $0x1;
	s10 =	sld [smem:$0x3FA3]  }
0x3d: {  	_ =	shalt  }
0x3e: {  	_ =	shalt  }
0x3f: {  	_ =	shalt  }
0x40: {  	_ =	shalt  }
0x41: {  	_ =	shalt  }
0x42: {  	_ =	shalt  }
0x43: {  	_ =	shalt  }
0x44: {  	_ =	shalt  }
0x45: {  	_ =	shalt  }
0x46: {  	_ =	shalt  }
0x47: {  	_ =	shalt  }
0x48: {  	_ =	shalt  }
0x49: {  	_ =	shalt  }
0x4a: {  	_ =	shalt  }
0x4b: {  	_ =	shalt  }
0x4c: {  	_ =	shalt  }
0x4d: {  	_ =	shalt  }
0x4e: {  	_ =	shalt  }
0x4f: {  	_ =	shalt  }
0x50: {  	_ =	shalt  }
0x51: {  	_ =	shalt  }
0x52: {  	_ =	shalt  }
0x53: {  	_ =	shalt  }
0x54: {  	_ =	shalt  }
0x55: {  	_ =	shalt  }
0x56: {  	_ =	shalt  }
0x57: {  	_ =	shalt  }
0x58: {  	_ =	shalt  }
0x59: {  	_ =	shalt  }
0x5a: {  	_ =	shalt  }
0x5b: {  	_ =	shalt  }
0x5c: {  	_ =	shalt  }
0x5d: {  	_ =	shalt  }
0x5e: {  	_ =	shalt  }
0x5f: {  	_ =	shalt  }
0x60: {  	_ =	shalt  }
0x61: {  	_ =	shalt  }
0x62: {  	_ =	shalt  }
0x63: {  	_ =	shalt  }
0x64: {  	_ =	shalt  }
0x65: {  	_ =	shalt  }
0x66: {  	_ =	shalt  }
0x67: {  	_ =	shalt  }
0x68: {  	_ =	shalt  }
0x69: {  	_ =	shalt  }
0x6a: {  	_ =	shalt  }
0x6b: {  	_ =	shalt  }
0x6c: {  	_ =	shalt  }
0x6d: {  	_ =	shalt  }
0x6e: {  	_ =	shalt  }
0x6f: {  	_ =	shalt  }
0x70: {  	_ =	shalt  }
0x71: {  	_ =	shalt  }
0x72: {  	_ =	shalt  }
0x73: {  	_ =	shalt  }
0x74: {  	_ =	shalt  }
0x75: {  	_ =	shalt  }
0x76: {  	_ =	shalt  }
0x77: {  	_ =	shalt  }
0x78: {  	_ =	shalt  }
0x79: {  	_ =	shalt  }
0x7a: {  	_ =	shalt  }
0x7b: {  	_ =	shalt  }
0x7c: {  	_ =	shalt  }
0x7d: {  	_ =	shalt  }
0x7e: {  	_ =	shalt  }
0x7f: {  	_ =	shalt  }
0x80: {  	_ =	shalt  }
0x81: {  	_ =	shalt  }
0x82: {  	_ =	shalt  }
0x83: {  	_ =	shalt  }
0x84: {  	_ =	shalt  }
0x85: {  	_ =	shalt  }
0x86: {  	_ =	shalt  }
0x87: {  	_ =	shalt  }
.Lfunc_end0:
.L_simem_size_0:
called_computation.7_lowered:
.L_overlay_start_0:
0x88: {  	s2 =	sld [smem:$0x3FD9]  }
0x89: {  	s3 =	sld [smem:$0x3FFE];
	_ =	sdelay $0x1  }
0x8a: {  	s1 =	srdreg.scid  }
0x8b: {  	s0 =	sand.u32 $0x1, s1  }
0x8c: {  	s16 =	sshll.u32 s0, $0xA;
	s2 =	sadd.s32 s3, s2  }
0x8d: {  	s2 =	sadd.s32 s2, s16  }
0x8e: {  	[smem:$0x3FAF] =	sst s2  }
0x8f: {  	_ = 	snop  }
0x90: {  	(tm) =	ssettm $0x1  }
0x91: {  	s17 =	sld [smem:$0x3FFB];
	_ =	sdelay $0x3  }
0x92: {  	_ =	strace s17  }
0x93: {  	s2 =	sld [smem:$0x3FFC];
	_ =	sdelay $0x3  }
0x94: {  	_ =	strace s2  }
0x95: {  	s2 =	sld [smem:$0x3FFD];
	_ =	sdelay $0x3  }
0x96: {  	_ =	strace s2  }
0x97: {  	_ =	strace $0x8FFFFFFF  }
0x98: {  	s18 =	sld [smem:$0x3FDB];
	_ =	sdelay $0x1  }
0x99: {  	s19 =	simm.s32 $_scs_section_size  }
0x9a: {  	s4 =	simm.s32 $_size__tile_overlayer_lowered;
	s5 =	simm.s32 $_tile_overlayer_lowered  }
0x9b: {  	s22 =	simm.s32 $0x1BFF;
	s21 =	sshll.u32 s5, $0x1;
	s2 =	sadd.s32 s19, s18  }
0x9c: {  	s6 =	simm.s32 $0x0;
	s20 =	sshll.u32 s4, $0x1;
	s4 =	sadd.s32 s21, s2  }
0x9d: {  	[timem:s6], [sflag:s22] =	dma.local [hbm:s4], s20  }
0x9e: {  	_ =	swait.ge [sflag:s22], s20  }
0x9f: {  	s3 =	ssub.s32 $0x0, s20;
	[sflag:s22] =	ssyncset.done $0x0  }
0xa0: {  	[sflag:s22] =	ssyncadd.s32 s3;
	_ =	sdelay $0x1  }
0xa1: {  	s23 =	simm.s32 $0x1B8B  }
0xa2: {  	_ =	swait.ge [sflag:s23], $0x1  }
0xa3: {  	[sflag:s23] =	ssyncset.done $0x0  }
0xa4: {  	s25 =	simm.s32 $0x1B8E;
	s24 =	sld [smem:$0x3FFE];
	[sflag:s23] =	ssyncadd.s32 $0xFFFFFFFF  }
0xa5: {  	s26 =	simm.s32 $execute0_lowered;
	[smem:$0x3FD2] =	sst s25  }
0xa6: {  	s4 =	sshll.u32 s26, $0x1;
	_ =	strace $0x8000005B;
	[dreg:$0x1] =	wrdreg $0xFFFFFFFF  }
0xa7: {  	s28 =	simm.s32 $_size_execute0_lowered;
	s2 =	sadd.s32 s2, s4;
	[dreg:$0x0] =	wrdreg $0x0  }
0xa8: {  	s4 =	sshll.u32 s28, $0x1;
	[dreg:$0x2] =	wrdreg s2  }
0xa9: {  	[dreg:$0x3] =	wrdreg s4  }
0xaa: {  	[dreg:$0x4] =	wrdreg $0xC0  }
0xab: {  	_ =	task [dreg:s6], $0x5FFFF  }
0xac: {  	[dreg:$0x1] =	wrdreg $0xFFFFFFFF  }
0xad: {  	[dreg:$0x0] =	wrdreg $0x60  }
0xae: {  	[dreg:$0x2] =	wrdreg s24  }
0xaf: {  	[dreg:$0x3] =	wrdreg $0x16C080  }
0xb0: {  	[dreg:$0x4] =	wrdreg $0x9  }
0xb1: {  	_ =	task.clear_ibuf [dreg:s6], $0x5FFFF;
	_ =	strace $0x9000005B  }
0xb2: {  	s29 =	simm.s32 $0x9;
	_ =	strace $0x8000005D  }
0xb3: {  	_ =	swait.ge [sflag:s29], $0x1  }
0xb4: {  	[sflag:s29] =	ssyncadd.s32 $0xFFFFFFFF  }
0xb5: {  	_ =	strace $0x9000005D  }
0xb6: {  	_ =	sfence  }
0xb7: {  	s30 =	sld [smem:$0x0];
	_ =	sdelay $0x2  }
0xb8: {  	s31 =	sshll.u32 s1, $0xD;
	s1 =	sshrl.u32 s1, $0x2  }
0xb9: {  	s3 =	sand.u32 $0x4000, s31;
	s1 =	sadd.s32 s1, s30  }
0xba: {  	s0 =	sor.u32 s3, s0;
	s1 =	sshll.u32 s1, $0x11  }
0xbb: {  	s0 =	sor.u32 s1, s0  }
0xbc: {  	s0 =	sadd.s32 $0x8F2B, s0  }
0xbd: {  	[sflag:s0] =	ssyncadd.remote.s32 $0x1  }
0xbe: {  	_ =	sfence.sel $0xFFFF  }
0xbf: {  	[dreg:$0x0] =	wrdreg $0xFFFFFFFF;
	(pc) =	sbr.abs _section_cstart, $3  }
0xc0: {  	[dreg:$0x1] =	wrdreg $0xFFFFFFFF  }
0xc1: {  	_ =	task.clear_ibuf [dreg:s6], $0x2FFFF;
	_ =	strace $0x9FFFFFFF  }
0xc2: {  	(tm) =	ssettm $0x7FFFFFFF  }
0xc3: {  	_ =	shalt  }
tec
execute0_lowered:
.L_overlay_start_1:
0x0: {  	(tag) =	ssettag $0x1  }
0x1: {  	s14 =	rddreg [dreg:$0x0]  }
0x2: {  	s2 =	rddreg [dreg:$0x1];
	s1 =	stileid.u32  }
0x3: {  	s0 =	rddreg [dreg:$0x2];
	s3 =	simm.s32 $0x0;
	s4 =	srdreg.scid  }
0x4: {  	s15 =	smul.u32 $0x4E40, s1;
	[smem:$0x7FF] =	sst s3  }
0x5: {  	s16 =	sand.u32 $0x1, s4;
	s25 =	sshll.u32 s1, $0x1;
	s26 =	sshll.u32 s1, $0x6  }
0x6: {  	_ =	strace $0x8000005C;
	s5 =	sshrl.u32 s15, $0x3;
	s6 =	sadd.s32 s15, s2  }
0x7: {  	s10 =	sor.u32 s16, s25;
	s5 =	sadd.s32 s5, s14;
	s7 =	sshrl.u32 s6, $0x3  }
0x8: {  	s6 =	simm.s32 $0x1;
	s4 =	sadd.s32 $0x14000, s5;
	s5 =	sor.u32 $0x1C01, s26  }
0x9: {  	[spmem:s7], [sflag:s5] =	dma.local [hbm:s4], $0x9C8  }
0xa: {  	s12 =	smul.u32 $0x1610, s10;
	_ =	swait.ge [sflag:s6], $0x9C8  }
0xb: {  	[sflag:s6] =	ssyncset.done $0x0  }
0xc: {  	s13 =	sadd.s32 $0x8C00, s14;
	s8 =	sshrl.u32 s12, $0x3;
	[sflag:s6] =	ssyncadd.s32 $0xFFFFF638  }
0xd: {  	s9 =	simm.s32 $0x16100;
	s8 =	sadd.s32 s13, s8;
	[bflag:$0x0] =	sbarrier.arrive $0xFFFF  }
0xe: {  	[tilespmem:s9], [sflag:$0x1] =	stream.linear.gather [hbm4b:s8+s3], $0xB08, $0x38;
	[tilespmem:$0x1BA48] =	vst v63  }
0xf: {  	s10 =	smul.u32 $0x5840, s10;
	_ =	swait.ge [sflag:s6], $0xB08  }
0x10: {  	s17 =	sadd.s32 $0x99400, s14;
	[sflag:s6] =	ssyncset.done $0x0  }
0x11: {  	s10 =	sadd.s32 s17, s10;
	[sflag:s6] =	ssyncadd.s32 $0xFFFFF4F8  }
0x12: {  	[tilespmem:s3], [sflag:$0x1] =	stream.linear.gather [hbm4b:s10+s3], $0x16100, $0x38;
	[tilespmem:$0x1BA48] =	vst v63  }
0x13: {  	_ =	swait.ge [sflag:s6], $0x16100  }
0x14: {  	[sflag:s6] =	ssyncset.done $0x0  }
0x15: {  	s11 =	simm.s32 $0xB08;
	[sflag:s6] =	ssyncadd.s32 $0xFFFE9F00  }
0x16: {  	[spmem:s2] =	stream.indirect.scatter.add.f32 [tilespmem:s3], [sflag:$0x1], $0x20, s9, s11, $0xb8;
	[tilespmem:$0x1BA48] =	vst v63  }
0x17: {  	s18 =	sadd.s32 $0xB08, s12;
	_ =	swait.ge [sflag:s6], $0x16100  }
0x18: {  	s12 =	sshrl.u32 s18, $0x3;
	[sflag:s6] =	ssyncset.done $0x0  }
0x19: {  	s12 =	sadd.s32 s13, s12;
	[sflag:s6] =	ssyncadd.s32 $0xFFFE9F00  }
0x1a: {  	[tilespmem:s9], [sflag:$0x1] =	stream.linear.gather [hbm4b:s12+s3], $0xB08, $0x38;
	[tilespmem:$0x1BA48] =	vst v63  }
0x1b: {  	_ =	swait.ge [sflag:s6], $0xB08  }
0x1c: {  	s28 =	sshll.u32 s18, $0x2;
	[sflag:s6] =	ssyncset.done $0x0  }
0x1d: {  	s29 =	smul.u32 $0x4E400, s16;
	s13 =	sadd.s32 s17, s28;
	[sflag:s6] =	ssyncadd.s32 $0xFFFFF4F8  }
0x1e: {  	[tilespmem:s3], [sflag:$0x1] =	stream.linear.gather [hbm4b:s13+s3], $0x16100, $0x38;
	[tilespmem:$0x1BA48] =	vst v63  }
0x1f: {  	s16 =	ssub.s32 $0x2, s16;
	_ =	swait.ge [sflag:s6], $0x16100  }
0x20: {  	s30 =	sshrl.u32 s16, $0x1;
	s15 =	sadd.s32 s15, s29;
	[sflag:s6] =	ssyncset.done $0x0  }
0x21: {  	s31 =	ssub.s32 s16, s30;
	s15 =	sshrl.u32 s15, $0x3;
	[sflag:s6] =	ssyncadd.s32 $0xFFFE9F00  }
0x22: {  	[spmem:s2] =	stream.indirect.scatter.add.f32 [tilespmem:s3], [sflag:$0x1], $0x20, s9, s11, $0xb8;
	[tilespmem:$0x1BA48] =	vst v63  }
0x23: {  	s14 =	sadd.s32 s15, s14;
	s15 =	smax.u32 s31, $0x1;
	_ =	swait.ge [sflag:s6], $0x16100  }
0x24: {  	p0 =	sne.s32 s15, $0x1;
	[sflag:s6] =	ssyncset.done $0x0  }
.Ltmp0:
0x25: {  	[sflag:s6] =	ssyncadd.s32 $0xFFFE9F00;
	(pc) =	sbr.rel @!p0 .LBB2_2-.Ltmp0, $4  }
0x26: {  	s14 =	sadd.s32 $0x32800, s14;
	[bflag:$0x0] =	sbarrier.arrive $0xFFFF  }
0x27: {  	[hbm:s14], [sflag:s5] =	dma.local [spmem:s7], $0x9C8  }
0x28: {  	_ =	swait.ge [sflag:s6], $0x9C8  }
0x29: {  	s15 =	sadd.s32 $0xFFFFFFFF, s15;
	[sflag:s6] =	ssyncset.done $0x0  }
.LBB2_1:
0x2a: {  	p0 =	sne.s32 s15, $0x1;
	s15 =	sadd.s32 $0xFFFFFFFF, s15;
	[sflag:s6] =	ssyncadd.s32 $0xFFFFF638  }
0x2b: {  	[spmem:s7], [sflag:s5] =	dma.local [hbm:s4], $0x9C8  }
0x2c: {  	_ =	swait.ge [sflag:s6], $0x9C8  }
0x2d: {  	[sflag:s6] =	ssyncset.done $0x0  }
0x2e: {  	[sflag:s6] =	ssyncadd.s32 $0xFFFFF638  }
0x2f: {  	[bflag:$0x0] =	sbarrier.arrive $0xFFFF  }
0x30: {  	[tilespmem:s9], [sflag:$0x1] =	stream.linear.gather [hbm4b:s8+s3], $0xB08, $0x38;
	[tilespmem:$0x1BA48] =	vst v63  }
0x31: {  	_ =	swait.ge [sflag:s6], $0xB08  }
0x32: {  	[sflag:s6] =	ssyncset.done $0x0  }
0x33: {  	[sflag:s6] =	ssyncadd.s32 $0xFFFFF4F8  }
0x34: {  	[tilespmem:s3], [sflag:$0x1] =	stream.linear.gather [hbm4b:s10+s3], $0x16100, $0x38;
	[tilespmem:$0x1BA48] =	vst v63  }
0x35: {  	_ =	swait.ge [sflag:s6], $0x16100  }
0x36: {  	[sflag:s6] =	ssyncset.done $0x0  }
0x37: {  	[sflag:s6] =	ssyncadd.s32 $0xFFFE9F00  }
0x38: {  	[spmem:s2] =	stream.indirect.scatter.add.f32 [tilespmem:s3], [sflag:$0x1], $0x20, s9, s11, $0xb8;
	[tilespmem:$0x1BA48] =	vst v63  }
0x39: {  	_ =	swait.ge [sflag:s6], $0x16100  }
0x3a: {  	[sflag:s6] =	ssyncset.done $0x0  }
0x3b: {  	[sflag:s6] =	ssyncadd.s32 $0xFFFE9F00  }
0x3c: {  	[tilespmem:s9], [sflag:$0x1] =	stream.linear.gather [hbm4b:s12+s3], $0xB08, $0x38;
	[tilespmem:$0x1BA48] =	vst v63  }
0x3d: {  	_ =	swait.ge [sflag:s6], $0xB08  }
0x3e: {  	[sflag:s6] =	ssyncset.done $0x0  }
0x3f: {  	[sflag:s6] =	ssyncadd.s32 $0xFFFFF4F8  }
0x40: {  	[tilespmem:s3], [sflag:$0x1] =	stream.linear.gather [hbm4b:s13+s3], $0x16100, $0x38;
	[tilespmem:$0x1BA48] =	vst v63  }
0x41: {  	_ =	swait.ge [sflag:s6], $0x16100  }
0x42: {  	[sflag:s6] =	ssyncset.done $0x0  }
0x43: {  	[sflag:s6] =	ssyncadd.s32 $0xFFFE9F00  }
0x44: {  	[spmem:s2] =	stream.indirect.scatter.add.f32 [tilespmem:s3], [sflag:$0x1], $0x20, s9, s11, $0xb8;
	[tilespmem:$0x1BA48] =	vst v63  }
0x45: {  	_ =	swait.ge [sflag:s6], $0x16100  }
0x46: {  	[sflag:s6] =	ssyncset.done $0x0  }
.Ltmp1:
0x47: {  	[sflag:s6] =	ssyncadd.s32 $0xFFFE9F00;
	(pc) =	sbr.rel @p0 .LBB2_1-.Ltmp1, $4  }
0x48: {  	[bflag:$0x0] =	sbarrier.arrive $0xFFFF  }
0x49: {  	[hbm:s14], [sflag:s5] =	dma.local [spmem:s7], $0x9C8  }
0x4a: {  	_ =	swait.ge [sflag:s6], $0x9C8  }
0x4b: {  	[sflag:s6] =	ssyncset.done $0x0  }
.LBB2_2:
0x4c: {  	[sflag:s6] =	ssyncadd.s32 $0xFFFFF638  }
0x4d: {  	_ =	sfence.sel $0x180000  }
0x4e: {  	[bflag:$0x0] =	sbarrier.arrive $0xFFFF  }
0x4f: {  	p0 =	sne.s32 s1, $0x0;
	_ =	strace $0x9000005C  }
0x50: {  	s0 =	sadd.s32 @!p0 $0x100000, s0;
	[bflag:$0x2] =	sbarrier.arrive $0xFFFF  }
0x51: {  	[sflag:s0] =	ssyncadd.tile.s32 @!p0 $0x1;
	_ =	shalt  }
.Lfunc_end2:
_tile_overlayer_lowered:
.L_overlay_start_2:
0x52: {  	(tag) =	ssettag $0x2  }
0x53: {  	s0 =	rddreg [dreg:$0x0];
	s2 =	stileid.u32  }
0x54: {  	s1 =	rddreg [dreg:$0x1];
	p0 =	sne.s32 s2, $0x0  }
0x55: {  	s3 =	rddreg [dreg:$0x2];
	[bflag:$0x3] =	sbarrier.arrive $0xFFFF;
	s2 =	simm.s32 @!p0 $0x1C01  }
0x56: {  	[timem:s3], [sflag:s2] =	dma.local @!p0 [hbm:s0], s1  }
0x57: {  	s0 =	simm.s32 @!p0 $0x1  }
0x58: {  	_ =	swait.ge @!p0 [sflag:s0], s1  }
0x59: {  	s1 =	ssub.s32 @!p0 $0x0, s1;
	[sflag:s0] =	ssyncset.done @!p0 $0x0  }
0x5a: {  	[sflag:s0] =	ssyncadd.s32 @!p0 s1  }
0x5b: {  	[bflag:$0x3] =	sbarrier.arrive $0xFFFF  }
0x5c: {  	_ =	shalt  }

// kernel: kernel.48.cloned.1.call-start
scs
__scs_entry_jumppad:
0x0: {  	(pc) =	sbr.rel $0x88, $3  }
0x1: {  	(tag) =	ssettag $0x0;
	lr =	simm.s32 $0x1  }
0x2: {  	[smem:$0x3F88] =	sst lr;
	_ =	strace $0xD0000000  }
0x3: {  	_ = 	snop  }
0x4: {  	_ = 	snop  }
0x5: {  	_ = 	snop  }
0x6: {  	_ = 	snop  }
0x7: {  	_ = 	snop  }
__scs_overlays_trampoline_lowered:
0x8: {  	[smem:$0x3F97] =	sst s0  }
0x9: {  	[smem:$0x3F98] =	sst s1  }
0xa: {  	[smem:$0x3F99] =	sst s2  }
0xb: {  	[smem:$0x3F9A] =	sst s3  }
0xc: {  	[smem:$0x3F9B] =	sst s4  }
0xd: {  	[smem:$0x3F9C] =	sst s5  }
0xe: {  	[smem:$0x3F9D] =	sst s6  }
0xf: {  	[smem:$0x3F9E] =	sst s7  }
0x10: {  	[smem:$0x3F9F] =	sst s8  }
0x11: {  	[smem:$0x3FA0] =	sst s9;
	s0 =	simm.s32 @!p0 $0x0  }
0x12: {  	s1 =	sld [smem:$0x3F86];
	s0 =	simm.s32 @p0 $0x1  }
0x13: {  	[smem:$0x3FA1] =	sst s0;
	s0 =	simm.s32 @!p1 $0x0  }
0x14: {  	s2 =	sld [smem:$0x3F85];
	s0 =	simm.s32 @p1 $0x1  }
0x15: {  	[smem:$0x3FA2] =	sst s0;
	s0 =	simm.s32 @!p2 $0x0  }
0x16: {  	s3 =	sld [smem:$0x3FDB];
	s0 =	simm.s32 @p2 $0x1  }
0x17: {  	s4 =	simm.s32 $0x1BF5;
	[smem:$0x3FA4] =	sst s0  }
0x18: {  	s0 =	sld [smem:$0x3F87];
	_ =	swait.ge [sflag:s4], $0x0  }
0x19: {  	s7 =	sld [smem:$0x3F88]  }
0x1a: {  	s8 =	sadd.s32 $0xFFFFE003, lr  }
0x1b: {  	s9 =	sadd.s32 $0xFFFFFEF7, lr;
	s5 =	simm.s32 $0xFFFFFFFF;
	p2 =	slt.u32 s8, $0xFFFFF086  }
0x1c: {  	p1 =	slt.u32 s9, $0xF7A;
	s5 =	simm.s32 @!p2 $0x0  }
0x1d: {  	s5 =	simm.s32 @p1 $0x1;
	p0 =	seq.s32 s7, s2  }
0x1e: {  	s7 =	smul.u32 @!p0 $0xF7A, s2;
	p2 =	seq.s32 @!p0 s5, $0x0  }
0x1f: {  	s9 =	smul.u32 $0xF7A, s1;
	s8 =	simm.s32 @!p0 $0x1BF5;
	p2 =	por !p2, p0  }
0x20: {  	[sflag:s8] =	ssyncset.s32 @!p0 $0xFFFFF086;
	s6 =	sadd.s32 @!p0 s3, s7;
	s7 =	simm.s32 @!p0 $0x108  }
0x21: {  	s3 =	sadd.s32 s3, s9;
	s6 =	sadd.s32 @!p0 $0x88, s6;
	s7 =	simm.s32 @p2 $0x1082  }
0x22: {  	[simem:s7], [sflag:s8] =	dma.local @!p0 [hbm:s6], $0xF7A  }
0x23: {  	s9 =	sor.u32 $0xD0000000, s2;
	s6 =	simm.s32 $0x108;
	_ =	swait.ge @!p0 [sflag:s8], $0x0  }
0x24: {  	s3 =	sadd.s32 $0x88, s3;
	s6 =	simm.s32 @!p1 $0x1082;
	[sflag:s4] =	ssyncset.s32 $0xFFFFF086  }
0x25: {  	[simem:s6], [sflag:s4] =	dma.local [hbm:s3], $0xF7A  }
0x26: {  	[smem:$0x3F88] =	sst s1;
	(tag) =	ssettag s2;
	_ =	strace s9  }
0x27: {  	s1 =	sld [smem:$0x3F98]  }
0x28: {  	s2 =	sld [smem:$0x3F99]  }
0x29: {  	s4 =	sld [smem:$0x3F9B]  }
0x2a: {  	p0 =	seq.s32 s5, $0x0;
	s5 =	sld [smem:$0x3F9C]  }
0x2b: {  	s6 =	sld [smem:$0x3F9D]  }
0x2c: {  	s7 =	sld [smem:$0x3F9E]  }
0x2d: {  	s3 =	simm.s32 $0x108;
	s8 =	sld [smem:$0x3F9F]  }
0x2e: {  	s3 =	simm.s32 @!p0 $0x1082;
	s9 =	sld [smem:$0x3FA0]  }
0x2f: {  	lr =	sadd.s32 s0, s3;
	s0 =	sld [smem:$0x3F97]  }
0x30: {  	s3 =	sld [smem:$0x3F9A]  }
0x31: {  	[smem:$0x3FA3] =	sst s10  }
0x32: {  	s10 =	sld [smem:$0x3FA1];
	_ =	sdelay $0x3  }
0x33: {  	p0 =	seq.s32 s10, $0x1;
	s10 =	sld [smem:$0x3FA3];
	_ =	sdelay $0x3  }
0x34: {  	[smem:$0x3FA3] =	sst s10  }
0x35: {  	s10 =	sld [smem:$0x3FA2];
	_ =	sdelay $0x3  }
0x36: {  	p1 =	seq.s32 s10, $0x1;
	s10 =	sld [smem:$0x3FA3];
	_ =	sdelay $0x3  }
0x37: {  	[smem:$0x3FA3] =	sst s10  }
0x38: {  	s10 =	sld [smem:$0x3FA4]  }
0x39: {  	_ = 	snop;
	(pc) =	sbr.ind lr, $3  }
0x3a: {  	_ = 	snop  }
0x3b: {  	_ = 	snop  }
0x3c: {  	p2 =	seq.s32 s10, $0x1;
	s10 =	sld [smem:$0x3FA3]  }
0x3d: {  	_ =	shalt  }
0x3e: {  	_ =	shalt  }
0x3f: {  	_ =	shalt  }
0x40: {  	_ =	shalt  }
0x41: {  	_ =	shalt  }
0x42: {  	_ =	shalt  }
0x43: {  	_ =	shalt  }
0x44: {  	_ =	shalt  }
0x45: {  	_ =	shalt  }
0x46: {  	_ =	shalt  }
0x47: {  	_ =	shalt  }
0x48: {  	_ =	shalt  }
0x49: {  	_ =	shalt  }
0x4a: {  	_ =	shalt  }
0x4b: {  	_ =	shalt  }
0x4c: {  	_ =	shalt  }
0x4d: {  	_ =	shalt  }
0x4e: {  	_ =	shalt  }
0x4f: {  	_ =	shalt  }
0x50: {  	_ =	shalt  }
0x51: {  	_ =	shalt  }
0x52: {  	_ =	shalt  }
0x53: {  	_ =	shalt  }
0x54: {  	_ =	shalt  }
0x55: {  	_ =	shalt  }
0x56: {  	_ =	shalt  }
0x57: {  	_ =	shalt  }
0x58: {  	_ =	shalt  }
0x59: {  	_ =	shalt  }
0x5a: {  	_ =	shalt  }
0x5b: {  	_ =	shalt  }
0x5c: {  	_ =	shalt  }
0x5d: {  	_ =	shalt  }
0x5e: {  	_ =	shalt  }
0x5f: {  	_ =	shalt  }
0x60: {  	_ =	shalt  }
0x61: {  	_ =	shalt  }
0x62: {  	_ =	shalt  }
0x63: {  	_ =	shalt  }
0x64: {  	_ =	shalt  }
0x65: {  	_ =	shalt  }
0x66: {  	_ =	shalt  }
0x67: {  	_ =	shalt  }
0x68: {  	_ =	shalt  }
0x69: {  	_ =	shalt  }
0x6a: {  	_ =	shalt  }
0x6b: {  	_ =	shalt  }
0x6c: {  	_ =	shalt  }
0x6d: {  	_ =	shalt  }
0x6e: {  	_ =	shalt  }
0x6f: {  	_ =	shalt  }
0x70: {  	_ =	shalt  }
0x71: {  	_ =	shalt  }
0x72: {  	_ =	shalt  }
0x73: {  	_ =	shalt  }
0x74: {  	_ =	shalt  }
0x75: {  	_ =	shalt  }
0x76: {  	_ =	shalt  }
0x77: {  	_ =	shalt  }
0x78: {  	_ =	shalt  }
0x79: {  	_ =	shalt  }
0x7a: {  	_ =	shalt  }
0x7b: {  	_ =	shalt  }
0x7c: {  	_ =	shalt  }
0x7d: {  	_ =	shalt  }
0x7e: {  	_ =	shalt  }
0x7f: {  	_ =	shalt  }
0x80: {  	_ =	shalt  }
0x81: {  	_ =	shalt  }
0x82: {  	_ =	shalt  }
0x83: {  	_ =	shalt  }
0x84: {  	_ =	shalt  }
0x85: {  	_ =	shalt  }
0x86: {  	_ =	shalt  }
0x87: {  	_ =	shalt  }
.Lfunc_end0:
.L_simem_size_0:
called_computation.8_lowered:
.L_overlay_start_0:
0x88: {  	s2 =	sld [smem:$0x3FD9]  }
0x89: {  	s3 =	sld [smem:$0x3FFE];
	_ =	sdelay $0x1  }
0x8a: {  	s1 =	srdreg.scid  }
0x8b: {  	s0 =	sand.u32 $0x1, s1  }
0x8c: {  	s16 =	sshll.u32 s0, $0xA;
	s2 =	sadd.s32 s3, s2  }
0x8d: {  	s2 =	sadd.s32 s2, s16  }
0x8e: {  	[smem:$0x3FAF] =	sst s2  }
0x8f: {  	_ = 	snop  }
0x90: {  	(tm) =	ssettm $0x1  }
0x91: {  	s17 =	sld [smem:$0x3FFB];
	_ =	sdelay $0x3  }
0x92: {  	_ =	strace s17  }
0x93: {  	s2 =	sld [smem:$0x3FFC];
	_ =	sdelay $0x3  }
0x94: {  	_ =	strace s2  }
0x95: {  	s2 =	sld [smem:$0x3FFD];
	_ =	sdelay $0x3  }
0x96: {  	_ =	strace s2  }
0x97: {  	_ =	strace $0x8FFFFFFF  }
0x98: {  	s18 =	sld [smem:$0x3FDB];
	_ =	sdelay $0x1  }
0x99: {  	s19 =	simm.s32 $_scs_section_size  }
0x9a: {  	s4 =	simm.s32 $_size__tile_overlayer_lowered;
	s5 =	simm.s32 $_tile_overlayer_lowered  }
0x9b: {  	s22 =	simm.s32 $0x1BFF;
	s21 =	sshll.u32 s5, $0x1;
	s2 =	sadd.s32 s19, s18  }
0x9c: {  	s6 =	simm.s32 $0x0;
	s20 =	sshll.u32 s4, $0x1;
	s4 =	sadd.s32 s21, s2  }
0x9d: {  	[timem:s6], [sflag:s22] =	dma.local [hbm:s4], s20  }
0x9e: {  	_ =	swait.ge [sflag:s22], s20  }
0x9f: {  	s3 =	ssub.s32 $0x0, s20;
	[sflag:s22] =	ssyncset.done $0x0  }
0xa0: {  	[sflag:s22] =	ssyncadd.s32 s3;
	_ =	sdelay $0x1  }
0xa1: {  	s23 =	simm.s32 $0x1B8B  }
0xa2: {  	_ =	swait.ge [sflag:s23], $0x1  }
0xa3: {  	[sflag:s23] =	ssyncset.done $0x0  }
0xa4: {  	s25 =	simm.s32 $0x1B8E;
	s24 =	sld [smem:$0x3FFE];
	[sflag:s23] =	ssyncadd.s32 $0xFFFFFFFF  }
0xa5: {  	s26 =	simm.s32 $execute0_lowered;
	[smem:$0x3FD2] =	sst s25  }
0xa6: {  	s4 =	sshll.u32 s26, $0x1;
	_ =	strace $0x8000005E;
	[dreg:$0x1] =	wrdreg $0xFFFFFFFF  }
0xa7: {  	s28 =	simm.s32 $_size_execute0_lowered;
	s2 =	sadd.s32 s2, s4;
	[dreg:$0x0] =	wrdreg $0x0  }
0xa8: {  	s4 =	sshll.u32 s28, $0x1;
	[dreg:$0x2] =	wrdreg s2  }
0xa9: {  	[dreg:$0x3] =	wrdreg s4  }
0xaa: {  	[dreg:$0x4] =	wrdreg $0xC0  }
0xab: {  	_ =	task [dreg:s6], $0x5FFFF  }
0xac: {  	[dreg:$0x1] =	wrdreg $0xFFFFFFFF  }
0xad: {  	[dreg:$0x0] =	wrdreg $0x60  }
0xae: {  	[dreg:$0x2] =	wrdreg s24  }
0xaf: {  	[dreg:$0x3] =	wrdreg $0x9  }
0xb0: {  	_ =	task.clear_ibuf [dreg:s6], $0x4FFFF;
	_ =	strace $0x9000005E  }
0xb1: {  	s29 =	simm.s32 $0x9;
	_ =	strace $0x80000060  }
0xb2: {  	_ =	swait.ge [sflag:s29], $0x1  }
0xb3: {  	[sflag:s29] =	ssyncadd.s32 $0xFFFFFFFF  }
0xb4: {  	_ =	strace $0x90000060  }
0xb5: {  	_ =	sfence  }
0xb6: {  	s30 =	sld [smem:$0x0];
	_ =	sdelay $0x2  }
0xb7: {  	s31 =	sshll.u32 s1, $0xD;
	s1 =	sshrl.u32 s1, $0x2  }
0xb8: {  	s3 =	sand.u32 $0x4000, s31;
	s1 =	sadd.s32 s1, s30  }
0xb9: {  	s0 =	sor.u32 s3, s0;
	s1 =	sshll.u32 s1, $0x11  }
0xba: {  	s0 =	sor.u32 s1, s0  }
0xbb: {  	s0 =	sadd.s32 $0x8F2B, s0  }
0xbc: {  	[sflag:s0] =	ssyncadd.remote.s32 $0x1  }
0xbd: {  	_ =	sfence.sel $0xFFFF  }
0xbe: {  	[dreg:$0x0] =	wrdreg $0xFFFFFFFF;
	(pc) =	sbr.abs _section_cstart, $3  }
0xbf: {  	[dreg:$0x1] =	wrdreg $0xFFFFFFFF  }
0xc0: {  	_ =	task.clear_ibuf [dreg:s6], $0x2FFFF;
	_ =	strace $0x9FFFFFFF  }
0xc1: {  	(tm) =	ssettm $0x7FFFFFFF  }
tec
execute0_lowered:
.L_overlay_start_1:
0x0: {  	(tag) =	ssettag $0x1  }
0x1: {  	s1 =	srdreg.scid;
	s0 =	stileid.u32  }
0x2: {  	s10 =	sand.u32 $0x1, s1;
	s26 =	sshll.u32 s0, $0x1  }
0x3: {  	s8 =	sor.u32 s10, s26  }
0x4: {  	s9 =	rddreg [dreg:$0x0];
	s11 =	smul.u32 $0x1610, s8  }
0x5: {  	s2 =	simm.s32 $0x0;
	s1 =	rddreg [dreg:$0x1]  }
0x6: {  	[smem:$0x7FF] =	sst s2;
	s12 =	sadd.s32 $0xE600, s9;
	s3 =	sshrl.u32 s11, $0x3  }
0x7: {  	_ =	strace $0x8000005F;
	s4 =	sadd.s32 s12, s3;
	s3 =	simm.s32 $0x2  }
0x8: {  	[tilespmem:s2], [sflag:$0x2] =	stream.linear.gather [hbm4b:s4+s2], $0xB08, $0x38;
	[tilespmem:$0x16C08] =	vst v63  }
0x9: {  	_ =	swait.ge [sflag:s3], $0xB08  }
0xa: {  	s6 =	simm.s32 $0xB08;
	[sflag:s3] =	ssyncset.done $0x0  }
0xb: {  	s7 =	simm.s32 $0x1;
	s5 =	sadd.s32 $0x1DE00, s9;
	[sflag:s3] =	ssyncadd.s32 $0xFFFFF4F8  }
0xc: {  	[tilespmem:s6], [sflag:$0x1] =	stream.indirect.gather [hbm4b:s5+s6], $0x20, s2, s6, $0xb8;
	[tilespmem:$0x16C08] =	vst v63  }
0xd: {  	s8 =	smul.u32 $0x5840, s8;
	_ =	swait.ge [sflag:s7], $0x16100  }
0xe: {  	s13 =	sadd.s32 $0x99400, s9;
	[sflag:s7] =	ssyncset.done $0x0  }
0xf: {  	s8 =	sadd.s32 s13, s8;
	[sflag:s7] =	ssyncadd.s32 $0xFFFE9F00  }
0x10: {  	[hbm4b:s8+s2] =	stream.linear.scatter [tilespmem:s6], [sflag:$0x2], $0x16100, $0x38;
	[tilespmem:$0x16C08] =	vst v63  }
0x11: {  	s11 =	sadd.s32 $0xB08, s11;
	_ =	swait.ge [sflag:s3], $0x16100  }
0x12: {  	s28 =	sshrl.u32 s11, $0x3;
	[sflag:s3] =	ssyncset.done $0x0  }
0x13: {  	s10 =	ssub.s32 $0x2, s10;
	s9 =	sadd.s32 s12, s28;
	[sflag:s3] =	ssyncadd.s32 $0xFFFE9F00  }
0x14: {  	[tilespmem:s2], [sflag:$0x2] =	stream.linear.gather [hbm4b:s9+s2], $0xB08, $0x38;
	[tilespmem:$0x16C08] =	vst v63  }
0x15: {  	s29 =	sshrl.u32 s10, $0x1;
	_ =	swait.ge [sflag:s3], $0xB08  }
0x16: {  	s12 =	ssub.s32 s10, s29;
	[sflag:s3] =	ssyncset.done $0x0  }
0x17: {  	s31 =	smax.u32 s12, $0x1;
	[sflag:s3] =	ssyncadd.s32 $0xFFFFF4F8  }
0x18: {  	[tilespmem:s6], [sflag:$0x1] =	stream.indirect.gather [hbm4b:s5+s6], $0x20, s2, s6, $0xb8;
	[tilespmem:$0x16C08] =	vst v63  }
0x19: {  	p0 =	sne.s32 s31, $0x1;
	_ =	swait.ge [sflag:s7], $0x16100  }
.Ltmp0:
0x1a: {  	s30 =	sshll.u32 s11, $0x2;
	[sflag:s7] =	ssyncset.done $0x0;
	(pc) =	sbr.rel @!p0 .LBB2_2-.Ltmp0, $4  }
0x1b: {  	s10 =	sadd.s32 s13, s30;
	[sflag:s7] =	ssyncadd.s32 $0xFFFE9F00  }
0x1c: {  	[hbm4b:s10+s2] =	stream.linear.scatter [tilespmem:s6], [sflag:$0x2], $0x16100, $0x38;
	[tilespmem:$0x16C08] =	vst v63  }
0x1d: {  	_ =	swait.ge [sflag:s3], $0x16100  }
0x1e: {  	s11 =	sadd.s32 $0xFFFFFFFF, s31;
	[sflag:s3] =	ssyncset.done $0x0  }
.LBB2_1:
0x1f: {  	p0 =	sne.s32 s11, $0x1;
	s11 =	sadd.s32 $0xFFFFFFFF, s11;
	[sflag:s3] =	ssyncadd.s32 $0xFFFE9F00  }
0x20: {  	[tilespmem:s2], [sflag:$0x2] =	stream.linear.gather [hbm4b:s4+s2], $0xB08, $0x38;
	[tilespmem:$0x16C08] =	vst v63  }
0x21: {  	_ =	swait.ge [sflag:s3], $0xB08  }
0x22: {  	[sflag:s3] =	ssyncset.done $0x0  }
0x23: {  	[sflag:s3] =	ssyncadd.s32 $0xFFFFF4F8  }
0x24: {  	[tilespmem:s6], [sflag:$0x1] =	stream.indirect.gather [hbm4b:s5+s6], $0x20, s2, s6, $0xb8;
	[tilespmem:$0x16C08] =	vst v63  }
0x25: {  	_ =	swait.ge [sflag:s7], $0x16100  }
0x26: {  	[sflag:s7] =	ssyncset.done $0x0  }
0x27: {  	[sflag:s7] =	ssyncadd.s32 $0xFFFE9F00  }
0x28: {  	[hbm4b:s8+s2] =	stream.linear.scatter [tilespmem:s6], [sflag:$0x2], $0x16100, $0x38;
	[tilespmem:$0x16C08] =	vst v63  }
0x29: {  	_ =	swait.ge [sflag:s3], $0x16100  }
0x2a: {  	[sflag:s3] =	ssyncset.done $0x0  }
0x2b: {  	[sflag:s3] =	ssyncadd.s32 $0xFFFE9F00  }
0x2c: {  	[tilespmem:s2], [sflag:$0x2] =	stream.linear.gather [hbm4b:s9+s2], $0xB08, $0x38;
	[tilespmem:$0x16C08] =	vst v63  }
0x2d: {  	_ =	swait.ge [sflag:s3], $0xB08  }
0x2e: {  	[sflag:s3] =	ssyncset.done $0x0  }
0x2f: {  	[sflag:s3] =	ssyncadd.s32 $0xFFFFF4F8  }
0x30: {  	[tilespmem:s6], [sflag:$0x1] =	stream.indirect.gather [hbm4b:s5+s6], $0x20, s2, s6, $0xb8;
	[tilespmem:$0x16C08] =	vst v63  }
0x31: {  	_ =	swait.ge [sflag:s7], $0x16100  }
.Ltmp1:
0x32: {  	[sflag:s7] =	ssyncset.done $0x0;
	(pc) =	sbr.rel @p0 .LBB2_1-.Ltmp1, $4  }
0x33: {  	[sflag:s7] =	ssyncadd.s32 $0xFFFE9F00  }
0x34: {  	[hbm4b:s10+s2] =	stream.linear.scatter [tilespmem:s6], [sflag:$0x2], $0x16100, $0x38;
	[tilespmem:$0x16C08] =	vst v63  }
0x35: {  	_ =	swait.ge [sflag:s3], $0x16100  }
0x36: {  	[sflag:s3] =	ssyncset.done $0x0  }
.LBB2_2:
0x37: {  	[sflag:s3] =	ssyncadd.s32 $0xFFFE9F00  }
0x38: {  	_ =	sfence.sel $0x180000  }
0x39: {  	[bflag:$0x0] =	sbarrier.arrive $0xFFFF  }
0x3a: {  	p0 =	sne.s32 s0, $0x0;
	_ =	strace $0x9000005F  }
0x3b: {  	s0 =	sadd.s32 @!p0 $0x100000, s1;
	[bflag:$0x2] =	sbarrier.arrive $0xFFFF  }
0x3c: {  	[sflag:s0] =	ssyncadd.tile.s32 @!p0 $0x1;
	_ =	shalt  }
.Lfunc_end2:
_tile_overlayer_lowered:
.L_overlay_start_2:
0x3d: {  	(tag) =	ssettag $0x2  }
0x3e: {  	s0 =	rddreg [dreg:$0x0];
	s2 =	stileid.u32  }
0x3f: {  	s1 =	rddreg [dreg:$0x1];
	p0 =	sne.s32 s2, $0x0  }
0x40: {  	s3 =	rddreg [dreg:$0x2];
	[bflag:$0x3] =	sbarrier.arrive $0xFFFF;
	s2 =	simm.s32 @!p0 $0x1C02  }
0x41: {  	[timem:s3], [sflag:s2] =	dma.local @!p0 [hbm:s0], s1  }
0x42: {  	s0 =	simm.s32 @!p0 $0x2  }
0x43: {  	_ =	swait.ge @!p0 [sflag:s0], s1  }
0x44: {  	s1 =	ssub.s32 @!p0 $0x0, s1;
	[sflag:s0] =	ssyncset.done @!p0 $0x0  }
0x45: {  	[sflag:s0] =	ssyncadd.s32 @!p0 s1  }
0x46: {  	[bflag:$0x3] =	sbarrier.arrive $0xFFFF  }
0x47: {  	_ =	shalt  }

// kernel: kernel.51.cloned.1.call-start
scs
__scs_entry_jumppad:
0x0: {  	(pc) =	sbr.rel $0x88, $3  }
0x1: {  	(tag) =	ssettag $0x0;
	lr =	simm.s32 $0x1  }
0x2: {  	[smem:$0x3F88] =	sst lr;
	_ =	strace $0xD0000000  }
0x3: {  	_ = 	snop  }
0x4: {  	_ = 	snop  }
0x5: {  	_ = 	snop  }
0x6: {  	_ = 	snop  }
0x7: {  	_ = 	snop  }
__scs_overlays_trampoline_lowered:
0x8: {  	[smem:$0x3F97] =	sst s0  }
0x9: {  	[smem:$0x3F98] =	sst s1  }
0xa: {  	[smem:$0x3F99] =	sst s2  }
0xb: {  	[smem:$0x3F9A] =	sst s3  }
0xc: {  	[smem:$0x3F9B] =	sst s4  }
0xd: {  	[smem:$0x3F9C] =	sst s5  }
0xe: {  	[smem:$0x3F9D] =	sst s6  }
0xf: {  	[smem:$0x3F9E] =	sst s7  }
0x10: {  	[smem:$0x3F9F] =	sst s8  }
0x11: {  	[smem:$0x3FA0] =	sst s9;
	s0 =	simm.s32 @!p0 $0x0  }
0x12: {  	s1 =	sld [smem:$0x3F86];
	s0 =	simm.s32 @p0 $0x1  }
0x13: {  	[smem:$0x3FA1] =	sst s0;
	s0 =	simm.s32 @!p1 $0x0  }
0x14: {  	s2 =	sld [smem:$0x3F85];
	s0 =	simm.s32 @p1 $0x1  }
0x15: {  	[smem:$0x3FA2] =	sst s0;
	s0 =	simm.s32 @!p2 $0x0  }
0x16: {  	s3 =	sld [smem:$0x3FDB];
	s0 =	simm.s32 @p2 $0x1  }
0x17: {  	s4 =	simm.s32 $0x1BF5;
	[smem:$0x3FA4] =	sst s0  }
0x18: {  	s0 =	sld [smem:$0x3F87];
	_ =	swait.ge [sflag:s4], $0x0  }
0x19: {  	s7 =	sld [smem:$0x3F88]  }
0x1a: {  	s8 =	sadd.s32 $0xFFFFE003, lr  }
0x1b: {  	s9 =	sadd.s32 $0xFFFFFEF7, lr;
	s5 =	simm.s32 $0xFFFFFFFF;
	p2 =	slt.u32 s8, $0xFFFFF086  }
0x1c: {  	p1 =	slt.u32 s9, $0xF7A;
	s5 =	simm.s32 @!p2 $0x0  }
0x1d: {  	s5 =	simm.s32 @p1 $0x1;
	p0 =	seq.s32 s7, s2  }
0x1e: {  	s7 =	smul.u32 @!p0 $0xF7A, s2;
	p2 =	seq.s32 @!p0 s5, $0x0  }
0x1f: {  	s9 =	smul.u32 $0xF7A, s1;
	s8 =	simm.s32 @!p0 $0x1BF5;
	p2 =	por !p2, p0  }
0x20: {  	[sflag:s8] =	ssyncset.s32 @!p0 $0xFFFFF086;
	s6 =	sadd.s32 @!p0 s3, s7;
	s7 =	simm.s32 @!p0 $0x108  }
0x21: {  	s3 =	sadd.s32 s3, s9;
	s6 =	sadd.s32 @!p0 $0x88, s6;
	s7 =	simm.s32 @p2 $0x1082  }
0x22: {  	[simem:s7], [sflag:s8] =	dma.local @!p0 [hbm:s6], $0xF7A  }
0x23: {  	s9 =	sor.u32 $0xD0000000, s2;
	s6 =	simm.s32 $0x108;
	_ =	swait.ge @!p0 [sflag:s8], $0x0  }
0x24: {  	s3 =	sadd.s32 $0x88, s3;
	s6 =	simm.s32 @!p1 $0x1082;
	[sflag:s4] =	ssyncset.s32 $0xFFFFF086  }
0x25: {  	[simem:s6], [sflag:s4] =	dma.local [hbm:s3], $0xF7A  }
0x26: {  	[smem:$0x3F88] =	sst s1;
	(tag) =	ssettag s2;
	_ =	strace s9  }
0x27: {  	s1 =	sld [smem:$0x3F98]  }
0x28: {  	s2 =	sld [smem:$0x3F99]  }
0x29: {  	s4 =	sld [smem:$0x3F9B]  }
0x2a: {  	p0 =	seq.s32 s5, $0x0;
	s5 =	sld [smem:$0x3F9C]  }
0x2b: {  	s6 =	sld [smem:$0x3F9D]  }
0x2c: {  	s7 =	sld [smem:$0x3F9E]  }
0x2d: {  	s3 =	simm.s32 $0x108;
	s8 =	sld [smem:$0x3F9F]  }
0x2e: {  	s3 =	simm.s32 @!p0 $0x1082;
	s9 =	sld [smem:$0x3FA0]  }
0x2f: {  	lr =	sadd.s32 s0, s3;
	s0 =	sld [smem:$0x3F97]  }
0x30: {  	s3 =	sld [smem:$0x3F9A]  }
0x31: {  	[smem:$0x3FA3] =	sst s10  }
0x32: {  	s10 =	sld [smem:$0x3FA1];
	_ =	sdelay $0x3  }
0x33: {  	p0 =	seq.s32 s10, $0x1;
	s10 =	sld [smem:$0x3FA3];
	_ =	sdelay $0x3  }
0x34: {  	[smem:$0x3FA3] =	sst s10  }
0x35: {  	s10 =	sld [smem:$0x3FA2];
	_ =	sdelay $0x3  }
0x36: {  	p1 =	seq.s32 s10, $0x1;
	s10 =	sld [smem:$0x3FA3];
	_ =	sdelay $0x3  }
0x37: {  	[smem:$0x3FA3] =	sst s10  }
0x38: {  	s10 =	sld [smem:$0x3FA4]  }
0x39: {  	_ = 	snop;
	(pc) =	sbr.ind lr, $3  }
0x3a: {  	_ = 	snop  }
0x3b: {  	_ = 	snop  }
0x3c: {  	p2 =	seq.s32 s10, $0x1;
	s10 =	sld [smem:$0x3FA3]  }
0x3d: {  	_ =	shalt  }
0x3e: {  	_ =	shalt  }
0x3f: {  	_ =	shalt  }
0x40: {  	_ =	shalt  }
0x41: {  	_ =	shalt  }
0x42: {  	_ =	shalt  }
0x43: {  	_ =	shalt  }
0x44: {  	_ =	shalt  }
0x45: {  	_ =	shalt  }
0x46: {  	_ =	shalt  }
0x47: {  	_ =	shalt  }
0x48: {  	_ =	shalt  }
0x49: {  	_ =	shalt  }
0x4a: {  	_ =	shalt  }
0x4b: {  	_ =	shalt  }
0x4c: {  	_ =	shalt  }
0x4d: {  	_ =	shalt  }
0x4e: {  	_ =	shalt  }
0x4f: {  	_ =	shalt  }
0x50: {  	_ =	shalt  }
0x51: {  	_ =	shalt  }
0x52: {  	_ =	shalt  }
0x53: {  	_ =	shalt  }
0x54: {  	_ =	shalt  }
0x55: {  	_ =	shalt  }
0x56: {  	_ =	shalt  }
0x57: {  	_ =	shalt  }
0x58: {  	_ =	shalt  }
0x59: {  	_ =	shalt  }
0x5a: {  	_ =	shalt  }
0x5b: {  	_ =	shalt  }
0x5c: {  	_ =	shalt  }
0x5d: {  	_ =	shalt  }
0x5e: {  	_ =	shalt  }
0x5f: {  	_ =	shalt  }
0x60: {  	_ =	shalt  }
0x61: {  	_ =	shalt  }
0x62: {  	_ =	shalt  }
0x63: {  	_ =	shalt  }
0x64: {  	_ =	shalt  }
0x65: {  	_ =	shalt  }
0x66: {  	_ =	shalt  }
0x67: {  	_ =	shalt  }
0x68: {  	_ =	shalt  }
0x69: {  	_ =	shalt  }
0x6a: {  	_ =	shalt  }
0x6b: {  	_ =	shalt  }
0x6c: {  	_ =	shalt  }
0x6d: {  	_ =	shalt  }
0x6e: {  	_ =	shalt  }
0x6f: {  	_ =	shalt  }
0x70: {  	_ =	shalt  }
0x71: {  	_ =	shalt  }
0x72: {  	_ =	shalt  }
0x73: {  	_ =	shalt  }
0x74: {  	_ =	shalt  }
0x75: {  	_ =	shalt  }
0x76: {  	_ =	shalt  }
0x77: {  	_ =	shalt  }
0x78: {  	_ =	shalt  }
0x79: {  	_ =	shalt  }
0x7a: {  	_ =	shalt  }
0x7b: {  	_ =	shalt  }
0x7c: {  	_ =	shalt  }
0x7d: {  	_ =	shalt  }
0x7e: {  	_ =	shalt  }
0x7f: {  	_ =	shalt  }
0x80: {  	_ =	shalt  }
0x81: {  	_ =	shalt  }
0x82: {  	_ =	shalt  }
0x83: {  	_ =	shalt  }
0x84: {  	_ =	shalt  }
0x85: {  	_ =	shalt  }
0x86: {  	_ =	shalt  }
0x87: {  	_ =	shalt  }
.Lfunc_end0:
.L_simem_size_0:
called_computation.9_lowered:
.L_overlay_start_0:
0x88: {  	s2 =	sld [smem:$0x3FD9]  }
0x89: {  	s3 =	sld [smem:$0x3FFE];
	_ =	sdelay $0x1  }
0x8a: {  	s1 =	srdreg.scid  }
0x8b: {  	s0 =	sand.u32 $0x1, s1  }
0x8c: {  	s16 =	sshll.u32 s0, $0xA;
	s2 =	sadd.s32 s3, s2  }
0x8d: {  	s2 =	sadd.s32 s2, s16  }
0x8e: {  	[smem:$0x3FAF] =	sst s2  }
0x8f: {  	_ = 	snop  }
0x90: {  	(tm) =	ssettm $0x1  }
0x91: {  	s17 =	sld [smem:$0x3FFB];
	_ =	sdelay $0x3  }
0x92: {  	_ =	strace s17  }
0x93: {  	s2 =	sld [smem:$0x3FFC];
	_ =	sdelay $0x3  }
0x94: {  	_ =	strace s2  }
0x95: {  	s2 =	sld [smem:$0x3FFD];
	_ =	sdelay $0x3  }
0x96: {  	_ =	strace s2  }
0x97: {  	_ =	strace $0x8FFFFFFF  }
0x98: {  	s18 =	sld [smem:$0x3FDB];
	_ =	sdelay $0x1  }
0x99: {  	s19 =	simm.s32 $_scs_section_size  }
0x9a: {  	s4 =	simm.s32 $_size__tile_overlayer_lowered;
	s5 =	simm.s32 $_tile_overlayer_lowered  }
0x9b: {  	s22 =	simm.s32 $0x1BFF;
	s21 =	sshll.u32 s5, $0x1;
	s2 =	sadd.s32 s19, s18  }
0x9c: {  	s6 =	simm.s32 $0x0;
	s20 =	sshll.u32 s4, $0x1;
	s4 =	sadd.s32 s21, s2  }
0x9d: {  	[timem:s6], [sflag:s22] =	dma.local [hbm:s4], s20  }
0x9e: {  	_ =	swait.ge [sflag:s22], s20  }
0x9f: {  	s3 =	ssub.s32 $0x0, s20;
	[sflag:s22] =	ssyncset.done $0x0  }
0xa0: {  	[sflag:s22] =	ssyncadd.s32 s3;
	_ =	sdelay $0x1  }
0xa1: {  	s23 =	simm.s32 $0x1B8B  }
0xa2: {  	_ =	swait.ge [sflag:s23], $0x1  }
0xa3: {  	[sflag:s23] =	ssyncset.done $0x0  }
0xa4: {  	s25 =	simm.s32 $0x1B8E;
	s24 =	sld [smem:$0x3FFE];
	[sflag:s23] =	ssyncadd.s32 $0xFFFFFFFF  }
0xa5: {  	s26 =	simm.s32 $execute0_lowered;
	[smem:$0x3FD2] =	sst s25  }
0xa6: {  	s4 =	sshll.u32 s26, $0x1;
	_ =	strace $0x80000061;
	[dreg:$0x1] =	wrdreg $0xFFFFFFFF  }
0xa7: {  	s28 =	simm.s32 $_size_execute0_lowered;
	s2 =	sadd.s32 s2, s4;
	[dreg:$0x0] =	wrdreg $0x0  }
0xa8: {  	s4 =	sshll.u32 s28, $0x1;
	[dreg:$0x2] =	wrdreg s2  }
0xa9: {  	[dreg:$0x3] =	wrdreg s4  }
0xaa: {  	[dreg:$0x4] =	wrdreg $0xC0  }
0xab: {  	_ =	task [dreg:s6], $0x5FFFF  }
0xac: {  	[dreg:$0x1] =	wrdreg $0xFFFFFFFF  }
0xad: {  	[dreg:$0x0] =	wrdreg $0x60  }
0xae: {  	[dreg:$0x2] =	wrdreg s24  }
0xaf: {  	[dreg:$0x3] =	wrdreg $0x16C080  }
0xb0: {  	[dreg:$0x4] =	wrdreg $0x9  }
0xb1: {  	_ =	task.clear_ibuf [dreg:s6], $0x5FFFF;
	_ =	strace $0x90000061  }
0xb2: {  	s29 =	simm.s32 $0x9;
	_ =	strace $0x80000063  }
0xb3: {  	_ =	swait.ge [sflag:s29], $0x1  }
0xb4: {  	[sflag:s29] =	ssyncadd.s32 $0xFFFFFFFF  }
0xb5: {  	_ =	strace $0x90000063  }
0xb6: {  	_ =	sfence  }
0xb7: {  	s30 =	sld [smem:$0x0];
	_ =	sdelay $0x2  }
0xb8: {  	s31 =	sshll.u32 s1, $0xD;
	s1 =	sshrl.u32 s1, $0x2  }
0xb9: {  	s3 =	sand.u32 $0x4000, s31;
	s1 =	sadd.s32 s1, s30  }
0xba: {  	s0 =	sor.u32 s3, s0;
	s1 =	sshll.u32 s1, $0x11  }
0xbb: {  	s0 =	sor.u32 s1, s0  }
0xbc: {  	s0 =	sadd.s32 $0x8F2B, s0  }
0xbd: {  	[sflag:s0] =	ssyncadd.remote.s32 $0x1  }
0xbe: {  	_ =	sfence.sel $0xFFFF  }
0xbf: {  	[dreg:$0x0] =	wrdreg $0xFFFFFFFF;
	(pc) =	sbr.abs _section_cstart, $3  }
0xc0: {  	[dreg:$0x1] =	wrdreg $0xFFFFFFFF  }
0xc1: {  	_ =	task.clear_ibuf [dreg:s6], $0x2FFFF;
	_ =	strace $0x9FFFFFFF  }
0xc2: {  	(tm) =	ssettm $0x7FFFFFFF  }
0xc3: {  	_ =	shalt  }
tec
execute0_lowered:
.L_overlay_start_1:
0x0: {  	(tag) =	ssettag $0x1  }
0x1: {  	s14 =	rddreg [dreg:$0x0]  }
0x2: {  	s2 =	rddreg [dreg:$0x1];
	s1 =	stileid.u32  }
0x3: {  	s0 =	rddreg [dreg:$0x2];
	s3 =	simm.s32 $0x0;
	s4 =	srdreg.scid  }
0x4: {  	s15 =	smul.u32 $0x4E40, s1;
	[smem:$0x7FF] =	sst s3  }
0x5: {  	s16 =	sand.u32 $0x1, s4;
	s25 =	sshll.u32 s1, $0x1;
	s26 =	sshll.u32 s1, $0x6  }
0x6: {  	_ =	strace $0x80000062;
	s5 =	sshrl.u32 s15, $0x3;
	s6 =	sadd.s32 s15, s2  }
0x7: {  	s10 =	sor.u32 s16, s25;
	s5 =	sadd.s32 s5, s14;
	s7 =	sshrl.u32 s6, $0x3  }
0x8: {  	s6 =	simm.s32 $0x1;
	s4 =	sadd.s32 $0x14000, s5;
	s5 =	sor.u32 $0x1C01, s26  }
0x9: {  	[spmem:s7], [sflag:s5] =	dma.local [hbm:s4], $0x9C8  }
0xa: {  	s12 =	smul.u32 $0x1610, s10;
	_ =	swait.ge [sflag:s6], $0x9C8  }
0xb: {  	[sflag:s6] =	ssyncset.done $0x0  }
0xc: {  	s13 =	sadd.s32 $0x8C00, s14;
	s8 =	sshrl.u32 s12, $0x3;
	[sflag:s6] =	ssyncadd.s32 $0xFFFFF638  }
0xd: {  	s9 =	simm.s32 $0x16100;
	s8 =	sadd.s32 s13, s8;
	[bflag:$0x0] =	sbarrier.arrive $0xFFFF  }
0xe: {  	[tilespmem:s9], [sflag:$0x1] =	stream.linear.gather [hbm4b:s8+s3], $0xB08, $0x38;
	[tilespmem:$0x1BA48] =	vst v63  }
0xf: {  	s10 =	smul.u32 $0x5840, s10;
	_ =	swait.ge [sflag:s6], $0xB08  }
0x10: {  	s17 =	sadd.s32 $0x99400, s14;
	[sflag:s6] =	ssyncset.done $0x0  }
0x11: {  	s10 =	sadd.s32 s17, s10;
	[sflag:s6] =	ssyncadd.s32 $0xFFFFF4F8  }
0x12: {  	[tilespmem:s3], [sflag:$0x1] =	stream.linear.gather [hbm4b:s10+s3], $0x16100, $0x38;
	[tilespmem:$0x1BA48] =	vst v63  }
0x13: {  	_ =	swait.ge [sflag:s6], $0x16100  }
0x14: {  	[sflag:s6] =	ssyncset.done $0x0  }
0x15: {  	s11 =	simm.s32 $0xB08;
	[sflag:s6] =	ssyncadd.s32 $0xFFFE9F00  }
0x16: {  	[spmem:s2] =	stream.indirect.scatter.add.f32 [tilespmem:s3], [sflag:$0x1], $0x20, s9, s11, $0xb8;
	[tilespmem:$0x1BA48] =	vst v63  }
0x17: {  	s18 =	sadd.s32 $0xB08, s12;
	_ =	swait.ge [sflag:s6], $0x16100  }
0x18: {  	s12 =	sshrl.u32 s18, $0x3;
	[sflag:s6] =	ssyncset.done $0x0  }
0x19: {  	s12 =	sadd.s32 s13, s12;
	[sflag:s6] =	ssyncadd.s32 $0xFFFE9F00  }
0x1a: {  	[tilespmem:s9], [sflag:$0x1] =	stream.linear.gather [hbm4b:s12+s3], $0xB08, $0x38;
	[tilespmem:$0x1BA48] =	vst v63  }
0x1b: {  	_ =	swait.ge [sflag:s6], $0xB08  }
0x1c: {  	s28 =	sshll.u32 s18, $0x2;
	[sflag:s6] =	ssyncset.done $0x0  }
0x1d: {  	s29 =	smul.u32 $0x4E400, s16;
	s13 =	sadd.s32 s17, s28;
	[sflag:s6] =	ssyncadd.s32 $0xFFFFF4F8  }
0x1e: {  	[tilespmem:s3], [sflag:$0x1] =	stream.linear.gather [hbm4b:s13+s3], $0x16100, $0x38;
	[tilespmem:$0x1BA48] =	vst v63  }
0x1f: {  	s16 =	ssub.s32 $0x2, s16;
	_ =	swait.ge [sflag:s6], $0x16100  }
0x20: {  	s30 =	sshrl.u32 s16, $0x1;
	s15 =	sadd.s32 s15, s29;
	[sflag:s6] =	ssyncset.done $0x0  }
0x21: {  	s31 =	ssub.s32 s16, s30;
	s15 =	sshrl.u32 s15, $0x3;
	[sflag:s6] =	ssyncadd.s32 $0xFFFE9F00  }
0x22: {  	[spmem:s2] =	stream.indirect.scatter.add.f32 [tilespmem:s3], [sflag:$0x1], $0x20, s9, s11, $0xb8;
	[tilespmem:$0x1BA48] =	vst v63  }
0x23: {  	s14 =	sadd.s32 s15, s14;
	s15 =	smax.u32 s31, $0x1;
	_ =	swait.ge [sflag:s6], $0x16100  }
0x24: {  	p0 =	sne.s32 s15, $0x1;
	[sflag:s6] =	ssyncset.done $0x0  }
.Ltmp0:
0x25: {  	[sflag:s6] =	ssyncadd.s32 $0xFFFE9F00;
	(pc) =	sbr.rel @!p0 .LBB2_2-.Ltmp0, $4  }
0x26: {  	s14 =	sadd.s32 $0x32800, s14;
	[bflag:$0x0] =	sbarrier.arrive $0xFFFF  }
0x27: {  	[hbm:s14], [sflag:s5] =	dma.local [spmem:s7], $0x9C8  }
0x28: {  	_ =	swait.ge [sflag:s6], $0x9C8  }
0x29: {  	s15 =	sadd.s32 $0xFFFFFFFF, s15;
	[sflag:s6] =	ssyncset.done $0x0  }
.LBB2_1:
0x2a: {  	p0 =	sne.s32 s15, $0x1;
	s15 =	sadd.s32 $0xFFFFFFFF, s15;
	[sflag:s6] =	ssyncadd.s32 $0xFFFFF638  }
0x2b: {  	[spmem:s7], [sflag:s5] =	dma.local [hbm:s4], $0x9C8  }
0x2c: {  	_ =	swait.ge [sflag:s6], $0x9C8  }
0x2d: {  	[sflag:s6] =	ssyncset.done $0x0  }
0x2e: {  	[sflag:s6] =	ssyncadd.s32 $0xFFFFF638  }
0x2f: {  	[bflag:$0x0] =	sbarrier.arrive $0xFFFF  }
0x30: {  	[tilespmem:s9], [sflag:$0x1] =	stream.linear.gather [hbm4b:s8+s3], $0xB08, $0x38;
	[tilespmem:$0x1BA48] =	vst v63  }
0x31: {  	_ =	swait.ge [sflag:s6], $0xB08  }
0x32: {  	[sflag:s6] =	ssyncset.done $0x0  }
0x33: {  	[sflag:s6] =	ssyncadd.s32 $0xFFFFF4F8  }
0x34: {  	[tilespmem:s3], [sflag:$0x1] =	stream.linear.gather [hbm4b:s10+s3], $0x16100, $0x38;
	[tilespmem:$0x1BA48] =	vst v63  }
0x35: {  	_ =	swait.ge [sflag:s6], $0x16100  }
0x36: {  	[sflag:s6] =	ssyncset.done $0x0  }
0x37: {  	[sflag:s6] =	ssyncadd.s32 $0xFFFE9F00  }
0x38: {  	[spmem:s2] =	stream.indirect.scatter.add.f32 [tilespmem:s3], [sflag:$0x1], $0x20, s9, s11, $0xb8;
	[tilespmem:$0x1BA48] =	vst v63  }
0x39: {  	_ =	swait.ge [sflag:s6], $0x16100  }
0x3a: {  	[sflag:s6] =	ssyncset.done $0x0  }
0x3b: {  	[sflag:s6] =	ssyncadd.s32 $0xFFFE9F00  }
0x3c: {  	[tilespmem:s9], [sflag:$0x1] =	stream.linear.gather [hbm4b:s12+s3], $0xB08, $0x38;
	[tilespmem:$0x1BA48] =	vst v63  }
0x3d: {  	_ =	swait.ge [sflag:s6], $0xB08  }
0x3e: {  	[sflag:s6] =	ssyncset.done $0x0  }
0x3f: {  	[sflag:s6] =	ssyncadd.s32 $0xFFFFF4F8  }
0x40: {  	[tilespmem:s3], [sflag:$0x1] =	stream.linear.gather [hbm4b:s13+s3], $0x16100, $0x38;
	[tilespmem:$0x1BA48] =	vst v63  }
0x41: {  	_ =	swait.ge [sflag:s6], $0x16100  }
0x42: {  	[sflag:s6] =	ssyncset.done $0x0  }
0x43: {  	[sflag:s6] =	ssyncadd.s32 $0xFFFE9F00  }
0x44: {  	[spmem:s2] =	stream.indirect.scatter.add.f32 [tilespmem:s3], [sflag:$0x1], $0x20, s9, s11, $0xb8;
	[tilespmem:$0x1BA48] =	vst v63  }
0x45: {  	_ =	swait.ge [sflag:s6], $0x16100  }
0x46: {  	[sflag:s6] =	ssyncset.done $0x0  }
.Ltmp1:
0x47: {  	[sflag:s6] =	ssyncadd.s32 $0xFFFE9F00;
	(pc) =	sbr.rel @p0 .LBB2_1-.Ltmp1, $4  }
0x48: {  	[bflag:$0x0] =	sbarrier.arrive $0xFFFF  }
0x49: {  	[hbm:s14], [sflag:s5] =	dma.local [spmem:s7], $0x9C8  }
0x4a: {  	_ =	swait.ge [sflag:s6], $0x9C8  }
0x4b: {  	[sflag:s6] =	ssyncset.done $0x0  }
.LBB2_2:
0x4c: {  	[sflag:s6] =	ssyncadd.s32 $0xFFFFF638  }
0x4d: {  	_ =	sfence.sel $0x180000  }
0x4e: {  	[bflag:$0x0] =	sbarrier.arrive $0xFFFF  }
0x4f: {  	p0 =	sne.s32 s1, $0x0;
	_ =	strace $0x90000062  }
0x50: {  	s0 =	sadd.s32 @!p0 $0x100000, s0;
	[bflag:$0x2] =	sbarrier.arrive $0xFFFF  }
0x51: {  	[sflag:s0] =	ssyncadd.tile.s32 @!p0 $0x1;
	_ =	shalt  }
.Lfunc_end2:
_tile_overlayer_lowered:
.L_overlay_start_2:
0x52: {  	(tag) =	ssettag $0x2  }
0x53: {  	s0 =	rddreg [dreg:$0x0];
	s2 =	stileid.u32  }
0x54: {  	s1 =	rddreg [dreg:$0x1];
	p0 =	sne.s32 s2, $0x0  }
0x55: {  	s3 =	rddreg [dreg:$0x2];
	[bflag:$0x3] =	sbarrier.arrive $0xFFFF;
	s2 =	simm.s32 @!p0 $0x1C01  }
0x56: {  	[timem:s3], [sflag:s2] =	dma.local @!p0 [hbm:s0], s1  }
0x57: {  	s0 =	simm.s32 @!p0 $0x1  }
0x58: {  	_ =	swait.ge @!p0 [sflag:s0], s1  }
0x59: {  	s1 =	ssub.s32 @!p0 $0x0, s1;
	[sflag:s0] =	ssyncset.done @!p0 $0x0  }
0x5a: {  	[sflag:s0] =	ssyncadd.s32 @!p0 s1  }
0x5b: {  	[bflag:$0x3] =	sbarrier.arrive $0xFFFF  }
0x5c: {  	_ =	shalt  }

</sc_bundles>
